<compile_context>
chip_gen: v7x
topology: tpu7x:2x2x1
jax: 0.10.2.dev20260603
libtpu: 0.0.44.dev20260713+nightly
codegen_flags: <defaults>
</compile_context>

<pallas_src>
import functools

import jax
import jax.numpy as jnp
from jax import lax
from jax.experimental import pallas as pl
from jax.experimental.pallas import tpu as pltpu
from jax.experimental.pallas import tpu_sc as plsc

BATCH = 4
SEQ = 4096
DIM = 1024

_NC = 2
_NS = 16
_NW = _NC * _NS

_CH_ROWS = 8
_ROWS_PER_W = SEQ // _NW
_NCHUNK = _ROWS_PER_W // _CH_ROWS


def _make_sc_add():
    mesh = plsc.VectorSubcoreMesh(core_axis_name="c", subcore_axis_name="s")

    @functools.partial(
        pl.kernel,
        mesh=mesh,
        out_type=jax.ShapeDtypeStruct((BATCH, SEQ, DIM), jnp.float32),
        compiler_params=pltpu.CompilerParams(use_tc_tiling_on_sc=True),
        scratch_types=[
            [pltpu.VMEM((_CH_ROWS, DIM), jnp.float32) for _ in range(2)],
            [pltpu.VMEM((BATCH, _CH_ROWS, DIM), jnp.float32) for _ in range(3)],
            [pltpu.SemaphoreType.DMA for _ in range(2)],
            [pltpu.SemaphoreType.DMA for _ in range(3)],
            [pltpu.SemaphoreType.DMA for _ in range(3)],
        ],
    )
    def sc_add(in_hbm, pos_hbm, out_hbm, pos_bufs, io, spos, sin, sout):
        wid = lax.axis_index("s") * _NC + lax.axis_index("c")
        row0 = wid * _ROWS_PER_W

        def in_load(ci):
            return pltpu.async_copy(
                in_hbm.at[:, pl.ds(row0 + ci * _CH_ROWS, _CH_ROWS), :],
                io[ci % 3],
                sin[ci % 3],
            )

        def pos_load(ci):
            return pltpu.async_copy(
                pos_hbm.at[pl.ds(row0 + ci * _CH_ROWS, _CH_ROWS), :],
                pos_bufs[ci % 2],
                spos[ci % 2],
            )

        pos_h = {0: pos_load(0)}
        load_h = {0: in_load(0)}
        store_h = {}

        for ci in range(_NCHUNK):
            ring = ci % 3
            if ci + 1 < _NCHUNK:
                if ci >= 2:
                    store_h[ci - 2].wait()
                load_h[ci + 1] = in_load(ci + 1)
                pos_h[ci + 1] = pos_load(ci + 1)
            pos_h[ci].wait()
            load_h[ci].wait()
            pr = pos_bufs[ci % 2]
            buf = io[ring]

            def add_row(rr, _):
                @plsc.parallel_loop(0, DIM // 16, unroll=8)
                def add_col(c):
                    s = pl.ds(c * 16, 16)
                    p = pr[rr, s]
                    for b in range(BATCH):
                        buf[b, rr, s] = buf[b, rr, s] + p

                return 0

            lax.fori_loop(0, _CH_ROWS, add_row, 0)
            store_h[ci] = pltpu.async_copy(
                buf,
                out_hbm.at[:, pl.ds(row0 + ci * _CH_ROWS, _CH_ROWS), :],
                sout[ring],
            )

        for ci in range(max(0, _NCHUNK - 2), _NCHUNK):
            store_h[ci].wait()

    return sc_add


_sc_add = _make_sc_add()


def kernel(inputs, pos_table):
    return _sc_add(inputs, pos_table)

# --- scband reference (transcript-rebuilt; emitter-appended) ---
"""Pipeline reference for scband-positional-embedding-21174188769341 (READ-ONLY COPY).

The authoritative reference and input builder live on the scoring server;
editing this copy changes nothing except your own understanding.
"""

import jax, jax.numpy as jnp
import numpy as np

SEQUENCE_LENGTH = 4096
OUTPUT_DIM = 1024
BATCH = 4

def setup_inputs(seed: int = 0) -> dict:
    key = jax.random.key(seed)
    k1, k2 = jax.random.split(key)
    inputs = jax.random.normal(k1, (BATCH, SEQUENCE_LENGTH, OUTPUT_DIM), dtype=jnp.float32)
    # Embedding table param, keras default uniform init
    pos_table = jax.random.uniform(k2, (SEQUENCE_LENGTH, OUTPUT_DIM), minval=-0.05, maxval=0.05, dtype=jnp.float32)
    return {"inputs": inputs, "pos_table": pos_table}

def reference(inputs, pos_table):
    length = inputs.shape[1]
    positions = jnp.arange(0, length, dtype=jnp.int32)
    embedded_positions = jnp.take(pos_table, positions, axis=0)
    return inputs + embedded_positions

if __name__ == "__main__":
    import jax
    _d = setup_inputs()
    print(jax.jit(kernel)(*tuple(_d.values())))

</pallas_src>

<mosaic_0001>
#map = affine_map<(d0, d1) -> (0, 0, 0)>
#map1 = affine_map<(d0, d1) -> (0, 0)>
module attributes {stable_mosaic.version = 14 : i64} {
  func.func @sc_add(%arg0: i32, %arg1: i32, %arg2: memref<4x4096x1024xf32, #tpu.memory_space<hbm>>, %arg3: memref<4096x1024xf32, #tpu.memory_space<hbm>>, %arg4: memref<4x4096x1024xf32, #tpu.memory_space<hbm>>, %arg5: memref<8x1024xf32, #tpu.memory_space<vmem>>, %arg6: memref<8x1024xf32, #tpu.memory_space<vmem>>, %arg7: memref<4x8x1024xf32, #tpu.memory_space<vmem>>, %arg8: memref<4x8x1024xf32, #tpu.memory_space<vmem>>, %arg9: memref<4x8x1024xf32, #tpu.memory_space<vmem>>, %arg10: memref<!tpu.dma_semaphore, #tpu.memory_space<semaphore_mem>>, %arg11: memref<!tpu.dma_semaphore, #tpu.memory_space<semaphore_mem>>, %arg12: memref<!tpu.dma_semaphore, #tpu.memory_space<semaphore_mem>>, %arg13: memref<!tpu.dma_semaphore, #tpu.memory_space<semaphore_mem>>, %arg14: memref<!tpu.dma_semaphore, #tpu.memory_space<semaphore_mem>>, %arg15: memref<!tpu.dma_semaphore, #tpu.memory_space<semaphore_mem>>, %arg16: memref<!tpu.dma_semaphore, #tpu.memory_space<semaphore_mem>>, %arg17: memref<!tpu.dma_semaphore, #tpu.memory_space<semaphore_mem>>) attributes {dimension_semantics = [#tpu.dimension_semantics<core_parallel>, #tpu.dimension_semantics<subcore_parallel>], iteration_bounds = array<i64: 2, 16>, scalar_prefetch = 0 : i64, scratch_operands = 13 : i64, tpu.core_type = #tpu.core_type<sc_vector_subcore>, window_params = [{transform_indices = #map}, {transform_indices = #map1}, {transform_indices = #map}]} {
    %mul3A = arith.constant 2 : i32
    %mul3A_0 = arith.muli %arg1, %mul3A : i32
    %add3A = arith.addi %mul3A_0, %arg0 : i32
    %mul3A_1 = arith.constant 128 : i32
    %mul3A_2 = arith.muli %add3A, %mul3A_1 : i32
    %add3A_3 = arith.constant 0 : i32
    %add3A_4 = arith.addi %mul3A_2, %add3A_3 : i32
    %dma_start3A = arith.constant 0 : i32
    %dma_start3A_5 = tpu.memref_slice %arg3[%add3A_4, %dma_start3A] : memref<4096x1024xf32, #tpu.memory_space<hbm>> -> memref<8x1024xf32, #tpu.memory_space<hbm>>
    %dma_start3A_6 = arith.constant 0 : i32
    %dma_start3A_7 = tpu.memref_slice %arg3[%add3A_4, %dma_start3A_6] : memref<4096x1024xf32, #tpu.memory_space<hbm>> -> memref<8x1024xf32, #tpu.memory_space<hbm>>
    tpu.enqueue_dma source(%dma_start3A_7 : memref<8x1024xf32, #tpu.memory_space<hbm>>) target(%arg5 : memref<8x1024xf32, #tpu.memory_space<vmem>>) target_semaphore(%arg10 : memref<!tpu.dma_semaphore, #tpu.memory_space<semaphore_mem>>)
    %add3A_8 = arith.constant 0 : i32
    %add3A_9 = arith.addi %mul3A_2, %add3A_8 : i32
    %dma_start3A_10 = arith.constant 0 : i32
    %dma_start3A_11 = arith.constant 0 : i32
    %dma_start3A_12 = tpu.memref_slice %arg2[%dma_start3A_10, %add3A_9, %dma_start3A_11] : memref<4x4096x1024xf32, #tpu.memory_space<hbm>> -> memref<4x8x1024xf32, #tpu.memory_space<hbm>>
    %dma_start3A_13 = arith.constant 0 : i32
    %dma_start3A_14 = arith.constant 0 : i32
    %dma_start3A_15 = tpu.memref_slice %arg2[%dma_start3A_13, %add3A_9, %dma_start3A_14] : memref<4x4096x1024xf32, #tpu.memory_space<hbm>> -> memref<4x8x1024xf32, #tpu.memory_space<hbm>>
    tpu.enqueue_dma source(%dma_start3A_15 : memref<4x8x1024xf32, #tpu.memory_space<hbm>>) target(%arg7 : memref<4x8x1024xf32, #tpu.memory_space<vmem>>) target_semaphore(%arg12 : memref<!tpu.dma_semaphore, #tpu.memory_space<semaphore_mem>>)
    %add3A_16 = arith.constant 8 : i32
    %add3A_17 = arith.addi %mul3A_2, %add3A_16 : i32
    %dma_start3A_18 = arith.constant 0 : i32
    %dma_start3A_19 = arith.constant 0 : i32
    %dma_start3A_20 = tpu.memref_slice %arg2[%dma_start3A_18, %add3A_17, %dma_start3A_19] : memref<4x4096x1024xf32, #tpu.memory_space<hbm>> -> memref<4x8x1024xf32, #tpu.memory_space<hbm>>
    %dma_start3A_21 = arith.constant 0 : i32
    %dma_start3A_22 = arith.constant 0 : i32
    %dma_start3A_23 = tpu.memref_slice %arg2[%dma_start3A_21, %add3A_17, %dma_start3A_22] : memref<4x4096x1024xf32, #tpu.memory_space<hbm>> -> memref<4x8x1024xf32, #tpu.memory_space<hbm>>
    tpu.enqueue_dma source(%dma_start3A_23 : memref<4x8x1024xf32, #tpu.memory_space<hbm>>) target(%arg8 : memref<4x8x1024xf32, #tpu.memory_space<vmem>>) target_semaphore(%arg13 : memref<!tpu.dma_semaphore, #tpu.memory_space<semaphore_mem>>)
    %add3A_24 = arith.constant 8 : i32
    %add3A_25 = arith.addi %mul3A_2, %add3A_24 : i32
    %dma_start3A_26 = arith.constant 0 : i32
    %dma_start3A_27 = tpu.memref_slice %arg3[%add3A_25, %dma_start3A_26] : memref<4096x1024xf32, #tpu.memory_space<hbm>> -> memref<8x1024xf32, #tpu.memory_space<hbm>>
    %dma_start3A_28 = arith.constant 0 : i32
    %dma_start3A_29 = tpu.memref_slice %arg3[%add3A_25, %dma_start3A_28] : memref<4096x1024xf32, #tpu.memory_space<hbm>> -> memref<8x1024xf32, #tpu.memory_space<hbm>>
    tpu.enqueue_dma source(%dma_start3A_29 : memref<8x1024xf32, #tpu.memory_space<hbm>>) target(%arg6 : memref<8x1024xf32, #tpu.memory_space<vmem>>) target_semaphore(%arg11 : memref<!tpu.dma_semaphore, #tpu.memory_space<semaphore_mem>>)
    %dma_wait3A = arith.constant 0 : i32
    %dma_wait3A_30 = tpu.memref_slice %arg3[%add3A_4, %dma_wait3A] : memref<4096x1024xf32, #tpu.memory_space<hbm>> -> memref<8x1024xf32, #tpu.memory_space<hbm>>
    %dma_wait3A_31 = arith.constant 0 : i32
    %dma_wait3A_32 = tpu.memref_slice %arg3[%add3A_4, %dma_wait3A_31] : memref<4096x1024xf32, #tpu.memory_space<hbm>> -> memref<8x1024xf32, #tpu.memory_space<hbm>>
    tpu.wait_dma2 semaphore(%arg10 : memref<!tpu.dma_semaphore, #tpu.memory_space<semaphore_mem>>) src(%dma_wait3A_32 : memref<8x1024xf32, #tpu.memory_space<hbm>>) dst(%arg5 : memref<8x1024xf32, #tpu.memory_space<vmem>>)
    %dma_wait3A_33 = arith.constant 0 : i32
    %dma_wait3A_34 = arith.constant 0 : i32
    %dma_wait3A_35 = tpu.memref_slice %arg2[%dma_wait3A_33, %add3A_9, %dma_wait3A_34] : memref<4x4096x1024xf32, #tpu.memory_space<hbm>> -> memref<4x8x1024xf32, #tpu.memory_space<hbm>>
    %dma_wait3A_36 = arith.constant 0 : i32
    %dma_wait3A_37 = arith.constant 0 : i32
    %dma_wait3A_38 = tpu.memref_slice %arg2[%dma_wait3A_36, %add3A_9, %dma_wait3A_37] : memref<4x4096x1024xf32, #tpu.memory_space<hbm>> -> memref<4x8x1024xf32, #tpu.memory_space<hbm>>
    tpu.wait_dma2 semaphore(%arg12 : memref<!tpu.dma_semaphore, #tpu.memory_space<semaphore_mem>>) src(%dma_wait3A_38 : memref<4x8x1024xf32, #tpu.memory_space<hbm>>) dst(%arg7 : memref<4x8x1024xf32, #tpu.memory_space<vmem>>)
    %scan3A = arith.constant 0 : i32
    %scan3A_39 = arith.constant 0 : i32
    %scan3A_40 = arith.constant 8 : i32
    %scan3A_41 = arith.addi %scan3A_39, %scan3A_40 : i32
    %scan3A_42 = arith.constant 1 : i32
    %scan3A_43 = scf.for %scan3A_714 = %scan3A_39 to %scan3A_41 step %scan3A_42 iter_args(%scan3A_715 = %scan3A) -> (i32)  : i32 {
      %parallel_loop3A = arith.constant 0 : i32
      %parallel_loop3A_716 = arith.constant 64 : i32
      %parallel_loop3A_717 = arith.constant 1 : i32
      scf.for %parallel_loop3A_719 = %parallel_loop3A to %parallel_loop3A_716 step %parallel_loop3A_717  : i32 {
        %parallel_loop3A_720 = arith.constant 16 : i32
        %parallel_loop3A_721 = arith.muli %parallel_loop3A_719, %parallel_loop3A_720 : i32
        %parallel_loop3A_722 = arith.index_cast %scan3A_714 : i32 to index
        %parallel_loop3A_723 = arith.index_cast %parallel_loop3A_721 : i32 to index
        %parallel_loop3A_724 = tpu.vector_load %arg5[%parallel_loop3A_722, %parallel_loop3A_723] {strides = array<i32>} : memref<8x1024xf32, #tpu.memory_space<vmem>>, vector<1x16xf32>,
        %parallel_loop3A_725 = vector.shape_cast %parallel_loop3A_724 : vector<1x16xf32> to vector<16xf32>
        %parallel_loop3A_726 = arith.constant 0 : i32
        %parallel_loop3A_727 = arith.index_cast %parallel_loop3A_726 : i32 to index
        %parallel_loop3A_728 = arith.index_cast %scan3A_714 : i32 to index
        %parallel_loop3A_729 = arith.index_cast %parallel_loop3A_721 : i32 to index
        %parallel_loop3A_730 = tpu.vector_load %arg7[%parallel_loop3A_727, %parallel_loop3A_728, %parallel_loop3A_729] {strides = array<i32>} : memref<4x8x1024xf32, #tpu.memory_space<vmem>>, vector<1x1x16xf32>,
        %parallel_loop3A_731 = vector.shape_cast %parallel_loop3A_730 : vector<1x1x16xf32> to vector<16xf32>
        %parallel_loop3A_732 = arith.addf %parallel_loop3A_731, %parallel_loop3A_725 : vector<16xf32>
        %parallel_loop3A_733 = arith.constant 0 : i32
        %parallel_loop3A_734 = arith.index_cast %parallel_loop3A_733 : i32 to index
        %parallel_loop3A_735 = arith.index_cast %scan3A_714 : i32 to index
        %parallel_loop3A_736 = arith.index_cast %parallel_loop3A_721 : i32 to index
        %parallel_loop3A_737 = tpu.vector_load %arg7[%parallel_loop3A_734, %parallel_loop3A_735, %parallel_loop3A_736] {strides = array<i32>} : memref<4x8x1024xf32, #tpu.memory_space<vmem>>, vector<1x1x16xf32>,
        %parallel_loop3A_738 = vector.shape_cast %parallel_loop3A_737 : vector<1x1x16xf32> to vector<16xf32>
        %parallel_loop3A_739 = vector.shape_cast %parallel_loop3A_732 : vector<16xf32> to vector<1x1x16xf32>
        tpu.vector_store %arg7[%parallel_loop3A_734, %parallel_loop3A_735, %parallel_loop3A_736], %parallel_loop3A_739 {strides = array<i32>} : memref<4x8x1024xf32, #tpu.memory_space<vmem>>, vector<1x1x16xf32>,
        %parallel_loop3A_740 = arith.constant 1 : i32
        %parallel_loop3A_741 = arith.index_cast %parallel_loop3A_740 : i32 to index
        %parallel_loop3A_742 = arith.index_cast %scan3A_714 : i32 to index
        %parallel_loop3A_743 = arith.index_cast %parallel_loop3A_721 : i32 to index
        %parallel_loop3A_744 = tpu.vector_load %arg7[%parallel_loop3A_741, %parallel_loop3A_742, %parallel_loop3A_743] {strides = array<i32>} : memref<4x8x1024xf32, #tpu.memory_space<vmem>>, vector<1x1x16xf32>,
        %parallel_loop3A_745 = vector.shape_cast %parallel_loop3A_744 : vector<1x1x16xf32> to vector<16xf32>
        %parallel_loop3A_746 = arith.addf %parallel_loop3A_745, %parallel_loop3A_725 : vector<16xf32>
        %parallel_loop3A_747 = arith.constant 1 : i32
        %parallel_loop3A_748 = arith.index_cast %parallel_loop3A_747 : i32 to index
        %parallel_loop3A_749 = arith.index_cast %scan3A_714 : i32 to index
        %parallel_loop3A_750 = arith.index_cast %parallel_loop3A_721 : i32 to index
        %parallel_loop3A_751 = tpu.vector_load %arg7[%parallel_loop3A_748, %parallel_loop3A_749, %parallel_loop3A_750] {strides = array<i32>} : memref<4x8x1024xf32, #tpu.memory_space<vmem>>, vector<1x1x16xf32>,
        %parallel_loop3A_752 = vector.shape_cast %parallel_loop3A_751 : vector<1x1x16xf32> to vector<16xf32>
        %parallel_loop3A_753 = vector.shape_cast %parallel_loop3A_746 : vector<16xf32> to vector<1x1x16xf32>
        tpu.vector_store %arg7[%parallel_loop3A_748, %parallel_loop3A_749, %parallel_loop3A_750], %parallel_loop3A_753 {strides = array<i32>} : memref<4x8x1024xf32, #tpu.memory_space<vmem>>, vector<1x1x16xf32>,
        %parallel_loop3A_754 = arith.constant 2 : i32
        %parallel_loop3A_755 = arith.index_cast %parallel_loop3A_754 : i32 to index
        %parallel_loop3A_756 = arith.index_cast %scan3A_714 : i32 to index
        %parallel_loop3A_757 = arith.index_cast %parallel_loop3A_721 : i32 to index
        %parallel_loop3A_758 = tpu.vector_load %arg7[%parallel_loop3A_755, %parallel_loop3A_756, %parallel_loop3A_757] {strides = array<i32>} : memref<4x8x1024xf32, #tpu.memory_space<vmem>>, vector<1x1x16xf32>,
        %parallel_loop3A_759 = vector.shape_cast %parallel_loop3A_758 : vector<1x1x16xf32> to vector<16xf32>
        %parallel_loop3A_760 = arith.addf %parallel_loop3A_759, %parallel_loop3A_725 : vector<16xf32>
        %parallel_loop3A_761 = arith.constant 2 : i32
        %parallel_loop3A_762 = arith.index_cast %parallel_loop3A_761 : i32 to index
        %parallel_loop3A_763 = arith.index_cast %scan3A_714 : i32 to index
        %parallel_loop3A_764 = arith.index_cast %parallel_loop3A_721 : i32 to index
        %parallel_loop3A_765 = tpu.vector_load %arg7[%parallel_loop3A_762, %parallel_loop3A_763, %parallel_loop3A_764] {strides = array<i32>} : memref<4x8x1024xf32, #tpu.memory_space<vmem>>, vector<1x1x16xf32>,
        %parallel_loop3A_766 = vector.shape_cast %parallel_loop3A_765 : vector<1x1x16xf32> to vector<16xf32>
        %parallel_loop3A_767 = vector.shape_cast %parallel_loop3A_760 : vector<16xf32> to vector<1x1x16xf32>
        tpu.vector_store %arg7[%parallel_loop3A_762, %parallel_loop3A_763, %parallel_loop3A_764], %parallel_loop3A_767 {strides = array<i32>} : memref<4x8x1024xf32, #tpu.memory_space<vmem>>, vector<1x1x16xf32>,
        %parallel_loop3A_768 = arith.constant 3 : i32
        %parallel_loop3A_769 = arith.index_cast %parallel_loop3A_768 : i32 to index
        %parallel_loop3A_770 = arith.index_cast %scan3A_714 : i32 to index
        %parallel_loop3A_771 = arith.index_cast %parallel_loop3A_721 : i32 to index
        %parallel_loop3A_772 = tpu.vector_load %arg7[%parallel_loop3A_769, %parallel_loop3A_770, %parallel_loop3A_771] {strides = array<i32>} : memref<4x8x1024xf32, #tpu.memory_space<vmem>>, vector<1x1x16xf32>,
        %parallel_loop3A_773 = vector.shape_cast %parallel_loop3A_772 : vector<1x1x16xf32> to vector<16xf32>
        %parallel_loop3A_774 = arith.addf %parallel_loop3A_773, %parallel_loop3A_725 : vector<16xf32>
        %parallel_loop3A_775 = arith.constant 3 : i32
        %parallel_loop3A_776 = arith.index_cast %parallel_loop3A_775 : i32 to index
        %parallel_loop3A_777 = arith.index_cast %scan3A_714 : i32 to index
        %parallel_loop3A_778 = arith.index_cast %parallel_loop3A_721 : i32 to index
        %parallel_loop3A_779 = tpu.vector_load %arg7[%parallel_loop3A_776, %parallel_loop3A_777, %parallel_loop3A_778] {strides = array<i32>} : memref<4x8x1024xf32, #tpu.memory_space<vmem>>, vector<1x1x16xf32>,
        %parallel_loop3A_780 = vector.shape_cast %parallel_loop3A_779 : vector<1x1x16xf32> to vector<16xf32>
        %parallel_loop3A_781 = vector.shape_cast %parallel_loop3A_774 : vector<16xf32> to vector<1x1x16xf32>
        tpu.vector_store %arg7[%parallel_loop3A_776, %parallel_loop3A_777, %parallel_loop3A_778], %parallel_loop3A_781 {strides = array<i32>} : memref<4x8x1024xf32, #tpu.memory_space<vmem>>, vector<1x1x16xf32>,
      } {sc.loop_unroll_factor = 8 : i64, sc.parallel_access}
      %scan3A_718 = arith.constant 0 : i32
      scf.yield %scan3A_718 : i32
    }
    %scan3A_44 = arith.constant 8 : i32
    %add3A_45 = arith.constant 0 : i32
    %add3A_46 = arith.addi %mul3A_2, %add3A_45 : i32
    %dma_start3A_47 = arith.constant 0 : i32
    %dma_start3A_48 = arith.constant 0 : i32
    %dma_start3A_49 = tpu.memref_slice %arg4[%dma_start3A_47, %add3A_46, %dma_start3A_48] : memref<4x4096x1024xf32, #tpu.memory_space<hbm>> -> memref<4x8x1024xf32, #tpu.memory_space<hbm>>
    %dma_start3A_50 = arith.constant 0 : i32
    %dma_start3A_51 = arith.constant 0 : i32
    %dma_start3A_52 = tpu.memref_slice %arg4[%dma_start3A_50, %add3A_46, %dma_start3A_51] : memref<4x4096x1024xf32, #tpu.memory_space<hbm>> -> memref<4x8x1024xf32, #tpu.memory_space<hbm>>
    tpu.enqueue_dma source(%arg7 : memref<4x8x1024xf32, #tpu.memory_space<vmem>>) target(%dma_start3A_52 : memref<4x8x1024xf32, #tpu.memory_space<hbm>>) target_semaphore(%arg15 : memref<!tpu.dma_semaphore, #tpu.memory_space<semaphore_mem>>)
    %add3A_53 = arith.constant 16 : i32
    %add3A_54 = arith.addi %mul3A_2, %add3A_53 : i32
    %dma_start3A_55 = arith.constant 0 : i32
    %dma_start3A_56 = arith.constant 0 : i32
    %dma_start3A_57 = tpu.memref_slice %arg2[%dma_start3A_55, %add3A_54, %dma_start3A_56] : memref<4x4096x1024xf32, #tpu.memory_space<hbm>> -> memref<4x8x1024xf32, #tpu.memory_space<hbm>>
    %dma_start3A_58 = arith.constant 0 : i32
    %dma_start3A_59 = arith.constant 0 : i32
    %dma_start3A_60 = tpu.memref_slice %arg2[%dma_start3A_58, %add3A_54, %dma_start3A_59] : memref<4x4096x1024xf32, #tpu.memory_space<hbm>> -> memref<4x8x1024xf32, #tpu.memory_space<hbm>>
    tpu.enqueue_dma source(%dma_start3A_60 : memref<4x8x1024xf32, #tpu.memory_space<hbm>>) target(%arg9 : memref<4x8x1024xf32, #tpu.memory_space<vmem>>) target_semaphore(%arg14 : memref<!tpu.dma_semaphore, #tpu.memory_space<semaphore_mem>>)
    %add3A_61 = arith.constant 16 : i32
    %add3A_62 = arith.addi %mul3A_2, %add3A_61 : i32
    %dma_start3A_63 = arith.constant 0 : i32
    %dma_start3A_64 = tpu.memref_slice %arg3[%add3A_62, %dma_start3A_63] : memref<4096x1024xf32, #tpu.memory_space<hbm>> -> memref<8x1024xf32, #tpu.memory_space<hbm>>
    %dma_start3A_65 = arith.constant 0 : i32
    %dma_start3A_66 = tpu.memref_slice %arg3[%add3A_62, %dma_start3A_65] : memref<4096x1024xf32, #tpu.memory_space<hbm>> -> memref<8x1024xf32, #tpu.memory_space<hbm>>
    tpu.enqueue_dma source(%dma_start3A_66 : memref<8x1024xf32, #tpu.memory_space<hbm>>) target(%arg5 : memref<8x1024xf32, #tpu.memory_space<vmem>>) target_semaphore(%arg10 : memref<!tpu.dma_semaphore, #tpu.memory_space<semaphore_mem>>)
    %dma_wait3A_67 = arith.constant 0 : i32
    %dma_wait3A_68 = tpu.memref_slice %arg3[%add3A_25, %dma_wait3A_67] : memref<4096x1024xf32, #tpu.memory_space<hbm>> -> memref<8x1024xf32, #tpu.memory_space<hbm>>
    %dma_wait3A_69 = arith.constant 0 : i32
    %dma_wait3A_70 = tpu.memref_slice %arg3[%add3A_25, %dma_wait3A_69] : memref<4096x1024xf32, #tpu.memory_space<hbm>> -> memref<8x1024xf32, #tpu.memory_space<hbm>>
    tpu.wait_dma2 semaphore(%arg11 : memref<!tpu.dma_semaphore, #tpu.memory_space<semaphore_mem>>) src(%dma_wait3A_70 : memref<8x1024xf32, #tpu.memory_space<hbm>>) dst(%arg6 : memref<8x1024xf32, #tpu.memory_space<vmem>>)
    %dma_wait3A_71 = arith.constant 0 : i32
    %dma_wait3A_72 = arith.constant 0 : i32
    %dma_wait3A_73 = tpu.memref_slice %arg2[%dma_wait3A_71, %add3A_17, %dma_wait3A_72] : memref<4x4096x1024xf32, #tpu.memory_space<hbm>> -> memref<4x8x1024xf32, #tpu.memory_space<hbm>>
    %dma_wait3A_74 = arith.constant 0 : i32
    %dma_wait3A_75 = arith.constant 0 : i32
    %dma_wait3A_76 = tpu.memref_slice %arg2[%dma_wait3A_74, %add3A_17, %dma_wait3A_75] : memref<4x4096x1024xf32, #tpu.memory_space<hbm>> -> memref<4x8x1024xf32, #tpu.memory_space<hbm>>
    tpu.wait_dma2 semaphore(%arg13 : memref<!tpu.dma_semaphore, #tpu.memory_space<semaphore_mem>>) src(%dma_wait3A_76 : memref<4x8x1024xf32, #tpu.memory_space<hbm>>) dst(%arg8 : memref<4x8x1024xf32, #tpu.memory_space<vmem>>)
    %scan3A_77 = arith.constant 0 : i32
    %scan3A_78 = arith.constant 0 : i32
    %scan3A_79 = arith.constant 8 : i32
    %scan3A_80 = arith.addi %scan3A_78, %scan3A_79 : i32
    %scan3A_81 = arith.constant 1 : i32
    %scan3A_82 = scf.for %scan3A_714 = %scan3A_78 to %scan3A_80 step %scan3A_81 iter_args(%scan3A_715 = %scan3A_77) -> (i32)  : i32 {
      %parallel_loop3A = arith.constant 0 : i32
      %parallel_loop3A_716 = arith.constant 64 : i32
      %parallel_loop3A_717 = arith.constant 1 : i32
      scf.for %parallel_loop3A_719 = %parallel_loop3A to %parallel_loop3A_716 step %parallel_loop3A_717  : i32 {
        %parallel_loop3A_720 = arith.constant 16 : i32
        %parallel_loop3A_721 = arith.muli %parallel_loop3A_719, %parallel_loop3A_720 : i32
        %parallel_loop3A_722 = arith.index_cast %scan3A_714 : i32 to index
        %parallel_loop3A_723 = arith.index_cast %parallel_loop3A_721 : i32 to index
        %parallel_loop3A_724 = tpu.vector_load %arg6[%parallel_loop3A_722, %parallel_loop3A_723] {strides = array<i32>} : memref<8x1024xf32, #tpu.memory_space<vmem>>, vector<1x16xf32>,
        %parallel_loop3A_725 = vector.shape_cast %parallel_loop3A_724 : vector<1x16xf32> to vector<16xf32>
        %parallel_loop3A_726 = arith.constant 0 : i32
        %parallel_loop3A_727 = arith.index_cast %parallel_loop3A_726 : i32 to index
        %parallel_loop3A_728 = arith.index_cast %scan3A_714 : i32 to index
        %parallel_loop3A_729 = arith.index_cast %parallel_loop3A_721 : i32 to index
        %parallel_loop3A_730 = tpu.vector_load %arg8[%parallel_loop3A_727, %parallel_loop3A_728, %parallel_loop3A_729] {strides = array<i32>} : memref<4x8x1024xf32, #tpu.memory_space<vmem>>, vector<1x1x16xf32>,
        %parallel_loop3A_731 = vector.shape_cast %parallel_loop3A_730 : vector<1x1x16xf32> to vector<16xf32>
        %parallel_loop3A_732 = arith.addf %parallel_loop3A_731, %parallel_loop3A_725 : vector<16xf32>
        %parallel_loop3A_733 = arith.constant 0 : i32
        %parallel_loop3A_734 = arith.index_cast %parallel_loop3A_733 : i32 to index
        %parallel_loop3A_735 = arith.index_cast %scan3A_714 : i32 to index
        %parallel_loop3A_736 = arith.index_cast %parallel_loop3A_721 : i32 to index
        %parallel_loop3A_737 = tpu.vector_load %arg8[%parallel_loop3A_734, %parallel_loop3A_735, %parallel_loop3A_736] {strides = array<i32>} : memref<4x8x1024xf32, #tpu.memory_space<vmem>>, vector<1x1x16xf32>,
        %parallel_loop3A_738 = vector.shape_cast %parallel_loop3A_737 : vector<1x1x16xf32> to vector<16xf32>
        %parallel_loop3A_739 = vector.shape_cast %parallel_loop3A_732 : vector<16xf32> to vector<1x1x16xf32>
        tpu.vector_store %arg8[%parallel_loop3A_734, %parallel_loop3A_735, %parallel_loop3A_736], %parallel_loop3A_739 {strides = array<i32>} : memref<4x8x1024xf32, #tpu.memory_space<vmem>>, vector<1x1x16xf32>,
        %parallel_loop3A_740 = arith.constant 1 : i32
        %parallel_loop3A_741 = arith.index_cast %parallel_loop3A_740 : i32 to index
        %parallel_loop3A_742 = arith.index_cast %scan3A_714 : i32 to index
        %parallel_loop3A_743 = arith.index_cast %parallel_loop3A_721 : i32 to index
        %parallel_loop3A_744 = tpu.vector_load %arg8[%parallel_loop3A_741, %parallel_loop3A_742, %parallel_loop3A_743] {strides = array<i32>} : memref<4x8x1024xf32, #tpu.memory_space<vmem>>, vector<1x1x16xf32>,
        %parallel_loop3A_745 = vector.shape_cast %parallel_loop3A_744 : vector<1x1x16xf32> to vector<16xf32>
        %parallel_loop3A_746 = arith.addf %parallel_loop3A_745, %parallel_loop3A_725 : vector<16xf32>
        %parallel_loop3A_747 = arith.constant 1 : i32
        %parallel_loop3A_748 = arith.index_cast %parallel_loop3A_747 : i32 to index
        %parallel_loop3A_749 = arith.index_cast %scan3A_714 : i32 to index
        %parallel_loop3A_750 = arith.index_cast %parallel_loop3A_721 : i32 to index
        %parallel_loop3A_751 = tpu.vector_load %arg8[%parallel_loop3A_748, %parallel_loop3A_749, %parallel_loop3A_750] {strides = array<i32>} : memref<4x8x1024xf32, #tpu.memory_space<vmem>>, vector<1x1x16xf32>,
        %parallel_loop3A_752 = vector.shape_cast %parallel_loop3A_751 : vector<1x1x16xf32> to vector<16xf32>
        %parallel_loop3A_753 = vector.shape_cast %parallel_loop3A_746 : vector<16xf32> to vector<1x1x16xf32>
        tpu.vector_store %arg8[%parallel_loop3A_748, %parallel_loop3A_749, %parallel_loop3A_750], %parallel_loop3A_753 {strides = array<i32>} : memref<4x8x1024xf32, #tpu.memory_space<vmem>>, vector<1x1x16xf32>,
        %parallel_loop3A_754 = arith.constant 2 : i32
        %parallel_loop3A_755 = arith.index_cast %parallel_loop3A_754 : i32 to index
        %parallel_loop3A_756 = arith.index_cast %scan3A_714 : i32 to index
        %parallel_loop3A_757 = arith.index_cast %parallel_loop3A_721 : i32 to index
        %parallel_loop3A_758 = tpu.vector_load %arg8[%parallel_loop3A_755, %parallel_loop3A_756, %parallel_loop3A_757] {strides = array<i32>} : memref<4x8x1024xf32, #tpu.memory_space<vmem>>, vector<1x1x16xf32>,
        %parallel_loop3A_759 = vector.shape_cast %parallel_loop3A_758 : vector<1x1x16xf32> to vector<16xf32>
        %parallel_loop3A_760 = arith.addf %parallel_loop3A_759, %parallel_loop3A_725 : vector<16xf32>
        %parallel_loop3A_761 = arith.constant 2 : i32
        %parallel_loop3A_762 = arith.index_cast %parallel_loop3A_761 : i32 to index
        %parallel_loop3A_763 = arith.index_cast %scan3A_714 : i32 to index
        %parallel_loop3A_764 = arith.index_cast %parallel_loop3A_721 : i32 to index
        %parallel_loop3A_765 = tpu.vector_load %arg8[%parallel_loop3A_762, %parallel_loop3A_763, %parallel_loop3A_764] {strides = array<i32>} : memref<4x8x1024xf32, #tpu.memory_space<vmem>>, vector<1x1x16xf32>,
        %parallel_loop3A_766 = vector.shape_cast %parallel_loop3A_765 : vector<1x1x16xf32> to vector<16xf32>
        %parallel_loop3A_767 = vector.shape_cast %parallel_loop3A_760 : vector<16xf32> to vector<1x1x16xf32>
        tpu.vector_store %arg8[%parallel_loop3A_762, %parallel_loop3A_763, %parallel_loop3A_764], %parallel_loop3A_767 {strides = array<i32>} : memref<4x8x1024xf32, #tpu.memory_space<vmem>>, vector<1x1x16xf32>,
        %parallel_loop3A_768 = arith.constant 3 : i32
        %parallel_loop3A_769 = arith.index_cast %parallel_loop3A_768 : i32 to index
        %parallel_loop3A_770 = arith.index_cast %scan3A_714 : i32 to index
        %parallel_loop3A_771 = arith.index_cast %parallel_loop3A_721 : i32 to index
        %parallel_loop3A_772 = tpu.vector_load %arg8[%parallel_loop3A_769, %parallel_loop3A_770, %parallel_loop3A_771] {strides = array<i32>} : memref<4x8x1024xf32, #tpu.memory_space<vmem>>, vector<1x1x16xf32>,
        %parallel_loop3A_773 = vector.shape_cast %parallel_loop3A_772 : vector<1x1x16xf32> to vector<16xf32>
        %parallel_loop3A_774 = arith.addf %parallel_loop3A_773, %parallel_loop3A_725 : vector<16xf32>
        %parallel_loop3A_775 = arith.constant 3 : i32
        %parallel_loop3A_776 = arith.index_cast %parallel_loop3A_775 : i32 to index
        %parallel_loop3A_777 = arith.index_cast %scan3A_714 : i32 to index
        %parallel_loop3A_778 = arith.index_cast %parallel_loop3A_721 : i32 to index
        %parallel_loop3A_779 = tpu.vector_load %arg8[%parallel_loop3A_776, %parallel_loop3A_777, %parallel_loop3A_778] {strides = array<i32>} : memref<4x8x1024xf32, #tpu.memory_space<vmem>>, vector<1x1x16xf32>,
        %parallel_loop3A_780 = vector.shape_cast %parallel_loop3A_779 : vector<1x1x16xf32> to vector<16xf32>
        %parallel_loop3A_781 = vector.shape_cast %parallel_loop3A_774 : vector<16xf32> to vector<1x1x16xf32>
        tpu.vector_store %arg8[%parallel_loop3A_776, %parallel_loop3A_777, %parallel_loop3A_778], %parallel_loop3A_781 {strides = array<i32>} : memref<4x8x1024xf32, #tpu.memory_space<vmem>>, vector<1x1x16xf32>,
      } {sc.loop_unroll_factor = 8 : i64, sc.parallel_access}
      %scan3A_718 = arith.constant 0 : i32
      scf.yield %scan3A_718 : i32
    }
    %scan3A_83 = arith.constant 8 : i32
    %add3A_84 = arith.constant 8 : i32
    %add3A_85 = arith.addi %mul3A_2, %add3A_84 : i32
    %dma_start3A_86 = arith.constant 0 : i32
    %dma_start3A_87 = arith.constant 0 : i32
    %dma_start3A_88 = tpu.memref_slice %arg4[%dma_start3A_86, %add3A_85, %dma_start3A_87] : memref<4x4096x1024xf32, #tpu.memory_space<hbm>> -> memref<4x8x1024xf32, #tpu.memory_space<hbm>>
    %dma_start3A_89 = arith.constant 0 : i32
    %dma_start3A_90 = arith.constant 0 : i32
    %dma_start3A_91 = tpu.memref_slice %arg4[%dma_start3A_89, %add3A_85, %dma_start3A_90] : memref<4x4096x1024xf32, #tpu.memory_space<hbm>> -> memref<4x8x1024xf32, #tpu.memory_space<hbm>>
    tpu.enqueue_dma source(%arg8 : memref<4x8x1024xf32, #tpu.memory_space<vmem>>) target(%dma_start3A_91 : memref<4x8x1024xf32, #tpu.memory_space<hbm>>) target_semaphore(%arg16 : memref<!tpu.dma_semaphore, #tpu.memory_space<semaphore_mem>>)
    %dma_wait3A_92 = arith.constant 0 : i32
    %dma_wait3A_93 = arith.constant 0 : i32
    %dma_wait3A_94 = tpu.memref_slice %arg4[%dma_wait3A_92, %add3A_46, %dma_wait3A_93] : memref<4x4096x1024xf32, #tpu.memory_space<hbm>> -> memref<4x8x1024xf32, #tpu.memory_space<hbm>>
    %dma_wait3A_95 = arith.constant 0 : i32
    %dma_wait3A_96 = arith.constant 0 : i32
    %dma_wait3A_97 = tpu.memref_slice %arg4[%dma_wait3A_95, %add3A_46, %dma_wait3A_96] : memref<4x4096x1024xf32, #tpu.memory_space<hbm>> -> memref<4x8x1024xf32, #tpu.memory_space<hbm>>
    tpu.wait_dma2 semaphore(%arg15 : memref<!tpu.dma_semaphore, #tpu.memory_space<semaphore_mem>>) src(%arg7 : memref<4x8x1024xf32, #tpu.memory_space<vmem>>) dst(%dma_wait3A_97 : memref<4x8x1024xf32, #tpu.memory_space<hbm>>)
    %add3A_98 = arith.constant 24 : i32
    %add3A_99 = arith.addi %mul3A_2, %add3A_98 : i32
    %dma_start3A_100 = arith.constant 0 : i32
    %dma_start3A_101 = arith.constant 0 : i32
    %dma_start3A_102 = tpu.memref_slice %arg2[%dma_start3A_100, %add3A_99, %dma_start3A_101] : memref<4x4096x1024xf32, #tpu.memory_space<hbm>> -> memref<4x8x1024xf32, #tpu.memory_space<hbm>>
    %dma_start3A_103 = arith.constant 0 : i32
    %dma_start3A_104 = arith.constant 0 : i32
    %dma_start3A_105 = tpu.memref_slice %arg2[%dma_start3A_103, %add3A_99, %dma_start3A_104] : memref<4x4096x1024xf32, #tpu.memory_space<hbm>> -> memref<4x8x1024xf32, #tpu.memory_space<hbm>>
    tpu.enqueue_dma source(%dma_start3A_105 : memref<4x8x1024xf32, #tpu.memory_space<hbm>>) target(%arg7 : memref<4x8x1024xf32, #tpu.memory_space<vmem>>) target_semaphore(%arg12 : memref<!tpu.dma_semaphore, #tpu.memory_space<semaphore_mem>>)
    %add3A_106 = arith.constant 24 : i32
    %add3A_107 = arith.addi %mul3A_2, %add3A_106 : i32
    %dma_start3A_108 = arith.constant 0 : i32
    %dma_start3A_109 = tpu.memref_slice %arg3[%add3A_107, %dma_start3A_108] : memref<4096x1024xf32, #tpu.memory_space<hbm>> -> memref<8x1024xf32, #tpu.memory_space<hbm>>
    %dma_start3A_110 = arith.constant 0 : i32
    %dma_start3A_111 = tpu.memref_slice %arg3[%add3A_107, %dma_start3A_110] : memref<4096x1024xf32, #tpu.memory_space<hbm>> -> memref<8x1024xf32, #tpu.memory_space<hbm>>
    tpu.enqueue_dma source(%dma_start3A_111 : memref<8x1024xf32, #tpu.memory_space<hbm>>) target(%arg6 : memref<8x1024xf32, #tpu.memory_space<vmem>>) target_semaphore(%arg11 : memref<!tpu.dma_semaphore, #tpu.memory_space<semaphore_mem>>)
    %dma_wait3A_112 = arith.constant 0 : i32
    %dma_wait3A_113 = tpu.memref_slice %arg3[%add3A_62, %dma_wait3A_112] : memref<4096x1024xf32, #tpu.memory_space<hbm>> -> memref<8x1024xf32, #tpu.memory_space<hbm>>
    %dma_wait3A_114 = arith.constant 0 : i32
    %dma_wait3A_115 = tpu.memref_slice %arg3[%add3A_62, %dma_wait3A_114] : memref<4096x1024xf32, #tpu.memory_space<hbm>> -> memref<8x1024xf32, #tpu.memory_space<hbm>>
    tpu.wait_dma2 semaphore(%arg10 : memref<!tpu.dma_semaphore, #tpu.memory_space<semaphore_mem>>) src(%dma_wait3A_115 : memref<8x1024xf32, #tpu.memory_space<hbm>>) dst(%arg5 : memref<8x1024xf32, #tpu.memory_space<vmem>>)
    %dma_wait3A_116 = arith.constant 0 : i32
    %dma_wait3A_117 = arith.constant 0 : i32
    %dma_wait3A_118 = tpu.memref_slice %arg2[%dma_wait3A_116, %add3A_54, %dma_wait3A_117] : memref<4x4096x1024xf32, #tpu.memory_space<hbm>> -> memref<4x8x1024xf32, #tpu.memory_space<hbm>>
    %dma_wait3A_119 = arith.constant 0 : i32
    %dma_wait3A_120 = arith.constant 0 : i32
    %dma_wait3A_121 = tpu.memref_slice %arg2[%dma_wait3A_119, %add3A_54, %dma_wait3A_120] : memref<4x4096x1024xf32, #tpu.memory_space<hbm>> -> memref<4x8x1024xf32, #tpu.memory_space<hbm>>
    tpu.wait_dma2 semaphore(%arg14 : memref<!tpu.dma_semaphore, #tpu.memory_space<semaphore_mem>>) src(%dma_wait3A_121 : memref<4x8x1024xf32, #tpu.memory_space<hbm>>) dst(%arg9 : memref<4x8x1024xf32, #tpu.memory_space<vmem>>)
    %scan3A_122 = arith.constant 0 : i32
    %scan3A_123 = arith.constant 0 : i32
    %scan3A_124 = arith.constant 8 : i32
    %scan3A_125 = arith.addi %scan3A_123, %scan3A_124 : i32
    %scan3A_126 = arith.constant 1 : i32
    %scan3A_127 = scf.for %scan3A_714 = %scan3A_123 to %scan3A_125 step %scan3A_126 iter_args(%scan3A_715 = %scan3A_122) -> (i32)  : i32 {
      %parallel_loop3A = arith.constant 0 : i32
      %parallel_loop3A_716 = arith.constant 64 : i32
      %parallel_loop3A_717 = arith.constant 1 : i32
      scf.for %parallel_loop3A_719 = %parallel_loop3A to %parallel_loop3A_716 step %parallel_loop3A_717  : i32 {
        %parallel_loop3A_720 = arith.constant 16 : i32
        %parallel_loop3A_721 = arith.muli %parallel_loop3A_719, %parallel_loop3A_720 : i32
        %parallel_loop3A_722 = arith.index_cast %scan3A_714 : i32 to index
        %parallel_loop3A_723 = arith.index_cast %parallel_loop3A_721 : i32 to index
        %parallel_loop3A_724 = tpu.vector_load %arg5[%parallel_loop3A_722, %parallel_loop3A_723] {strides = array<i32>} : memref<8x1024xf32, #tpu.memory_space<vmem>>, vector<1x16xf32>,
        %parallel_loop3A_725 = vector.shape_cast %parallel_loop3A_724 : vector<1x16xf32> to vector<16xf32>
        %parallel_loop3A_726 = arith.constant 0 : i32
        %parallel_loop3A_727 = arith.index_cast %parallel_loop3A_726 : i32 to index
        %parallel_loop3A_728 = arith.index_cast %scan3A_714 : i32 to index
        %parallel_loop3A_729 = arith.index_cast %parallel_loop3A_721 : i32 to index
        %parallel_loop3A_730 = tpu.vector_load %arg9[%parallel_loop3A_727, %parallel_loop3A_728, %parallel_loop3A_729] {strides = array<i32>} : memref<4x8x1024xf32, #tpu.memory_space<vmem>>, vector<1x1x16xf32>,
        %parallel_loop3A_731 = vector.shape_cast %parallel_loop3A_730 : vector<1x1x16xf32> to vector<16xf32>
        %parallel_loop3A_732 = arith.addf %parallel_loop3A_731, %parallel_loop3A_725 : vector<16xf32>
        %parallel_loop3A_733 = arith.constant 0 : i32
        %parallel_loop3A_734 = arith.index_cast %parallel_loop3A_733 : i32 to index
        %parallel_loop3A_735 = arith.index_cast %scan3A_714 : i32 to index
        %parallel_loop3A_736 = arith.index_cast %parallel_loop3A_721 : i32 to index
        %parallel_loop3A_737 = tpu.vector_load %arg9[%parallel_loop3A_734, %parallel_loop3A_735, %parallel_loop3A_736] {strides = array<i32>} : memref<4x8x1024xf32, #tpu.memory_space<vmem>>, vector<1x1x16xf32>,
        %parallel_loop3A_738 = vector.shape_cast %parallel_loop3A_737 : vector<1x1x16xf32> to vector<16xf32>
        %parallel_loop3A_739 = vector.shape_cast %parallel_loop3A_732 : vector<16xf32> to vector<1x1x16xf32>
        tpu.vector_store %arg9[%parallel_loop3A_734, %parallel_loop3A_735, %parallel_loop3A_736], %parallel_loop3A_739 {strides = array<i32>} : memref<4x8x1024xf32, #tpu.memory_space<vmem>>, vector<1x1x16xf32>,
        %parallel_loop3A_740 = arith.constant 1 : i32
        %parallel_loop3A_741 = arith.index_cast %parallel_loop3A_740 : i32 to index
        %parallel_loop3A_742 = arith.index_cast %scan3A_714 : i32 to index
        %parallel_loop3A_743 = arith.index_cast %parallel_loop3A_721 : i32 to index
        %parallel_loop3A_744 = tpu.vector_load %arg9[%parallel_loop3A_741, %parallel_loop3A_742, %parallel_loop3A_743] {strides = array<i32>} : memref<4x8x1024xf32, #tpu.memory_space<vmem>>, vector<1x1x16xf32>,
        %parallel_loop3A_745 = vector.shape_cast %parallel_loop3A_744 : vector<1x1x16xf32> to vector<16xf32>
        %parallel_loop3A_746 = arith.addf %parallel_loop3A_745, %parallel_loop3A_725 : vector<16xf32>
        %parallel_loop3A_747 = arith.constant 1 : i32
        %parallel_loop3A_748 = arith.index_cast %parallel_loop3A_747 : i32 to index
        %parallel_loop3A_749 = arith.index_cast %scan3A_714 : i32 to index
        %parallel_loop3A_750 = arith.index_cast %parallel_loop3A_721 : i32 to index
        %parallel_loop3A_751 = tpu.vector_load %arg9[%parallel_loop3A_748, %parallel_loop3A_749, %parallel_loop3A_750] {strides = array<i32>} : memref<4x8x1024xf32, #tpu.memory_space<vmem>>, vector<1x1x16xf32>,
        %parallel_loop3A_752 = vector.shape_cast %parallel_loop3A_751 : vector<1x1x16xf32> to vector<16xf32>
        %parallel_loop3A_753 = vector.shape_cast %parallel_loop3A_746 : vector<16xf32> to vector<1x1x16xf32>
        tpu.vector_store %arg9[%parallel_loop3A_748, %parallel_loop3A_749, %parallel_loop3A_750], %parallel_loop3A_753 {strides = array<i32>} : memref<4x8x1024xf32, #tpu.memory_space<vmem>>, vector<1x1x16xf32>,
        %parallel_loop3A_754 = arith.constant 2 : i32
        %parallel_loop3A_755 = arith.index_cast %parallel_loop3A_754 : i32 to index
        %parallel_loop3A_756 = arith.index_cast %scan3A_714 : i32 to index
        %parallel_loop3A_757 = arith.index_cast %parallel_loop3A_721 : i32 to index
        %parallel_loop3A_758 = tpu.vector_load %arg9[%parallel_loop3A_755, %parallel_loop3A_756, %parallel_loop3A_757] {strides = array<i32>} : memref<4x8x1024xf32, #tpu.memory_space<vmem>>, vector<1x1x16xf32>,
        %parallel_loop3A_759 = vector.shape_cast %parallel_loop3A_758 : vector<1x1x16xf32> to vector<16xf32>
        %parallel_loop3A_760 = arith.addf %parallel_loop3A_759, %parallel_loop3A_725 : vector<16xf32>
        %parallel_loop3A_761 = arith.constant 2 : i32
        %parallel_loop3A_762 = arith.index_cast %parallel_loop3A_761 : i32 to index
        %parallel_loop3A_763 = arith.index_cast %scan3A_714 : i32 to index
        %parallel_loop3A_764 = arith.index_cast %parallel_loop3A_721 : i32 to index
        %parallel_loop3A_765 = tpu.vector_load %arg9[%parallel_loop3A_762, %parallel_loop3A_763, %parallel_loop3A_764] {strides = array<i32>} : memref<4x8x1024xf32, #tpu.memory_space<vmem>>, vector<1x1x16xf32>,
        %parallel_loop3A_766 = vector.shape_cast %parallel_loop3A_765 : vector<1x1x16xf32> to vector<16xf32>
        %parallel_loop3A_767 = vector.shape_cast %parallel_loop3A_760 : vector<16xf32> to vector<1x1x16xf32>
        tpu.vector_store %arg9[%parallel_loop3A_762, %parallel_loop3A_763, %parallel_loop3A_764], %parallel_loop3A_767 {strides = array<i32>} : memref<4x8x1024xf32, #tpu.memory_space<vmem>>, vector<1x1x16xf32>,
        %parallel_loop3A_768 = arith.constant 3 : i32
        %parallel_loop3A_769 = arith.index_cast %parallel_loop3A_768 : i32 to index
        %parallel_loop3A_770 = arith.index_cast %scan3A_714 : i32 to index
        %parallel_loop3A_771 = arith.index_cast %parallel_loop3A_721 : i32 to index
        %parallel_loop3A_772 = tpu.vector_load %arg9[%parallel_loop3A_769, %parallel_loop3A_770, %parallel_loop3A_771] {strides = array<i32>} : memref<4x8x1024xf32, #tpu.memory_space<vmem>>, vector<1x1x16xf32>,
        %parallel_loop3A_773 = vector.shape_cast %parallel_loop3A_772 : vector<1x1x16xf32> to vector<16xf32>
        %parallel_loop3A_774 = arith.addf %parallel_loop3A_773, %parallel_loop3A_725 : vector<16xf32>
        %parallel_loop3A_775 = arith.constant 3 : i32
        %parallel_loop3A_776 = arith.index_cast %parallel_loop3A_775 : i32 to index
        %parallel_loop3A_777 = arith.index_cast %scan3A_714 : i32 to index
        %parallel_loop3A_778 = arith.index_cast %parallel_loop3A_721 : i32 to index
        %parallel_loop3A_779 = tpu.vector_load %arg9[%parallel_loop3A_776, %parallel_loop3A_777, %parallel_loop3A_778] {strides = array<i32>} : memref<4x8x1024xf32, #tpu.memory_space<vmem>>, vector<1x1x16xf32>,
        %parallel_loop3A_780 = vector.shape_cast %parallel_loop3A_779 : vector<1x1x16xf32> to vector<16xf32>
        %parallel_loop3A_781 = vector.shape_cast %parallel_loop3A_774 : vector<16xf32> to vector<1x1x16xf32>
        tpu.vector_store %arg9[%parallel_loop3A_776, %parallel_loop3A_777, %parallel_loop3A_778], %parallel_loop3A_781 {strides = array<i32>} : memref<4x8x1024xf32, #tpu.memory_space<vmem>>, vector<1x1x16xf32>,
      } {sc.loop_unroll_factor = 8 : i64, sc.parallel_access}
      %scan3A_718 = arith.constant 0 : i32
      scf.yield %scan3A_718 : i32
    }
    %scan3A_128 = arith.constant 8 : i32
    %add3A_129 = arith.constant 16 : i32
    %add3A_130 = arith.addi %mul3A_2, %add3A_129 : i32
    %dma_start3A_131 = arith.constant 0 : i32
    %dma_start3A_132 = arith.constant 0 : i32
    %dma_start3A_133 = tpu.memref_slice %arg4[%dma_start3A_131, %add3A_130, %dma_start3A_132] : memref<4x4096x1024xf32, #tpu.memory_space<hbm>> -> memref<4x8x1024xf32, #tpu.memory_space<hbm>>
    %dma_start3A_134 = arith.constant 0 : i32
    %dma_start3A_135 = arith.constant 0 : i32
    %dma_start3A_136 = tpu.memref_slice %arg4[%dma_start3A_134, %add3A_130, %dma_start3A_135] : memref<4x4096x1024xf32, #tpu.memory_space<hbm>> -> memref<4x8x1024xf32, #tpu.memory_space<hbm>>
    tpu.enqueue_dma source(%arg9 : memref<4x8x1024xf32, #tpu.memory_space<vmem>>) target(%dma_start3A_136 : memref<4x8x1024xf32, #tpu.memory_space<hbm>>) target_semaphore(%arg17 : memref<!tpu.dma_semaphore, #tpu.memory_space<semaphore_mem>>)
    %dma_wait3A_137 = arith.constant 0 : i32
    %dma_wait3A_138 = arith.constant 0 : i32
    %dma_wait3A_139 = tpu.memref_slice %arg4[%dma_wait3A_137, %add3A_85, %dma_wait3A_138] : memref<4x4096x1024xf32, #tpu.memory_space<hbm>> -> memref<4x8x1024xf32, #tpu.memory_space<hbm>>
    %dma_wait3A_140 = arith.constant 0 : i32
    %dma_wait3A_141 = arith.constant 0 : i32
    %dma_wait3A_142 = tpu.memref_slice %arg4[%dma_wait3A_140, %add3A_85, %dma_wait3A_141] : memref<4x4096x1024xf32, #tpu.memory_space<hbm>> -> memref<4x8x1024xf32, #tpu.memory_space<hbm>>
    tpu.wait_dma2 semaphore(%arg16 : memref<!tpu.dma_semaphore, #tpu.memory_space<semaphore_mem>>) src(%arg8 : memref<4x8x1024xf32, #tpu.memory_space<vmem>>) dst(%dma_wait3A_142 : memref<4x8x1024xf32, #tpu.memory_space<hbm>>)
    %add3A_143 = arith.constant 32 : i32
    %add3A_144 = arith.addi %mul3A_2, %add3A_143 : i32
    %dma_start3A_145 = arith.constant 0 : i32
    %dma_start3A_146 = arith.constant 0 : i32
    %dma_start3A_147 = tpu.memref_slice %arg2[%dma_start3A_145, %add3A_144, %dma_start3A_146] : memref<4x4096x1024xf32, #tpu.memory_space<hbm>> -> memref<4x8x1024xf32, #tpu.memory_space<hbm>>
    %dma_start3A_148 = arith.constant 0 : i32
    %dma_start3A_149 = arith.constant 0 : i32
    %dma_start3A_150 = tpu.memref_slice %arg2[%dma_start3A_148, %add3A_144, %dma_start3A_149] : memref<4x4096x1024xf32, #tpu.memory_space<hbm>> -> memref<4x8x1024xf32, #tpu.memory_space<hbm>>
    tpu.enqueue_dma source(%dma_start3A_150 : memref<4x8x1024xf32, #tpu.memory_space<hbm>>) target(%arg8 : memref<4x8x1024xf32, #tpu.memory_space<vmem>>) target_semaphore(%arg13 : memref<!tpu.dma_semaphore, #tpu.memory_space<semaphore_mem>>)
    %add3A_151 = arith.constant 32 : i32
    %add3A_152 = arith.addi %mul3A_2, %add3A_151 : i32
    %dma_start3A_153 = arith.constant 0 : i32
    %dma_start3A_154 = tpu.memref_slice %arg3[%add3A_152, %dma_start3A_153] : memref<4096x1024xf32, #tpu.memory_space<hbm>> -> memref<8x1024xf32, #tpu.memory_space<hbm>>
    %dma_start3A_155 = arith.constant 0 : i32
    %dma_start3A_156 = tpu.memref_slice %arg3[%add3A_152, %dma_start3A_155] : memref<4096x1024xf32, #tpu.memory_space<hbm>> -> memref<8x1024xf32, #tpu.memory_space<hbm>>
    tpu.enqueue_dma source(%dma_start3A_156 : memref<8x1024xf32, #tpu.memory_space<hbm>>) target(%arg5 : memref<8x1024xf32, #tpu.memory_space<vmem>>) target_semaphore(%arg10 : memref<!tpu.dma_semaphore, #tpu.memory_space<semaphore_mem>>)
    %dma_wait3A_157 = arith.constant 0 : i32
    %dma_wait3A_158 = tpu.memref_slice %arg3[%add3A_107, %dma_wait3A_157] : memref<4096x1024xf32, #tpu.memory_space<hbm>> -> memref<8x1024xf32, #tpu.memory_space<hbm>>
    %dma_wait3A_159 = arith.constant 0 : i32
    %dma_wait3A_160 = tpu.memref_slice %arg3[%add3A_107, %dma_wait3A_159] : memref<4096x1024xf32, #tpu.memory_space<hbm>> -> memref<8x1024xf32, #tpu.memory_space<hbm>>
    tpu.wait_dma2 semaphore(%arg11 : memref<!tpu.dma_semaphore, #tpu.memory_space<semaphore_mem>>) src(%dma_wait3A_160 : memref<8x1024xf32, #tpu.memory_space<hbm>>) dst(%arg6 : memref<8x1024xf32, #tpu.memory_space<vmem>>)
    %dma_wait3A_161 = arith.constant 0 : i32
    %dma_wait3A_162 = arith.constant 0 : i32
    %dma_wait3A_163 = tpu.memref_slice %arg2[%dma_wait3A_161, %add3A_99, %dma_wait3A_162] : memref<4x4096x1024xf32, #tpu.memory_space<hbm>> -> memref<4x8x1024xf32, #tpu.memory_space<hbm>>
    %dma_wait3A_164 = arith.constant 0 : i32
    %dma_wait3A_165 = arith.constant 0 : i32
    %dma_wait3A_166 = tpu.memref_slice %arg2[%dma_wait3A_164, %add3A_99, %dma_wait3A_165] : memref<4x4096x1024xf32, #tpu.memory_space<hbm>> -> memref<4x8x1024xf32, #tpu.memory_space<hbm>>
    tpu.wait_dma2 semaphore(%arg12 : memref<!tpu.dma_semaphore, #tpu.memory_space<semaphore_mem>>) src(%dma_wait3A_166 : memref<4x8x1024xf32, #tpu.memory_space<hbm>>) dst(%arg7 : memref<4x8x1024xf32, #tpu.memory_space<vmem>>)
    %scan3A_167 = arith.constant 0 : i32
    %scan3A_168 = arith.constant 0 : i32
    %scan3A_169 = arith.constant 8 : i32
    %scan3A_170 = arith.addi %scan3A_168, %scan3A_169 : i32
    %scan3A_171 = arith.constant 1 : i32
    %scan3A_172 = scf.for %scan3A_714 = %scan3A_168 to %scan3A_170 step %scan3A_171 iter_args(%scan3A_715 = %scan3A_167) -> (i32)  : i32 {
      %parallel_loop3A = arith.constant 0 : i32
      %parallel_loop3A_716 = arith.constant 64 : i32
      %parallel_loop3A_717 = arith.constant 1 : i32
      scf.for %parallel_loop3A_719 = %parallel_loop3A to %parallel_loop3A_716 step %parallel_loop3A_717  : i32 {
        %parallel_loop3A_720 = arith.constant 16 : i32
        %parallel_loop3A_721 = arith.muli %parallel_loop3A_719, %parallel_loop3A_720 : i32
        %parallel_loop3A_722 = arith.index_cast %scan3A_714 : i32 to index
        %parallel_loop3A_723 = arith.index_cast %parallel_loop3A_721 : i32 to index
        %parallel_loop3A_724 = tpu.vector_load %arg6[%parallel_loop3A_722, %parallel_loop3A_723] {strides = array<i32>} : memref<8x1024xf32, #tpu.memory_space<vmem>>, vector<1x16xf32>,
        %parallel_loop3A_725 = vector.shape_cast %parallel_loop3A_724 : vector<1x16xf32> to vector<16xf32>
        %parallel_loop3A_726 = arith.constant 0 : i32
        %parallel_loop3A_727 = arith.index_cast %parallel_loop3A_726 : i32 to index
        %parallel_loop3A_728 = arith.index_cast %scan3A_714 : i32 to index
        %parallel_loop3A_729 = arith.index_cast %parallel_loop3A_721 : i32 to index
        %parallel_loop3A_730 = tpu.vector_load %arg7[%parallel_loop3A_727, %parallel_loop3A_728, %parallel_loop3A_729] {strides = array<i32>} : memref<4x8x1024xf32, #tpu.memory_space<vmem>>, vector<1x1x16xf32>,
        %parallel_loop3A_731 = vector.shape_cast %parallel_loop3A_730 : vector<1x1x16xf32> to vector<16xf32>
        %parallel_loop3A_732 = arith.addf %parallel_loop3A_731, %parallel_loop3A_725 : vector<16xf32>
        %parallel_loop3A_733 = arith.constant 0 : i32
        %parallel_loop3A_734 = arith.index_cast %parallel_loop3A_733 : i32 to index
        %parallel_loop3A_735 = arith.index_cast %scan3A_714 : i32 to index
        %parallel_loop3A_736 = arith.index_cast %parallel_loop3A_721 : i32 to index
        %parallel_loop3A_737 = tpu.vector_load %arg7[%parallel_loop3A_734, %parallel_loop3A_735, %parallel_loop3A_736] {strides = array<i32>} : memref<4x8x1024xf32, #tpu.memory_space<vmem>>, vector<1x1x16xf32>,
        %parallel_loop3A_738 = vector.shape_cast %parallel_loop3A_737 : vector<1x1x16xf32> to vector<16xf32>
        %parallel_loop3A_739 = vector.shape_cast %parallel_loop3A_732 : vector<16xf32> to vector<1x1x16xf32>
        tpu.vector_store %arg7[%parallel_loop3A_734, %parallel_loop3A_735, %parallel_loop3A_736], %parallel_loop3A_739 {strides = array<i32>} : memref<4x8x1024xf32, #tpu.memory_space<vmem>>, vector<1x1x16xf32>,
        %parallel_loop3A_740 = arith.constant 1 : i32
        %parallel_loop3A_741 = arith.index_cast %parallel_loop3A_740 : i32 to index
        %parallel_loop3A_742 = arith.index_cast %scan3A_714 : i32 to index
        %parallel_loop3A_743 = arith.index_cast %parallel_loop3A_721 : i32 to index
        %parallel_loop3A_744 = tpu.vector_load %arg7[%parallel_loop3A_741, %parallel_loop3A_742, %parallel_loop3A_743] {strides = array<i32>} : memref<4x8x1024xf32, #tpu.memory_space<vmem>>, vector<1x1x16xf32>,
        %parallel_loop3A_745 = vector.shape_cast %parallel_loop3A_744 : vector<1x1x16xf32> to vector<16xf32>
        %parallel_loop3A_746 = arith.addf %parallel_loop3A_745, %parallel_loop3A_725 : vector<16xf32>
        %parallel_loop3A_747 = arith.constant 1 : i32
        %parallel_loop3A_748 = arith.index_cast %parallel_loop3A_747 : i32 to index
        %parallel_loop3A_749 = arith.index_cast %scan3A_714 : i32 to index
        %parallel_loop3A_750 = arith.index_cast %parallel_loop3A_721 : i32 to index
        %parallel_loop3A_751 = tpu.vector_load %arg7[%parallel_loop3A_748, %parallel_loop3A_749, %parallel_loop3A_750] {strides = array<i32>} : memref<4x8x1024xf32, #tpu.memory_space<vmem>>, vector<1x1x16xf32>,
        %parallel_loop3A_752 = vector.shape_cast %parallel_loop3A_751 : vector<1x1x16xf32> to vector<16xf32>
        %parallel_loop3A_753 = vector.shape_cast %parallel_loop3A_746 : vector<16xf32> to vector<1x1x16xf32>
        tpu.vector_store %arg7[%parallel_loop3A_748, %parallel_loop3A_749, %parallel_loop3A_750], %parallel_loop3A_753 {strides = array<i32>} : memref<4x8x1024xf32, #tpu.memory_space<vmem>>, vector<1x1x16xf32>,
        %parallel_loop3A_754 = arith.constant 2 : i32
        %parallel_loop3A_755 = arith.index_cast %parallel_loop3A_754 : i32 to index
        %parallel_loop3A_756 = arith.index_cast %scan3A_714 : i32 to index
        %parallel_loop3A_757 = arith.index_cast %parallel_loop3A_721 : i32 to index
        %parallel_loop3A_758 = tpu.vector_load %arg7[%parallel_loop3A_755, %parallel_loop3A_756, %parallel_loop3A_757] {strides = array<i32>} : memref<4x8x1024xf32, #tpu.memory_space<vmem>>, vector<1x1x16xf32>,
        %parallel_loop3A_759 = vector.shape_cast %parallel_loop3A_758 : vector<1x1x16xf32> to vector<16xf32>
        %parallel_loop3A_760 = arith.addf %parallel_loop3A_759, %parallel_loop3A_725 : vector<16xf32>
        %parallel_loop3A_761 = arith.constant 2 : i32
        %parallel_loop3A_762 = arith.index_cast %parallel_loop3A_761 : i32 to index
        %parallel_loop3A_763 = arith.index_cast %scan3A_714 : i32 to index
        %parallel_loop3A_764 = arith.index_cast %parallel_loop3A_721 : i32 to index
        %parallel_loop3A_765 = tpu.vector_load %arg7[%parallel_loop3A_762, %parallel_loop3A_763, %parallel_loop3A_764] {strides = array<i32>} : memref<4x8x1024xf32, #tpu.memory_space<vmem>>, vector<1x1x16xf32>,
        %parallel_loop3A_766 = vector.shape_cast %parallel_loop3A_765 : vector<1x1x16xf32> to vector<16xf32>
        %parallel_loop3A_767 = vector.shape_cast %parallel_loop3A_760 : vector<16xf32> to vector<1x1x16xf32>
        tpu.vector_store %arg7[%parallel_loop3A_762, %parallel_loop3A_763, %parallel_loop3A_764], %parallel_loop3A_767 {strides = array<i32>} : memref<4x8x1024xf32, #tpu.memory_space<vmem>>, vector<1x1x16xf32>,
        %parallel_loop3A_768 = arith.constant 3 : i32
        %parallel_loop3A_769 = arith.index_cast %parallel_loop3A_768 : i32 to index
        %parallel_loop3A_770 = arith.index_cast %scan3A_714 : i32 to index
        %parallel_loop3A_771 = arith.index_cast %parallel_loop3A_721 : i32 to index
        %parallel_loop3A_772 = tpu.vector_load %arg7[%parallel_loop3A_769, %parallel_loop3A_770, %parallel_loop3A_771] {strides = array<i32>} : memref<4x8x1024xf32, #tpu.memory_space<vmem>>, vector<1x1x16xf32>,
        %parallel_loop3A_773 = vector.shape_cast %parallel_loop3A_772 : vector<1x1x16xf32> to vector<16xf32>
        %parallel_loop3A_774 = arith.addf %parallel_loop3A_773, %parallel_loop3A_725 : vector<16xf32>
        %parallel_loop3A_775 = arith.constant 3 : i32
        %parallel_loop3A_776 = arith.index_cast %parallel_loop3A_775 : i32 to index
        %parallel_loop3A_777 = arith.index_cast %scan3A_714 : i32 to index
        %parallel_loop3A_778 = arith.index_cast %parallel_loop3A_721 : i32 to index
        %parallel_loop3A_779 = tpu.vector_load %arg7[%parallel_loop3A_776, %parallel_loop3A_777, %parallel_loop3A_778] {strides = array<i32>} : memref<4x8x1024xf32, #tpu.memory_space<vmem>>, vector<1x1x16xf32>,
        %parallel_loop3A_780 = vector.shape_cast %parallel_loop3A_779 : vector<1x1x16xf32> to vector<16xf32>
        %parallel_loop3A_781 = vector.shape_cast %parallel_loop3A_774 : vector<16xf32> to vector<1x1x16xf32>
        tpu.vector_store %arg7[%parallel_loop3A_776, %parallel_loop3A_777, %parallel_loop3A_778], %parallel_loop3A_781 {strides = array<i32>} : memref<4x8x1024xf32, #tpu.memory_space<vmem>>, vector<1x1x16xf32>,
      } {sc.loop_unroll_factor = 8 : i64, sc.parallel_access}
      %scan3A_718 = arith.constant 0 : i32
      scf.yield %scan3A_718 : i32
    }
    %scan3A_173 = arith.constant 8 : i32
    %add3A_174 = arith.constant 24 : i32
    %add3A_175 = arith.addi %mul3A_2, %add3A_174 : i32
    %dma_start3A_176 = arith.constant 0 : i32
    %dma_start3A_177 = arith.constant 0 : i32
    %dma_start3A_178 = tpu.memref_slice %arg4[%dma_start3A_176, %add3A_175, %dma_start3A_177] : memref<4x4096x1024xf32, #tpu.memory_space<hbm>> -> memref<4x8x1024xf32, #tpu.memory_space<hbm>>
    %dma_start3A_179 = arith.constant 0 : i32
    %dma_start3A_180 = arith.constant 0 : i32
    %dma_start3A_181 = tpu.memref_slice %arg4[%dma_start3A_179, %add3A_175, %dma_start3A_180] : memref<4x4096x1024xf32, #tpu.memory_space<hbm>> -> memref<4x8x1024xf32, #tpu.memory_space<hbm>>
    tpu.enqueue_dma source(%arg7 : memref<4x8x1024xf32, #tpu.memory_space<vmem>>) target(%dma_start3A_181 : memref<4x8x1024xf32, #tpu.memory_space<hbm>>) target_semaphore(%arg15 : memref<!tpu.dma_semaphore, #tpu.memory_space<semaphore_mem>>)
    %dma_wait3A_182 = arith.constant 0 : i32
    %dma_wait3A_183 = arith.constant 0 : i32
    %dma_wait3A_184 = tpu.memref_slice %arg4[%dma_wait3A_182, %add3A_130, %dma_wait3A_183] : memref<4x4096x1024xf32, #tpu.memory_space<hbm>> -> memref<4x8x1024xf32, #tpu.memory_space<hbm>>
    %dma_wait3A_185 = arith.constant 0 : i32
    %dma_wait3A_186 = arith.constant 0 : i32
    %dma_wait3A_187 = tpu.memref_slice %arg4[%dma_wait3A_185, %add3A_130, %dma_wait3A_186] : memref<4x4096x1024xf32, #tpu.memory_space<hbm>> -> memref<4x8x1024xf32, #tpu.memory_space<hbm>>
    tpu.wait_dma2 semaphore(%arg17 : memref<!tpu.dma_semaphore, #tpu.memory_space<semaphore_mem>>) src(%arg9 : memref<4x8x1024xf32, #tpu.memory_space<vmem>>) dst(%dma_wait3A_187 : memref<4x8x1024xf32, #tpu.memory_space<hbm>>)
    %add3A_188 = arith.constant 40 : i32
    %add3A_189 = arith.addi %mul3A_2, %add3A_188 : i32
    %dma_start3A_190 = arith.constant 0 : i32
    %dma_start3A_191 = arith.constant 0 : i32
    %dma_start3A_192 = tpu.memref_slice %arg2[%dma_start3A_190, %add3A_189, %dma_start3A_191] : memref<4x4096x1024xf32, #tpu.memory_space<hbm>> -> memref<4x8x1024xf32, #tpu.memory_space<hbm>>
    %dma_start3A_193 = arith.constant 0 : i32
    %dma_start3A_194 = arith.constant 0 : i32
    %dma_start3A_195 = tpu.memref_slice %arg2[%dma_start3A_193, %add3A_189, %dma_start3A_194] : memref<4x4096x1024xf32, #tpu.memory_space<hbm>> -> memref<4x8x1024xf32, #tpu.memory_space<hbm>>
    tpu.enqueue_dma source(%dma_start3A_195 : memref<4x8x1024xf32, #tpu.memory_space<hbm>>) target(%arg9 : memref<4x8x1024xf32, #tpu.memory_space<vmem>>) target_semaphore(%arg14 : memref<!tpu.dma_semaphore, #tpu.memory_space<semaphore_mem>>)
    %add3A_196 = arith.constant 40 : i32
    %add3A_197 = arith.addi %mul3A_2, %add3A_196 : i32
    %dma_start3A_198 = arith.constant 0 : i32
    %dma_start3A_199 = tpu.memref_slice %arg3[%add3A_197, %dma_start3A_198] : memref<4096x1024xf32, #tpu.memory_space<hbm>> -> memref<8x1024xf32, #tpu.memory_space<hbm>>
    %dma_start3A_200 = arith.constant 0 : i32
    %dma_start3A_201 = tpu.memref_slice %arg3[%add3A_197, %dma_start3A_200] : memref<4096x1024xf32, #tpu.memory_space<hbm>> -> memref<8x1024xf32, #tpu.memory_space<hbm>>
    tpu.enqueue_dma source(%dma_start3A_201 : memref<8x1024xf32, #tpu.memory_space<hbm>>) target(%arg6 : memref<8x1024xf32, #tpu.memory_space<vmem>>) target_semaphore(%arg11 : memref<!tpu.dma_semaphore, #tpu.memory_space<semaphore_mem>>)
    %dma_wait3A_202 = arith.constant 0 : i32
    %dma_wait3A_203 = tpu.memref_slice %arg3[%add3A_152, %dma_wait3A_202] : memref<4096x1024xf32, #tpu.memory_space<hbm>> -> memref<8x1024xf32, #tpu.memory_space<hbm>>
    %dma_wait3A_204 = arith.constant 0 : i32
    %dma_wait3A_205 = tpu.memref_slice %arg3[%add3A_152, %dma_wait3A_204] : memref<4096x1024xf32, #tpu.memory_space<hbm>> -> memref<8x1024xf32, #tpu.memory_space<hbm>>
    tpu.wait_dma2 semaphore(%arg10 : memref<!tpu.dma_semaphore, #tpu.memory_space<semaphore_mem>>) src(%dma_wait3A_205 : memref<8x1024xf32, #tpu.memory_space<hbm>>) dst(%arg5 : memref<8x1024xf32, #tpu.memory_space<vmem>>)
    %dma_wait3A_206 = arith.constant 0 : i32
    %dma_wait3A_207 = arith.constant 0 : i32
    %dma_wait3A_208 = tpu.memref_slice %arg2[%dma_wait3A_206, %add3A_144, %dma_wait3A_207] : memref<4x4096x1024xf32, #tpu.memory_space<hbm>> -> memref<4x8x1024xf32, #tpu.memory_space<hbm>>
    %dma_wait3A_209 = arith.constant 0 : i32
    %dma_wait3A_210 = arith.constant 0 : i32
    %dma_wait3A_211 = tpu.memref_slice %arg2[%dma_wait3A_209, %add3A_144, %dma_wait3A_210] : memref<4x4096x1024xf32, #tpu.memory_space<hbm>> -> memref<4x8x1024xf32, #tpu.memory_space<hbm>>
    tpu.wait_dma2 semaphore(%arg13 : memref<!tpu.dma_semaphore, #tpu.memory_space<semaphore_mem>>) src(%dma_wait3A_211 : memref<4x8x1024xf32, #tpu.memory_space<hbm>>) dst(%arg8 : memref<4x8x1024xf32, #tpu.memory_space<vmem>>)
    %scan3A_212 = arith.constant 0 : i32
    %scan3A_213 = arith.constant 0 : i32
    %scan3A_214 = arith.constant 8 : i32
    %scan3A_215 = arith.addi %scan3A_213, %scan3A_214 : i32
    %scan3A_216 = arith.constant 1 : i32
    %scan3A_217 = scf.for %scan3A_714 = %scan3A_213 to %scan3A_215 step %scan3A_216 iter_args(%scan3A_715 = %scan3A_212) -> (i32)  : i32 {
      %parallel_loop3A = arith.constant 0 : i32
      %parallel_loop3A_716 = arith.constant 64 : i32
      %parallel_loop3A_717 = arith.constant 1 : i32
      scf.for %parallel_loop3A_719 = %parallel_loop3A to %parallel_loop3A_716 step %parallel_loop3A_717  : i32 {
        %parallel_loop3A_720 = arith.constant 16 : i32
        %parallel_loop3A_721 = arith.muli %parallel_loop3A_719, %parallel_loop3A_720 : i32
        %parallel_loop3A_722 = arith.index_cast %scan3A_714 : i32 to index
        %parallel_loop3A_723 = arith.index_cast %parallel_loop3A_721 : i32 to index
        %parallel_loop3A_724 = tpu.vector_load %arg5[%parallel_loop3A_722, %parallel_loop3A_723] {strides = array<i32>} : memref<8x1024xf32, #tpu.memory_space<vmem>>, vector<1x16xf32>,
        %parallel_loop3A_725 = vector.shape_cast %parallel_loop3A_724 : vector<1x16xf32> to vector<16xf32>
        %parallel_loop3A_726 = arith.constant 0 : i32
        %parallel_loop3A_727 = arith.index_cast %parallel_loop3A_726 : i32 to index
        %parallel_loop3A_728 = arith.index_cast %scan3A_714 : i32 to index
        %parallel_loop3A_729 = arith.index_cast %parallel_loop3A_721 : i32 to index
        %parallel_loop3A_730 = tpu.vector_load %arg8[%parallel_loop3A_727, %parallel_loop3A_728, %parallel_loop3A_729] {strides = array<i32>} : memref<4x8x1024xf32, #tpu.memory_space<vmem>>, vector<1x1x16xf32>,
        %parallel_loop3A_731 = vector.shape_cast %parallel_loop3A_730 : vector<1x1x16xf32> to vector<16xf32>
        %parallel_loop3A_732 = arith.addf %parallel_loop3A_731, %parallel_loop3A_725 : vector<16xf32>
        %parallel_loop3A_733 = arith.constant 0 : i32
        %parallel_loop3A_734 = arith.index_cast %parallel_loop3A_733 : i32 to index
        %parallel_loop3A_735 = arith.index_cast %scan3A_714 : i32 to index
        %parallel_loop3A_736 = arith.index_cast %parallel_loop3A_721 : i32 to index
        %parallel_loop3A_737 = tpu.vector_load %arg8[%parallel_loop3A_734, %parallel_loop3A_735, %parallel_loop3A_736] {strides = array<i32>} : memref<4x8x1024xf32, #tpu.memory_space<vmem>>, vector<1x1x16xf32>,
        %parallel_loop3A_738 = vector.shape_cast %parallel_loop3A_737 : vector<1x1x16xf32> to vector<16xf32>
        %parallel_loop3A_739 = vector.shape_cast %parallel_loop3A_732 : vector<16xf32> to vector<1x1x16xf32>
        tpu.vector_store %arg8[%parallel_loop3A_734, %parallel_loop3A_735, %parallel_loop3A_736], %parallel_loop3A_739 {strides = array<i32>} : memref<4x8x1024xf32, #tpu.memory_space<vmem>>, vector<1x1x16xf32>,
        %parallel_loop3A_740 = arith.constant 1 : i32
        %parallel_loop3A_741 = arith.index_cast %parallel_loop3A_740 : i32 to index
        %parallel_loop3A_742 = arith.index_cast %scan3A_714 : i32 to index
        %parallel_loop3A_743 = arith.index_cast %parallel_loop3A_721 : i32 to index
        %parallel_loop3A_744 = tpu.vector_load %arg8[%parallel_loop3A_741, %parallel_loop3A_742, %parallel_loop3A_743] {strides = array<i32>} : memref<4x8x1024xf32, #tpu.memory_space<vmem>>, vector<1x1x16xf32>,
        %parallel_loop3A_745 = vector.shape_cast %parallel_loop3A_744 : vector<1x1x16xf32> to vector<16xf32>
        %parallel_loop3A_746 = arith.addf %parallel_loop3A_745, %parallel_loop3A_725 : vector<16xf32>
        %parallel_loop3A_747 = arith.constant 1 : i32
        %parallel_loop3A_748 = arith.index_cast %parallel_loop3A_747 : i32 to index
        %parallel_loop3A_749 = arith.index_cast %scan3A_714 : i32 to index
        %parallel_loop3A_750 = arith.index_cast %parallel_loop3A_721 : i32 to index
        %parallel_loop3A_751 = tpu.vector_load %arg8[%parallel_loop3A_748, %parallel_loop3A_749, %parallel_loop3A_750] {strides = array<i32>} : memref<4x8x1024xf32, #tpu.memory_space<vmem>>, vector<1x1x16xf32>,
        %parallel_loop3A_752 = vector.shape_cast %parallel_loop3A_751 : vector<1x1x16xf32> to vector<16xf32>
        %parallel_loop3A_753 = vector.shape_cast %parallel_loop3A_746 : vector<16xf32> to vector<1x1x16xf32>
        tpu.vector_store %arg8[%parallel_loop3A_748, %parallel_loop3A_749, %parallel_loop3A_750], %parallel_loop3A_753 {strides = array<i32>} : memref<4x8x1024xf32, #tpu.memory_space<vmem>>, vector<1x1x16xf32>,
        %parallel_loop3A_754 = arith.constant 2 : i32
        %parallel_loop3A_755 = arith.index_cast %parallel_loop3A_754 : i32 to index
        %parallel_loop3A_756 = arith.index_cast %scan3A_714 : i32 to index
        %parallel_loop3A_757 = arith.index_cast %parallel_loop3A_721 : i32 to index
        %parallel_loop3A_758 = tpu.vector_load %arg8[%parallel_loop3A_755, %parallel_loop3A_756, %parallel_loop3A_757] {strides = array<i32>} : memref<4x8x1024xf32, #tpu.memory_space<vmem>>, vector<1x1x16xf32>,
        %parallel_loop3A_759 = vector.shape_cast %parallel_loop3A_758 : vector<1x1x16xf32> to vector<16xf32>
        %parallel_loop3A_760 = arith.addf %parallel_loop3A_759, %parallel_loop3A_725 : vector<16xf32>
        %parallel_loop3A_761 = arith.constant 2 : i32
        %parallel_loop3A_762 = arith.index_cast %parallel_loop3A_761 : i32 to index
        %parallel_loop3A_763 = arith.index_cast %scan3A_714 : i32 to index
        %parallel_loop3A_764 = arith.index_cast %parallel_loop3A_721 : i32 to index
        %parallel_loop3A_765 = tpu.vector_load %arg8[%parallel_loop3A_762, %parallel_loop3A_763, %parallel_loop3A_764] {strides = array<i32>} : memref<4x8x1024xf32, #tpu.memory_space<vmem>>, vector<1x1x16xf32>,
        %parallel_loop3A_766 = vector.shape_cast %parallel_loop3A_765 : vector<1x1x16xf32> to vector<16xf32>
        %parallel_loop3A_767 = vector.shape_cast %parallel_loop3A_760 : vector<16xf32> to vector<1x1x16xf32>
        tpu.vector_store %arg8[%parallel_loop3A_762, %parallel_loop3A_763, %parallel_loop3A_764], %parallel_loop3A_767 {strides = array<i32>} : memref<4x8x1024xf32, #tpu.memory_space<vmem>>, vector<1x1x16xf32>,
        %parallel_loop3A_768 = arith.constant 3 : i32
        %parallel_loop3A_769 = arith.index_cast %parallel_loop3A_768 : i32 to index
        %parallel_loop3A_770 = arith.index_cast %scan3A_714 : i32 to index
        %parallel_loop3A_771 = arith.index_cast %parallel_loop3A_721 : i32 to index
        %parallel_loop3A_772 = tpu.vector_load %arg8[%parallel_loop3A_769, %parallel_loop3A_770, %parallel_loop3A_771] {strides = array<i32>} : memref<4x8x1024xf32, #tpu.memory_space<vmem>>, vector<1x1x16xf32>,
        %parallel_loop3A_773 = vector.shape_cast %parallel_loop3A_772 : vector<1x1x16xf32> to vector<16xf32>
        %parallel_loop3A_774 = arith.addf %parallel_loop3A_773, %parallel_loop3A_725 : vector<16xf32>
        %parallel_loop3A_775 = arith.constant 3 : i32
        %parallel_loop3A_776 = arith.index_cast %parallel_loop3A_775 : i32 to index
        %parallel_loop3A_777 = arith.index_cast %scan3A_714 : i32 to index
        %parallel_loop3A_778 = arith.index_cast %parallel_loop3A_721 : i32 to index
        %parallel_loop3A_779 = tpu.vector_load %arg8[%parallel_loop3A_776, %parallel_loop3A_777, %parallel_loop3A_778] {strides = array<i32>} : memref<4x8x1024xf32, #tpu.memory_space<vmem>>, vector<1x1x16xf32>,
        %parallel_loop3A_780 = vector.shape_cast %parallel_loop3A_779 : vector<1x1x16xf32> to vector<16xf32>
        %parallel_loop3A_781 = vector.shape_cast %parallel_loop3A_774 : vector<16xf32> to vector<1x1x16xf32>
        tpu.vector_store %arg8[%parallel_loop3A_776, %parallel_loop3A_777, %parallel_loop3A_778], %parallel_loop3A_781 {strides = array<i32>} : memref<4x8x1024xf32, #tpu.memory_space<vmem>>, vector<1x1x16xf32>,
      } {sc.loop_unroll_factor = 8 : i64, sc.parallel_access}
      %scan3A_718 = arith.constant 0 : i32
      scf.yield %scan3A_718 : i32
    }
    %scan3A_218 = arith.constant 8 : i32
    %add3A_219 = arith.constant 32 : i32
    %add3A_220 = arith.addi %mul3A_2, %add3A_219 : i32
    %dma_start3A_221 = arith.constant 0 : i32
    %dma_start3A_222 = arith.constant 0 : i32
    %dma_start3A_223 = tpu.memref_slice %arg4[%dma_start3A_221, %add3A_220, %dma_start3A_222] : memref<4x4096x1024xf32, #tpu.memory_space<hbm>> -> memref<4x8x1024xf32, #tpu.memory_space<hbm>>
    %dma_start3A_224 = arith.constant 0 : i32
    %dma_start3A_225 = arith.constant 0 : i32
    %dma_start3A_226 = tpu.memref_slice %arg4[%dma_start3A_224, %add3A_220, %dma_start3A_225] : memref<4x4096x1024xf32, #tpu.memory_space<hbm>> -> memref<4x8x1024xf32, #tpu.memory_space<hbm>>
    tpu.enqueue_dma source(%arg8 : memref<4x8x1024xf32, #tpu.memory_space<vmem>>) target(%dma_start3A_226 : memref<4x8x1024xf32, #tpu.memory_space<hbm>>) target_semaphore(%arg16 : memref<!tpu.dma_semaphore, #tpu.memory_space<semaphore_mem>>)
    %dma_wait3A_227 = arith.constant 0 : i32
    %dma_wait3A_228 = arith.constant 0 : i32
    %dma_wait3A_229 = tpu.memref_slice %arg4[%dma_wait3A_227, %add3A_175, %dma_wait3A_228] : memref<4x4096x1024xf32, #tpu.memory_space<hbm>> -> memref<4x8x1024xf32, #tpu.memory_space<hbm>>
    %dma_wait3A_230 = arith.constant 0 : i32
    %dma_wait3A_231 = arith.constant 0 : i32
    %dma_wait3A_232 = tpu.memref_slice %arg4[%dma_wait3A_230, %add3A_175, %dma_wait3A_231] : memref<4x4096x1024xf32, #tpu.memory_space<hbm>> -> memref<4x8x1024xf32, #tpu.memory_space<hbm>>
    tpu.wait_dma2 semaphore(%arg15 : memref<!tpu.dma_semaphore, #tpu.memory_space<semaphore_mem>>) src(%arg7 : memref<4x8x1024xf32, #tpu.memory_space<vmem>>) dst(%dma_wait3A_232 : memref<4x8x1024xf32, #tpu.memory_space<hbm>>)
    %add3A_233 = arith.constant 48 : i32
    %add3A_234 = arith.addi %mul3A_2, %add3A_233 : i32
    %dma_start3A_235 = arith.constant 0 : i32
    %dma_start3A_236 = arith.constant 0 : i32
    %dma_start3A_237 = tpu.memref_slice %arg2[%dma_start3A_235, %add3A_234, %dma_start3A_236] : memref<4x4096x1024xf32, #tpu.memory_space<hbm>> -> memref<4x8x1024xf32, #tpu.memory_space<hbm>>
    %dma_start3A_238 = arith.constant 0 : i32
    %dma_start3A_239 = arith.constant 0 : i32
    %dma_start3A_240 = tpu.memref_slice %arg2[%dma_start3A_238, %add3A_234, %dma_start3A_239] : memref<4x4096x1024xf32, #tpu.memory_space<hbm>> -> memref<4x8x1024xf32, #tpu.memory_space<hbm>>
    tpu.enqueue_dma source(%dma_start3A_240 : memref<4x8x1024xf32, #tpu.memory_space<hbm>>) target(%arg7 : memref<4x8x1024xf32, #tpu.memory_space<vmem>>) target_semaphore(%arg12 : memref<!tpu.dma_semaphore, #tpu.memory_space<semaphore_mem>>)
    %add3A_241 = arith.constant 48 : i32
    %add3A_242 = arith.addi %mul3A_2, %add3A_241 : i32
    %dma_start3A_243 = arith.constant 0 : i32
    %dma_start3A_244 = tpu.memref_slice %arg3[%add3A_242, %dma_start3A_243] : memref<4096x1024xf32, #tpu.memory_space<hbm>> -> memref<8x1024xf32, #tpu.memory_space<hbm>>
    %dma_start3A_245 = arith.constant 0 : i32
    %dma_start3A_246 = tpu.memref_slice %arg3[%add3A_242, %dma_start3A_245] : memref<4096x1024xf32, #tpu.memory_space<hbm>> -> memref<8x1024xf32, #tpu.memory_space<hbm>>
    tpu.enqueue_dma source(%dma_start3A_246 : memref<8x1024xf32, #tpu.memory_space<hbm>>) target(%arg5 : memref<8x1024xf32, #tpu.memory_space<vmem>>) target_semaphore(%arg10 : memref<!tpu.dma_semaphore, #tpu.memory_space<semaphore_mem>>)
    %dma_wait3A_247 = arith.constant 0 : i32
    %dma_wait3A_248 = tpu.memref_slice %arg3[%add3A_197, %dma_wait3A_247] : memref<4096x1024xf32, #tpu.memory_space<hbm>> -> memref<8x1024xf32, #tpu.memory_space<hbm>>
    %dma_wait3A_249 = arith.constant 0 : i32
    %dma_wait3A_250 = tpu.memref_slice %arg3[%add3A_197, %dma_wait3A_249] : memref<4096x1024xf32, #tpu.memory_space<hbm>> -> memref<8x1024xf32, #tpu.memory_space<hbm>>
    tpu.wait_dma2 semaphore(%arg11 : memref<!tpu.dma_semaphore, #tpu.memory_space<semaphore_mem>>) src(%dma_wait3A_250 : memref<8x1024xf32, #tpu.memory_space<hbm>>) dst(%arg6 : memref<8x1024xf32, #tpu.memory_space<vmem>>)
    %dma_wait3A_251 = arith.constant 0 : i32
    %dma_wait3A_252 = arith.constant 0 : i32
    %dma_wait3A_253 = tpu.memref_slice %arg2[%dma_wait3A_251, %add3A_189, %dma_wait3A_252] : memref<4x4096x1024xf32, #tpu.memory_space<hbm>> -> memref<4x8x1024xf32, #tpu.memory_space<hbm>>
    %dma_wait3A_254 = arith.constant 0 : i32
    %dma_wait3A_255 = arith.constant 0 : i32
    %dma_wait3A_256 = tpu.memref_slice %arg2[%dma_wait3A_254, %add3A_189, %dma_wait3A_255] : memref<4x4096x1024xf32, #tpu.memory_space<hbm>> -> memref<4x8x1024xf32, #tpu.memory_space<hbm>>
    tpu.wait_dma2 semaphore(%arg14 : memref<!tpu.dma_semaphore, #tpu.memory_space<semaphore_mem>>) src(%dma_wait3A_256 : memref<4x8x1024xf32, #tpu.memory_space<hbm>>) dst(%arg9 : memref<4x8x1024xf32, #tpu.memory_space<vmem>>)
    %scan3A_257 = arith.constant 0 : i32
    %scan3A_258 = arith.constant 0 : i32
    %scan3A_259 = arith.constant 8 : i32
    %scan3A_260 = arith.addi %scan3A_258, %scan3A_259 : i32
    %scan3A_261 = arith.constant 1 : i32
    %scan3A_262 = scf.for %scan3A_714 = %scan3A_258 to %scan3A_260 step %scan3A_261 iter_args(%scan3A_715 = %scan3A_257) -> (i32)  : i32 {
      %parallel_loop3A = arith.constant 0 : i32
      %parallel_loop3A_716 = arith.constant 64 : i32
      %parallel_loop3A_717 = arith.constant 1 : i32
      scf.for %parallel_loop3A_719 = %parallel_loop3A to %parallel_loop3A_716 step %parallel_loop3A_717  : i32 {
        %parallel_loop3A_720 = arith.constant 16 : i32
        %parallel_loop3A_721 = arith.muli %parallel_loop3A_719, %parallel_loop3A_720 : i32
        %parallel_loop3A_722 = arith.index_cast %scan3A_714 : i32 to index
        %parallel_loop3A_723 = arith.index_cast %parallel_loop3A_721 : i32 to index
        %parallel_loop3A_724 = tpu.vector_load %arg6[%parallel_loop3A_722, %parallel_loop3A_723] {strides = array<i32>} : memref<8x1024xf32, #tpu.memory_space<vmem>>, vector<1x16xf32>,
        %parallel_loop3A_725 = vector.shape_cast %parallel_loop3A_724 : vector<1x16xf32> to vector<16xf32>
        %parallel_loop3A_726 = arith.constant 0 : i32
        %parallel_loop3A_727 = arith.index_cast %parallel_loop3A_726 : i32 to index
        %parallel_loop3A_728 = arith.index_cast %scan3A_714 : i32 to index
        %parallel_loop3A_729 = arith.index_cast %parallel_loop3A_721 : i32 to index
        %parallel_loop3A_730 = tpu.vector_load %arg9[%parallel_loop3A_727, %parallel_loop3A_728, %parallel_loop3A_729] {strides = array<i32>} : memref<4x8x1024xf32, #tpu.memory_space<vmem>>, vector<1x1x16xf32>,
        %parallel_loop3A_731 = vector.shape_cast %parallel_loop3A_730 : vector<1x1x16xf32> to vector<16xf32>
        %parallel_loop3A_732 = arith.addf %parallel_loop3A_731, %parallel_loop3A_725 : vector<16xf32>
        %parallel_loop3A_733 = arith.constant 0 : i32
        %parallel_loop3A_734 = arith.index_cast %parallel_loop3A_733 : i32 to index
        %parallel_loop3A_735 = arith.index_cast %scan3A_714 : i32 to index
        %parallel_loop3A_736 = arith.index_cast %parallel_loop3A_721 : i32 to index
        %parallel_loop3A_737 = tpu.vector_load %arg9[%parallel_loop3A_734, %parallel_loop3A_735, %parallel_loop3A_736] {strides = array<i32>} : memref<4x8x1024xf32, #tpu.memory_space<vmem>>, vector<1x1x16xf32>,
        %parallel_loop3A_738 = vector.shape_cast %parallel_loop3A_737 : vector<1x1x16xf32> to vector<16xf32>
        %parallel_loop3A_739 = vector.shape_cast %parallel_loop3A_732 : vector<16xf32> to vector<1x1x16xf32>
        tpu.vector_store %arg9[%parallel_loop3A_734, %parallel_loop3A_735, %parallel_loop3A_736], %parallel_loop3A_739 {strides = array<i32>} : memref<4x8x1024xf32, #tpu.memory_space<vmem>>, vector<1x1x16xf32>,
        %parallel_loop3A_740 = arith.constant 1 : i32
        %parallel_loop3A_741 = arith.index_cast %parallel_loop3A_740 : i32 to index
        %parallel_loop3A_742 = arith.index_cast %scan3A_714 : i32 to index
        %parallel_loop3A_743 = arith.index_cast %parallel_loop3A_721 : i32 to index
        %parallel_loop3A_744 = tpu.vector_load %arg9[%parallel_loop3A_741, %parallel_loop3A_742, %parallel_loop3A_743] {strides = array<i32>} : memref<4x8x1024xf32, #tpu.memory_space<vmem>>, vector<1x1x16xf32>,
        %parallel_loop3A_745 = vector.shape_cast %parallel_loop3A_744 : vector<1x1x16xf32> to vector<16xf32>
        %parallel_loop3A_746 = arith.addf %parallel_loop3A_745, %parallel_loop3A_725 : vector<16xf32>
        %parallel_loop3A_747 = arith.constant 1 : i32
        %parallel_loop3A_748 = arith.index_cast %parallel_loop3A_747 : i32 to index
        %parallel_loop3A_749 = arith.index_cast %scan3A_714 : i32 to index
        %parallel_loop3A_750 = arith.index_cast %parallel_loop3A_721 : i32 to index
        %parallel_loop3A_751 = tpu.vector_load %arg9[%parallel_loop3A_748, %parallel_loop3A_749, %parallel_loop3A_750] {strides = array<i32>} : memref<4x8x1024xf32, #tpu.memory_space<vmem>>, vector<1x1x16xf32>,
        %parallel_loop3A_752 = vector.shape_cast %parallel_loop3A_751 : vector<1x1x16xf32> to vector<16xf32>
        %parallel_loop3A_753 = vector.shape_cast %parallel_loop3A_746 : vector<16xf32> to vector<1x1x16xf32>
        tpu.vector_store %arg9[%parallel_loop3A_748, %parallel_loop3A_749, %parallel_loop3A_750], %parallel_loop3A_753 {strides = array<i32>} : memref<4x8x1024xf32, #tpu.memory_space<vmem>>, vector<1x1x16xf32>,
        %parallel_loop3A_754 = arith.constant 2 : i32
        %parallel_loop3A_755 = arith.index_cast %parallel_loop3A_754 : i32 to index
        %parallel_loop3A_756 = arith.index_cast %scan3A_714 : i32 to index
        %parallel_loop3A_757 = arith.index_cast %parallel_loop3A_721 : i32 to index
        %parallel_loop3A_758 = tpu.vector_load %arg9[%parallel_loop3A_755, %parallel_loop3A_756, %parallel_loop3A_757] {strides = array<i32>} : memref<4x8x1024xf32, #tpu.memory_space<vmem>>, vector<1x1x16xf32>,
        %parallel_loop3A_759 = vector.shape_cast %parallel_loop3A_758 : vector<1x1x16xf32> to vector<16xf32>
        %parallel_loop3A_760 = arith.addf %parallel_loop3A_759, %parallel_loop3A_725 : vector<16xf32>
        %parallel_loop3A_761 = arith.constant 2 : i32
        %parallel_loop3A_762 = arith.index_cast %parallel_loop3A_761 : i32 to index
        %parallel_loop3A_763 = arith.index_cast %scan3A_714 : i32 to index
        %parallel_loop3A_764 = arith.index_cast %parallel_loop3A_721 : i32 to index
        %parallel_loop3A_765 = tpu.vector_load %arg9[%parallel_loop3A_762, %parallel_loop3A_763, %parallel_loop3A_764] {strides = array<i32>} : memref<4x8x1024xf32, #tpu.memory_space<vmem>>, vector<1x1x16xf32>,
        %parallel_loop3A_766 = vector.shape_cast %parallel_loop3A_765 : vector<1x1x16xf32> to vector<16xf32>
        %parallel_loop3A_767 = vector.shape_cast %parallel_loop3A_760 : vector<16xf32> to vector<1x1x16xf32>
        tpu.vector_store %arg9[%parallel_loop3A_762, %parallel_loop3A_763, %parallel_loop3A_764], %parallel_loop3A_767 {strides = array<i32>} : memref<4x8x1024xf32, #tpu.memory_space<vmem>>, vector<1x1x16xf32>,
        %parallel_loop3A_768 = arith.constant 3 : i32
        %parallel_loop3A_769 = arith.index_cast %parallel_loop3A_768 : i32 to index
        %parallel_loop3A_770 = arith.index_cast %scan3A_714 : i32 to index
        %parallel_loop3A_771 = arith.index_cast %parallel_loop3A_721 : i32 to index
        %parallel_loop3A_772 = tpu.vector_load %arg9[%parallel_loop3A_769, %parallel_loop3A_770, %parallel_loop3A_771] {strides = array<i32>} : memref<4x8x1024xf32, #tpu.memory_space<vmem>>, vector<1x1x16xf32>,
        %parallel_loop3A_773 = vector.shape_cast %parallel_loop3A_772 : vector<1x1x16xf32> to vector<16xf32>
        %parallel_loop3A_774 = arith.addf %parallel_loop3A_773, %parallel_loop3A_725 : vector<16xf32>
        %parallel_loop3A_775 = arith.constant 3 : i32
        %parallel_loop3A_776 = arith.index_cast %parallel_loop3A_775 : i32 to index
        %parallel_loop3A_777 = arith.index_cast %scan3A_714 : i32 to index
        %parallel_loop3A_778 = arith.index_cast %parallel_loop3A_721 : i32 to index
        %parallel_loop3A_779 = tpu.vector_load %arg9[%parallel_loop3A_776, %parallel_loop3A_777, %parallel_loop3A_778] {strides = array<i32>} : memref<4x8x1024xf32, #tpu.memory_space<vmem>>, vector<1x1x16xf32>,
        %parallel_loop3A_780 = vector.shape_cast %parallel_loop3A_779 : vector<1x1x16xf32> to vector<16xf32>
        %parallel_loop3A_781 = vector.shape_cast %parallel_loop3A_774 : vector<16xf32> to vector<1x1x16xf32>
        tpu.vector_store %arg9[%parallel_loop3A_776, %parallel_loop3A_777, %parallel_loop3A_778], %parallel_loop3A_781 {strides = array<i32>} : memref<4x8x1024xf32, #tpu.memory_space<vmem>>, vector<1x1x16xf32>,
      } {sc.loop_unroll_factor = 8 : i64, sc.parallel_access}
      %scan3A_718 = arith.constant 0 : i32
      scf.yield %scan3A_718 : i32
    }
    %scan3A_263 = arith.constant 8 : i32
    %add3A_264 = arith.constant 40 : i32
    %add3A_265 = arith.addi %mul3A_2, %add3A_264 : i32
    %dma_start3A_266 = arith.constant 0 : i32
    %dma_start3A_267 = arith.constant 0 : i32
    %dma_start3A_268 = tpu.memref_slice %arg4[%dma_start3A_266, %add3A_265, %dma_start3A_267] : memref<4x4096x1024xf32, #tpu.memory_space<hbm>> -> memref<4x8x1024xf32, #tpu.memory_space<hbm>>
    %dma_start3A_269 = arith.constant 0 : i32
    %dma_start3A_270 = arith.constant 0 : i32
    %dma_start3A_271 = tpu.memref_slice %arg4[%dma_start3A_269, %add3A_265, %dma_start3A_270] : memref<4x4096x1024xf32, #tpu.memory_space<hbm>> -> memref<4x8x1024xf32, #tpu.memory_space<hbm>>
    tpu.enqueue_dma source(%arg9 : memref<4x8x1024xf32, #tpu.memory_space<vmem>>) target(%dma_start3A_271 : memref<4x8x1024xf32, #tpu.memory_space<hbm>>) target_semaphore(%arg17 : memref<!tpu.dma_semaphore, #tpu.memory_space<semaphore_mem>>)
    %dma_wait3A_272 = arith.constant 0 : i32
    %dma_wait3A_273 = arith.constant 0 : i32
    %dma_wait3A_274 = tpu.memref_slice %arg4[%dma_wait3A_272, %add3A_220, %dma_wait3A_273] : memref<4x4096x1024xf32, #tpu.memory_space<hbm>> -> memref<4x8x1024xf32, #tpu.memory_space<hbm>>
    %dma_wait3A_275 = arith.constant 0 : i32
    %dma_wait3A_276 = arith.constant 0 : i32
    %dma_wait3A_277 = tpu.memref_slice %arg4[%dma_wait3A_275, %add3A_220, %dma_wait3A_276] : memref<4x4096x1024xf32, #tpu.memory_space<hbm>> -> memref<4x8x1024xf32, #tpu.memory_space<hbm>>
    tpu.wait_dma2 semaphore(%arg16 : memref<!tpu.dma_semaphore, #tpu.memory_space<semaphore_mem>>) src(%arg8 : memref<4x8x1024xf32, #tpu.memory_space<vmem>>) dst(%dma_wait3A_277 : memref<4x8x1024xf32, #tpu.memory_space<hbm>>)
    %add3A_278 = arith.constant 56 : i32
    %add3A_279 = arith.addi %mul3A_2, %add3A_278 : i32
    %dma_start3A_280 = arith.constant 0 : i32
    %dma_start3A_281 = arith.constant 0 : i32
    %dma_start3A_282 = tpu.memref_slice %arg2[%dma_start3A_280, %add3A_279, %dma_start3A_281] : memref<4x4096x1024xf32, #tpu.memory_space<hbm>> -> memref<4x8x1024xf32, #tpu.memory_space<hbm>>
    %dma_start3A_283 = arith.constant 0 : i32
    %dma_start3A_284 = arith.constant 0 : i32
    %dma_start3A_285 = tpu.memref_slice %arg2[%dma_start3A_283, %add3A_279, %dma_start3A_284] : memref<4x4096x1024xf32, #tpu.memory_space<hbm>> -> memref<4x8x1024xf32, #tpu.memory_space<hbm>>
    tpu.enqueue_dma source(%dma_start3A_285 : memref<4x8x1024xf32, #tpu.memory_space<hbm>>) target(%arg8 : memref<4x8x1024xf32, #tpu.memory_space<vmem>>) target_semaphore(%arg13 : memref<!tpu.dma_semaphore, #tpu.memory_space<semaphore_mem>>)
    %add3A_286 = arith.constant 56 : i32
    %add3A_287 = arith.addi %mul3A_2, %add3A_286 : i32
    %dma_start3A_288 = arith.constant 0 : i32
    %dma_start3A_289 = tpu.memref_slice %arg3[%add3A_287, %dma_start3A_288] : memref<4096x1024xf32, #tpu.memory_space<hbm>> -> memref<8x1024xf32, #tpu.memory_space<hbm>>
    %dma_start3A_290 = arith.constant 0 : i32
    %dma_start3A_291 = tpu.memref_slice %arg3[%add3A_287, %dma_start3A_290] : memref<4096x1024xf32, #tpu.memory_space<hbm>> -> memref<8x1024xf32, #tpu.memory_space<hbm>>
    tpu.enqueue_dma source(%dma_start3A_291 : memref<8x1024xf32, #tpu.memory_space<hbm>>) target(%arg6 : memref<8x1024xf32, #tpu.memory_space<vmem>>) target_semaphore(%arg11 : memref<!tpu.dma_semaphore, #tpu.memory_space<semaphore_mem>>)
    %dma_wait3A_292 = arith.constant 0 : i32
    %dma_wait3A_293 = tpu.memref_slice %arg3[%add3A_242, %dma_wait3A_292] : memref<4096x1024xf32, #tpu.memory_space<hbm>> -> memref<8x1024xf32, #tpu.memory_space<hbm>>
    %dma_wait3A_294 = arith.constant 0 : i32
    %dma_wait3A_295 = tpu.memref_slice %arg3[%add3A_242, %dma_wait3A_294] : memref<4096x1024xf32, #tpu.memory_space<hbm>> -> memref<8x1024xf32, #tpu.memory_space<hbm>>
    tpu.wait_dma2 semaphore(%arg10 : memref<!tpu.dma_semaphore, #tpu.memory_space<semaphore_mem>>) src(%dma_wait3A_295 : memref<8x1024xf32, #tpu.memory_space<hbm>>) dst(%arg5 : memref<8x1024xf32, #tpu.memory_space<vmem>>)
    %dma_wait3A_296 = arith.constant 0 : i32
    %dma_wait3A_297 = arith.constant 0 : i32
    %dma_wait3A_298 = tpu.memref_slice %arg2[%dma_wait3A_296, %add3A_234, %dma_wait3A_297] : memref<4x4096x1024xf32, #tpu.memory_space<hbm>> -> memref<4x8x1024xf32, #tpu.memory_space<hbm>>
    %dma_wait3A_299 = arith.constant 0 : i32
    %dma_wait3A_300 = arith.constant 0 : i32
    %dma_wait3A_301 = tpu.memref_slice %arg2[%dma_wait3A_299, %add3A_234, %dma_wait3A_300] : memref<4x4096x1024xf32, #tpu.memory_space<hbm>> -> memref<4x8x1024xf32, #tpu.memory_space<hbm>>
    tpu.wait_dma2 semaphore(%arg12 : memref<!tpu.dma_semaphore, #tpu.memory_space<semaphore_mem>>) src(%dma_wait3A_301 : memref<4x8x1024xf32, #tpu.memory_space<hbm>>) dst(%arg7 : memref<4x8x1024xf32, #tpu.memory_space<vmem>>)
    %scan3A_302 = arith.constant 0 : i32
    %scan3A_303 = arith.constant 0 : i32
    %scan3A_304 = arith.constant 8 : i32
    %scan3A_305 = arith.addi %scan3A_303, %scan3A_304 : i32
    %scan3A_306 = arith.constant 1 : i32
    %scan3A_307 = scf.for %scan3A_714 = %scan3A_303 to %scan3A_305 step %scan3A_306 iter_args(%scan3A_715 = %scan3A_302) -> (i32)  : i32 {
      %parallel_loop3A = arith.constant 0 : i32
      %parallel_loop3A_716 = arith.constant 64 : i32
      %parallel_loop3A_717 = arith.constant 1 : i32
      scf.for %parallel_loop3A_719 = %parallel_loop3A to %parallel_loop3A_716 step %parallel_loop3A_717  : i32 {
        %parallel_loop3A_720 = arith.constant 16 : i32
        %parallel_loop3A_721 = arith.muli %parallel_loop3A_719, %parallel_loop3A_720 : i32
        %parallel_loop3A_722 = arith.index_cast %scan3A_714 : i32 to index
        %parallel_loop3A_723 = arith.index_cast %parallel_loop3A_721 : i32 to index
        %parallel_loop3A_724 = tpu.vector_load %arg5[%parallel_loop3A_722, %parallel_loop3A_723] {strides = array<i32>} : memref<8x1024xf32, #tpu.memory_space<vmem>>, vector<1x16xf32>,
        %parallel_loop3A_725 = vector.shape_cast %parallel_loop3A_724 : vector<1x16xf32> to vector<16xf32>
        %parallel_loop3A_726 = arith.constant 0 : i32
        %parallel_loop3A_727 = arith.index_cast %parallel_loop3A_726 : i32 to index
        %parallel_loop3A_728 = arith.index_cast %scan3A_714 : i32 to index
        %parallel_loop3A_729 = arith.index_cast %parallel_loop3A_721 : i32 to index
        %parallel_loop3A_730 = tpu.vector_load %arg7[%parallel_loop3A_727, %parallel_loop3A_728, %parallel_loop3A_729] {strides = array<i32>} : memref<4x8x1024xf32, #tpu.memory_space<vmem>>, vector<1x1x16xf32>,
        %parallel_loop3A_731 = vector.shape_cast %parallel_loop3A_730 : vector<1x1x16xf32> to vector<16xf32>
        %parallel_loop3A_732 = arith.addf %parallel_loop3A_731, %parallel_loop3A_725 : vector<16xf32>
        %parallel_loop3A_733 = arith.constant 0 : i32
        %parallel_loop3A_734 = arith.index_cast %parallel_loop3A_733 : i32 to index
        %parallel_loop3A_735 = arith.index_cast %scan3A_714 : i32 to index
        %parallel_loop3A_736 = arith.index_cast %parallel_loop3A_721 : i32 to index
        %parallel_loop3A_737 = tpu.vector_load %arg7[%parallel_loop3A_734, %parallel_loop3A_735, %parallel_loop3A_736] {strides = array<i32>} : memref<4x8x1024xf32, #tpu.memory_space<vmem>>, vector<1x1x16xf32>,
        %parallel_loop3A_738 = vector.shape_cast %parallel_loop3A_737 : vector<1x1x16xf32> to vector<16xf32>
        %parallel_loop3A_739 = vector.shape_cast %parallel_loop3A_732 : vector<16xf32> to vector<1x1x16xf32>
        tpu.vector_store %arg7[%parallel_loop3A_734, %parallel_loop3A_735, %parallel_loop3A_736], %parallel_loop3A_739 {strides = array<i32>} : memref<4x8x1024xf32, #tpu.memory_space<vmem>>, vector<1x1x16xf32>,
        %parallel_loop3A_740 = arith.constant 1 : i32
        %parallel_loop3A_741 = arith.index_cast %parallel_loop3A_740 : i32 to index
        %parallel_loop3A_742 = arith.index_cast %scan3A_714 : i32 to index
        %parallel_loop3A_743 = arith.index_cast %parallel_loop3A_721 : i32 to index
        %parallel_loop3A_744 = tpu.vector_load %arg7[%parallel_loop3A_741, %parallel_loop3A_742, %parallel_loop3A_743] {strides = array<i32>} : memref<4x8x1024xf32, #tpu.memory_space<vmem>>, vector<1x1x16xf32>,
        %parallel_loop3A_745 = vector.shape_cast %parallel_loop3A_744 : vector<1x1x16xf32> to vector<16xf32>
        %parallel_loop3A_746 = arith.addf %parallel_loop3A_745, %parallel_loop3A_725 : vector<16xf32>
        %parallel_loop3A_747 = arith.constant 1 : i32
        %parallel_loop3A_748 = arith.index_cast %parallel_loop3A_747 : i32 to index
        %parallel_loop3A_749 = arith.index_cast %scan3A_714 : i32 to index
        %parallel_loop3A_750 = arith.index_cast %parallel_loop3A_721 : i32 to index
        %parallel_loop3A_751 = tpu.vector_load %arg7[%parallel_loop3A_748, %parallel_loop3A_749, %parallel_loop3A_750] {strides = array<i32>} : memref<4x8x1024xf32, #tpu.memory_space<vmem>>, vector<1x1x16xf32>,
        %parallel_loop3A_752 = vector.shape_cast %parallel_loop3A_751 : vector<1x1x16xf32> to vector<16xf32>
        %parallel_loop3A_753 = vector.shape_cast %parallel_loop3A_746 : vector<16xf32> to vector<1x1x16xf32>
        tpu.vector_store %arg7[%parallel_loop3A_748, %parallel_loop3A_749, %parallel_loop3A_750], %parallel_loop3A_753 {strides = array<i32>} : memref<4x8x1024xf32, #tpu.memory_space<vmem>>, vector<1x1x16xf32>,
        %parallel_loop3A_754 = arith.constant 2 : i32
        %parallel_loop3A_755 = arith.index_cast %parallel_loop3A_754 : i32 to index
        %parallel_loop3A_756 = arith.index_cast %scan3A_714 : i32 to index
        %parallel_loop3A_757 = arith.index_cast %parallel_loop3A_721 : i32 to index
        %parallel_loop3A_758 = tpu.vector_load %arg7[%parallel_loop3A_755, %parallel_loop3A_756, %parallel_loop3A_757] {strides = array<i32>} : memref<4x8x1024xf32, #tpu.memory_space<vmem>>, vector<1x1x16xf32>,
        %parallel_loop3A_759 = vector.shape_cast %parallel_loop3A_758 : vector<1x1x16xf32> to vector<16xf32>
        %parallel_loop3A_760 = arith.addf %parallel_loop3A_759, %parallel_loop3A_725 : vector<16xf32>
        %parallel_loop3A_761 = arith.constant 2 : i32
        %parallel_loop3A_762 = arith.index_cast %parallel_loop3A_761 : i32 to index
        %parallel_loop3A_763 = arith.index_cast %scan3A_714 : i32 to index
        %parallel_loop3A_764 = arith.index_cast %parallel_loop3A_721 : i32 to index
        %parallel_loop3A_765 = tpu.vector_load %arg7[%parallel_loop3A_762, %parallel_loop3A_763, %parallel_loop3A_764] {strides = array<i32>} : memref<4x8x1024xf32, #tpu.memory_space<vmem>>, vector<1x1x16xf32>,
        %parallel_loop3A_766 = vector.shape_cast %parallel_loop3A_765 : vector<1x1x16xf32> to vector<16xf32>
        %parallel_loop3A_767 = vector.shape_cast %parallel_loop3A_760 : vector<16xf32> to vector<1x1x16xf32>
        tpu.vector_store %arg7[%parallel_loop3A_762, %parallel_loop3A_763, %parallel_loop3A_764], %parallel_loop3A_767 {strides = array<i32>} : memref<4x8x1024xf32, #tpu.memory_space<vmem>>, vector<1x1x16xf32>,
        %parallel_loop3A_768 = arith.constant 3 : i32
        %parallel_loop3A_769 = arith.index_cast %parallel_loop3A_768 : i32 to index
        %parallel_loop3A_770 = arith.index_cast %scan3A_714 : i32 to index
        %parallel_loop3A_771 = arith.index_cast %parallel_loop3A_721 : i32 to index
        %parallel_loop3A_772 = tpu.vector_load %arg7[%parallel_loop3A_769, %parallel_loop3A_770, %parallel_loop3A_771] {strides = array<i32>} : memref<4x8x1024xf32, #tpu.memory_space<vmem>>, vector<1x1x16xf32>,
        %parallel_loop3A_773 = vector.shape_cast %parallel_loop3A_772 : vector<1x1x16xf32> to vector<16xf32>
        %parallel_loop3A_774 = arith.addf %parallel_loop3A_773, %parallel_loop3A_725 : vector<16xf32>
        %parallel_loop3A_775 = arith.constant 3 : i32
        %parallel_loop3A_776 = arith.index_cast %parallel_loop3A_775 : i32 to index
        %parallel_loop3A_777 = arith.index_cast %scan3A_714 : i32 to index
        %parallel_loop3A_778 = arith.index_cast %parallel_loop3A_721 : i32 to index
        %parallel_loop3A_779 = tpu.vector_load %arg7[%parallel_loop3A_776, %parallel_loop3A_777, %parallel_loop3A_778] {strides = array<i32>} : memref<4x8x1024xf32, #tpu.memory_space<vmem>>, vector<1x1x16xf32>,
        %parallel_loop3A_780 = vector.shape_cast %parallel_loop3A_779 : vector<1x1x16xf32> to vector<16xf32>
        %parallel_loop3A_781 = vector.shape_cast %parallel_loop3A_774 : vector<16xf32> to vector<1x1x16xf32>
        tpu.vector_store %arg7[%parallel_loop3A_776, %parallel_loop3A_777, %parallel_loop3A_778], %parallel_loop3A_781 {strides = array<i32>} : memref<4x8x1024xf32, #tpu.memory_space<vmem>>, vector<1x1x16xf32>,
      } {sc.loop_unroll_factor = 8 : i64, sc.parallel_access}
      %scan3A_718 = arith.constant 0 : i32
      scf.yield %scan3A_718 : i32
    }
    %scan3A_308 = arith.constant 8 : i32
    %add3A_309 = arith.constant 48 : i32
    %add3A_310 = arith.addi %mul3A_2, %add3A_309 : i32
    %dma_start3A_311 = arith.constant 0 : i32
    %dma_start3A_312 = arith.constant 0 : i32
    %dma_start3A_313 = tpu.memref_slice %arg4[%dma_start3A_311, %add3A_310, %dma_start3A_312] : memref<4x4096x1024xf32, #tpu.memory_space<hbm>> -> memref<4x8x1024xf32, #tpu.memory_space<hbm>>
    %dma_start3A_314 = arith.constant 0 : i32
    %dma_start3A_315 = arith.constant 0 : i32
    %dma_start3A_316 = tpu.memref_slice %arg4[%dma_start3A_314, %add3A_310, %dma_start3A_315] : memref<4x4096x1024xf32, #tpu.memory_space<hbm>> -> memref<4x8x1024xf32, #tpu.memory_space<hbm>>
    tpu.enqueue_dma source(%arg7 : memref<4x8x1024xf32, #tpu.memory_space<vmem>>) target(%dma_start3A_316 : memref<4x8x1024xf32, #tpu.memory_space<hbm>>) target_semaphore(%arg15 : memref<!tpu.dma_semaphore, #tpu.memory_space<semaphore_mem>>)
    %dma_wait3A_317 = arith.constant 0 : i32
    %dma_wait3A_318 = arith.constant 0 : i32
    %dma_wait3A_319 = tpu.memref_slice %arg4[%dma_wait3A_317, %add3A_265, %dma_wait3A_318] : memref<4x4096x1024xf32, #tpu.memory_space<hbm>> -> memref<4x8x1024xf32, #tpu.memory_space<hbm>>
    %dma_wait3A_320 = arith.constant 0 : i32
    %dma_wait3A_321 = arith.constant 0 : i32
    %dma_wait3A_322 = tpu.memref_slice %arg4[%dma_wait3A_320, %add3A_265, %dma_wait3A_321] : memref<4x4096x1024xf32, #tpu.memory_space<hbm>> -> memref<4x8x1024xf32, #tpu.memory_space<hbm>>
    tpu.wait_dma2 semaphore(%arg17 : memref<!tpu.dma_semaphore, #tpu.memory_space<semaphore_mem>>) src(%arg9 : memref<4x8x1024xf32, #tpu.memory_space<vmem>>) dst(%dma_wait3A_322 : memref<4x8x1024xf32, #tpu.memory_space<hbm>>)
    %add3A_323 = arith.constant 64 : i32
    %add3A_324 = arith.addi %mul3A_2, %add3A_323 : i32
    %dma_start3A_325 = arith.constant 0 : i32
    %dma_start3A_326 = arith.constant 0 : i32
    %dma_start3A_327 = tpu.memref_slice %arg2[%dma_start3A_325, %add3A_324, %dma_start3A_326] : memref<4x4096x1024xf32, #tpu.memory_space<hbm>> -> memref<4x8x1024xf32, #tpu.memory_space<hbm>>
    %dma_start3A_328 = arith.constant 0 : i32
    %dma_start3A_329 = arith.constant 0 : i32
    %dma_start3A_330 = tpu.memref_slice %arg2[%dma_start3A_328, %add3A_324, %dma_start3A_329] : memref<4x4096x1024xf32, #tpu.memory_space<hbm>> -> memref<4x8x1024xf32, #tpu.memory_space<hbm>>
    tpu.enqueue_dma source(%dma_start3A_330 : memref<4x8x1024xf32, #tpu.memory_space<hbm>>) target(%arg9 : memref<4x8x1024xf32, #tpu.memory_space<vmem>>) target_semaphore(%arg14 : memref<!tpu.dma_semaphore, #tpu.memory_space<semaphore_mem>>)
    %add3A_331 = arith.constant 64 : i32
    %add3A_332 = arith.addi %mul3A_2, %add3A_331 : i32
    %dma_start3A_333 = arith.constant 0 : i32
    %dma_start3A_334 = tpu.memref_slice %arg3[%add3A_332, %dma_start3A_333] : memref<4096x1024xf32, #tpu.memory_space<hbm>> -> memref<8x1024xf32, #tpu.memory_space<hbm>>
    %dma_start3A_335 = arith.constant 0 : i32
    %dma_start3A_336 = tpu.memref_slice %arg3[%add3A_332, %dma_start3A_335] : memref<4096x1024xf32, #tpu.memory_space<hbm>> -> memref<8x1024xf32, #tpu.memory_space<hbm>>
    tpu.enqueue_dma source(%dma_start3A_336 : memref<8x1024xf32, #tpu.memory_space<hbm>>) target(%arg5 : memref<8x1024xf32, #tpu.memory_space<vmem>>) target_semaphore(%arg10 : memref<!tpu.dma_semaphore, #tpu.memory_space<semaphore_mem>>)
    %dma_wait3A_337 = arith.constant 0 : i32
    %dma_wait3A_338 = tpu.memref_slice %arg3[%add3A_287, %dma_wait3A_337] : memref<4096x1024xf32, #tpu.memory_space<hbm>> -> memref<8x1024xf32, #tpu.memory_space<hbm>>
    %dma_wait3A_339 = arith.constant 0 : i32
    %dma_wait3A_340 = tpu.memref_slice %arg3[%add3A_287, %dma_wait3A_339] : memref<4096x1024xf32, #tpu.memory_space<hbm>> -> memref<8x1024xf32, #tpu.memory_space<hbm>>
    tpu.wait_dma2 semaphore(%arg11 : memref<!tpu.dma_semaphore, #tpu.memory_space<semaphore_mem>>) src(%dma_wait3A_340 : memref<8x1024xf32, #tpu.memory_space<hbm>>) dst(%arg6 : memref<8x1024xf32, #tpu.memory_space<vmem>>)
    %dma_wait3A_341 = arith.constant 0 : i32
    %dma_wait3A_342 = arith.constant 0 : i32
    %dma_wait3A_343 = tpu.memref_slice %arg2[%dma_wait3A_341, %add3A_279, %dma_wait3A_342] : memref<4x4096x1024xf32, #tpu.memory_space<hbm>> -> memref<4x8x1024xf32, #tpu.memory_space<hbm>>
    %dma_wait3A_344 = arith.constant 0 : i32
    %dma_wait3A_345 = arith.constant 0 : i32
    %dma_wait3A_346 = tpu.memref_slice %arg2[%dma_wait3A_344, %add3A_279, %dma_wait3A_345] : memref<4x4096x1024xf32, #tpu.memory_space<hbm>> -> memref<4x8x1024xf32, #tpu.memory_space<hbm>>
    tpu.wait_dma2 semaphore(%arg13 : memref<!tpu.dma_semaphore, #tpu.memory_space<semaphore_mem>>) src(%dma_wait3A_346 : memref<4x8x1024xf32, #tpu.memory_space<hbm>>) dst(%arg8 : memref<4x8x1024xf32, #tpu.memory_space<vmem>>)
    %scan3A_347 = arith.constant 0 : i32
    %scan3A_348 = arith.constant 0 : i32
    %scan3A_349 = arith.constant 8 : i32
    %scan3A_350 = arith.addi %scan3A_348, %scan3A_349 : i32
    %scan3A_351 = arith.constant 1 : i32
    %scan3A_352 = scf.for %scan3A_714 = %scan3A_348 to %scan3A_350 step %scan3A_351 iter_args(%scan3A_715 = %scan3A_347) -> (i32)  : i32 {
      %parallel_loop3A = arith.constant 0 : i32
      %parallel_loop3A_716 = arith.constant 64 : i32
      %parallel_loop3A_717 = arith.constant 1 : i32
      scf.for %parallel_loop3A_719 = %parallel_loop3A to %parallel_loop3A_716 step %parallel_loop3A_717  : i32 {
        %parallel_loop3A_720 = arith.constant 16 : i32
        %parallel_loop3A_721 = arith.muli %parallel_loop3A_719, %parallel_loop3A_720 : i32
        %parallel_loop3A_722 = arith.index_cast %scan3A_714 : i32 to index
        %parallel_loop3A_723 = arith.index_cast %parallel_loop3A_721 : i32 to index
        %parallel_loop3A_724 = tpu.vector_load %arg6[%parallel_loop3A_722, %parallel_loop3A_723] {strides = array<i32>} : memref<8x1024xf32, #tpu.memory_space<vmem>>, vector<1x16xf32>,
        %parallel_loop3A_725 = vector.shape_cast %parallel_loop3A_724 : vector<1x16xf32> to vector<16xf32>
        %parallel_loop3A_726 = arith.constant 0 : i32
        %parallel_loop3A_727 = arith.index_cast %parallel_loop3A_726 : i32 to index
        %parallel_loop3A_728 = arith.index_cast %scan3A_714 : i32 to index
        %parallel_loop3A_729 = arith.index_cast %parallel_loop3A_721 : i32 to index
        %parallel_loop3A_730 = tpu.vector_load %arg8[%parallel_loop3A_727, %parallel_loop3A_728, %parallel_loop3A_729] {strides = array<i32>} : memref<4x8x1024xf32, #tpu.memory_space<vmem>>, vector<1x1x16xf32>,
        %parallel_loop3A_731 = vector.shape_cast %parallel_loop3A_730 : vector<1x1x16xf32> to vector<16xf32>
        %parallel_loop3A_732 = arith.addf %parallel_loop3A_731, %parallel_loop3A_725 : vector<16xf32>
        %parallel_loop3A_733 = arith.constant 0 : i32
        %parallel_loop3A_734 = arith.index_cast %parallel_loop3A_733 : i32 to index
        %parallel_loop3A_735 = arith.index_cast %scan3A_714 : i32 to index
        %parallel_loop3A_736 = arith.index_cast %parallel_loop3A_721 : i32 to index
        %parallel_loop3A_737 = tpu.vector_load %arg8[%parallel_loop3A_734, %parallel_loop3A_735, %parallel_loop3A_736] {strides = array<i32>} : memref<4x8x1024xf32, #tpu.memory_space<vmem>>, vector<1x1x16xf32>,
        %parallel_loop3A_738 = vector.shape_cast %parallel_loop3A_737 : vector<1x1x16xf32> to vector<16xf32>
        %parallel_loop3A_739 = vector.shape_cast %parallel_loop3A_732 : vector<16xf32> to vector<1x1x16xf32>
        tpu.vector_store %arg8[%parallel_loop3A_734, %parallel_loop3A_735, %parallel_loop3A_736], %parallel_loop3A_739 {strides = array<i32>} : memref<4x8x1024xf32, #tpu.memory_space<vmem>>, vector<1x1x16xf32>,
        %parallel_loop3A_740 = arith.constant 1 : i32
        %parallel_loop3A_741 = arith.index_cast %parallel_loop3A_740 : i32 to index
        %parallel_loop3A_742 = arith.index_cast %scan3A_714 : i32 to index
        %parallel_loop3A_743 = arith.index_cast %parallel_loop3A_721 : i32 to index
        %parallel_loop3A_744 = tpu.vector_load %arg8[%parallel_loop3A_741, %parallel_loop3A_742, %parallel_loop3A_743] {strides = array<i32>} : memref<4x8x1024xf32, #tpu.memory_space<vmem>>, vector<1x1x16xf32>,
        %parallel_loop3A_745 = vector.shape_cast %parallel_loop3A_744 : vector<1x1x16xf32> to vector<16xf32>
        %parallel_loop3A_746 = arith.addf %parallel_loop3A_745, %parallel_loop3A_725 : vector<16xf32>
        %parallel_loop3A_747 = arith.constant 1 : i32
        %parallel_loop3A_748 = arith.index_cast %parallel_loop3A_747 : i32 to index
        %parallel_loop3A_749 = arith.index_cast %scan3A_714 : i32 to index
        %parallel_loop3A_750 = arith.index_cast %parallel_loop3A_721 : i32 to index
        %parallel_loop3A_751 = tpu.vector_load %arg8[%parallel_loop3A_748, %parallel_loop3A_749, %parallel_loop3A_750] {strides = array<i32>} : memref<4x8x1024xf32, #tpu.memory_space<vmem>>, vector<1x1x16xf32>,
        %parallel_loop3A_752 = vector.shape_cast %parallel_loop3A_751 : vector<1x1x16xf32> to vector<16xf32>
        %parallel_loop3A_753 = vector.shape_cast %parallel_loop3A_746 : vector<16xf32> to vector<1x1x16xf32>
        tpu.vector_store %arg8[%parallel_loop3A_748, %parallel_loop3A_749, %parallel_loop3A_750], %parallel_loop3A_753 {strides = array<i32>} : memref<4x8x1024xf32, #tpu.memory_space<vmem>>, vector<1x1x16xf32>,
        %parallel_loop3A_754 = arith.constant 2 : i32
        %parallel_loop3A_755 = arith.index_cast %parallel_loop3A_754 : i32 to index
        %parallel_loop3A_756 = arith.index_cast %scan3A_714 : i32 to index
        %parallel_loop3A_757 = arith.index_cast %parallel_loop3A_721 : i32 to index
        %parallel_loop3A_758 = tpu.vector_load %arg8[%parallel_loop3A_755, %parallel_loop3A_756, %parallel_loop3A_757] {strides = array<i32>} : memref<4x8x1024xf32, #tpu.memory_space<vmem>>, vector<1x1x16xf32>,
        %parallel_loop3A_759 = vector.shape_cast %parallel_loop3A_758 : vector<1x1x16xf32> to vector<16xf32>
        %parallel_loop3A_760 = arith.addf %parallel_loop3A_759, %parallel_loop3A_725 : vector<16xf32>
        %parallel_loop3A_761 = arith.constant 2 : i32
        %parallel_loop3A_762 = arith.index_cast %parallel_loop3A_761 : i32 to index
        %parallel_loop3A_763 = arith.index_cast %scan3A_714 : i32 to index
        %parallel_loop3A_764 = arith.index_cast %parallel_loop3A_721 : i32 to index
        %parallel_loop3A_765 = tpu.vector_load %arg8[%parallel_loop3A_762, %parallel_loop3A_763, %parallel_loop3A_764] {strides = array<i32>} : memref<4x8x1024xf32, #tpu.memory_space<vmem>>, vector<1x1x16xf32>,
        %parallel_loop3A_766 = vector.shape_cast %parallel_loop3A_765 : vector<1x1x16xf32> to vector<16xf32>
        %parallel_loop3A_767 = vector.shape_cast %parallel_loop3A_760 : vector<16xf32> to vector<1x1x16xf32>
        tpu.vector_store %arg8[%parallel_loop3A_762, %parallel_loop3A_763, %parallel_loop3A_764], %parallel_loop3A_767 {strides = array<i32>} : memref<4x8x1024xf32, #tpu.memory_space<vmem>>, vector<1x1x16xf32>,
        %parallel_loop3A_768 = arith.constant 3 : i32
        %parallel_loop3A_769 = arith.index_cast %parallel_loop3A_768 : i32 to index
        %parallel_loop3A_770 = arith.index_cast %scan3A_714 : i32 to index
        %parallel_loop3A_771 = arith.index_cast %parallel_loop3A_721 : i32 to index
        %parallel_loop3A_772 = tpu.vector_load %arg8[%parallel_loop3A_769, %parallel_loop3A_770, %parallel_loop3A_771] {strides = array<i32>} : memref<4x8x1024xf32, #tpu.memory_space<vmem>>, vector<1x1x16xf32>,
        %parallel_loop3A_773 = vector.shape_cast %parallel_loop3A_772 : vector<1x1x16xf32> to vector<16xf32>
        %parallel_loop3A_774 = arith.addf %parallel_loop3A_773, %parallel_loop3A_725 : vector<16xf32>
        %parallel_loop3A_775 = arith.constant 3 : i32
        %parallel_loop3A_776 = arith.index_cast %parallel_loop3A_775 : i32 to index
        %parallel_loop3A_777 = arith.index_cast %scan3A_714 : i32 to index
        %parallel_loop3A_778 = arith.index_cast %parallel_loop3A_721 : i32 to index
        %parallel_loop3A_779 = tpu.vector_load %arg8[%parallel_loop3A_776, %parallel_loop3A_777, %parallel_loop3A_778] {strides = array<i32>} : memref<4x8x1024xf32, #tpu.memory_space<vmem>>, vector<1x1x16xf32>,
        %parallel_loop3A_780 = vector.shape_cast %parallel_loop3A_779 : vector<1x1x16xf32> to vector<16xf32>
        %parallel_loop3A_781 = vector.shape_cast %parallel_loop3A_774 : vector<16xf32> to vector<1x1x16xf32>
        tpu.vector_store %arg8[%parallel_loop3A_776, %parallel_loop3A_777, %parallel_loop3A_778], %parallel_loop3A_781 {strides = array<i32>} : memref<4x8x1024xf32, #tpu.memory_space<vmem>>, vector<1x1x16xf32>,
      } {sc.loop_unroll_factor = 8 : i64, sc.parallel_access}
      %scan3A_718 = arith.constant 0 : i32
      scf.yield %scan3A_718 : i32
    }
    %scan3A_353 = arith.constant 8 : i32
    %add3A_354 = arith.constant 56 : i32
    %add3A_355 = arith.addi %mul3A_2, %add3A_354 : i32
    %dma_start3A_356 = arith.constant 0 : i32
    %dma_start3A_357 = arith.constant 0 : i32
    %dma_start3A_358 = tpu.memref_slice %arg4[%dma_start3A_356, %add3A_355, %dma_start3A_357] : memref<4x4096x1024xf32, #tpu.memory_space<hbm>> -> memref<4x8x1024xf32, #tpu.memory_space<hbm>>
    %dma_start3A_359 = arith.constant 0 : i32
    %dma_start3A_360 = arith.constant 0 : i32
    %dma_start3A_361 = tpu.memref_slice %arg4[%dma_start3A_359, %add3A_355, %dma_start3A_360] : memref<4x4096x1024xf32, #tpu.memory_space<hbm>> -> memref<4x8x1024xf32, #tpu.memory_space<hbm>>
    tpu.enqueue_dma source(%arg8 : memref<4x8x1024xf32, #tpu.memory_space<vmem>>) target(%dma_start3A_361 : memref<4x8x1024xf32, #tpu.memory_space<hbm>>) target_semaphore(%arg16 : memref<!tpu.dma_semaphore, #tpu.memory_space<semaphore_mem>>)
    %dma_wait3A_362 = arith.constant 0 : i32
    %dma_wait3A_363 = arith.constant 0 : i32
    %dma_wait3A_364 = tpu.memref_slice %arg4[%dma_wait3A_362, %add3A_310, %dma_wait3A_363] : memref<4x4096x1024xf32, #tpu.memory_space<hbm>> -> memref<4x8x1024xf32, #tpu.memory_space<hbm>>
    %dma_wait3A_365 = arith.constant 0 : i32
    %dma_wait3A_366 = arith.constant 0 : i32
    %dma_wait3A_367 = tpu.memref_slice %arg4[%dma_wait3A_365, %add3A_310, %dma_wait3A_366] : memref<4x4096x1024xf32, #tpu.memory_space<hbm>> -> memref<4x8x1024xf32, #tpu.memory_space<hbm>>
    tpu.wait_dma2 semaphore(%arg15 : memref<!tpu.dma_semaphore, #tpu.memory_space<semaphore_mem>>) src(%arg7 : memref<4x8x1024xf32, #tpu.memory_space<vmem>>) dst(%dma_wait3A_367 : memref<4x8x1024xf32, #tpu.memory_space<hbm>>)
    %add3A_368 = arith.constant 72 : i32
    %add3A_369 = arith.addi %mul3A_2, %add3A_368 : i32
    %dma_start3A_370 = arith.constant 0 : i32
    %dma_start3A_371 = arith.constant 0 : i32
    %dma_start3A_372 = tpu.memref_slice %arg2[%dma_start3A_370, %add3A_369, %dma_start3A_371] : memref<4x4096x1024xf32, #tpu.memory_space<hbm>> -> memref<4x8x1024xf32, #tpu.memory_space<hbm>>
    %dma_start3A_373 = arith.constant 0 : i32
    %dma_start3A_374 = arith.constant 0 : i32
    %dma_start3A_375 = tpu.memref_slice %arg2[%dma_start3A_373, %add3A_369, %dma_start3A_374] : memref<4x4096x1024xf32, #tpu.memory_space<hbm>> -> memref<4x8x1024xf32, #tpu.memory_space<hbm>>
    tpu.enqueue_dma source(%dma_start3A_375 : memref<4x8x1024xf32, #tpu.memory_space<hbm>>) target(%arg7 : memref<4x8x1024xf32, #tpu.memory_space<vmem>>) target_semaphore(%arg12 : memref<!tpu.dma_semaphore, #tpu.memory_space<semaphore_mem>>)
    %add3A_376 = arith.constant 72 : i32
    %add3A_377 = arith.addi %mul3A_2, %add3A_376 : i32
    %dma_start3A_378 = arith.constant 0 : i32
    %dma_start3A_379 = tpu.memref_slice %arg3[%add3A_377, %dma_start3A_378] : memref<4096x1024xf32, #tpu.memory_space<hbm>> -> memref<8x1024xf32, #tpu.memory_space<hbm>>
    %dma_start3A_380 = arith.constant 0 : i32
    %dma_start3A_381 = tpu.memref_slice %arg3[%add3A_377, %dma_start3A_380] : memref<4096x1024xf32, #tpu.memory_space<hbm>> -> memref<8x1024xf32, #tpu.memory_space<hbm>>
    tpu.enqueue_dma source(%dma_start3A_381 : memref<8x1024xf32, #tpu.memory_space<hbm>>) target(%arg6 : memref<8x1024xf32, #tpu.memory_space<vmem>>) target_semaphore(%arg11 : memref<!tpu.dma_semaphore, #tpu.memory_space<semaphore_mem>>)
    %dma_wait3A_382 = arith.constant 0 : i32
    %dma_wait3A_383 = tpu.memref_slice %arg3[%add3A_332, %dma_wait3A_382] : memref<4096x1024xf32, #tpu.memory_space<hbm>> -> memref<8x1024xf32, #tpu.memory_space<hbm>>
    %dma_wait3A_384 = arith.constant 0 : i32
    %dma_wait3A_385 = tpu.memref_slice %arg3[%add3A_332, %dma_wait3A_384] : memref<4096x1024xf32, #tpu.memory_space<hbm>> -> memref<8x1024xf32, #tpu.memory_space<hbm>>
    tpu.wait_dma2 semaphore(%arg10 : memref<!tpu.dma_semaphore, #tpu.memory_space<semaphore_mem>>) src(%dma_wait3A_385 : memref<8x1024xf32, #tpu.memory_space<hbm>>) dst(%arg5 : memref<8x1024xf32, #tpu.memory_space<vmem>>)
    %dma_wait3A_386 = arith.constant 0 : i32
    %dma_wait3A_387 = arith.constant 0 : i32
    %dma_wait3A_388 = tpu.memref_slice %arg2[%dma_wait3A_386, %add3A_324, %dma_wait3A_387] : memref<4x4096x1024xf32, #tpu.memory_space<hbm>> -> memref<4x8x1024xf32, #tpu.memory_space<hbm>>
    %dma_wait3A_389 = arith.constant 0 : i32
    %dma_wait3A_390 = arith.constant 0 : i32
    %dma_wait3A_391 = tpu.memref_slice %arg2[%dma_wait3A_389, %add3A_324, %dma_wait3A_390] : memref<4x4096x1024xf32, #tpu.memory_space<hbm>> -> memref<4x8x1024xf32, #tpu.memory_space<hbm>>
    tpu.wait_dma2 semaphore(%arg14 : memref<!tpu.dma_semaphore, #tpu.memory_space<semaphore_mem>>) src(%dma_wait3A_391 : memref<4x8x1024xf32, #tpu.memory_space<hbm>>) dst(%arg9 : memref<4x8x1024xf32, #tpu.memory_space<vmem>>)
    %scan3A_392 = arith.constant 0 : i32
    %scan3A_393 = arith.constant 0 : i32
    %scan3A_394 = arith.constant 8 : i32
    %scan3A_395 = arith.addi %scan3A_393, %scan3A_394 : i32
    %scan3A_396 = arith.constant 1 : i32
    %scan3A_397 = scf.for %scan3A_714 = %scan3A_393 to %scan3A_395 step %scan3A_396 iter_args(%scan3A_715 = %scan3A_392) -> (i32)  : i32 {
      %parallel_loop3A = arith.constant 0 : i32
      %parallel_loop3A_716 = arith.constant 64 : i32
      %parallel_loop3A_717 = arith.constant 1 : i32
      scf.for %parallel_loop3A_719 = %parallel_loop3A to %parallel_loop3A_716 step %parallel_loop3A_717  : i32 {
        %parallel_loop3A_720 = arith.constant 16 : i32
        %parallel_loop3A_721 = arith.muli %parallel_loop3A_719, %parallel_loop3A_720 : i32
        %parallel_loop3A_722 = arith.index_cast %scan3A_714 : i32 to index
        %parallel_loop3A_723 = arith.index_cast %parallel_loop3A_721 : i32 to index
        %parallel_loop3A_724 = tpu.vector_load %arg5[%parallel_loop3A_722, %parallel_loop3A_723] {strides = array<i32>} : memref<8x1024xf32, #tpu.memory_space<vmem>>, vector<1x16xf32>,
        %parallel_loop3A_725 = vector.shape_cast %parallel_loop3A_724 : vector<1x16xf32> to vector<16xf32>
        %parallel_loop3A_726 = arith.constant 0 : i32
        %parallel_loop3A_727 = arith.index_cast %parallel_loop3A_726 : i32 to index
        %parallel_loop3A_728 = arith.index_cast %scan3A_714 : i32 to index
        %parallel_loop3A_729 = arith.index_cast %parallel_loop3A_721 : i32 to index
        %parallel_loop3A_730 = tpu.vector_load %arg9[%parallel_loop3A_727, %parallel_loop3A_728, %parallel_loop3A_729] {strides = array<i32>} : memref<4x8x1024xf32, #tpu.memory_space<vmem>>, vector<1x1x16xf32>,
        %parallel_loop3A_731 = vector.shape_cast %parallel_loop3A_730 : vector<1x1x16xf32> to vector<16xf32>
        %parallel_loop3A_732 = arith.addf %parallel_loop3A_731, %parallel_loop3A_725 : vector<16xf32>
        %parallel_loop3A_733 = arith.constant 0 : i32
        %parallel_loop3A_734 = arith.index_cast %parallel_loop3A_733 : i32 to index
        %parallel_loop3A_735 = arith.index_cast %scan3A_714 : i32 to index
        %parallel_loop3A_736 = arith.index_cast %parallel_loop3A_721 : i32 to index
        %parallel_loop3A_737 = tpu.vector_load %arg9[%parallel_loop3A_734, %parallel_loop3A_735, %parallel_loop3A_736] {strides = array<i32>} : memref<4x8x1024xf32, #tpu.memory_space<vmem>>, vector<1x1x16xf32>,
        %parallel_loop3A_738 = vector.shape_cast %parallel_loop3A_737 : vector<1x1x16xf32> to vector<16xf32>
        %parallel_loop3A_739 = vector.shape_cast %parallel_loop3A_732 : vector<16xf32> to vector<1x1x16xf32>
        tpu.vector_store %arg9[%parallel_loop3A_734, %parallel_loop3A_735, %parallel_loop3A_736], %parallel_loop3A_739 {strides = array<i32>} : memref<4x8x1024xf32, #tpu.memory_space<vmem>>, vector<1x1x16xf32>,
        %parallel_loop3A_740 = arith.constant 1 : i32
        %parallel_loop3A_741 = arith.index_cast %parallel_loop3A_740 : i32 to index
        %parallel_loop3A_742 = arith.index_cast %scan3A_714 : i32 to index
        %parallel_loop3A_743 = arith.index_cast %parallel_loop3A_721 : i32 to index
        %parallel_loop3A_744 = tpu.vector_load %arg9[%parallel_loop3A_741, %parallel_loop3A_742, %parallel_loop3A_743] {strides = array<i32>} : memref<4x8x1024xf32, #tpu.memory_space<vmem>>, vector<1x1x16xf32>,
        %parallel_loop3A_745 = vector.shape_cast %parallel_loop3A_744 : vector<1x1x16xf32> to vector<16xf32>
        %parallel_loop3A_746 = arith.addf %parallel_loop3A_745, %parallel_loop3A_725 : vector<16xf32>
        %parallel_loop3A_747 = arith.constant 1 : i32
        %parallel_loop3A_748 = arith.index_cast %parallel_loop3A_747 : i32 to index
        %parallel_loop3A_749 = arith.index_cast %scan3A_714 : i32 to index
        %parallel_loop3A_750 = arith.index_cast %parallel_loop3A_721 : i32 to index
        %parallel_loop3A_751 = tpu.vector_load %arg9[%parallel_loop3A_748, %parallel_loop3A_749, %parallel_loop3A_750] {strides = array<i32>} : memref<4x8x1024xf32, #tpu.memory_space<vmem>>, vector<1x1x16xf32>,
        %parallel_loop3A_752 = vector.shape_cast %parallel_loop3A_751 : vector<1x1x16xf32> to vector<16xf32>
        %parallel_loop3A_753 = vector.shape_cast %parallel_loop3A_746 : vector<16xf32> to vector<1x1x16xf32>
        tpu.vector_store %arg9[%parallel_loop3A_748, %parallel_loop3A_749, %parallel_loop3A_750], %parallel_loop3A_753 {strides = array<i32>} : memref<4x8x1024xf32, #tpu.memory_space<vmem>>, vector<1x1x16xf32>,
        %parallel_loop3A_754 = arith.constant 2 : i32
        %parallel_loop3A_755 = arith.index_cast %parallel_loop3A_754 : i32 to index
        %parallel_loop3A_756 = arith.index_cast %scan3A_714 : i32 to index
        %parallel_loop3A_757 = arith.index_cast %parallel_loop3A_721 : i32 to index
        %parallel_loop3A_758 = tpu.vector_load %arg9[%parallel_loop3A_755, %parallel_loop3A_756, %parallel_loop3A_757] {strides = array<i32>} : memref<4x8x1024xf32, #tpu.memory_space<vmem>>, vector<1x1x16xf32>,
        %parallel_loop3A_759 = vector.shape_cast %parallel_loop3A_758 : vector<1x1x16xf32> to vector<16xf32>
        %parallel_loop3A_760 = arith.addf %parallel_loop3A_759, %parallel_loop3A_725 : vector<16xf32>
        %parallel_loop3A_761 = arith.constant 2 : i32
        %parallel_loop3A_762 = arith.index_cast %parallel_loop3A_761 : i32 to index
        %parallel_loop3A_763 = arith.index_cast %scan3A_714 : i32 to index
        %parallel_loop3A_764 = arith.index_cast %parallel_loop3A_721 : i32 to index
        %parallel_loop3A_765 = tpu.vector_load %arg9[%parallel_loop3A_762, %parallel_loop3A_763, %parallel_loop3A_764] {strides = array<i32>} : memref<4x8x1024xf32, #tpu.memory_space<vmem>>, vector<1x1x16xf32>,
        %parallel_loop3A_766 = vector.shape_cast %parallel_loop3A_765 : vector<1x1x16xf32> to vector<16xf32>
        %parallel_loop3A_767 = vector.shape_cast %parallel_loop3A_760 : vector<16xf32> to vector<1x1x16xf32>
        tpu.vector_store %arg9[%parallel_loop3A_762, %parallel_loop3A_763, %parallel_loop3A_764], %parallel_loop3A_767 {strides = array<i32>} : memref<4x8x1024xf32, #tpu.memory_space<vmem>>, vector<1x1x16xf32>,
        %parallel_loop3A_768 = arith.constant 3 : i32
        %parallel_loop3A_769 = arith.index_cast %parallel_loop3A_768 : i32 to index
        %parallel_loop3A_770 = arith.index_cast %scan3A_714 : i32 to index
        %parallel_loop3A_771 = arith.index_cast %parallel_loop3A_721 : i32 to index
        %parallel_loop3A_772 = tpu.vector_load %arg9[%parallel_loop3A_769, %parallel_loop3A_770, %parallel_loop3A_771] {strides = array<i32>} : memref<4x8x1024xf32, #tpu.memory_space<vmem>>, vector<1x1x16xf32>,
        %parallel_loop3A_773 = vector.shape_cast %parallel_loop3A_772 : vector<1x1x16xf32> to vector<16xf32>
        %parallel_loop3A_774 = arith.addf %parallel_loop3A_773, %parallel_loop3A_725 : vector<16xf32>
        %parallel_loop3A_775 = arith.constant 3 : i32
        %parallel_loop3A_776 = arith.index_cast %parallel_loop3A_775 : i32 to index
        %parallel_loop3A_777 = arith.index_cast %scan3A_714 : i32 to index
        %parallel_loop3A_778 = arith.index_cast %parallel_loop3A_721 : i32 to index
        %parallel_loop3A_779 = tpu.vector_load %arg9[%parallel_loop3A_776, %parallel_loop3A_777, %parallel_loop3A_778] {strides = array<i32>} : memref<4x8x1024xf32, #tpu.memory_space<vmem>>, vector<1x1x16xf32>,
        %parallel_loop3A_780 = vector.shape_cast %parallel_loop3A_779 : vector<1x1x16xf32> to vector<16xf32>
        %parallel_loop3A_781 = vector.shape_cast %parallel_loop3A_774 : vector<16xf32> to vector<1x1x16xf32>
        tpu.vector_store %arg9[%parallel_loop3A_776, %parallel_loop3A_777, %parallel_loop3A_778], %parallel_loop3A_781 {strides = array<i32>} : memref<4x8x1024xf32, #tpu.memory_space<vmem>>, vector<1x1x16xf32>,
      } {sc.loop_unroll_factor = 8 : i64, sc.parallel_access}
      %scan3A_718 = arith.constant 0 : i32
      scf.yield %scan3A_718 : i32
    }
    %scan3A_398 = arith.constant 8 : i32
    %add3A_399 = arith.constant 64 : i32
    %add3A_400 = arith.addi %mul3A_2, %add3A_399 : i32
    %dma_start3A_401 = arith.constant 0 : i32
    %dma_start3A_402 = arith.constant 0 : i32
    %dma_start3A_403 = tpu.memref_slice %arg4[%dma_start3A_401, %add3A_400, %dma_start3A_402] : memref<4x4096x1024xf32, #tpu.memory_space<hbm>> -> memref<4x8x1024xf32, #tpu.memory_space<hbm>>
    %dma_start3A_404 = arith.constant 0 : i32
    %dma_start3A_405 = arith.constant 0 : i32
    %dma_start3A_406 = tpu.memref_slice %arg4[%dma_start3A_404, %add3A_400, %dma_start3A_405] : memref<4x4096x1024xf32, #tpu.memory_space<hbm>> -> memref<4x8x1024xf32, #tpu.memory_space<hbm>>
    tpu.enqueue_dma source(%arg9 : memref<4x8x1024xf32, #tpu.memory_space<vmem>>) target(%dma_start3A_406 : memref<4x8x1024xf32, #tpu.memory_space<hbm>>) target_semaphore(%arg17 : memref<!tpu.dma_semaphore, #tpu.memory_space<semaphore_mem>>)
    %dma_wait3A_407 = arith.constant 0 : i32
    %dma_wait3A_408 = arith.constant 0 : i32
    %dma_wait3A_409 = tpu.memref_slice %arg4[%dma_wait3A_407, %add3A_355, %dma_wait3A_408] : memref<4x4096x1024xf32, #tpu.memory_space<hbm>> -> memref<4x8x1024xf32, #tpu.memory_space<hbm>>
    %dma_wait3A_410 = arith.constant 0 : i32
    %dma_wait3A_411 = arith.constant 0 : i32
    %dma_wait3A_412 = tpu.memref_slice %arg4[%dma_wait3A_410, %add3A_355, %dma_wait3A_411] : memref<4x4096x1024xf32, #tpu.memory_space<hbm>> -> memref<4x8x1024xf32, #tpu.memory_space<hbm>>
    tpu.wait_dma2 semaphore(%arg16 : memref<!tpu.dma_semaphore, #tpu.memory_space<semaphore_mem>>) src(%arg8 : memref<4x8x1024xf32, #tpu.memory_space<vmem>>) dst(%dma_wait3A_412 : memref<4x8x1024xf32, #tpu.memory_space<hbm>>)
    %add3A_413 = arith.constant 80 : i32
    %add3A_414 = arith.addi %mul3A_2, %add3A_413 : i32
    %dma_start3A_415 = arith.constant 0 : i32
    %dma_start3A_416 = arith.constant 0 : i32
    %dma_start3A_417 = tpu.memref_slice %arg2[%dma_start3A_415, %add3A_414, %dma_start3A_416] : memref<4x4096x1024xf32, #tpu.memory_space<hbm>> -> memref<4x8x1024xf32, #tpu.memory_space<hbm>>
    %dma_start3A_418 = arith.constant 0 : i32
    %dma_start3A_419 = arith.constant 0 : i32
    %dma_start3A_420 = tpu.memref_slice %arg2[%dma_start3A_418, %add3A_414, %dma_start3A_419] : memref<4x4096x1024xf32, #tpu.memory_space<hbm>> -> memref<4x8x1024xf32, #tpu.memory_space<hbm>>
    tpu.enqueue_dma source(%dma_start3A_420 : memref<4x8x1024xf32, #tpu.memory_space<hbm>>) target(%arg8 : memref<4x8x1024xf32, #tpu.memory_space<vmem>>) target_semaphore(%arg13 : memref<!tpu.dma_semaphore, #tpu.memory_space<semaphore_mem>>)
    %add3A_421 = arith.constant 80 : i32
    %add3A_422 = arith.addi %mul3A_2, %add3A_421 : i32
    %dma_start3A_423 = arith.constant 0 : i32
    %dma_start3A_424 = tpu.memref_slice %arg3[%add3A_422, %dma_start3A_423] : memref<4096x1024xf32, #tpu.memory_space<hbm>> -> memref<8x1024xf32, #tpu.memory_space<hbm>>
    %dma_start3A_425 = arith.constant 0 : i32
    %dma_start3A_426 = tpu.memref_slice %arg3[%add3A_422, %dma_start3A_425] : memref<4096x1024xf32, #tpu.memory_space<hbm>> -> memref<8x1024xf32, #tpu.memory_space<hbm>>
    tpu.enqueue_dma source(%dma_start3A_426 : memref<8x1024xf32, #tpu.memory_space<hbm>>) target(%arg5 : memref<8x1024xf32, #tpu.memory_space<vmem>>) target_semaphore(%arg10 : memref<!tpu.dma_semaphore, #tpu.memory_space<semaphore_mem>>)
    %dma_wait3A_427 = arith.constant 0 : i32
    %dma_wait3A_428 = tpu.memref_slice %arg3[%add3A_377, %dma_wait3A_427] : memref<4096x1024xf32, #tpu.memory_space<hbm>> -> memref<8x1024xf32, #tpu.memory_space<hbm>>
    %dma_wait3A_429 = arith.constant 0 : i32
    %dma_wait3A_430 = tpu.memref_slice %arg3[%add3A_377, %dma_wait3A_429] : memref<4096x1024xf32, #tpu.memory_space<hbm>> -> memref<8x1024xf32, #tpu.memory_space<hbm>>
    tpu.wait_dma2 semaphore(%arg11 : memref<!tpu.dma_semaphore, #tpu.memory_space<semaphore_mem>>) src(%dma_wait3A_430 : memref<8x1024xf32, #tpu.memory_space<hbm>>) dst(%arg6 : memref<8x1024xf32, #tpu.memory_space<vmem>>)
    %dma_wait3A_431 = arith.constant 0 : i32
    %dma_wait3A_432 = arith.constant 0 : i32
    %dma_wait3A_433 = tpu.memref_slice %arg2[%dma_wait3A_431, %add3A_369, %dma_wait3A_432] : memref<4x4096x1024xf32, #tpu.memory_space<hbm>> -> memref<4x8x1024xf32, #tpu.memory_space<hbm>>
    %dma_wait3A_434 = arith.constant 0 : i32
    %dma_wait3A_435 = arith.constant 0 : i32
    %dma_wait3A_436 = tpu.memref_slice %arg2[%dma_wait3A_434, %add3A_369, %dma_wait3A_435] : memref<4x4096x1024xf32, #tpu.memory_space<hbm>> -> memref<4x8x1024xf32, #tpu.memory_space<hbm>>
    tpu.wait_dma2 semaphore(%arg12 : memref<!tpu.dma_semaphore, #tpu.memory_space<semaphore_mem>>) src(%dma_wait3A_436 : memref<4x8x1024xf32, #tpu.memory_space<hbm>>) dst(%arg7 : memref<4x8x1024xf32, #tpu.memory_space<vmem>>)
    %scan3A_437 = arith.constant 0 : i32
    %scan3A_438 = arith.constant 0 : i32
    %scan3A_439 = arith.constant 8 : i32
    %scan3A_440 = arith.addi %scan3A_438, %scan3A_439 : i32
    %scan3A_441 = arith.constant 1 : i32
    %scan3A_442 = scf.for %scan3A_714 = %scan3A_438 to %scan3A_440 step %scan3A_441 iter_args(%scan3A_715 = %scan3A_437) -> (i32)  : i32 {
      %parallel_loop3A = arith.constant 0 : i32
      %parallel_loop3A_716 = arith.constant 64 : i32
      %parallel_loop3A_717 = arith.constant 1 : i32
      scf.for %parallel_loop3A_719 = %parallel_loop3A to %parallel_loop3A_716 step %parallel_loop3A_717  : i32 {
        %parallel_loop3A_720 = arith.constant 16 : i32
        %parallel_loop3A_721 = arith.muli %parallel_loop3A_719, %parallel_loop3A_720 : i32
        %parallel_loop3A_722 = arith.index_cast %scan3A_714 : i32 to index
        %parallel_loop3A_723 = arith.index_cast %parallel_loop3A_721 : i32 to index
        %parallel_loop3A_724 = tpu.vector_load %arg6[%parallel_loop3A_722, %parallel_loop3A_723] {strides = array<i32>} : memref<8x1024xf32, #tpu.memory_space<vmem>>, vector<1x16xf32>,
        %parallel_loop3A_725 = vector.shape_cast %parallel_loop3A_724 : vector<1x16xf32> to vector<16xf32>
        %parallel_loop3A_726 = arith.constant 0 : i32
        %parallel_loop3A_727 = arith.index_cast %parallel_loop3A_726 : i32 to index
        %parallel_loop3A_728 = arith.index_cast %scan3A_714 : i32 to index
        %parallel_loop3A_729 = arith.index_cast %parallel_loop3A_721 : i32 to index
        %parallel_loop3A_730 = tpu.vector_load %arg7[%parallel_loop3A_727, %parallel_loop3A_728, %parallel_loop3A_729] {strides = array<i32>} : memref<4x8x1024xf32, #tpu.memory_space<vmem>>, vector<1x1x16xf32>,
        %parallel_loop3A_731 = vector.shape_cast %parallel_loop3A_730 : vector<1x1x16xf32> to vector<16xf32>
        %parallel_loop3A_732 = arith.addf %parallel_loop3A_731, %parallel_loop3A_725 : vector<16xf32>
        %parallel_loop3A_733 = arith.constant 0 : i32
        %parallel_loop3A_734 = arith.index_cast %parallel_loop3A_733 : i32 to index
        %parallel_loop3A_735 = arith.index_cast %scan3A_714 : i32 to index
        %parallel_loop3A_736 = arith.index_cast %parallel_loop3A_721 : i32 to index
        %parallel_loop3A_737 = tpu.vector_load %arg7[%parallel_loop3A_734, %parallel_loop3A_735, %parallel_loop3A_736] {strides = array<i32>} : memref<4x8x1024xf32, #tpu.memory_space<vmem>>, vector<1x1x16xf32>,
        %parallel_loop3A_738 = vector.shape_cast %parallel_loop3A_737 : vector<1x1x16xf32> to vector<16xf32>
        %parallel_loop3A_739 = vector.shape_cast %parallel_loop3A_732 : vector<16xf32> to vector<1x1x16xf32>
        tpu.vector_store %arg7[%parallel_loop3A_734, %parallel_loop3A_735, %parallel_loop3A_736], %parallel_loop3A_739 {strides = array<i32>} : memref<4x8x1024xf32, #tpu.memory_space<vmem>>, vector<1x1x16xf32>,
        %parallel_loop3A_740 = arith.constant 1 : i32
        %parallel_loop3A_741 = arith.index_cast %parallel_loop3A_740 : i32 to index
        %parallel_loop3A_742 = arith.index_cast %scan3A_714 : i32 to index
        %parallel_loop3A_743 = arith.index_cast %parallel_loop3A_721 : i32 to index
        %parallel_loop3A_744 = tpu.vector_load %arg7[%parallel_loop3A_741, %parallel_loop3A_742, %parallel_loop3A_743] {strides = array<i32>} : memref<4x8x1024xf32, #tpu.memory_space<vmem>>, vector<1x1x16xf32>,
        %parallel_loop3A_745 = vector.shape_cast %parallel_loop3A_744 : vector<1x1x16xf32> to vector<16xf32>
        %parallel_loop3A_746 = arith.addf %parallel_loop3A_745, %parallel_loop3A_725 : vector<16xf32>
        %parallel_loop3A_747 = arith.constant 1 : i32
        %parallel_loop3A_748 = arith.index_cast %parallel_loop3A_747 : i32 to index
        %parallel_loop3A_749 = arith.index_cast %scan3A_714 : i32 to index
        %parallel_loop3A_750 = arith.index_cast %parallel_loop3A_721 : i32 to index
        %parallel_loop3A_751 = tpu.vector_load %arg7[%parallel_loop3A_748, %parallel_loop3A_749, %parallel_loop3A_750] {strides = array<i32>} : memref<4x8x1024xf32, #tpu.memory_space<vmem>>, vector<1x1x16xf32>,
        %parallel_loop3A_752 = vector.shape_cast %parallel_loop3A_751 : vector<1x1x16xf32> to vector<16xf32>
        %parallel_loop3A_753 = vector.shape_cast %parallel_loop3A_746 : vector<16xf32> to vector<1x1x16xf32>
        tpu.vector_store %arg7[%parallel_loop3A_748, %parallel_loop3A_749, %parallel_loop3A_750], %parallel_loop3A_753 {strides = array<i32>} : memref<4x8x1024xf32, #tpu.memory_space<vmem>>, vector<1x1x16xf32>,
        %parallel_loop3A_754 = arith.constant 2 : i32
        %parallel_loop3A_755 = arith.index_cast %parallel_loop3A_754 : i32 to index
        %parallel_loop3A_756 = arith.index_cast %scan3A_714 : i32 to index
        %parallel_loop3A_757 = arith.index_cast %parallel_loop3A_721 : i32 to index
        %parallel_loop3A_758 = tpu.vector_load %arg7[%parallel_loop3A_755, %parallel_loop3A_756, %parallel_loop3A_757] {strides = array<i32>} : memref<4x8x1024xf32, #tpu.memory_space<vmem>>, vector<1x1x16xf32>,
        %parallel_loop3A_759 = vector.shape_cast %parallel_loop3A_758 : vector<1x1x16xf32> to vector<16xf32>
        %parallel_loop3A_760 = arith.addf %parallel_loop3A_759, %parallel_loop3A_725 : vector<16xf32>
        %parallel_loop3A_761 = arith.constant 2 : i32
        %parallel_loop3A_762 = arith.index_cast %parallel_loop3A_761 : i32 to index
        %parallel_loop3A_763 = arith.index_cast %scan3A_714 : i32 to index
        %parallel_loop3A_764 = arith.index_cast %parallel_loop3A_721 : i32 to index
        %parallel_loop3A_765 = tpu.vector_load %arg7[%parallel_loop3A_762, %parallel_loop3A_763, %parallel_loop3A_764] {strides = array<i32>} : memref<4x8x1024xf32, #tpu.memory_space<vmem>>, vector<1x1x16xf32>,
        %parallel_loop3A_766 = vector.shape_cast %parallel_loop3A_765 : vector<1x1x16xf32> to vector<16xf32>
        %parallel_loop3A_767 = vector.shape_cast %parallel_loop3A_760 : vector<16xf32> to vector<1x1x16xf32>
        tpu.vector_store %arg7[%parallel_loop3A_762, %parallel_loop3A_763, %parallel_loop3A_764], %parallel_loop3A_767 {strides = array<i32>} : memref<4x8x1024xf32, #tpu.memory_space<vmem>>, vector<1x1x16xf32>,
        %parallel_loop3A_768 = arith.constant 3 : i32
        %parallel_loop3A_769 = arith.index_cast %parallel_loop3A_768 : i32 to index
        %parallel_loop3A_770 = arith.index_cast %scan3A_714 : i32 to index
        %parallel_loop3A_771 = arith.index_cast %parallel_loop3A_721 : i32 to index
        %parallel_loop3A_772 = tpu.vector_load %arg7[%parallel_loop3A_769, %parallel_loop3A_770, %parallel_loop3A_771] {strides = array<i32>} : memref<4x8x1024xf32, #tpu.memory_space<vmem>>, vector<1x1x16xf32>,
        %parallel_loop3A_773 = vector.shape_cast %parallel_loop3A_772 : vector<1x1x16xf32> to vector<16xf32>
        %parallel_loop3A_774 = arith.addf %parallel_loop3A_773, %parallel_loop3A_725 : vector<16xf32>
        %parallel_loop3A_775 = arith.constant 3 : i32
        %parallel_loop3A_776 = arith.index_cast %parallel_loop3A_775 : i32 to index
        %parallel_loop3A_777 = arith.index_cast %scan3A_714 : i32 to index
        %parallel_loop3A_778 = arith.index_cast %parallel_loop3A_721 : i32 to index
        %parallel_loop3A_779 = tpu.vector_load %arg7[%parallel_loop3A_776, %parallel_loop3A_777, %parallel_loop3A_778] {strides = array<i32>} : memref<4x8x1024xf32, #tpu.memory_space<vmem>>, vector<1x1x16xf32>,
        %parallel_loop3A_780 = vector.shape_cast %parallel_loop3A_779 : vector<1x1x16xf32> to vector<16xf32>
        %parallel_loop3A_781 = vector.shape_cast %parallel_loop3A_774 : vector<16xf32> to vector<1x1x16xf32>
        tpu.vector_store %arg7[%parallel_loop3A_776, %parallel_loop3A_777, %parallel_loop3A_778], %parallel_loop3A_781 {strides = array<i32>} : memref<4x8x1024xf32, #tpu.memory_space<vmem>>, vector<1x1x16xf32>,
      } {sc.loop_unroll_factor = 8 : i64, sc.parallel_access}
      %scan3A_718 = arith.constant 0 : i32
      scf.yield %scan3A_718 : i32
    }
    %scan3A_443 = arith.constant 8 : i32
    %add3A_444 = arith.constant 72 : i32
    %add3A_445 = arith.addi %mul3A_2, %add3A_444 : i32
    %dma_start3A_446 = arith.constant 0 : i32
    %dma_start3A_447 = arith.constant 0 : i32
    %dma_start3A_448 = tpu.memref_slice %arg4[%dma_start3A_446, %add3A_445, %dma_start3A_447] : memref<4x4096x1024xf32, #tpu.memory_space<hbm>> -> memref<4x8x1024xf32, #tpu.memory_space<hbm>>
    %dma_start3A_449 = arith.constant 0 : i32
    %dma_start3A_450 = arith.constant 0 : i32
    %dma_start3A_451 = tpu.memref_slice %arg4[%dma_start3A_449, %add3A_445, %dma_start3A_450] : memref<4x4096x1024xf32, #tpu.memory_space<hbm>> -> memref<4x8x1024xf32, #tpu.memory_space<hbm>>
    tpu.enqueue_dma source(%arg7 : memref<4x8x1024xf32, #tpu.memory_space<vmem>>) target(%dma_start3A_451 : memref<4x8x1024xf32, #tpu.memory_space<hbm>>) target_semaphore(%arg15 : memref<!tpu.dma_semaphore, #tpu.memory_space<semaphore_mem>>)
    %dma_wait3A_452 = arith.constant 0 : i32
    %dma_wait3A_453 = arith.constant 0 : i32
    %dma_wait3A_454 = tpu.memref_slice %arg4[%dma_wait3A_452, %add3A_400, %dma_wait3A_453] : memref<4x4096x1024xf32, #tpu.memory_space<hbm>> -> memref<4x8x1024xf32, #tpu.memory_space<hbm>>
    %dma_wait3A_455 = arith.constant 0 : i32
    %dma_wait3A_456 = arith.constant 0 : i32
    %dma_wait3A_457 = tpu.memref_slice %arg4[%dma_wait3A_455, %add3A_400, %dma_wait3A_456] : memref<4x4096x1024xf32, #tpu.memory_space<hbm>> -> memref<4x8x1024xf32, #tpu.memory_space<hbm>>
    tpu.wait_dma2 semaphore(%arg17 : memref<!tpu.dma_semaphore, #tpu.memory_space<semaphore_mem>>) src(%arg9 : memref<4x8x1024xf32, #tpu.memory_space<vmem>>) dst(%dma_wait3A_457 : memref<4x8x1024xf32, #tpu.memory_space<hbm>>)
    %add3A_458 = arith.constant 88 : i32
    %add3A_459 = arith.addi %mul3A_2, %add3A_458 : i32
    %dma_start3A_460 = arith.constant 0 : i32
    %dma_start3A_461 = arith.constant 0 : i32
    %dma_start3A_462 = tpu.memref_slice %arg2[%dma_start3A_460, %add3A_459, %dma_start3A_461] : memref<4x4096x1024xf32, #tpu.memory_space<hbm>> -> memref<4x8x1024xf32, #tpu.memory_space<hbm>>
    %dma_start3A_463 = arith.constant 0 : i32
    %dma_start3A_464 = arith.constant 0 : i32
    %dma_start3A_465 = tpu.memref_slice %arg2[%dma_start3A_463, %add3A_459, %dma_start3A_464] : memref<4x4096x1024xf32, #tpu.memory_space<hbm>> -> memref<4x8x1024xf32, #tpu.memory_space<hbm>>
    tpu.enqueue_dma source(%dma_start3A_465 : memref<4x8x1024xf32, #tpu.memory_space<hbm>>) target(%arg9 : memref<4x8x1024xf32, #tpu.memory_space<vmem>>) target_semaphore(%arg14 : memref<!tpu.dma_semaphore, #tpu.memory_space<semaphore_mem>>)
    %add3A_466 = arith.constant 88 : i32
    %add3A_467 = arith.addi %mul3A_2, %add3A_466 : i32
    %dma_start3A_468 = arith.constant 0 : i32
    %dma_start3A_469 = tpu.memref_slice %arg3[%add3A_467, %dma_start3A_468] : memref<4096x1024xf32, #tpu.memory_space<hbm>> -> memref<8x1024xf32, #tpu.memory_space<hbm>>
    %dma_start3A_470 = arith.constant 0 : i32
    %dma_start3A_471 = tpu.memref_slice %arg3[%add3A_467, %dma_start3A_470] : memref<4096x1024xf32, #tpu.memory_space<hbm>> -> memref<8x1024xf32, #tpu.memory_space<hbm>>
    tpu.enqueue_dma source(%dma_start3A_471 : memref<8x1024xf32, #tpu.memory_space<hbm>>) target(%arg6 : memref<8x1024xf32, #tpu.memory_space<vmem>>) target_semaphore(%arg11 : memref<!tpu.dma_semaphore, #tpu.memory_space<semaphore_mem>>)
    %dma_wait3A_472 = arith.constant 0 : i32
    %dma_wait3A_473 = tpu.memref_slice %arg3[%add3A_422, %dma_wait3A_472] : memref<4096x1024xf32, #tpu.memory_space<hbm>> -> memref<8x1024xf32, #tpu.memory_space<hbm>>
    %dma_wait3A_474 = arith.constant 0 : i32
    %dma_wait3A_475 = tpu.memref_slice %arg3[%add3A_422, %dma_wait3A_474] : memref<4096x1024xf32, #tpu.memory_space<hbm>> -> memref<8x1024xf32, #tpu.memory_space<hbm>>
    tpu.wait_dma2 semaphore(%arg10 : memref<!tpu.dma_semaphore, #tpu.memory_space<semaphore_mem>>) src(%dma_wait3A_475 : memref<8x1024xf32, #tpu.memory_space<hbm>>) dst(%arg5 : memref<8x1024xf32, #tpu.memory_space<vmem>>)
    %dma_wait3A_476 = arith.constant 0 : i32
    %dma_wait3A_477 = arith.constant 0 : i32
    %dma_wait3A_478 = tpu.memref_slice %arg2[%dma_wait3A_476, %add3A_414, %dma_wait3A_477] : memref<4x4096x1024xf32, #tpu.memory_space<hbm>> -> memref<4x8x1024xf32, #tpu.memory_space<hbm>>
    %dma_wait3A_479 = arith.constant 0 : i32
    %dma_wait3A_480 = arith.constant 0 : i32
    %dma_wait3A_481 = tpu.memref_slice %arg2[%dma_wait3A_479, %add3A_414, %dma_wait3A_480] : memref<4x4096x1024xf32, #tpu.memory_space<hbm>> -> memref<4x8x1024xf32, #tpu.memory_space<hbm>>
    tpu.wait_dma2 semaphore(%arg13 : memref<!tpu.dma_semaphore, #tpu.memory_space<semaphore_mem>>) src(%dma_wait3A_481 : memref<4x8x1024xf32, #tpu.memory_space<hbm>>) dst(%arg8 : memref<4x8x1024xf32, #tpu.memory_space<vmem>>)
    %scan3A_482 = arith.constant 0 : i32
    %scan3A_483 = arith.constant 0 : i32
    %scan3A_484 = arith.constant 8 : i32
    %scan3A_485 = arith.addi %scan3A_483, %scan3A_484 : i32
    %scan3A_486 = arith.constant 1 : i32
    %scan3A_487 = scf.for %scan3A_714 = %scan3A_483 to %scan3A_485 step %scan3A_486 iter_args(%scan3A_715 = %scan3A_482) -> (i32)  : i32 {
      %parallel_loop3A = arith.constant 0 : i32
      %parallel_loop3A_716 = arith.constant 64 : i32
      %parallel_loop3A_717 = arith.constant 1 : i32
      scf.for %parallel_loop3A_719 = %parallel_loop3A to %parallel_loop3A_716 step %parallel_loop3A_717  : i32 {
        %parallel_loop3A_720 = arith.constant 16 : i32
        %parallel_loop3A_721 = arith.muli %parallel_loop3A_719, %parallel_loop3A_720 : i32
        %parallel_loop3A_722 = arith.index_cast %scan3A_714 : i32 to index
        %parallel_loop3A_723 = arith.index_cast %parallel_loop3A_721 : i32 to index
        %parallel_loop3A_724 = tpu.vector_load %arg5[%parallel_loop3A_722, %parallel_loop3A_723] {strides = array<i32>} : memref<8x1024xf32, #tpu.memory_space<vmem>>, vector<1x16xf32>,
        %parallel_loop3A_725 = vector.shape_cast %parallel_loop3A_724 : vector<1x16xf32> to vector<16xf32>
        %parallel_loop3A_726 = arith.constant 0 : i32
        %parallel_loop3A_727 = arith.index_cast %parallel_loop3A_726 : i32 to index
        %parallel_loop3A_728 = arith.index_cast %scan3A_714 : i32 to index
        %parallel_loop3A_729 = arith.index_cast %parallel_loop3A_721 : i32 to index
        %parallel_loop3A_730 = tpu.vector_load %arg8[%parallel_loop3A_727, %parallel_loop3A_728, %parallel_loop3A_729] {strides = array<i32>} : memref<4x8x1024xf32, #tpu.memory_space<vmem>>, vector<1x1x16xf32>,
        %parallel_loop3A_731 = vector.shape_cast %parallel_loop3A_730 : vector<1x1x16xf32> to vector<16xf32>
        %parallel_loop3A_732 = arith.addf %parallel_loop3A_731, %parallel_loop3A_725 : vector<16xf32>
        %parallel_loop3A_733 = arith.constant 0 : i32
        %parallel_loop3A_734 = arith.index_cast %parallel_loop3A_733 : i32 to index
        %parallel_loop3A_735 = arith.index_cast %scan3A_714 : i32 to index
        %parallel_loop3A_736 = arith.index_cast %parallel_loop3A_721 : i32 to index
        %parallel_loop3A_737 = tpu.vector_load %arg8[%parallel_loop3A_734, %parallel_loop3A_735, %parallel_loop3A_736] {strides = array<i32>} : memref<4x8x1024xf32, #tpu.memory_space<vmem>>, vector<1x1x16xf32>,
        %parallel_loop3A_738 = vector.shape_cast %parallel_loop3A_737 : vector<1x1x16xf32> to vector<16xf32>
        %parallel_loop3A_739 = vector.shape_cast %parallel_loop3A_732 : vector<16xf32> to vector<1x1x16xf32>
        tpu.vector_store %arg8[%parallel_loop3A_734, %parallel_loop3A_735, %parallel_loop3A_736], %parallel_loop3A_739 {strides = array<i32>} : memref<4x8x1024xf32, #tpu.memory_space<vmem>>, vector<1x1x16xf32>,
        %parallel_loop3A_740 = arith.constant 1 : i32
        %parallel_loop3A_741 = arith.index_cast %parallel_loop3A_740 : i32 to index
        %parallel_loop3A_742 = arith.index_cast %scan3A_714 : i32 to index
        %parallel_loop3A_743 = arith.index_cast %parallel_loop3A_721 : i32 to index
        %parallel_loop3A_744 = tpu.vector_load %arg8[%parallel_loop3A_741, %parallel_loop3A_742, %parallel_loop3A_743] {strides = array<i32>} : memref<4x8x1024xf32, #tpu.memory_space<vmem>>, vector<1x1x16xf32>,
        %parallel_loop3A_745 = vector.shape_cast %parallel_loop3A_744 : vector<1x1x16xf32> to vector<16xf32>
        %parallel_loop3A_746 = arith.addf %parallel_loop3A_745, %parallel_loop3A_725 : vector<16xf32>
        %parallel_loop3A_747 = arith.constant 1 : i32
        %parallel_loop3A_748 = arith.index_cast %parallel_loop3A_747 : i32 to index
        %parallel_loop3A_749 = arith.index_cast %scan3A_714 : i32 to index
        %parallel_loop3A_750 = arith.index_cast %parallel_loop3A_721 : i32 to index
        %parallel_loop3A_751 = tpu.vector_load %arg8[%parallel_loop3A_748, %parallel_loop3A_749, %parallel_loop3A_750] {strides = array<i32>} : memref<4x8x1024xf32, #tpu.memory_space<vmem>>, vector<1x1x16xf32>,
        %parallel_loop3A_752 = vector.shape_cast %parallel_loop3A_751 : vector<1x1x16xf32> to vector<16xf32>
        %parallel_loop3A_753 = vector.shape_cast %parallel_loop3A_746 : vector<16xf32> to vector<1x1x16xf32>
        tpu.vector_store %arg8[%parallel_loop3A_748, %parallel_loop3A_749, %parallel_loop3A_750], %parallel_loop3A_753 {strides = array<i32>} : memref<4x8x1024xf32, #tpu.memory_space<vmem>>, vector<1x1x16xf32>,
        %parallel_loop3A_754 = arith.constant 2 : i32
        %parallel_loop3A_755 = arith.index_cast %parallel_loop3A_754 : i32 to index
        %parallel_loop3A_756 = arith.index_cast %scan3A_714 : i32 to index
        %parallel_loop3A_757 = arith.index_cast %parallel_loop3A_721 : i32 to index
        %parallel_loop3A_758 = tpu.vector_load %arg8[%parallel_loop3A_755, %parallel_loop3A_756, %parallel_loop3A_757] {strides = array<i32>} : memref<4x8x1024xf32, #tpu.memory_space<vmem>>, vector<1x1x16xf32>,
        %parallel_loop3A_759 = vector.shape_cast %parallel_loop3A_758 : vector<1x1x16xf32> to vector<16xf32>
        %parallel_loop3A_760 = arith.addf %parallel_loop3A_759, %parallel_loop3A_725 : vector<16xf32>
        %parallel_loop3A_761 = arith.constant 2 : i32
        %parallel_loop3A_762 = arith.index_cast %parallel_loop3A_761 : i32 to index
        %parallel_loop3A_763 = arith.index_cast %scan3A_714 : i32 to index
        %parallel_loop3A_764 = arith.index_cast %parallel_loop3A_721 : i32 to index
        %parallel_loop3A_765 = tpu.vector_load %arg8[%parallel_loop3A_762, %parallel_loop3A_763, %parallel_loop3A_764] {strides = array<i32>} : memref<4x8x1024xf32, #tpu.memory_space<vmem>>, vector<1x1x16xf32>,
        %parallel_loop3A_766 = vector.shape_cast %parallel_loop3A_765 : vector<1x1x16xf32> to vector<16xf32>
        %parallel_loop3A_767 = vector.shape_cast %parallel_loop3A_760 : vector<16xf32> to vector<1x1x16xf32>
        tpu.vector_store %arg8[%parallel_loop3A_762, %parallel_loop3A_763, %parallel_loop3A_764], %parallel_loop3A_767 {strides = array<i32>} : memref<4x8x1024xf32, #tpu.memory_space<vmem>>, vector<1x1x16xf32>,
        %parallel_loop3A_768 = arith.constant 3 : i32
        %parallel_loop3A_769 = arith.index_cast %parallel_loop3A_768 : i32 to index
        %parallel_loop3A_770 = arith.index_cast %scan3A_714 : i32 to index
        %parallel_loop3A_771 = arith.index_cast %parallel_loop3A_721 : i32 to index
        %parallel_loop3A_772 = tpu.vector_load %arg8[%parallel_loop3A_769, %parallel_loop3A_770, %parallel_loop3A_771] {strides = array<i32>} : memref<4x8x1024xf32, #tpu.memory_space<vmem>>, vector<1x1x16xf32>,
        %parallel_loop3A_773 = vector.shape_cast %parallel_loop3A_772 : vector<1x1x16xf32> to vector<16xf32>
        %parallel_loop3A_774 = arith.addf %parallel_loop3A_773, %parallel_loop3A_725 : vector<16xf32>
        %parallel_loop3A_775 = arith.constant 3 : i32
        %parallel_loop3A_776 = arith.index_cast %parallel_loop3A_775 : i32 to index
        %parallel_loop3A_777 = arith.index_cast %scan3A_714 : i32 to index
        %parallel_loop3A_778 = arith.index_cast %parallel_loop3A_721 : i32 to index
        %parallel_loop3A_779 = tpu.vector_load %arg8[%parallel_loop3A_776, %parallel_loop3A_777, %parallel_loop3A_778] {strides = array<i32>} : memref<4x8x1024xf32, #tpu.memory_space<vmem>>, vector<1x1x16xf32>,
        %parallel_loop3A_780 = vector.shape_cast %parallel_loop3A_779 : vector<1x1x16xf32> to vector<16xf32>
        %parallel_loop3A_781 = vector.shape_cast %parallel_loop3A_774 : vector<16xf32> to vector<1x1x16xf32>
        tpu.vector_store %arg8[%parallel_loop3A_776, %parallel_loop3A_777, %parallel_loop3A_778], %parallel_loop3A_781 {strides = array<i32>} : memref<4x8x1024xf32, #tpu.memory_space<vmem>>, vector<1x1x16xf32>,
      } {sc.loop_unroll_factor = 8 : i64, sc.parallel_access}
      %scan3A_718 = arith.constant 0 : i32
      scf.yield %scan3A_718 : i32
    }
    %scan3A_488 = arith.constant 8 : i32
    %add3A_489 = arith.constant 80 : i32
    %add3A_490 = arith.addi %mul3A_2, %add3A_489 : i32
    %dma_start3A_491 = arith.constant 0 : i32
    %dma_start3A_492 = arith.constant 0 : i32
    %dma_start3A_493 = tpu.memref_slice %arg4[%dma_start3A_491, %add3A_490, %dma_start3A_492] : memref<4x4096x1024xf32, #tpu.memory_space<hbm>> -> memref<4x8x1024xf32, #tpu.memory_space<hbm>>
    %dma_start3A_494 = arith.constant 0 : i32
    %dma_start3A_495 = arith.constant 0 : i32
    %dma_start3A_496 = tpu.memref_slice %arg4[%dma_start3A_494, %add3A_490, %dma_start3A_495] : memref<4x4096x1024xf32, #tpu.memory_space<hbm>> -> memref<4x8x1024xf32, #tpu.memory_space<hbm>>
    tpu.enqueue_dma source(%arg8 : memref<4x8x1024xf32, #tpu.memory_space<vmem>>) target(%dma_start3A_496 : memref<4x8x1024xf32, #tpu.memory_space<hbm>>) target_semaphore(%arg16 : memref<!tpu.dma_semaphore, #tpu.memory_space<semaphore_mem>>)
    %dma_wait3A_497 = arith.constant 0 : i32
    %dma_wait3A_498 = arith.constant 0 : i32
    %dma_wait3A_499 = tpu.memref_slice %arg4[%dma_wait3A_497, %add3A_445, %dma_wait3A_498] : memref<4x4096x1024xf32, #tpu.memory_space<hbm>> -> memref<4x8x1024xf32, #tpu.memory_space<hbm>>
    %dma_wait3A_500 = arith.constant 0 : i32
    %dma_wait3A_501 = arith.constant 0 : i32
    %dma_wait3A_502 = tpu.memref_slice %arg4[%dma_wait3A_500, %add3A_445, %dma_wait3A_501] : memref<4x4096x1024xf32, #tpu.memory_space<hbm>> -> memref<4x8x1024xf32, #tpu.memory_space<hbm>>
    tpu.wait_dma2 semaphore(%arg15 : memref<!tpu.dma_semaphore, #tpu.memory_space<semaphore_mem>>) src(%arg7 : memref<4x8x1024xf32, #tpu.memory_space<vmem>>) dst(%dma_wait3A_502 : memref<4x8x1024xf32, #tpu.memory_space<hbm>>)
    %add3A_503 = arith.constant 96 : i32
    %add3A_504 = arith.addi %mul3A_2, %add3A_503 : i32
    %dma_start3A_505 = arith.constant 0 : i32
    %dma_start3A_506 = arith.constant 0 : i32
    %dma_start3A_507 = tpu.memref_slice %arg2[%dma_start3A_505, %add3A_504, %dma_start3A_506] : memref<4x4096x1024xf32, #tpu.memory_space<hbm>> -> memref<4x8x1024xf32, #tpu.memory_space<hbm>>
    %dma_start3A_508 = arith.constant 0 : i32
    %dma_start3A_509 = arith.constant 0 : i32
    %dma_start3A_510 = tpu.memref_slice %arg2[%dma_start3A_508, %add3A_504, %dma_start3A_509] : memref<4x4096x1024xf32, #tpu.memory_space<hbm>> -> memref<4x8x1024xf32, #tpu.memory_space<hbm>>
    tpu.enqueue_dma source(%dma_start3A_510 : memref<4x8x1024xf32, #tpu.memory_space<hbm>>) target(%arg7 : memref<4x8x1024xf32, #tpu.memory_space<vmem>>) target_semaphore(%arg12 : memref<!tpu.dma_semaphore, #tpu.memory_space<semaphore_mem>>)
    %add3A_511 = arith.constant 96 : i32
    %add3A_512 = arith.addi %mul3A_2, %add3A_511 : i32
    %dma_start3A_513 = arith.constant 0 : i32
    %dma_start3A_514 = tpu.memref_slice %arg3[%add3A_512, %dma_start3A_513] : memref<4096x1024xf32, #tpu.memory_space<hbm>> -> memref<8x1024xf32, #tpu.memory_space<hbm>>
    %dma_start3A_515 = arith.constant 0 : i32
    %dma_start3A_516 = tpu.memref_slice %arg3[%add3A_512, %dma_start3A_515] : memref<4096x1024xf32, #tpu.memory_space<hbm>> -> memref<8x1024xf32, #tpu.memory_space<hbm>>
    tpu.enqueue_dma source(%dma_start3A_516 : memref<8x1024xf32, #tpu.memory_space<hbm>>) target(%arg5 : memref<8x1024xf32, #tpu.memory_space<vmem>>) target_semaphore(%arg10 : memref<!tpu.dma_semaphore, #tpu.memory_space<semaphore_mem>>)
    %dma_wait3A_517 = arith.constant 0 : i32
    %dma_wait3A_518 = tpu.memref_slice %arg3[%add3A_467, %dma_wait3A_517] : memref<4096x1024xf32, #tpu.memory_space<hbm>> -> memref<8x1024xf32, #tpu.memory_space<hbm>>
    %dma_wait3A_519 = arith.constant 0 : i32
    %dma_wait3A_520 = tpu.memref_slice %arg3[%add3A_467, %dma_wait3A_519] : memref<4096x1024xf32, #tpu.memory_space<hbm>> -> memref<8x1024xf32, #tpu.memory_space<hbm>>
    tpu.wait_dma2 semaphore(%arg11 : memref<!tpu.dma_semaphore, #tpu.memory_space<semaphore_mem>>) src(%dma_wait3A_520 : memref<8x1024xf32, #tpu.memory_space<hbm>>) dst(%arg6 : memref<8x1024xf32, #tpu.memory_space<vmem>>)
    %dma_wait3A_521 = arith.constant 0 : i32
    %dma_wait3A_522 = arith.constant 0 : i32
    %dma_wait3A_523 = tpu.memref_slice %arg2[%dma_wait3A_521, %add3A_459, %dma_wait3A_522] : memref<4x4096x1024xf32, #tpu.memory_space<hbm>> -> memref<4x8x1024xf32, #tpu.memory_space<hbm>>
    %dma_wait3A_524 = arith.constant 0 : i32
    %dma_wait3A_525 = arith.constant 0 : i32
    %dma_wait3A_526 = tpu.memref_slice %arg2[%dma_wait3A_524, %add3A_459, %dma_wait3A_525] : memref<4x4096x1024xf32, #tpu.memory_space<hbm>> -> memref<4x8x1024xf32, #tpu.memory_space<hbm>>
    tpu.wait_dma2 semaphore(%arg14 : memref<!tpu.dma_semaphore, #tpu.memory_space<semaphore_mem>>) src(%dma_wait3A_526 : memref<4x8x1024xf32, #tpu.memory_space<hbm>>) dst(%arg9 : memref<4x8x1024xf32, #tpu.memory_space<vmem>>)
    %scan3A_527 = arith.constant 0 : i32
    %scan3A_528 = arith.constant 0 : i32
    %scan3A_529 = arith.constant 8 : i32
    %scan3A_530 = arith.addi %scan3A_528, %scan3A_529 : i32
    %scan3A_531 = arith.constant 1 : i32
    %scan3A_532 = scf.for %scan3A_714 = %scan3A_528 to %scan3A_530 step %scan3A_531 iter_args(%scan3A_715 = %scan3A_527) -> (i32)  : i32 {
      %parallel_loop3A = arith.constant 0 : i32
      %parallel_loop3A_716 = arith.constant 64 : i32
      %parallel_loop3A_717 = arith.constant 1 : i32
      scf.for %parallel_loop3A_719 = %parallel_loop3A to %parallel_loop3A_716 step %parallel_loop3A_717  : i32 {
        %parallel_loop3A_720 = arith.constant 16 : i32
        %parallel_loop3A_721 = arith.muli %parallel_loop3A_719, %parallel_loop3A_720 : i32
        %parallel_loop3A_722 = arith.index_cast %scan3A_714 : i32 to index
        %parallel_loop3A_723 = arith.index_cast %parallel_loop3A_721 : i32 to index
        %parallel_loop3A_724 = tpu.vector_load %arg6[%parallel_loop3A_722, %parallel_loop3A_723] {strides = array<i32>} : memref<8x1024xf32, #tpu.memory_space<vmem>>, vector<1x16xf32>,
        %parallel_loop3A_725 = vector.shape_cast %parallel_loop3A_724 : vector<1x16xf32> to vector<16xf32>
        %parallel_loop3A_726 = arith.constant 0 : i32
        %parallel_loop3A_727 = arith.index_cast %parallel_loop3A_726 : i32 to index
        %parallel_loop3A_728 = arith.index_cast %scan3A_714 : i32 to index
        %parallel_loop3A_729 = arith.index_cast %parallel_loop3A_721 : i32 to index
        %parallel_loop3A_730 = tpu.vector_load %arg9[%parallel_loop3A_727, %parallel_loop3A_728, %parallel_loop3A_729] {strides = array<i32>} : memref<4x8x1024xf32, #tpu.memory_space<vmem>>, vector<1x1x16xf32>,
        %parallel_loop3A_731 = vector.shape_cast %parallel_loop3A_730 : vector<1x1x16xf32> to vector<16xf32>
        %parallel_loop3A_732 = arith.addf %parallel_loop3A_731, %parallel_loop3A_725 : vector<16xf32>
        %parallel_loop3A_733 = arith.constant 0 : i32
        %parallel_loop3A_734 = arith.index_cast %parallel_loop3A_733 : i32 to index
        %parallel_loop3A_735 = arith.index_cast %scan3A_714 : i32 to index
        %parallel_loop3A_736 = arith.index_cast %parallel_loop3A_721 : i32 to index
        %parallel_loop3A_737 = tpu.vector_load %arg9[%parallel_loop3A_734, %parallel_loop3A_735, %parallel_loop3A_736] {strides = array<i32>} : memref<4x8x1024xf32, #tpu.memory_space<vmem>>, vector<1x1x16xf32>,
        %parallel_loop3A_738 = vector.shape_cast %parallel_loop3A_737 : vector<1x1x16xf32> to vector<16xf32>
        %parallel_loop3A_739 = vector.shape_cast %parallel_loop3A_732 : vector<16xf32> to vector<1x1x16xf32>
        tpu.vector_store %arg9[%parallel_loop3A_734, %parallel_loop3A_735, %parallel_loop3A_736], %parallel_loop3A_739 {strides = array<i32>} : memref<4x8x1024xf32, #tpu.memory_space<vmem>>, vector<1x1x16xf32>,
        %parallel_loop3A_740 = arith.constant 1 : i32
        %parallel_loop3A_741 = arith.index_cast %parallel_loop3A_740 : i32 to index
        %parallel_loop3A_742 = arith.index_cast %scan3A_714 : i32 to index
        %parallel_loop3A_743 = arith.index_cast %parallel_loop3A_721 : i32 to index
        %parallel_loop3A_744 = tpu.vector_load %arg9[%parallel_loop3A_741, %parallel_loop3A_742, %parallel_loop3A_743] {strides = array<i32>} : memref<4x8x1024xf32, #tpu.memory_space<vmem>>, vector<1x1x16xf32>,
        %parallel_loop3A_745 = vector.shape_cast %parallel_loop3A_744 : vector<1x1x16xf32> to vector<16xf32>
        %parallel_loop3A_746 = arith.addf %parallel_loop3A_745, %parallel_loop3A_725 : vector<16xf32>
        %parallel_loop3A_747 = arith.constant 1 : i32
        %parallel_loop3A_748 = arith.index_cast %parallel_loop3A_747 : i32 to index
        %parallel_loop3A_749 = arith.index_cast %scan3A_714 : i32 to index
        %parallel_loop3A_750 = arith.index_cast %parallel_loop3A_721 : i32 to index
        %parallel_loop3A_751 = tpu.vector_load %arg9[%parallel_loop3A_748, %parallel_loop3A_749, %parallel_loop3A_750] {strides = array<i32>} : memref<4x8x1024xf32, #tpu.memory_space<vmem>>, vector<1x1x16xf32>,
        %parallel_loop3A_752 = vector.shape_cast %parallel_loop3A_751 : vector<1x1x16xf32> to vector<16xf32>
        %parallel_loop3A_753 = vector.shape_cast %parallel_loop3A_746 : vector<16xf32> to vector<1x1x16xf32>
        tpu.vector_store %arg9[%parallel_loop3A_748, %parallel_loop3A_749, %parallel_loop3A_750], %parallel_loop3A_753 {strides = array<i32>} : memref<4x8x1024xf32, #tpu.memory_space<vmem>>, vector<1x1x16xf32>,
        %parallel_loop3A_754 = arith.constant 2 : i32
        %parallel_loop3A_755 = arith.index_cast %parallel_loop3A_754 : i32 to index
        %parallel_loop3A_756 = arith.index_cast %scan3A_714 : i32 to index
        %parallel_loop3A_757 = arith.index_cast %parallel_loop3A_721 : i32 to index
        %parallel_loop3A_758 = tpu.vector_load %arg9[%parallel_loop3A_755, %parallel_loop3A_756, %parallel_loop3A_757] {strides = array<i32>} : memref<4x8x1024xf32, #tpu.memory_space<vmem>>, vector<1x1x16xf32>,
        %parallel_loop3A_759 = vector.shape_cast %parallel_loop3A_758 : vector<1x1x16xf32> to vector<16xf32>
        %parallel_loop3A_760 = arith.addf %parallel_loop3A_759, %parallel_loop3A_725 : vector<16xf32>
        %parallel_loop3A_761 = arith.constant 2 : i32
        %parallel_loop3A_762 = arith.index_cast %parallel_loop3A_761 : i32 to index
        %parallel_loop3A_763 = arith.index_cast %scan3A_714 : i32 to index
        %parallel_loop3A_764 = arith.index_cast %parallel_loop3A_721 : i32 to index
        %parallel_loop3A_765 = tpu.vector_load %arg9[%parallel_loop3A_762, %parallel_loop3A_763, %parallel_loop3A_764] {strides = array<i32>} : memref<4x8x1024xf32, #tpu.memory_space<vmem>>, vector<1x1x16xf32>,
        %parallel_loop3A_766 = vector.shape_cast %parallel_loop3A_765 : vector<1x1x16xf32> to vector<16xf32>
        %parallel_loop3A_767 = vector.shape_cast %parallel_loop3A_760 : vector<16xf32> to vector<1x1x16xf32>
        tpu.vector_store %arg9[%parallel_loop3A_762, %parallel_loop3A_763, %parallel_loop3A_764], %parallel_loop3A_767 {strides = array<i32>} : memref<4x8x1024xf32, #tpu.memory_space<vmem>>, vector<1x1x16xf32>,
        %parallel_loop3A_768 = arith.constant 3 : i32
        %parallel_loop3A_769 = arith.index_cast %parallel_loop3A_768 : i32 to index
        %parallel_loop3A_770 = arith.index_cast %scan3A_714 : i32 to index
        %parallel_loop3A_771 = arith.index_cast %parallel_loop3A_721 : i32 to index
        %parallel_loop3A_772 = tpu.vector_load %arg9[%parallel_loop3A_769, %parallel_loop3A_770, %parallel_loop3A_771] {strides = array<i32>} : memref<4x8x1024xf32, #tpu.memory_space<vmem>>, vector<1x1x16xf32>,
        %parallel_loop3A_773 = vector.shape_cast %parallel_loop3A_772 : vector<1x1x16xf32> to vector<16xf32>
        %parallel_loop3A_774 = arith.addf %parallel_loop3A_773, %parallel_loop3A_725 : vector<16xf32>
        %parallel_loop3A_775 = arith.constant 3 : i32
        %parallel_loop3A_776 = arith.index_cast %parallel_loop3A_775 : i32 to index
        %parallel_loop3A_777 = arith.index_cast %scan3A_714 : i32 to index
        %parallel_loop3A_778 = arith.index_cast %parallel_loop3A_721 : i32 to index
        %parallel_loop3A_779 = tpu.vector_load %arg9[%parallel_loop3A_776, %parallel_loop3A_777, %parallel_loop3A_778] {strides = array<i32>} : memref<4x8x1024xf32, #tpu.memory_space<vmem>>, vector<1x1x16xf32>,
        %parallel_loop3A_780 = vector.shape_cast %parallel_loop3A_779 : vector<1x1x16xf32> to vector<16xf32>
        %parallel_loop3A_781 = vector.shape_cast %parallel_loop3A_774 : vector<16xf32> to vector<1x1x16xf32>
        tpu.vector_store %arg9[%parallel_loop3A_776, %parallel_loop3A_777, %parallel_loop3A_778], %parallel_loop3A_781 {strides = array<i32>} : memref<4x8x1024xf32, #tpu.memory_space<vmem>>, vector<1x1x16xf32>,
      } {sc.loop_unroll_factor = 8 : i64, sc.parallel_access}
      %scan3A_718 = arith.constant 0 : i32
      scf.yield %scan3A_718 : i32
    }
    %scan3A_533 = arith.constant 8 : i32
    %add3A_534 = arith.constant 88 : i32
    %add3A_535 = arith.addi %mul3A_2, %add3A_534 : i32
    %dma_start3A_536 = arith.constant 0 : i32
    %dma_start3A_537 = arith.constant 0 : i32
    %dma_start3A_538 = tpu.memref_slice %arg4[%dma_start3A_536, %add3A_535, %dma_start3A_537] : memref<4x4096x1024xf32, #tpu.memory_space<hbm>> -> memref<4x8x1024xf32, #tpu.memory_space<hbm>>
    %dma_start3A_539 = arith.constant 0 : i32
    %dma_start3A_540 = arith.constant 0 : i32
    %dma_start3A_541 = tpu.memref_slice %arg4[%dma_start3A_539, %add3A_535, %dma_start3A_540] : memref<4x4096x1024xf32, #tpu.memory_space<hbm>> -> memref<4x8x1024xf32, #tpu.memory_space<hbm>>
    tpu.enqueue_dma source(%arg9 : memref<4x8x1024xf32, #tpu.memory_space<vmem>>) target(%dma_start3A_541 : memref<4x8x1024xf32, #tpu.memory_space<hbm>>) target_semaphore(%arg17 : memref<!tpu.dma_semaphore, #tpu.memory_space<semaphore_mem>>)
    %dma_wait3A_542 = arith.constant 0 : i32
    %dma_wait3A_543 = arith.constant 0 : i32
    %dma_wait3A_544 = tpu.memref_slice %arg4[%dma_wait3A_542, %add3A_490, %dma_wait3A_543] : memref<4x4096x1024xf32, #tpu.memory_space<hbm>> -> memref<4x8x1024xf32, #tpu.memory_space<hbm>>
    %dma_wait3A_545 = arith.constant 0 : i32
    %dma_wait3A_546 = arith.constant 0 : i32
    %dma_wait3A_547 = tpu.memref_slice %arg4[%dma_wait3A_545, %add3A_490, %dma_wait3A_546] : memref<4x4096x1024xf32, #tpu.memory_space<hbm>> -> memref<4x8x1024xf32, #tpu.memory_space<hbm>>
    tpu.wait_dma2 semaphore(%arg16 : memref<!tpu.dma_semaphore, #tpu.memory_space<semaphore_mem>>) src(%arg8 : memref<4x8x1024xf32, #tpu.memory_space<vmem>>) dst(%dma_wait3A_547 : memref<4x8x1024xf32, #tpu.memory_space<hbm>>)
    %add3A_548 = arith.constant 104 : i32
    %add3A_549 = arith.addi %mul3A_2, %add3A_548 : i32
    %dma_start3A_550 = arith.constant 0 : i32
    %dma_start3A_551 = arith.constant 0 : i32
    %dma_start3A_552 = tpu.memref_slice %arg2[%dma_start3A_550, %add3A_549, %dma_start3A_551] : memref<4x4096x1024xf32, #tpu.memory_space<hbm>> -> memref<4x8x1024xf32, #tpu.memory_space<hbm>>
    %dma_start3A_553 = arith.constant 0 : i32
    %dma_start3A_554 = arith.constant 0 : i32
    %dma_start3A_555 = tpu.memref_slice %arg2[%dma_start3A_553, %add3A_549, %dma_start3A_554] : memref<4x4096x1024xf32, #tpu.memory_space<hbm>> -> memref<4x8x1024xf32, #tpu.memory_space<hbm>>
    tpu.enqueue_dma source(%dma_start3A_555 : memref<4x8x1024xf32, #tpu.memory_space<hbm>>) target(%arg8 : memref<4x8x1024xf32, #tpu.memory_space<vmem>>) target_semaphore(%arg13 : memref<!tpu.dma_semaphore, #tpu.memory_space<semaphore_mem>>)
    %add3A_556 = arith.constant 104 : i32
    %add3A_557 = arith.addi %mul3A_2, %add3A_556 : i32
    %dma_start3A_558 = arith.constant 0 : i32
    %dma_start3A_559 = tpu.memref_slice %arg3[%add3A_557, %dma_start3A_558] : memref<4096x1024xf32, #tpu.memory_space<hbm>> -> memref<8x1024xf32, #tpu.memory_space<hbm>>
    %dma_start3A_560 = arith.constant 0 : i32
    %dma_start3A_561 = tpu.memref_slice %arg3[%add3A_557, %dma_start3A_560] : memref<4096x1024xf32, #tpu.memory_space<hbm>> -> memref<8x1024xf32, #tpu.memory_space<hbm>>
    tpu.enqueue_dma source(%dma_start3A_561 : memref<8x1024xf32, #tpu.memory_space<hbm>>) target(%arg6 : memref<8x1024xf32, #tpu.memory_space<vmem>>) target_semaphore(%arg11 : memref<!tpu.dma_semaphore, #tpu.memory_space<semaphore_mem>>)
    %dma_wait3A_562 = arith.constant 0 : i32
    %dma_wait3A_563 = tpu.memref_slice %arg3[%add3A_512, %dma_wait3A_562] : memref<4096x1024xf32, #tpu.memory_space<hbm>> -> memref<8x1024xf32, #tpu.memory_space<hbm>>
    %dma_wait3A_564 = arith.constant 0 : i32
    %dma_wait3A_565 = tpu.memref_slice %arg3[%add3A_512, %dma_wait3A_564] : memref<4096x1024xf32, #tpu.memory_space<hbm>> -> memref<8x1024xf32, #tpu.memory_space<hbm>>
    tpu.wait_dma2 semaphore(%arg10 : memref<!tpu.dma_semaphore, #tpu.memory_space<semaphore_mem>>) src(%dma_wait3A_565 : memref<8x1024xf32, #tpu.memory_space<hbm>>) dst(%arg5 : memref<8x1024xf32, #tpu.memory_space<vmem>>)
    %dma_wait3A_566 = arith.constant 0 : i32
    %dma_wait3A_567 = arith.constant 0 : i32
    %dma_wait3A_568 = tpu.memref_slice %arg2[%dma_wait3A_566, %add3A_504, %dma_wait3A_567] : memref<4x4096x1024xf32, #tpu.memory_space<hbm>> -> memref<4x8x1024xf32, #tpu.memory_space<hbm>>
    %dma_wait3A_569 = arith.constant 0 : i32
    %dma_wait3A_570 = arith.constant 0 : i32
    %dma_wait3A_571 = tpu.memref_slice %arg2[%dma_wait3A_569, %add3A_504, %dma_wait3A_570] : memref<4x4096x1024xf32, #tpu.memory_space<hbm>> -> memref<4x8x1024xf32, #tpu.memory_space<hbm>>
    tpu.wait_dma2 semaphore(%arg12 : memref<!tpu.dma_semaphore, #tpu.memory_space<semaphore_mem>>) src(%dma_wait3A_571 : memref<4x8x1024xf32, #tpu.memory_space<hbm>>) dst(%arg7 : memref<4x8x1024xf32, #tpu.memory_space<vmem>>)
    %scan3A_572 = arith.constant 0 : i32
    %scan3A_573 = arith.constant 0 : i32
    %scan3A_574 = arith.constant 8 : i32
    %scan3A_575 = arith.addi %scan3A_573, %scan3A_574 : i32
    %scan3A_576 = arith.constant 1 : i32
    %scan3A_577 = scf.for %scan3A_714 = %scan3A_573 to %scan3A_575 step %scan3A_576 iter_args(%scan3A_715 = %scan3A_572) -> (i32)  : i32 {
      %parallel_loop3A = arith.constant 0 : i32
      %parallel_loop3A_716 = arith.constant 64 : i32
      %parallel_loop3A_717 = arith.constant 1 : i32
      scf.for %parallel_loop3A_719 = %parallel_loop3A to %parallel_loop3A_716 step %parallel_loop3A_717  : i32 {
        %parallel_loop3A_720 = arith.constant 16 : i32
        %parallel_loop3A_721 = arith.muli %parallel_loop3A_719, %parallel_loop3A_720 : i32
        %parallel_loop3A_722 = arith.index_cast %scan3A_714 : i32 to index
        %parallel_loop3A_723 = arith.index_cast %parallel_loop3A_721 : i32 to index
        %parallel_loop3A_724 = tpu.vector_load %arg5[%parallel_loop3A_722, %parallel_loop3A_723] {strides = array<i32>} : memref<8x1024xf32, #tpu.memory_space<vmem>>, vector<1x16xf32>,
        %parallel_loop3A_725 = vector.shape_cast %parallel_loop3A_724 : vector<1x16xf32> to vector<16xf32>
        %parallel_loop3A_726 = arith.constant 0 : i32
        %parallel_loop3A_727 = arith.index_cast %parallel_loop3A_726 : i32 to index
        %parallel_loop3A_728 = arith.index_cast %scan3A_714 : i32 to index
        %parallel_loop3A_729 = arith.index_cast %parallel_loop3A_721 : i32 to index
        %parallel_loop3A_730 = tpu.vector_load %arg7[%parallel_loop3A_727, %parallel_loop3A_728, %parallel_loop3A_729] {strides = array<i32>} : memref<4x8x1024xf32, #tpu.memory_space<vmem>>, vector<1x1x16xf32>,
        %parallel_loop3A_731 = vector.shape_cast %parallel_loop3A_730 : vector<1x1x16xf32> to vector<16xf32>
        %parallel_loop3A_732 = arith.addf %parallel_loop3A_731, %parallel_loop3A_725 : vector<16xf32>
        %parallel_loop3A_733 = arith.constant 0 : i32
        %parallel_loop3A_734 = arith.index_cast %parallel_loop3A_733 : i32 to index
        %parallel_loop3A_735 = arith.index_cast %scan3A_714 : i32 to index
        %parallel_loop3A_736 = arith.index_cast %parallel_loop3A_721 : i32 to index
        %parallel_loop3A_737 = tpu.vector_load %arg7[%parallel_loop3A_734, %parallel_loop3A_735, %parallel_loop3A_736] {strides = array<i32>} : memref<4x8x1024xf32, #tpu.memory_space<vmem>>, vector<1x1x16xf32>,
        %parallel_loop3A_738 = vector.shape_cast %parallel_loop3A_737 : vector<1x1x16xf32> to vector<16xf32>
        %parallel_loop3A_739 = vector.shape_cast %parallel_loop3A_732 : vector<16xf32> to vector<1x1x16xf32>
        tpu.vector_store %arg7[%parallel_loop3A_734, %parallel_loop3A_735, %parallel_loop3A_736], %parallel_loop3A_739 {strides = array<i32>} : memref<4x8x1024xf32, #tpu.memory_space<vmem>>, vector<1x1x16xf32>,
        %parallel_loop3A_740 = arith.constant 1 : i32
        %parallel_loop3A_741 = arith.index_cast %parallel_loop3A_740 : i32 to index
        %parallel_loop3A_742 = arith.index_cast %scan3A_714 : i32 to index
        %parallel_loop3A_743 = arith.index_cast %parallel_loop3A_721 : i32 to index
        %parallel_loop3A_744 = tpu.vector_load %arg7[%parallel_loop3A_741, %parallel_loop3A_742, %parallel_loop3A_743] {strides = array<i32>} : memref<4x8x1024xf32, #tpu.memory_space<vmem>>, vector<1x1x16xf32>,
        %parallel_loop3A_745 = vector.shape_cast %parallel_loop3A_744 : vector<1x1x16xf32> to vector<16xf32>
        %parallel_loop3A_746 = arith.addf %parallel_loop3A_745, %parallel_loop3A_725 : vector<16xf32>
        %parallel_loop3A_747 = arith.constant 1 : i32
        %parallel_loop3A_748 = arith.index_cast %parallel_loop3A_747 : i32 to index
        %parallel_loop3A_749 = arith.index_cast %scan3A_714 : i32 to index
        %parallel_loop3A_750 = arith.index_cast %parallel_loop3A_721 : i32 to index
        %parallel_loop3A_751 = tpu.vector_load %arg7[%parallel_loop3A_748, %parallel_loop3A_749, %parallel_loop3A_750] {strides = array<i32>} : memref<4x8x1024xf32, #tpu.memory_space<vmem>>, vector<1x1x16xf32>,
        %parallel_loop3A_752 = vector.shape_cast %parallel_loop3A_751 : vector<1x1x16xf32> to vector<16xf32>
        %parallel_loop3A_753 = vector.shape_cast %parallel_loop3A_746 : vector<16xf32> to vector<1x1x16xf32>
        tpu.vector_store %arg7[%parallel_loop3A_748, %parallel_loop3A_749, %parallel_loop3A_750], %parallel_loop3A_753 {strides = array<i32>} : memref<4x8x1024xf32, #tpu.memory_space<vmem>>, vector<1x1x16xf32>,
        %parallel_loop3A_754 = arith.constant 2 : i32
        %parallel_loop3A_755 = arith.index_cast %parallel_loop3A_754 : i32 to index
        %parallel_loop3A_756 = arith.index_cast %scan3A_714 : i32 to index
        %parallel_loop3A_757 = arith.index_cast %parallel_loop3A_721 : i32 to index
        %parallel_loop3A_758 = tpu.vector_load %arg7[%parallel_loop3A_755, %parallel_loop3A_756, %parallel_loop3A_757] {strides = array<i32>} : memref<4x8x1024xf32, #tpu.memory_space<vmem>>, vector<1x1x16xf32>,
        %parallel_loop3A_759 = vector.shape_cast %parallel_loop3A_758 : vector<1x1x16xf32> to vector<16xf32>
        %parallel_loop3A_760 = arith.addf %parallel_loop3A_759, %parallel_loop3A_725 : vector<16xf32>
        %parallel_loop3A_761 = arith.constant 2 : i32
        %parallel_loop3A_762 = arith.index_cast %parallel_loop3A_761 : i32 to index
        %parallel_loop3A_763 = arith.index_cast %scan3A_714 : i32 to index
        %parallel_loop3A_764 = arith.index_cast %parallel_loop3A_721 : i32 to index
        %parallel_loop3A_765 = tpu.vector_load %arg7[%parallel_loop3A_762, %parallel_loop3A_763, %parallel_loop3A_764] {strides = array<i32>} : memref<4x8x1024xf32, #tpu.memory_space<vmem>>, vector<1x1x16xf32>,
        %parallel_loop3A_766 = vector.shape_cast %parallel_loop3A_765 : vector<1x1x16xf32> to vector<16xf32>
        %parallel_loop3A_767 = vector.shape_cast %parallel_loop3A_760 : vector<16xf32> to vector<1x1x16xf32>
        tpu.vector_store %arg7[%parallel_loop3A_762, %parallel_loop3A_763, %parallel_loop3A_764], %parallel_loop3A_767 {strides = array<i32>} : memref<4x8x1024xf32, #tpu.memory_space<vmem>>, vector<1x1x16xf32>,
        %parallel_loop3A_768 = arith.constant 3 : i32
        %parallel_loop3A_769 = arith.index_cast %parallel_loop3A_768 : i32 to index
        %parallel_loop3A_770 = arith.index_cast %scan3A_714 : i32 to index
        %parallel_loop3A_771 = arith.index_cast %parallel_loop3A_721 : i32 to index
        %parallel_loop3A_772 = tpu.vector_load %arg7[%parallel_loop3A_769, %parallel_loop3A_770, %parallel_loop3A_771] {strides = array<i32>} : memref<4x8x1024xf32, #tpu.memory_space<vmem>>, vector<1x1x16xf32>,
        %parallel_loop3A_773 = vector.shape_cast %parallel_loop3A_772 : vector<1x1x16xf32> to vector<16xf32>
        %parallel_loop3A_774 = arith.addf %parallel_loop3A_773, %parallel_loop3A_725 : vector<16xf32>
        %parallel_loop3A_775 = arith.constant 3 : i32
        %parallel_loop3A_776 = arith.index_cast %parallel_loop3A_775 : i32 to index
        %parallel_loop3A_777 = arith.index_cast %scan3A_714 : i32 to index
        %parallel_loop3A_778 = arith.index_cast %parallel_loop3A_721 : i32 to index
        %parallel_loop3A_779 = tpu.vector_load %arg7[%parallel_loop3A_776, %parallel_loop3A_777, %parallel_loop3A_778] {strides = array<i32>} : memref<4x8x1024xf32, #tpu.memory_space<vmem>>, vector<1x1x16xf32>,
        %parallel_loop3A_780 = vector.shape_cast %parallel_loop3A_779 : vector<1x1x16xf32> to vector<16xf32>
        %parallel_loop3A_781 = vector.shape_cast %parallel_loop3A_774 : vector<16xf32> to vector<1x1x16xf32>
        tpu.vector_store %arg7[%parallel_loop3A_776, %parallel_loop3A_777, %parallel_loop3A_778], %parallel_loop3A_781 {strides = array<i32>} : memref<4x8x1024xf32, #tpu.memory_space<vmem>>, vector<1x1x16xf32>,
      } {sc.loop_unroll_factor = 8 : i64, sc.parallel_access}
      %scan3A_718 = arith.constant 0 : i32
      scf.yield %scan3A_718 : i32
    }
    %scan3A_578 = arith.constant 8 : i32
    %add3A_579 = arith.constant 96 : i32
    %add3A_580 = arith.addi %mul3A_2, %add3A_579 : i32
    %dma_start3A_581 = arith.constant 0 : i32
    %dma_start3A_582 = arith.constant 0 : i32
    %dma_start3A_583 = tpu.memref_slice %arg4[%dma_start3A_581, %add3A_580, %dma_start3A_582] : memref<4x4096x1024xf32, #tpu.memory_space<hbm>> -> memref<4x8x1024xf32, #tpu.memory_space<hbm>>
    %dma_start3A_584 = arith.constant 0 : i32
    %dma_start3A_585 = arith.constant 0 : i32
    %dma_start3A_586 = tpu.memref_slice %arg4[%dma_start3A_584, %add3A_580, %dma_start3A_585] : memref<4x4096x1024xf32, #tpu.memory_space<hbm>> -> memref<4x8x1024xf32, #tpu.memory_space<hbm>>
    tpu.enqueue_dma source(%arg7 : memref<4x8x1024xf32, #tpu.memory_space<vmem>>) target(%dma_start3A_586 : memref<4x8x1024xf32, #tpu.memory_space<hbm>>) target_semaphore(%arg15 : memref<!tpu.dma_semaphore, #tpu.memory_space<semaphore_mem>>)
    %dma_wait3A_587 = arith.constant 0 : i32
    %dma_wait3A_588 = arith.constant 0 : i32
    %dma_wait3A_589 = tpu.memref_slice %arg4[%dma_wait3A_587, %add3A_535, %dma_wait3A_588] : memref<4x4096x1024xf32, #tpu.memory_space<hbm>> -> memref<4x8x1024xf32, #tpu.memory_space<hbm>>
    %dma_wait3A_590 = arith.constant 0 : i32
    %dma_wait3A_591 = arith.constant 0 : i32
    %dma_wait3A_592 = tpu.memref_slice %arg4[%dma_wait3A_590, %add3A_535, %dma_wait3A_591] : memref<4x4096x1024xf32, #tpu.memory_space<hbm>> -> memref<4x8x1024xf32, #tpu.memory_space<hbm>>
    tpu.wait_dma2 semaphore(%arg17 : memref<!tpu.dma_semaphore, #tpu.memory_space<semaphore_mem>>) src(%arg9 : memref<4x8x1024xf32, #tpu.memory_space<vmem>>) dst(%dma_wait3A_592 : memref<4x8x1024xf32, #tpu.memory_space<hbm>>)
    %add3A_593 = arith.constant 112 : i32
    %add3A_594 = arith.addi %mul3A_2, %add3A_593 : i32
    %dma_start3A_595 = arith.constant 0 : i32
    %dma_start3A_596 = arith.constant 0 : i32
    %dma_start3A_597 = tpu.memref_slice %arg2[%dma_start3A_595, %add3A_594, %dma_start3A_596] : memref<4x4096x1024xf32, #tpu.memory_space<hbm>> -> memref<4x8x1024xf32, #tpu.memory_space<hbm>>
    %dma_start3A_598 = arith.constant 0 : i32
    %dma_start3A_599 = arith.constant 0 : i32
    %dma_start3A_600 = tpu.memref_slice %arg2[%dma_start3A_598, %add3A_594, %dma_start3A_599] : memref<4x4096x1024xf32, #tpu.memory_space<hbm>> -> memref<4x8x1024xf32, #tpu.memory_space<hbm>>
    tpu.enqueue_dma source(%dma_start3A_600 : memref<4x8x1024xf32, #tpu.memory_space<hbm>>) target(%arg9 : memref<4x8x1024xf32, #tpu.memory_space<vmem>>) target_semaphore(%arg14 : memref<!tpu.dma_semaphore, #tpu.memory_space<semaphore_mem>>)
    %add3A_601 = arith.constant 112 : i32
    %add3A_602 = arith.addi %mul3A_2, %add3A_601 : i32
    %dma_start3A_603 = arith.constant 0 : i32
    %dma_start3A_604 = tpu.memref_slice %arg3[%add3A_602, %dma_start3A_603] : memref<4096x1024xf32, #tpu.memory_space<hbm>> -> memref<8x1024xf32, #tpu.memory_space<hbm>>
    %dma_start3A_605 = arith.constant 0 : i32
    %dma_start3A_606 = tpu.memref_slice %arg3[%add3A_602, %dma_start3A_605] : memref<4096x1024xf32, #tpu.memory_space<hbm>> -> memref<8x1024xf32, #tpu.memory_space<hbm>>
    tpu.enqueue_dma source(%dma_start3A_606 : memref<8x1024xf32, #tpu.memory_space<hbm>>) target(%arg5 : memref<8x1024xf32, #tpu.memory_space<vmem>>) target_semaphore(%arg10 : memref<!tpu.dma_semaphore, #tpu.memory_space<semaphore_mem>>)
    %dma_wait3A_607 = arith.constant 0 : i32
    %dma_wait3A_608 = tpu.memref_slice %arg3[%add3A_557, %dma_wait3A_607] : memref<4096x1024xf32, #tpu.memory_space<hbm>> -> memref<8x1024xf32, #tpu.memory_space<hbm>>
    %dma_wait3A_609 = arith.constant 0 : i32
    %dma_wait3A_610 = tpu.memref_slice %arg3[%add3A_557, %dma_wait3A_609] : memref<4096x1024xf32, #tpu.memory_space<hbm>> -> memref<8x1024xf32, #tpu.memory_space<hbm>>
    tpu.wait_dma2 semaphore(%arg11 : memref<!tpu.dma_semaphore, #tpu.memory_space<semaphore_mem>>) src(%dma_wait3A_610 : memref<8x1024xf32, #tpu.memory_space<hbm>>) dst(%arg6 : memref<8x1024xf32, #tpu.memory_space<vmem>>)
    %dma_wait3A_611 = arith.constant 0 : i32
    %dma_wait3A_612 = arith.constant 0 : i32
    %dma_wait3A_613 = tpu.memref_slice %arg2[%dma_wait3A_611, %add3A_549, %dma_wait3A_612] : memref<4x4096x1024xf32, #tpu.memory_space<hbm>> -> memref<4x8x1024xf32, #tpu.memory_space<hbm>>
    %dma_wait3A_614 = arith.constant 0 : i32
    %dma_wait3A_615 = arith.constant 0 : i32
    %dma_wait3A_616 = tpu.memref_slice %arg2[%dma_wait3A_614, %add3A_549, %dma_wait3A_615] : memref<4x4096x1024xf32, #tpu.memory_space<hbm>> -> memref<4x8x1024xf32, #tpu.memory_space<hbm>>
    tpu.wait_dma2 semaphore(%arg13 : memref<!tpu.dma_semaphore, #tpu.memory_space<semaphore_mem>>) src(%dma_wait3A_616 : memref<4x8x1024xf32, #tpu.memory_space<hbm>>) dst(%arg8 : memref<4x8x1024xf32, #tpu.memory_space<vmem>>)
    %scan3A_617 = arith.constant 0 : i32
    %scan3A_618 = arith.constant 0 : i32
    %scan3A_619 = arith.constant 8 : i32
    %scan3A_620 = arith.addi %scan3A_618, %scan3A_619 : i32
    %scan3A_621 = arith.constant 1 : i32
    %scan3A_622 = scf.for %scan3A_714 = %scan3A_618 to %scan3A_620 step %scan3A_621 iter_args(%scan3A_715 = %scan3A_617) -> (i32)  : i32 {
      %parallel_loop3A = arith.constant 0 : i32
      %parallel_loop3A_716 = arith.constant 64 : i32
      %parallel_loop3A_717 = arith.constant 1 : i32
      scf.for %parallel_loop3A_719 = %parallel_loop3A to %parallel_loop3A_716 step %parallel_loop3A_717  : i32 {
        %parallel_loop3A_720 = arith.constant 16 : i32
        %parallel_loop3A_721 = arith.muli %parallel_loop3A_719, %parallel_loop3A_720 : i32
        %parallel_loop3A_722 = arith.index_cast %scan3A_714 : i32 to index
        %parallel_loop3A_723 = arith.index_cast %parallel_loop3A_721 : i32 to index
        %parallel_loop3A_724 = tpu.vector_load %arg6[%parallel_loop3A_722, %parallel_loop3A_723] {strides = array<i32>} : memref<8x1024xf32, #tpu.memory_space<vmem>>, vector<1x16xf32>,
        %parallel_loop3A_725 = vector.shape_cast %parallel_loop3A_724 : vector<1x16xf32> to vector<16xf32>
        %parallel_loop3A_726 = arith.constant 0 : i32
        %parallel_loop3A_727 = arith.index_cast %parallel_loop3A_726 : i32 to index
        %parallel_loop3A_728 = arith.index_cast %scan3A_714 : i32 to index
        %parallel_loop3A_729 = arith.index_cast %parallel_loop3A_721 : i32 to index
        %parallel_loop3A_730 = tpu.vector_load %arg8[%parallel_loop3A_727, %parallel_loop3A_728, %parallel_loop3A_729] {strides = array<i32>} : memref<4x8x1024xf32, #tpu.memory_space<vmem>>, vector<1x1x16xf32>,
        %parallel_loop3A_731 = vector.shape_cast %parallel_loop3A_730 : vector<1x1x16xf32> to vector<16xf32>
        %parallel_loop3A_732 = arith.addf %parallel_loop3A_731, %parallel_loop3A_725 : vector<16xf32>
        %parallel_loop3A_733 = arith.constant 0 : i32
        %parallel_loop3A_734 = arith.index_cast %parallel_loop3A_733 : i32 to index
        %parallel_loop3A_735 = arith.index_cast %scan3A_714 : i32 to index
        %parallel_loop3A_736 = arith.index_cast %parallel_loop3A_721 : i32 to index
        %parallel_loop3A_737 = tpu.vector_load %arg8[%parallel_loop3A_734, %parallel_loop3A_735, %parallel_loop3A_736] {strides = array<i32>} : memref<4x8x1024xf32, #tpu.memory_space<vmem>>, vector<1x1x16xf32>,
        %parallel_loop3A_738 = vector.shape_cast %parallel_loop3A_737 : vector<1x1x16xf32> to vector<16xf32>
        %parallel_loop3A_739 = vector.shape_cast %parallel_loop3A_732 : vector<16xf32> to vector<1x1x16xf32>
        tpu.vector_store %arg8[%parallel_loop3A_734, %parallel_loop3A_735, %parallel_loop3A_736], %parallel_loop3A_739 {strides = array<i32>} : memref<4x8x1024xf32, #tpu.memory_space<vmem>>, vector<1x1x16xf32>,
        %parallel_loop3A_740 = arith.constant 1 : i32
        %parallel_loop3A_741 = arith.index_cast %parallel_loop3A_740 : i32 to index
        %parallel_loop3A_742 = arith.index_cast %scan3A_714 : i32 to index
        %parallel_loop3A_743 = arith.index_cast %parallel_loop3A_721 : i32 to index
        %parallel_loop3A_744 = tpu.vector_load %arg8[%parallel_loop3A_741, %parallel_loop3A_742, %parallel_loop3A_743] {strides = array<i32>} : memref<4x8x1024xf32, #tpu.memory_space<vmem>>, vector<1x1x16xf32>,
        %parallel_loop3A_745 = vector.shape_cast %parallel_loop3A_744 : vector<1x1x16xf32> to vector<16xf32>
        %parallel_loop3A_746 = arith.addf %parallel_loop3A_745, %parallel_loop3A_725 : vector<16xf32>
        %parallel_loop3A_747 = arith.constant 1 : i32
        %parallel_loop3A_748 = arith.index_cast %parallel_loop3A_747 : i32 to index
        %parallel_loop3A_749 = arith.index_cast %scan3A_714 : i32 to index
        %parallel_loop3A_750 = arith.index_cast %parallel_loop3A_721 : i32 to index
        %parallel_loop3A_751 = tpu.vector_load %arg8[%parallel_loop3A_748, %parallel_loop3A_749, %parallel_loop3A_750] {strides = array<i32>} : memref<4x8x1024xf32, #tpu.memory_space<vmem>>, vector<1x1x16xf32>,
        %parallel_loop3A_752 = vector.shape_cast %parallel_loop3A_751 : vector<1x1x16xf32> to vector<16xf32>
        %parallel_loop3A_753 = vector.shape_cast %parallel_loop3A_746 : vector<16xf32> to vector<1x1x16xf32>
        tpu.vector_store %arg8[%parallel_loop3A_748, %parallel_loop3A_749, %parallel_loop3A_750], %parallel_loop3A_753 {strides = array<i32>} : memref<4x8x1024xf32, #tpu.memory_space<vmem>>, vector<1x1x16xf32>,
        %parallel_loop3A_754 = arith.constant 2 : i32
        %parallel_loop3A_755 = arith.index_cast %parallel_loop3A_754 : i32 to index
        %parallel_loop3A_756 = arith.index_cast %scan3A_714 : i32 to index
        %parallel_loop3A_757 = arith.index_cast %parallel_loop3A_721 : i32 to index
        %parallel_loop3A_758 = tpu.vector_load %arg8[%parallel_loop3A_755, %parallel_loop3A_756, %parallel_loop3A_757] {strides = array<i32>} : memref<4x8x1024xf32, #tpu.memory_space<vmem>>, vector<1x1x16xf32>,
        %parallel_loop3A_759 = vector.shape_cast %parallel_loop3A_758 : vector<1x1x16xf32> to vector<16xf32>
        %parallel_loop3A_760 = arith.addf %parallel_loop3A_759, %parallel_loop3A_725 : vector<16xf32>
        %parallel_loop3A_761 = arith.constant 2 : i32
        %parallel_loop3A_762 = arith.index_cast %parallel_loop3A_761 : i32 to index
        %parallel_loop3A_763 = arith.index_cast %scan3A_714 : i32 to index
        %parallel_loop3A_764 = arith.index_cast %parallel_loop3A_721 : i32 to index
        %parallel_loop3A_765 = tpu.vector_load %arg8[%parallel_loop3A_762, %parallel_loop3A_763, %parallel_loop3A_764] {strides = array<i32>} : memref<4x8x1024xf32, #tpu.memory_space<vmem>>, vector<1x1x16xf32>,
        %parallel_loop3A_766 = vector.shape_cast %parallel_loop3A_765 : vector<1x1x16xf32> to vector<16xf32>
        %parallel_loop3A_767 = vector.shape_cast %parallel_loop3A_760 : vector<16xf32> to vector<1x1x16xf32>
        tpu.vector_store %arg8[%parallel_loop3A_762, %parallel_loop3A_763, %parallel_loop3A_764], %parallel_loop3A_767 {strides = array<i32>} : memref<4x8x1024xf32, #tpu.memory_space<vmem>>, vector<1x1x16xf32>,
        %parallel_loop3A_768 = arith.constant 3 : i32
        %parallel_loop3A_769 = arith.index_cast %parallel_loop3A_768 : i32 to index
        %parallel_loop3A_770 = arith.index_cast %scan3A_714 : i32 to index
        %parallel_loop3A_771 = arith.index_cast %parallel_loop3A_721 : i32 to index
        %parallel_loop3A_772 = tpu.vector_load %arg8[%parallel_loop3A_769, %parallel_loop3A_770, %parallel_loop3A_771] {strides = array<i32>} : memref<4x8x1024xf32, #tpu.memory_space<vmem>>, vector<1x1x16xf32>,
        %parallel_loop3A_773 = vector.shape_cast %parallel_loop3A_772 : vector<1x1x16xf32> to vector<16xf32>
        %parallel_loop3A_774 = arith.addf %parallel_loop3A_773, %parallel_loop3A_725 : vector<16xf32>
        %parallel_loop3A_775 = arith.constant 3 : i32
        %parallel_loop3A_776 = arith.index_cast %parallel_loop3A_775 : i32 to index
        %parallel_loop3A_777 = arith.index_cast %scan3A_714 : i32 to index
        %parallel_loop3A_778 = arith.index_cast %parallel_loop3A_721 : i32 to index
        %parallel_loop3A_779 = tpu.vector_load %arg8[%parallel_loop3A_776, %parallel_loop3A_777, %parallel_loop3A_778] {strides = array<i32>} : memref<4x8x1024xf32, #tpu.memory_space<vmem>>, vector<1x1x16xf32>,
        %parallel_loop3A_780 = vector.shape_cast %parallel_loop3A_779 : vector<1x1x16xf32> to vector<16xf32>
        %parallel_loop3A_781 = vector.shape_cast %parallel_loop3A_774 : vector<16xf32> to vector<1x1x16xf32>
        tpu.vector_store %arg8[%parallel_loop3A_776, %parallel_loop3A_777, %parallel_loop3A_778], %parallel_loop3A_781 {strides = array<i32>} : memref<4x8x1024xf32, #tpu.memory_space<vmem>>, vector<1x1x16xf32>,
      } {sc.loop_unroll_factor = 8 : i64, sc.parallel_access}
      %scan3A_718 = arith.constant 0 : i32
      scf.yield %scan3A_718 : i32
    }
    %scan3A_623 = arith.constant 8 : i32
    %add3A_624 = arith.constant 104 : i32
    %add3A_625 = arith.addi %mul3A_2, %add3A_624 : i32
    %dma_start3A_626 = arith.constant 0 : i32
    %dma_start3A_627 = arith.constant 0 : i32
    %dma_start3A_628 = tpu.memref_slice %arg4[%dma_start3A_626, %add3A_625, %dma_start3A_627] : memref<4x4096x1024xf32, #tpu.memory_space<hbm>> -> memref<4x8x1024xf32, #tpu.memory_space<hbm>>
    %dma_start3A_629 = arith.constant 0 : i32
    %dma_start3A_630 = arith.constant 0 : i32
    %dma_start3A_631 = tpu.memref_slice %arg4[%dma_start3A_629, %add3A_625, %dma_start3A_630] : memref<4x4096x1024xf32, #tpu.memory_space<hbm>> -> memref<4x8x1024xf32, #tpu.memory_space<hbm>>
    tpu.enqueue_dma source(%arg8 : memref<4x8x1024xf32, #tpu.memory_space<vmem>>) target(%dma_start3A_631 : memref<4x8x1024xf32, #tpu.memory_space<hbm>>) target_semaphore(%arg16 : memref<!tpu.dma_semaphore, #tpu.memory_space<semaphore_mem>>)
    %dma_wait3A_632 = arith.constant 0 : i32
    %dma_wait3A_633 = arith.constant 0 : i32
    %dma_wait3A_634 = tpu.memref_slice %arg4[%dma_wait3A_632, %add3A_580, %dma_wait3A_633] : memref<4x4096x1024xf32, #tpu.memory_space<hbm>> -> memref<4x8x1024xf32, #tpu.memory_space<hbm>>
    %dma_wait3A_635 = arith.constant 0 : i32
    %dma_wait3A_636 = arith.constant 0 : i32
    %dma_wait3A_637 = tpu.memref_slice %arg4[%dma_wait3A_635, %add3A_580, %dma_wait3A_636] : memref<4x4096x1024xf32, #tpu.memory_space<hbm>> -> memref<4x8x1024xf32, #tpu.memory_space<hbm>>
    tpu.wait_dma2 semaphore(%arg15 : memref<!tpu.dma_semaphore, #tpu.memory_space<semaphore_mem>>) src(%arg7 : memref<4x8x1024xf32, #tpu.memory_space<vmem>>) dst(%dma_wait3A_637 : memref<4x8x1024xf32, #tpu.memory_space<hbm>>)
    %add3A_638 = arith.constant 120 : i32
    %add3A_639 = arith.addi %mul3A_2, %add3A_638 : i32
    %dma_start3A_640 = arith.constant 0 : i32
    %dma_start3A_641 = arith.constant 0 : i32
    %dma_start3A_642 = tpu.memref_slice %arg2[%dma_start3A_640, %add3A_639, %dma_start3A_641] : memref<4x4096x1024xf32, #tpu.memory_space<hbm>> -> memref<4x8x1024xf32, #tpu.memory_space<hbm>>
    %dma_start3A_643 = arith.constant 0 : i32
    %dma_start3A_644 = arith.constant 0 : i32
    %dma_start3A_645 = tpu.memref_slice %arg2[%dma_start3A_643, %add3A_639, %dma_start3A_644] : memref<4x4096x1024xf32, #tpu.memory_space<hbm>> -> memref<4x8x1024xf32, #tpu.memory_space<hbm>>
    tpu.enqueue_dma source(%dma_start3A_645 : memref<4x8x1024xf32, #tpu.memory_space<hbm>>) target(%arg7 : memref<4x8x1024xf32, #tpu.memory_space<vmem>>) target_semaphore(%arg12 : memref<!tpu.dma_semaphore, #tpu.memory_space<semaphore_mem>>)
    %add3A_646 = arith.constant 120 : i32
    %add3A_647 = arith.addi %mul3A_2, %add3A_646 : i32
    %dma_start3A_648 = arith.constant 0 : i32
    %dma_start3A_649 = tpu.memref_slice %arg3[%add3A_647, %dma_start3A_648] : memref<4096x1024xf32, #tpu.memory_space<hbm>> -> memref<8x1024xf32, #tpu.memory_space<hbm>>
    %dma_start3A_650 = arith.constant 0 : i32
    %dma_start3A_651 = tpu.memref_slice %arg3[%add3A_647, %dma_start3A_650] : memref<4096x1024xf32, #tpu.memory_space<hbm>> -> memref<8x1024xf32, #tpu.memory_space<hbm>>
    tpu.enqueue_dma source(%dma_start3A_651 : memref<8x1024xf32, #tpu.memory_space<hbm>>) target(%arg6 : memref<8x1024xf32, #tpu.memory_space<vmem>>) target_semaphore(%arg11 : memref<!tpu.dma_semaphore, #tpu.memory_space<semaphore_mem>>)
    %dma_wait3A_652 = arith.constant 0 : i32
    %dma_wait3A_653 = tpu.memref_slice %arg3[%add3A_602, %dma_wait3A_652] : memref<4096x1024xf32, #tpu.memory_space<hbm>> -> memref<8x1024xf32, #tpu.memory_space<hbm>>
    %dma_wait3A_654 = arith.constant 0 : i32
    %dma_wait3A_655 = tpu.memref_slice %arg3[%add3A_602, %dma_wait3A_654] : memref<4096x1024xf32, #tpu.memory_space<hbm>> -> memref<8x1024xf32, #tpu.memory_space<hbm>>
    tpu.wait_dma2 semaphore(%arg10 : memref<!tpu.dma_semaphore, #tpu.memory_space<semaphore_mem>>) src(%dma_wait3A_655 : memref<8x1024xf32, #tpu.memory_space<hbm>>) dst(%arg5 : memref<8x1024xf32, #tpu.memory_space<vmem>>)
    %dma_wait3A_656 = arith.constant 0 : i32
    %dma_wait3A_657 = arith.constant 0 : i32
    %dma_wait3A_658 = tpu.memref_slice %arg2[%dma_wait3A_656, %add3A_594, %dma_wait3A_657] : memref<4x4096x1024xf32, #tpu.memory_space<hbm>> -> memref<4x8x1024xf32, #tpu.memory_space<hbm>>
    %dma_wait3A_659 = arith.constant 0 : i32
    %dma_wait3A_660 = arith.constant 0 : i32
    %dma_wait3A_661 = tpu.memref_slice %arg2[%dma_wait3A_659, %add3A_594, %dma_wait3A_660] : memref<4x4096x1024xf32, #tpu.memory_space<hbm>> -> memref<4x8x1024xf32, #tpu.memory_space<hbm>>
    tpu.wait_dma2 semaphore(%arg14 : memref<!tpu.dma_semaphore, #tpu.memory_space<semaphore_mem>>) src(%dma_wait3A_661 : memref<4x8x1024xf32, #tpu.memory_space<hbm>>) dst(%arg9 : memref<4x8x1024xf32, #tpu.memory_space<vmem>>)
    %scan3A_662 = arith.constant 0 : i32
    %scan3A_663 = arith.constant 0 : i32
    %scan3A_664 = arith.constant 8 : i32
    %scan3A_665 = arith.addi %scan3A_663, %scan3A_664 : i32
    %scan3A_666 = arith.constant 1 : i32
    %scan3A_667 = scf.for %scan3A_714 = %scan3A_663 to %scan3A_665 step %scan3A_666 iter_args(%scan3A_715 = %scan3A_662) -> (i32)  : i32 {
      %parallel_loop3A = arith.constant 0 : i32
      %parallel_loop3A_716 = arith.constant 64 : i32
      %parallel_loop3A_717 = arith.constant 1 : i32
      scf.for %parallel_loop3A_719 = %parallel_loop3A to %parallel_loop3A_716 step %parallel_loop3A_717  : i32 {
        %parallel_loop3A_720 = arith.constant 16 : i32
        %parallel_loop3A_721 = arith.muli %parallel_loop3A_719, %parallel_loop3A_720 : i32
        %parallel_loop3A_722 = arith.index_cast %scan3A_714 : i32 to index
        %parallel_loop3A_723 = arith.index_cast %parallel_loop3A_721 : i32 to index
        %parallel_loop3A_724 = tpu.vector_load %arg5[%parallel_loop3A_722, %parallel_loop3A_723] {strides = array<i32>} : memref<8x1024xf32, #tpu.memory_space<vmem>>, vector<1x16xf32>,
        %parallel_loop3A_725 = vector.shape_cast %parallel_loop3A_724 : vector<1x16xf32> to vector<16xf32>
        %parallel_loop3A_726 = arith.constant 0 : i32
        %parallel_loop3A_727 = arith.index_cast %parallel_loop3A_726 : i32 to index
        %parallel_loop3A_728 = arith.index_cast %scan3A_714 : i32 to index
        %parallel_loop3A_729 = arith.index_cast %parallel_loop3A_721 : i32 to index
        %parallel_loop3A_730 = tpu.vector_load %arg9[%parallel_loop3A_727, %parallel_loop3A_728, %parallel_loop3A_729] {strides = array<i32>} : memref<4x8x1024xf32, #tpu.memory_space<vmem>>, vector<1x1x16xf32>,
        %parallel_loop3A_731 = vector.shape_cast %parallel_loop3A_730 : vector<1x1x16xf32> to vector<16xf32>
        %parallel_loop3A_732 = arith.addf %parallel_loop3A_731, %parallel_loop3A_725 : vector<16xf32>
        %parallel_loop3A_733 = arith.constant 0 : i32
        %parallel_loop3A_734 = arith.index_cast %parallel_loop3A_733 : i32 to index
        %parallel_loop3A_735 = arith.index_cast %scan3A_714 : i32 to index
        %parallel_loop3A_736 = arith.index_cast %parallel_loop3A_721 : i32 to index
        %parallel_loop3A_737 = tpu.vector_load %arg9[%parallel_loop3A_734, %parallel_loop3A_735, %parallel_loop3A_736] {strides = array<i32>} : memref<4x8x1024xf32, #tpu.memory_space<vmem>>, vector<1x1x16xf32>,
        %parallel_loop3A_738 = vector.shape_cast %parallel_loop3A_737 : vector<1x1x16xf32> to vector<16xf32>
        %parallel_loop3A_739 = vector.shape_cast %parallel_loop3A_732 : vector<16xf32> to vector<1x1x16xf32>
        tpu.vector_store %arg9[%parallel_loop3A_734, %parallel_loop3A_735, %parallel_loop3A_736], %parallel_loop3A_739 {strides = array<i32>} : memref<4x8x1024xf32, #tpu.memory_space<vmem>>, vector<1x1x16xf32>,
        %parallel_loop3A_740 = arith.constant 1 : i32
        %parallel_loop3A_741 = arith.index_cast %parallel_loop3A_740 : i32 to index
        %parallel_loop3A_742 = arith.index_cast %scan3A_714 : i32 to index
        %parallel_loop3A_743 = arith.index_cast %parallel_loop3A_721 : i32 to index
        %parallel_loop3A_744 = tpu.vector_load %arg9[%parallel_loop3A_741, %parallel_loop3A_742, %parallel_loop3A_743] {strides = array<i32>} : memref<4x8x1024xf32, #tpu.memory_space<vmem>>, vector<1x1x16xf32>,
        %parallel_loop3A_745 = vector.shape_cast %parallel_loop3A_744 : vector<1x1x16xf32> to vector<16xf32>
        %parallel_loop3A_746 = arith.addf %parallel_loop3A_745, %parallel_loop3A_725 : vector<16xf32>
        %parallel_loop3A_747 = arith.constant 1 : i32
        %parallel_loop3A_748 = arith.index_cast %parallel_loop3A_747 : i32 to index
        %parallel_loop3A_749 = arith.index_cast %scan3A_714 : i32 to index
        %parallel_loop3A_750 = arith.index_cast %parallel_loop3A_721 : i32 to index
        %parallel_loop3A_751 = tpu.vector_load %arg9[%parallel_loop3A_748, %parallel_loop3A_749, %parallel_loop3A_750] {strides = array<i32>} : memref<4x8x1024xf32, #tpu.memory_space<vmem>>, vector<1x1x16xf32>,
        %parallel_loop3A_752 = vector.shape_cast %parallel_loop3A_751 : vector<1x1x16xf32> to vector<16xf32>
        %parallel_loop3A_753 = vector.shape_cast %parallel_loop3A_746 : vector<16xf32> to vector<1x1x16xf32>
        tpu.vector_store %arg9[%parallel_loop3A_748, %parallel_loop3A_749, %parallel_loop3A_750], %parallel_loop3A_753 {strides = array<i32>} : memref<4x8x1024xf32, #tpu.memory_space<vmem>>, vector<1x1x16xf32>,
        %parallel_loop3A_754 = arith.constant 2 : i32
        %parallel_loop3A_755 = arith.index_cast %parallel_loop3A_754 : i32 to index
        %parallel_loop3A_756 = arith.index_cast %scan3A_714 : i32 to index
        %parallel_loop3A_757 = arith.index_cast %parallel_loop3A_721 : i32 to index
        %parallel_loop3A_758 = tpu.vector_load %arg9[%parallel_loop3A_755, %parallel_loop3A_756, %parallel_loop3A_757] {strides = array<i32>} : memref<4x8x1024xf32, #tpu.memory_space<vmem>>, vector<1x1x16xf32>,
        %parallel_loop3A_759 = vector.shape_cast %parallel_loop3A_758 : vector<1x1x16xf32> to vector<16xf32>
        %parallel_loop3A_760 = arith.addf %parallel_loop3A_759, %parallel_loop3A_725 : vector<16xf32>
        %parallel_loop3A_761 = arith.constant 2 : i32
        %parallel_loop3A_762 = arith.index_cast %parallel_loop3A_761 : i32 to index
        %parallel_loop3A_763 = arith.index_cast %scan3A_714 : i32 to index
        %parallel_loop3A_764 = arith.index_cast %parallel_loop3A_721 : i32 to index
        %parallel_loop3A_765 = tpu.vector_load %arg9[%parallel_loop3A_762, %parallel_loop3A_763, %parallel_loop3A_764] {strides = array<i32>} : memref<4x8x1024xf32, #tpu.memory_space<vmem>>, vector<1x1x16xf32>,
        %parallel_loop3A_766 = vector.shape_cast %parallel_loop3A_765 : vector<1x1x16xf32> to vector<16xf32>
        %parallel_loop3A_767 = vector.shape_cast %parallel_loop3A_760 : vector<16xf32> to vector<1x1x16xf32>
        tpu.vector_store %arg9[%parallel_loop3A_762, %parallel_loop3A_763, %parallel_loop3A_764], %parallel_loop3A_767 {strides = array<i32>} : memref<4x8x1024xf32, #tpu.memory_space<vmem>>, vector<1x1x16xf32>,
        %parallel_loop3A_768 = arith.constant 3 : i32
        %parallel_loop3A_769 = arith.index_cast %parallel_loop3A_768 : i32 to index
        %parallel_loop3A_770 = arith.index_cast %scan3A_714 : i32 to index
        %parallel_loop3A_771 = arith.index_cast %parallel_loop3A_721 : i32 to index
        %parallel_loop3A_772 = tpu.vector_load %arg9[%parallel_loop3A_769, %parallel_loop3A_770, %parallel_loop3A_771] {strides = array<i32>} : memref<4x8x1024xf32, #tpu.memory_space<vmem>>, vector<1x1x16xf32>,
        %parallel_loop3A_773 = vector.shape_cast %parallel_loop3A_772 : vector<1x1x16xf32> to vector<16xf32>
        %parallel_loop3A_774 = arith.addf %parallel_loop3A_773, %parallel_loop3A_725 : vector<16xf32>
        %parallel_loop3A_775 = arith.constant 3 : i32
        %parallel_loop3A_776 = arith.index_cast %parallel_loop3A_775 : i32 to index
        %parallel_loop3A_777 = arith.index_cast %scan3A_714 : i32 to index
        %parallel_loop3A_778 = arith.index_cast %parallel_loop3A_721 : i32 to index
        %parallel_loop3A_779 = tpu.vector_load %arg9[%parallel_loop3A_776, %parallel_loop3A_777, %parallel_loop3A_778] {strides = array<i32>} : memref<4x8x1024xf32, #tpu.memory_space<vmem>>, vector<1x1x16xf32>,
        %parallel_loop3A_780 = vector.shape_cast %parallel_loop3A_779 : vector<1x1x16xf32> to vector<16xf32>
        %parallel_loop3A_781 = vector.shape_cast %parallel_loop3A_774 : vector<16xf32> to vector<1x1x16xf32>
        tpu.vector_store %arg9[%parallel_loop3A_776, %parallel_loop3A_777, %parallel_loop3A_778], %parallel_loop3A_781 {strides = array<i32>} : memref<4x8x1024xf32, #tpu.memory_space<vmem>>, vector<1x1x16xf32>,
      } {sc.loop_unroll_factor = 8 : i64, sc.parallel_access}
      %scan3A_718 = arith.constant 0 : i32
      scf.yield %scan3A_718 : i32
    }
    %scan3A_668 = arith.constant 8 : i32
    %add3A_669 = arith.constant 112 : i32
    %add3A_670 = arith.addi %mul3A_2, %add3A_669 : i32
    %dma_start3A_671 = arith.constant 0 : i32
    %dma_start3A_672 = arith.constant 0 : i32
    %dma_start3A_673 = tpu.memref_slice %arg4[%dma_start3A_671, %add3A_670, %dma_start3A_672] : memref<4x4096x1024xf32, #tpu.memory_space<hbm>> -> memref<4x8x1024xf32, #tpu.memory_space<hbm>>
    %dma_start3A_674 = arith.constant 0 : i32
    %dma_start3A_675 = arith.constant 0 : i32
    %dma_start3A_676 = tpu.memref_slice %arg4[%dma_start3A_674, %add3A_670, %dma_start3A_675] : memref<4x4096x1024xf32, #tpu.memory_space<hbm>> -> memref<4x8x1024xf32, #tpu.memory_space<hbm>>
    tpu.enqueue_dma source(%arg9 : memref<4x8x1024xf32, #tpu.memory_space<vmem>>) target(%dma_start3A_676 : memref<4x8x1024xf32, #tpu.memory_space<hbm>>) target_semaphore(%arg17 : memref<!tpu.dma_semaphore, #tpu.memory_space<semaphore_mem>>)
    %dma_wait3A_677 = arith.constant 0 : i32
    %dma_wait3A_678 = tpu.memref_slice %arg3[%add3A_647, %dma_wait3A_677] : memref<4096x1024xf32, #tpu.memory_space<hbm>> -> memref<8x1024xf32, #tpu.memory_space<hbm>>
    %dma_wait3A_679 = arith.constant 0 : i32
    %dma_wait3A_680 = tpu.memref_slice %arg3[%add3A_647, %dma_wait3A_679] : memref<4096x1024xf32, #tpu.memory_space<hbm>> -> memref<8x1024xf32, #tpu.memory_space<hbm>>
    tpu.wait_dma2 semaphore(%arg11 : memref<!tpu.dma_semaphore, #tpu.memory_space<semaphore_mem>>) src(%dma_wait3A_680 : memref<8x1024xf32, #tpu.memory_space<hbm>>) dst(%arg6 : memref<8x1024xf32, #tpu.memory_space<vmem>>)
    %dma_wait3A_681 = arith.constant 0 : i32
    %dma_wait3A_682 = arith.constant 0 : i32
    %dma_wait3A_683 = tpu.memref_slice %arg2[%dma_wait3A_681, %add3A_639, %dma_wait3A_682] : memref<4x4096x1024xf32, #tpu.memory_space<hbm>> -> memref<4x8x1024xf32, #tpu.memory_space<hbm>>
    %dma_wait3A_684 = arith.constant 0 : i32
    %dma_wait3A_685 = arith.constant 0 : i32
    %dma_wait3A_686 = tpu.memref_slice %arg2[%dma_wait3A_684, %add3A_639, %dma_wait3A_685] : memref<4x4096x1024xf32, #tpu.memory_space<hbm>> -> memref<4x8x1024xf32, #tpu.memory_space<hbm>>
    tpu.wait_dma2 semaphore(%arg12 : memref<!tpu.dma_semaphore, #tpu.memory_space<semaphore_mem>>) src(%dma_wait3A_686 : memref<4x8x1024xf32, #tpu.memory_space<hbm>>) dst(%arg7 : memref<4x8x1024xf32, #tpu.memory_space<vmem>>)
    %scan3A_687 = arith.constant 0 : i32
    %scan3A_688 = arith.constant 0 : i32
    %scan3A_689 = arith.constant 8 : i32
    %scan3A_690 = arith.addi %scan3A_688, %scan3A_689 : i32
    %scan3A_691 = arith.constant 1 : i32
    %scan3A_692 = scf.for %scan3A_714 = %scan3A_688 to %scan3A_690 step %scan3A_691 iter_args(%scan3A_715 = %scan3A_687) -> (i32)  : i32 {
      %parallel_loop3A = arith.constant 0 : i32
      %parallel_loop3A_716 = arith.constant 64 : i32
      %parallel_loop3A_717 = arith.constant 1 : i32
      scf.for %parallel_loop3A_719 = %parallel_loop3A to %parallel_loop3A_716 step %parallel_loop3A_717  : i32 {
        %parallel_loop3A_720 = arith.constant 16 : i32
        %parallel_loop3A_721 = arith.muli %parallel_loop3A_719, %parallel_loop3A_720 : i32
        %parallel_loop3A_722 = arith.index_cast %scan3A_714 : i32 to index
        %parallel_loop3A_723 = arith.index_cast %parallel_loop3A_721 : i32 to index
        %parallel_loop3A_724 = tpu.vector_load %arg6[%parallel_loop3A_722, %parallel_loop3A_723] {strides = array<i32>} : memref<8x1024xf32, #tpu.memory_space<vmem>>, vector<1x16xf32>,
        %parallel_loop3A_725 = vector.shape_cast %parallel_loop3A_724 : vector<1x16xf32> to vector<16xf32>
        %parallel_loop3A_726 = arith.constant 0 : i32
        %parallel_loop3A_727 = arith.index_cast %parallel_loop3A_726 : i32 to index
        %parallel_loop3A_728 = arith.index_cast %scan3A_714 : i32 to index
        %parallel_loop3A_729 = arith.index_cast %parallel_loop3A_721 : i32 to index
        %parallel_loop3A_730 = tpu.vector_load %arg7[%parallel_loop3A_727, %parallel_loop3A_728, %parallel_loop3A_729] {strides = array<i32>} : memref<4x8x1024xf32, #tpu.memory_space<vmem>>, vector<1x1x16xf32>,
        %parallel_loop3A_731 = vector.shape_cast %parallel_loop3A_730 : vector<1x1x16xf32> to vector<16xf32>
        %parallel_loop3A_732 = arith.addf %parallel_loop3A_731, %parallel_loop3A_725 : vector<16xf32>
        %parallel_loop3A_733 = arith.constant 0 : i32
        %parallel_loop3A_734 = arith.index_cast %parallel_loop3A_733 : i32 to index
        %parallel_loop3A_735 = arith.index_cast %scan3A_714 : i32 to index
        %parallel_loop3A_736 = arith.index_cast %parallel_loop3A_721 : i32 to index
        %parallel_loop3A_737 = tpu.vector_load %arg7[%parallel_loop3A_734, %parallel_loop3A_735, %parallel_loop3A_736] {strides = array<i32>} : memref<4x8x1024xf32, #tpu.memory_space<vmem>>, vector<1x1x16xf32>,
        %parallel_loop3A_738 = vector.shape_cast %parallel_loop3A_737 : vector<1x1x16xf32> to vector<16xf32>
        %parallel_loop3A_739 = vector.shape_cast %parallel_loop3A_732 : vector<16xf32> to vector<1x1x16xf32>
        tpu.vector_store %arg7[%parallel_loop3A_734, %parallel_loop3A_735, %parallel_loop3A_736], %parallel_loop3A_739 {strides = array<i32>} : memref<4x8x1024xf32, #tpu.memory_space<vmem>>, vector<1x1x16xf32>,
        %parallel_loop3A_740 = arith.constant 1 : i32
        %parallel_loop3A_741 = arith.index_cast %parallel_loop3A_740 : i32 to index
        %parallel_loop3A_742 = arith.index_cast %scan3A_714 : i32 to index
        %parallel_loop3A_743 = arith.index_cast %parallel_loop3A_721 : i32 to index
        %parallel_loop3A_744 = tpu.vector_load %arg7[%parallel_loop3A_741, %parallel_loop3A_742, %parallel_loop3A_743] {strides = array<i32>} : memref<4x8x1024xf32, #tpu.memory_space<vmem>>, vector<1x1x16xf32>,
        %parallel_loop3A_745 = vector.shape_cast %parallel_loop3A_744 : vector<1x1x16xf32> to vector<16xf32>
        %parallel_loop3A_746 = arith.addf %parallel_loop3A_745, %parallel_loop3A_725 : vector<16xf32>
        %parallel_loop3A_747 = arith.constant 1 : i32
        %parallel_loop3A_748 = arith.index_cast %parallel_loop3A_747 : i32 to index
        %parallel_loop3A_749 = arith.index_cast %scan3A_714 : i32 to index
        %parallel_loop3A_750 = arith.index_cast %parallel_loop3A_721 : i32 to index
        %parallel_loop3A_751 = tpu.vector_load %arg7[%parallel_loop3A_748, %parallel_loop3A_749, %parallel_loop3A_750] {strides = array<i32>} : memref<4x8x1024xf32, #tpu.memory_space<vmem>>, vector<1x1x16xf32>,
        %parallel_loop3A_752 = vector.shape_cast %parallel_loop3A_751 : vector<1x1x16xf32> to vector<16xf32>
        %parallel_loop3A_753 = vector.shape_cast %parallel_loop3A_746 : vector<16xf32> to vector<1x1x16xf32>
        tpu.vector_store %arg7[%parallel_loop3A_748, %parallel_loop3A_749, %parallel_loop3A_750], %parallel_loop3A_753 {strides = array<i32>} : memref<4x8x1024xf32, #tpu.memory_space<vmem>>, vector<1x1x16xf32>,
        %parallel_loop3A_754 = arith.constant 2 : i32
        %parallel_loop3A_755 = arith.index_cast %parallel_loop3A_754 : i32 to index
        %parallel_loop3A_756 = arith.index_cast %scan3A_714 : i32 to index
        %parallel_loop3A_757 = arith.index_cast %parallel_loop3A_721 : i32 to index
        %parallel_loop3A_758 = tpu.vector_load %arg7[%parallel_loop3A_755, %parallel_loop3A_756, %parallel_loop3A_757] {strides = array<i32>} : memref<4x8x1024xf32, #tpu.memory_space<vmem>>, vector<1x1x16xf32>,
        %parallel_loop3A_759 = vector.shape_cast %parallel_loop3A_758 : vector<1x1x16xf32> to vector<16xf32>
        %parallel_loop3A_760 = arith.addf %parallel_loop3A_759, %parallel_loop3A_725 : vector<16xf32>
        %parallel_loop3A_761 = arith.constant 2 : i32
        %parallel_loop3A_762 = arith.index_cast %parallel_loop3A_761 : i32 to index
        %parallel_loop3A_763 = arith.index_cast %scan3A_714 : i32 to index
        %parallel_loop3A_764 = arith.index_cast %parallel_loop3A_721 : i32 to index
        %parallel_loop3A_765 = tpu.vector_load %arg7[%parallel_loop3A_762, %parallel_loop3A_763, %parallel_loop3A_764] {strides = array<i32>} : memref<4x8x1024xf32, #tpu.memory_space<vmem>>, vector<1x1x16xf32>,
        %parallel_loop3A_766 = vector.shape_cast %parallel_loop3A_765 : vector<1x1x16xf32> to vector<16xf32>
        %parallel_loop3A_767 = vector.shape_cast %parallel_loop3A_760 : vector<16xf32> to vector<1x1x16xf32>
        tpu.vector_store %arg7[%parallel_loop3A_762, %parallel_loop3A_763, %parallel_loop3A_764], %parallel_loop3A_767 {strides = array<i32>} : memref<4x8x1024xf32, #tpu.memory_space<vmem>>, vector<1x1x16xf32>,
        %parallel_loop3A_768 = arith.constant 3 : i32
        %parallel_loop3A_769 = arith.index_cast %parallel_loop3A_768 : i32 to index
        %parallel_loop3A_770 = arith.index_cast %scan3A_714 : i32 to index
        %parallel_loop3A_771 = arith.index_cast %parallel_loop3A_721 : i32 to index
        %parallel_loop3A_772 = tpu.vector_load %arg7[%parallel_loop3A_769, %parallel_loop3A_770, %parallel_loop3A_771] {strides = array<i32>} : memref<4x8x1024xf32, #tpu.memory_space<vmem>>, vector<1x1x16xf32>,
        %parallel_loop3A_773 = vector.shape_cast %parallel_loop3A_772 : vector<1x1x16xf32> to vector<16xf32>
        %parallel_loop3A_774 = arith.addf %parallel_loop3A_773, %parallel_loop3A_725 : vector<16xf32>
        %parallel_loop3A_775 = arith.constant 3 : i32
        %parallel_loop3A_776 = arith.index_cast %parallel_loop3A_775 : i32 to index
        %parallel_loop3A_777 = arith.index_cast %scan3A_714 : i32 to index
        %parallel_loop3A_778 = arith.index_cast %parallel_loop3A_721 : i32 to index
        %parallel_loop3A_779 = tpu.vector_load %arg7[%parallel_loop3A_776, %parallel_loop3A_777, %parallel_loop3A_778] {strides = array<i32>} : memref<4x8x1024xf32, #tpu.memory_space<vmem>>, vector<1x1x16xf32>,
        %parallel_loop3A_780 = vector.shape_cast %parallel_loop3A_779 : vector<1x1x16xf32> to vector<16xf32>
        %parallel_loop3A_781 = vector.shape_cast %parallel_loop3A_774 : vector<16xf32> to vector<1x1x16xf32>
        tpu.vector_store %arg7[%parallel_loop3A_776, %parallel_loop3A_777, %parallel_loop3A_778], %parallel_loop3A_781 {strides = array<i32>} : memref<4x8x1024xf32, #tpu.memory_space<vmem>>, vector<1x1x16xf32>,
      } {sc.loop_unroll_factor = 8 : i64, sc.parallel_access}
      %scan3A_718 = arith.constant 0 : i32
      scf.yield %scan3A_718 : i32
    }
    %scan3A_693 = arith.constant 8 : i32
    %add3A_694 = arith.constant 120 : i32
    %add3A_695 = arith.addi %mul3A_2, %add3A_694 : i32
    %dma_start3A_696 = arith.constant 0 : i32
    %dma_start3A_697 = arith.constant 0 : i32
    %dma_start3A_698 = tpu.memref_slice %arg4[%dma_start3A_696, %add3A_695, %dma_start3A_697] : memref<4x4096x1024xf32, #tpu.memory_space<hbm>> -> memref<4x8x1024xf32, #tpu.memory_space<hbm>>
    %dma_start3A_699 = arith.constant 0 : i32
    %dma_start3A_700 = arith.constant 0 : i32
    %dma_start3A_701 = tpu.memref_slice %arg4[%dma_start3A_699, %add3A_695, %dma_start3A_700] : memref<4x4096x1024xf32, #tpu.memory_space<hbm>> -> memref<4x8x1024xf32, #tpu.memory_space<hbm>>
    tpu.enqueue_dma source(%arg7 : memref<4x8x1024xf32, #tpu.memory_space<vmem>>) target(%dma_start3A_701 : memref<4x8x1024xf32, #tpu.memory_space<hbm>>) target_semaphore(%arg15 : memref<!tpu.dma_semaphore, #tpu.memory_space<semaphore_mem>>)
    %dma_wait3A_702 = arith.constant 0 : i32
    %dma_wait3A_703 = arith.constant 0 : i32
    %dma_wait3A_704 = tpu.memref_slice %arg4[%dma_wait3A_702, %add3A_670, %dma_wait3A_703] : memref<4x4096x1024xf32, #tpu.memory_space<hbm>> -> memref<4x8x1024xf32, #tpu.memory_space<hbm>>
    %dma_wait3A_705 = arith.constant 0 : i32
    %dma_wait3A_706 = arith.constant 0 : i32
    %dma_wait3A_707 = tpu.memref_slice %arg4[%dma_wait3A_705, %add3A_670, %dma_wait3A_706] : memref<4x4096x1024xf32, #tpu.memory_space<hbm>> -> memref<4x8x1024xf32, #tpu.memory_space<hbm>>
    tpu.wait_dma2 semaphore(%arg17 : memref<!tpu.dma_semaphore, #tpu.memory_space<semaphore_mem>>) src(%arg9 : memref<4x8x1024xf32, #tpu.memory_space<vmem>>) dst(%dma_wait3A_707 : memref<4x8x1024xf32, #tpu.memory_space<hbm>>)
    %dma_wait3A_708 = arith.constant 0 : i32
    %dma_wait3A_709 = arith.constant 0 : i32
    %dma_wait3A_710 = tpu.memref_slice %arg4[%dma_wait3A_708, %add3A_695, %dma_wait3A_709] : memref<4x4096x1024xf32, #tpu.memory_space<hbm>> -> memref<4x8x1024xf32, #tpu.memory_space<hbm>>
    %dma_wait3A_711 = arith.constant 0 : i32
    %dma_wait3A_712 = arith.constant 0 : i32
    %dma_wait3A_713 = tpu.memref_slice %arg4[%dma_wait3A_711, %add3A_695, %dma_wait3A_712] : memref<4x4096x1024xf32, #tpu.memory_space<hbm>> -> memref<4x8x1024xf32, #tpu.memory_space<hbm>>
    tpu.wait_dma2 semaphore(%arg15 : memref<!tpu.dma_semaphore, #tpu.memory_space<semaphore_mem>>) src(%arg7 : memref<4x8x1024xf32, #tpu.memory_space<vmem>>) dst(%dma_wait3A_713 : memref<4x8x1024xf32, #tpu.memory_space<hbm>>)
    return
  }
}

</mosaic_0001>

<sc_bundles>
// kernel: kernel.3.cloned.1.call-start
scs
__scs_entry_jumppad:
0x0: {  	(pc) =	sbr.rel $0x88, $3  }
0x1: {  	(tag) =	ssettag $0x0;
	lr =	simm.s32 $0x1  }
0x2: {  	[smem:$0x3F9F] =	sst lr;
	_ =	strace $0xD0000000  }
0x3: {  	_ = 	snop  }
0x4: {  	_ = 	snop  }
0x5: {  	_ = 	snop  }
0x6: {  	_ = 	snop  }
0x7: {  	_ = 	snop  }
__scs_overlays_trampoline_lowered:
0x8: {  	[smem:$0x3FAE] =	sst s0  }
0x9: {  	[smem:$0x3FAF] =	sst s1  }
0xa: {  	[smem:$0x3FB0] =	sst s2  }
0xb: {  	[smem:$0x3FB1] =	sst s3  }
0xc: {  	[smem:$0x3FB2] =	sst s4  }
0xd: {  	[smem:$0x3FB3] =	sst s5  }
0xe: {  	[smem:$0x3FB4] =	sst s6  }
0xf: {  	[smem:$0x3FB5] =	sst s7  }
0x10: {  	[smem:$0x3FB6] =	sst s8  }
0x11: {  	[smem:$0x3FB7] =	sst s9;
	s0 =	simm.s32 @!p0 $0x0  }
0x12: {  	s1 =	sld [smem:$0x3F9D];
	s0 =	simm.s32 @p0 $0x1  }
0x13: {  	[smem:$0x3FB8] =	sst s0;
	s0 =	simm.s32 @!p1 $0x0  }
0x14: {  	s2 =	sld [smem:$0x3F9C];
	s0 =	simm.s32 @p1 $0x1  }
0x15: {  	[smem:$0x3FB9] =	sst s0;
	s0 =	simm.s32 @!p2 $0x0  }
0x16: {  	s3 =	sld [smem:$0x3FDB];
	s0 =	simm.s32 @p2 $0x1  }
0x17: {  	s4 =	simm.s32 $0x1BF5;
	[smem:$0x3FBB] =	sst s0  }
0x18: {  	s0 =	sld [smem:$0x3F9E];
	_ =	swait.ge [sflag:s4], $0x0  }
0x19: {  	s7 =	sld [smem:$0x3F9F]  }
0x1a: {  	s8 =	sadd.s32 $0xFFFFE003, lr  }
0x1b: {  	s9 =	sadd.s32 $0xFFFFFEF7, lr;
	s5 =	simm.s32 $0xFFFFFFFF;
	p2 =	slt.u32 s8, $0xFFFFF086  }
0x1c: {  	p1 =	slt.u32 s9, $0xF7A;
	s5 =	simm.s32 @!p2 $0x0  }
0x1d: {  	s5 =	simm.s32 @p1 $0x1;
	p0 =	seq.s32 s7, s2  }
0x1e: {  	s7 =	smul.u32 @!p0 $0xF7A, s2;
	p2 =	seq.s32 @!p0 s5, $0x0  }
0x1f: {  	s9 =	smul.u32 $0xF7A, s1;
	s8 =	simm.s32 @!p0 $0x1BF5;
	p2 =	por !p2, p0  }
0x20: {  	[sflag:s8] =	ssyncset.s32 @!p0 $0xFFFFF086;
	s6 =	sadd.s32 @!p0 s3, s7;
	s7 =	simm.s32 @!p0 $0x108  }
0x21: {  	s3 =	sadd.s32 s3, s9;
	s6 =	sadd.s32 @!p0 $0x88, s6;
	s7 =	simm.s32 @p2 $0x1082  }
0x22: {  	[simem:s7], [sflag:s8] =	dma.local @!p0 [hbm:s6], $0xF7A  }
0x23: {  	s9 =	sor.u32 $0xD0000000, s2;
	s6 =	simm.s32 $0x108;
	_ =	swait.ge @!p0 [sflag:s8], $0x0  }
0x24: {  	s3 =	sadd.s32 $0x88, s3;
	s6 =	simm.s32 @!p1 $0x1082;
	[sflag:s4] =	ssyncset.s32 $0xFFFFF086  }
0x25: {  	[simem:s6], [sflag:s4] =	dma.local [hbm:s3], $0xF7A  }
0x26: {  	[smem:$0x3F9F] =	sst s1;
	(tag) =	ssettag s2;
	_ =	strace s9  }
0x27: {  	s1 =	sld [smem:$0x3FAF]  }
0x28: {  	s2 =	sld [smem:$0x3FB0]  }
0x29: {  	s4 =	sld [smem:$0x3FB2]  }
0x2a: {  	p0 =	seq.s32 s5, $0x0;
	s5 =	sld [smem:$0x3FB3]  }
0x2b: {  	s6 =	sld [smem:$0x3FB4]  }
0x2c: {  	s7 =	sld [smem:$0x3FB5]  }
0x2d: {  	s3 =	simm.s32 $0x108;
	s8 =	sld [smem:$0x3FB6]  }
0x2e: {  	s3 =	simm.s32 @!p0 $0x1082;
	s9 =	sld [smem:$0x3FB7]  }
0x2f: {  	lr =	sadd.s32 s0, s3;
	s0 =	sld [smem:$0x3FAE]  }
0x30: {  	s3 =	sld [smem:$0x3FB1]  }
0x31: {  	[smem:$0x3FBA] =	sst s10  }
0x32: {  	s10 =	sld [smem:$0x3FB8];
	_ =	sdelay $0x3  }
0x33: {  	p0 =	seq.s32 s10, $0x1;
	s10 =	sld [smem:$0x3FBA];
	_ =	sdelay $0x3  }
0x34: {  	[smem:$0x3FBA] =	sst s10  }
0x35: {  	s10 =	sld [smem:$0x3FB9];
	_ =	sdelay $0x3  }
0x36: {  	p1 =	seq.s32 s10, $0x1;
	s10 =	sld [smem:$0x3FBA];
	_ =	sdelay $0x3  }
0x37: {  	[smem:$0x3FBA] =	sst s10  }
0x38: {  	s10 =	sld [smem:$0x3FBB]  }
0x39: {  	_ = 	snop;
	(pc) =	sbr.ind lr, $3  }
0x3a: {  	_ = 	snop  }
0x3b: {  	_ = 	snop  }
0x3c: {  	p2 =	seq.s32 s10, $0x1;
	s10 =	sld [smem:$0x3FBA]  }
0x3d: {  	_ =	shalt  }
0x3e: {  	_ =	shalt  }
0x3f: {  	_ =	shalt  }
0x40: {  	_ =	shalt  }
0x41: {  	_ =	shalt  }
0x42: {  	_ =	shalt  }
0x43: {  	_ =	shalt  }
0x44: {  	_ =	shalt  }
0x45: {  	_ =	shalt  }
0x46: {  	_ =	shalt  }
0x47: {  	_ =	shalt  }
0x48: {  	_ =	shalt  }
0x49: {  	_ =	shalt  }
0x4a: {  	_ =	shalt  }
0x4b: {  	_ =	shalt  }
0x4c: {  	_ =	shalt  }
0x4d: {  	_ =	shalt  }
0x4e: {  	_ =	shalt  }
0x4f: {  	_ =	shalt  }
0x50: {  	_ =	shalt  }
0x51: {  	_ =	shalt  }
0x52: {  	_ =	shalt  }
0x53: {  	_ =	shalt  }
0x54: {  	_ =	shalt  }
0x55: {  	_ =	shalt  }
0x56: {  	_ =	shalt  }
0x57: {  	_ =	shalt  }
0x58: {  	_ =	shalt  }
0x59: {  	_ =	shalt  }
0x5a: {  	_ =	shalt  }
0x5b: {  	_ =	shalt  }
0x5c: {  	_ =	shalt  }
0x5d: {  	_ =	shalt  }
0x5e: {  	_ =	shalt  }
0x5f: {  	_ =	shalt  }
0x60: {  	_ =	shalt  }
0x61: {  	_ =	shalt  }
0x62: {  	_ =	shalt  }
0x63: {  	_ =	shalt  }
0x64: {  	_ =	shalt  }
0x65: {  	_ =	shalt  }
0x66: {  	_ =	shalt  }
0x67: {  	_ =	shalt  }
0x68: {  	_ =	shalt  }
0x69: {  	_ =	shalt  }
0x6a: {  	_ =	shalt  }
0x6b: {  	_ =	shalt  }
0x6c: {  	_ =	shalt  }
0x6d: {  	_ =	shalt  }
0x6e: {  	_ =	shalt  }
0x6f: {  	_ =	shalt  }
0x70: {  	_ =	shalt  }
0x71: {  	_ =	shalt  }
0x72: {  	_ =	shalt  }
0x73: {  	_ =	shalt  }
0x74: {  	_ =	shalt  }
0x75: {  	_ =	shalt  }
0x76: {  	_ =	shalt  }
0x77: {  	_ =	shalt  }
0x78: {  	_ =	shalt  }
0x79: {  	_ =	shalt  }
0x7a: {  	_ =	shalt  }
0x7b: {  	_ =	shalt  }
0x7c: {  	_ =	shalt  }
0x7d: {  	_ =	shalt  }
0x7e: {  	_ =	shalt  }
0x7f: {  	_ =	shalt  }
0x80: {  	_ =	shalt  }
0x81: {  	_ =	shalt  }
0x82: {  	_ =	shalt  }
0x83: {  	_ =	shalt  }
0x84: {  	_ =	shalt  }
0x85: {  	_ =	shalt  }
0x86: {  	_ =	shalt  }
0x87: {  	_ =	shalt  }
.Lfunc_end0:
.L_simem_size_0:
called_computation_lowered:
.L_overlay_start_0:
0x88: {  	s2 =	sld [smem:$0x3FD9]  }
0x89: {  	s3 =	sld [smem:$0x3FFE];
	_ =	sdelay $0x1  }
0x8a: {  	s1 =	srdreg.scid  }
0x8b: {  	s0 =	sand.u32 $0x1, s1  }
0x8c: {  	s18 =	sshll.u32 s0, $0xA;
	s2 =	sadd.s32 s3, s2  }
0x8d: {  	s2 =	sadd.s32 s2, s18  }
0x8e: {  	[smem:$0x3FC6] =	sst s2  }
0x8f: {  	_ = 	snop  }
0x90: {  	s2 =	sld [smem:$0x3FC9]  }
0x91: {  	s19 =	sld [smem:$0x3FC8]  }
0x92: {  	s4 =	sld [smem:$0x3FD0];
	(tm) =	ssettm $0x1  }
0x93: {  	s5 =	sld [smem:$0x3FFB];
	_ =	sdelay $0x3  }
0x94: {  	_ =	strace s5  }
0x95: {  	s5 =	sld [smem:$0x3FFC];
	_ =	sdelay $0x3  }
0x96: {  	_ =	strace s5  }
0x97: {  	s5 =	sld [smem:$0x3FFD];
	_ =	sdelay $0x3  }
0x98: {  	_ =	strace s5  }
0x99: {  	_ =	strace $0x8FFFFFFF  }
0x9a: {  	s20 =	sld [smem:$0x3FDB];
	_ =	sdelay $0x1  }
0x9b: {  	s6 =	simm.s32 $_scs_section_size  }
0x9c: {  	s7 =	simm.s32 $_size__tile_overlayer_lowered;
	s8 =	simm.s32 $_tile_overlayer_lowered  }
0x9d: {  	s23 =	simm.s32 $0x1BFF;
	s22 =	sshll.u32 s8, $0x1;
	s5 =	sadd.s32 s6, s20  }
0x9e: {  	s9 =	simm.s32 $0x0;
	s21 =	sshll.u32 s7, $0x1;
	s7 =	sadd.s32 s22, s5  }
0x9f: {  	[timem:s9], [sflag:s23] =	dma.local [hbm:s7], s21  }
0xa0: {  	_ =	swait.ge [sflag:s23], s21  }
0xa1: {  	s6 =	ssub.s32 $0x0, s21;
	[sflag:s23] =	ssyncset.done $0x0  }
0xa2: {  	[sflag:s23] =	ssyncadd.s32 s6;
	_ =	sdelay $0x1  }
0xa3: {  	s24 =	simm.s32 $0x1B8B  }
0xa4: {  	_ =	swait.ge [sflag:s24], $0x1  }
0xa5: {  	[sflag:s24] =	ssyncset.done $0x0  }
0xa6: {  	s25 =	simm.s32 $0x1B8E;
	[sflag:s24] =	ssyncadd.s32 $0xFFFFFFFF  }
0xa7: {  	s26 =	simm.s32 $execute0_lowered;
	[smem:$0x3FD2] =	sst s25  }
0xa8: {  	s6 =	sshll.u32 s26, $0x1;
	_ =	strace $0x80000046;
	[dreg:$0x1] =	wrdreg $0xFFFFFFFF  }
0xa9: {  	s28 =	simm.s32 $_size_execute0_lowered;
	s5 =	sadd.s32 s5, s6;
	[dreg:$0x0] =	wrdreg $0x0  }
0xaa: {  	s6 =	sshll.u32 s28, $0x1;
	[dreg:$0x2] =	wrdreg s5  }
0xab: {  	[dreg:$0x3] =	wrdreg s6  }
0xac: {  	[dreg:$0x4] =	wrdreg $0xC0  }
0xad: {  	_ =	task [dreg:s9], $0x5FFFF  }
0xae: {  	[dreg:$0x1] =	wrdreg $0xFFFFFFFF  }
0xaf: {  	[dreg:$0x0] =	wrdreg $0x60  }
0xb0: {  	[dreg:$0x2] =	wrdreg s2  }
0xb1: {  	[dreg:$0x3] =	wrdreg s19  }
0xb2: {  	[dreg:$0x4] =	wrdreg s4  }
0xb3: {  	[dreg:$0x5] =	wrdreg $0x9  }
0xb4: {  	_ =	task.clear_ibuf [dreg:s9], $0x6FFFF;
	_ =	strace $0x90000046  }
0xb5: {  	s29 =	simm.s32 $0x9;
	_ =	strace $0x80000048  }
0xb6: {  	_ =	swait.ge [sflag:s29], $0x1  }
0xb7: {  	[sflag:s29] =	ssyncadd.s32 $0xFFFFFFFF  }
0xb8: {  	_ =	strace $0x90000048  }
0xb9: {  	_ =	sfence  }
0xba: {  	s30 =	sld [smem:$0x0];
	_ =	sdelay $0x2  }
0xbb: {  	s31 =	sshll.u32 s1, $0xD;
	s1 =	sshrl.u32 s1, $0x2  }
0xbc: {  	s3 =	sand.u32 $0x4000, s31;
	s1 =	sadd.s32 s1, s30  }
0xbd: {  	s0 =	sor.u32 s3, s0;
	s1 =	sshll.u32 s1, $0x11  }
0xbe: {  	s0 =	sor.u32 s1, s0  }
0xbf: {  	s0 =	sadd.s32 $0x8F2B, s0  }
0xc0: {  	[sflag:s0] =	ssyncadd.remote.s32 $0x1  }
0xc1: {  	_ =	sfence.sel $0xFFFF  }
0xc2: {  	[dreg:$0x0] =	wrdreg $0xFFFFFFFF;
	(pc) =	sbr.abs _section_cstart, $3  }
0xc3: {  	[dreg:$0x1] =	wrdreg $0xFFFFFFFF  }
0xc4: {  	_ =	task.clear_ibuf [dreg:s9], $0x2FFFF;
	_ =	strace $0x9FFFFFFF  }
0xc5: {  	(tm) =	ssettm $0x7FFFFFFF  }
tec
execute0_lowered:
.L_overlay_start_1:
0x0: {  	(tag) =	ssettag $0x1  }
0x1: {  	s3 =	srdreg.scid  }
0x2: {  	s2 =	rddreg [dreg:$0x0];
	s5 =	stileid.u32;
	s3 =	sand.u32 $0x1, s3  }
0x3: {  	s5 =	sshll.u32 s5, $0xF;
	s4 =	ssub.s32 $0x2, s3;
	s3 =	sshll.u32 s3, $0xE  }
0x4: {  	s1 =	rddreg [dreg:$0x1];
	s6 =	simm.s32 $0x0;
	s5 =	sor.u32 s3, s5  }
0x5: {  	[smem:$0x7FF] =	sst s6;
	s6 =	sor.u32 $0x400, s5  }
0x6: {  	s0 =	rddreg [dreg:$0x2];
	s7 =	sadd.s32 s2, s6  }
0x7: {  	s8 =	sor.u32 $0x800, s5;
	s9 =	sadd.s32 s1, s6;
	[dreg:$0x4] =	wrdreg s7  }
0x8: {  	s26 =	sshrl.u32 s4, $0x1;
	s10 =	sadd.s32 s2, s8;
	[dreg:$0x5] =	wrdreg s9  }
0x9: {  	s3 =	ssub.s32 s4, s26;
	s11 =	sadd.s32 s1, s8;
	[dreg:$0x6] =	wrdreg s10  }
0xa: {  	s12 =	sor.u32 $0xC00, s5;
	s4 =	sadd.s32 s0, s6;
	[dreg:$0x7] =	wrdreg s11  }
0xb: {  	s13 =	sadd.s32 s2, s12;
	[dreg:$0x8] =	wrdreg s4  }
0xc: {  	s14 =	sadd.s32 s1, s12;
	[dreg:$0x9] =	wrdreg s13  }
0xd: {  	s15 =	sor.u32 $0x1000, s5;
	s6 =	sadd.s32 s0, s8;
	[dreg:$0xa] =	wrdreg s14  }
0xe: {  	s16 =	sadd.s32 s2, s15;
	[dreg:$0xb] =	wrdreg s6  }
0xf: {  	s17 =	sor.u32 $0x1400, s5;
	s8 =	sadd.s32 s1, s15;
	[dreg:$0xc] =	wrdreg s16  }
0x10: {  	s18 =	sadd.s32 s2, s17;
	[dreg:$0xd] =	wrdreg s8  }
0x11: {  	s19 =	sadd.s32 s1, s17;
	[dreg:$0xf] =	wrdreg s18  }
0x12: {  	s21 =	sor.u32 $0x1800, s5;
	s20 =	sadd.s32 s0, s15;
	[dreg:$0x10] =	wrdreg s19  }
0x13: {  	s22 =	sadd.s32 s2, s21;
	[dreg:$0x11] =	wrdreg s20  }
0x14: {  	s24 =	sor.u32 $0x1C00, s5;
	s23 =	sadd.s32 s1, s21;
	[dreg:$0x12] =	wrdreg s22  }
0x15: {  	s25 =	sadd.s32 s2, s24;
	[dreg:$0x13] =	wrdreg s23  }
0x16: {  	s26 =	sadd.s32 s1, s24;
	[dreg:$0x16] =	wrdreg s25  }
0x17: {  	s4 =	sadd.s32 s0, s12;
	[dreg:$0x17] =	wrdreg s26  }
0x18: {  	s6 =	sadd.s32 s0, s17;
	[dreg:$0xe] =	wrdreg s4  }
0x19: {  	s23 =	sadd.s32 s1, s5;
	[dreg:$0x14] =	wrdreg s6  }
0x1a: {  	s4 =	sadd.s32 s0, s21;
	[smem:$0x7FC] =	sst s23  }
0x1b: {  	s7 =	sor.u32 $0x2000, s5;
	s6 =	sadd.s32 s0, s24;
	[dreg:$0x15] =	wrdreg s4  }
0x1c: {  	s28 =	simm.s32 $0x2;
	s8 =	sadd.s32 s2, s7;
	[dreg:$0x18] =	wrdreg s6  }
0x1d: {  	s10 =	sor.u32 $0x2400, s5;
	s9 =	sadd.s32 s1, s7;
	[dreg:$0x19] =	wrdreg s8  }
0x1e: {  	s29 =	simm.s32 $0x4;
	s11 =	sadd.s32 s2, s10;
	[dreg:$0x1a] =	wrdreg s9  }
0x1f: {  	s12 =	sor.u32 $0x2800, s5;
	s13 =	sadd.s32 s1, s10;
	[dreg:$0x1c] =	wrdreg s11  }
0x20: {  	s30 =	simm.s32 $0x6;
	s14 =	sadd.s32 s2, s12;
	[dreg:$0x1d] =	wrdreg s13  }
0x21: {  	s16 =	sor.u32 $0x2C00, s5;
	s15 =	sadd.s32 s1, s12;
	[dreg:$0x1f] =	wrdreg s14  }
0x22: {  	s31 =	simm.s32 $0x5;
	s17 =	sadd.s32 s2, s16;
	[smem:$0x7F4] =	sst s15  }
0x23: {  	s19 =	sor.u32 $0x3000, s5;
	s18 =	sadd.s32 s1, s16;
	[smem:$0x7F6] =	sst s17  }
0x24: {  	s25 =	sor.u32 $0x3400, s5;
	s20 =	sadd.s32 s2, s19;
	[smem:$0x7F7] =	sst s18  }
0x25: {  	s26 =	sor.u32 $0x3800, s5;
	s21 =	sadd.s32 s1, s19;
	[smem:$0x7F9] =	sst s20  }
0x26: {  	s22 =	sadd.s32 s0, s19;
	s24 =	sadd.s32 s2, s5;
	[smem:$0x7FA] =	sst s21  }
0x27: {  	s19 =	smax.u32 s3, $0x1;
	s23 =	simm.s32 $0xC000;
	[smem:$0x7FB] =	sst s22  }
0x28: {  	s4 =	sadd.s32 s0, s7;
	s6 =	sadd.s32 s0, s10;
	[smem:$0x7FD] =	sst s24  }
0x29: {  	s9 =	sadd.s32 s0, s5;
	s5 =	sor.u32 $0x3C00, s5;
	s10 =	sadd.s32 s2, s25  }
0x2a: {  	s11 =	sadd.s32 s1, s25;
	s13 =	sadd.s32 s2, s26;
	s15 =	sadd.s32 s1, s26  }
0x2b: {  	s17 =	sadd.s32 s0, s26;
	s20 =	simm.s32 $0x2000;
	s21 =	simm.s32 $0x400000  }
0x2c: {  	s22 =	simm.s32 $0x4000;
	s24 =	simm.s32 $0x1;
	[dreg:$0x1b] =	wrdreg s4  }
0x2d: {  	s26 =	simm.s32 $0x14000;
	[dreg:$0x1e] =	wrdreg s6;
	s4 =	sadd.s32 s0, s12  }
0x2e: {  	s12 =	sadd.s32 s0, s25;
	s14 =	sadd.s32 s2, s5;
	s18 =	sadd.s32 s0, s5  }
0x2f: {  	s25 =	simm.s32 $0x3;
	[smem:$0x7F5] =	sst s4;
	s4 =	sadd.s32 s0, s16  }
0x30: {  	s2 =	simm.s32 $0x0;
	s16 =	sadd.s32 s1, s5;
	[smem:$0x7F8] =	sst s4  }
0x31: {  	s0 =	simm.s32 $0x7;
	s1 =	simm.s32 $0x8;
	_ =	strace $0x80000047  }
.LBB2_1:
0x32: {  	s4 =	sld [smem:$0x7FC];
	_ =	sdelay $0x1  }
0x33: {  	s3 =	simm.s32 $0x0;
	s6 =	sld [smem:$0x7FD]  }
0x34: {  	[tilespmem:s3], [sflag:$0x1] =	stream.linear.gather [hbm4b:s4+s3], $0x2000, $0x38;
	[tilespmem:$0x1C000] =	vst v63  }
0x35: {  	_ = 	snop  }
0x36: {  	[tilespmem:s22], [sflag:$0x3] =	stream.strided.gather [hbm4b:s6+s20], $0x8000, s21, s20, $0x38;
	[tilespmem:$0x1C000] =	vst v63  }
0x37: {  	s7 =	rddreg [dreg:$0x4]  }
0x38: {  	[tilespmem:s23], [sflag:$0x4] =	stream.strided.gather [hbm4b:s7+s20], $0x8000, s21, s20, $0x38;
	[tilespmem:$0x1C000] =	vst v63  }
0x39: {  	s8 =	rddreg [dreg:$0x5]  }
0x3a: {  	[tilespmem:s20], [sflag:$0x2] =	stream.linear.gather [hbm4b:s8+s3], $0x2000, $0x38;
	[tilespmem:$0x1C000] =	vst v63  }
0x3b: {  	_ =	swait.ge [sflag:s24], $0x2000  }
0x3c: {  	[sflag:s24] =	ssyncset.done $0x0  }
0x3d: {  	[sflag:s24] =	ssyncadd.s32 $0xFFFFE000  }
0x3e: {  	_ =	swait.ge [sflag:s25], $0x8000  }
0x3f: {  	[sflag:s25] =	ssyncset.done $0x0  }
0x40: {  	s4 =	simm.s32 $0x0;
	s3 =	simm.s32 $0x0;
	[sflag:s25] =	ssyncadd.s32 $0xFFFF8000  }
.LBB2_2:
0x41: {  	s5 =	sshra.s32 s3, $0x2  }
0x42: {  	v0 =	vld [tilespmem:s5+$0x70]  }
0x43: {  	v1 =	vld [tilespmem:s5+$0xA070]  }
0x44: {  	v2 =	vld [tilespmem:s5+$0x0]  }
0x45: {  	v3 =	vld [tilespmem:s5+$0x4000]  }
0x46: {  	v4 =	vld [tilespmem:s5+$0x6000]  }
0x47: {  	v5 =	vld [tilespmem:s5+$0x8000]  }
0x48: {  	v6 =	vld [tilespmem:s5+$0xA000]  }
0x49: {  	v7 =	vld [tilespmem:s5+$0x10]  }
0x4a: {  	v8 =	vld [tilespmem:s5+$0x4010]  }
0x4b: {  	v9 =	vld [tilespmem:s5+$0x6010]  }
0x4c: {  	v10 =	vld [tilespmem:s5+$0x8010]  }
0x4d: {  	v11 =	vld [tilespmem:s5+$0xA010]  }
0x4e: {  	v12 =	vld [tilespmem:s5+$0x20];
	v1 =	vadd.f32 v1, v0  }
0x4f: {  	v13 =	vld [tilespmem:s5+$0x4020];
	v3 =	vadd.f32 v3, v2  }
0x50: {  	v60 =	vld [tilespmem:s5+$0x6030];
	[tilespmem:s5+$0xA070] =	vst v1;
	v1 =	vadd.f32 v4, v2  }
0x51: {  	v61 =	vld [tilespmem:s5+$0xA030];
	[tilespmem:s5+$0x4000] =	vst v3;
	v3 =	vadd.f32 v5, v2  }
0x52: {  	v4 =	vld [tilespmem:s5+$0x6020];
	[tilespmem:s5+$0x6000] =	vst v1;
	v1 =	vadd.f32 v6, v2  }
0x53: {  	v5 =	vld [tilespmem:s5+$0x8020];
	[tilespmem:s5+$0x8000] =	vst v3;
	v3 =	vadd.f32 v8, v7  }
0x54: {  	v2 =	vld [tilespmem:s5+$0xA020];
	[tilespmem:s5+$0xA000] =	vst v1;
	v1 =	vadd.f32 v9, v7  }
0x55: {  	v6 =	vld [tilespmem:s5+$0x30];
	[tilespmem:s5+$0x4010] =	vst v3;
	v3 =	vadd.f32 v10, v7  }
0x56: {  	v8 =	vld [tilespmem:s5+$0x4030];
	[tilespmem:s5+$0x6010] =	vst v1;
	v1 =	vadd.f32 v11, v7  }
0x57: {  	v62 =	vld [tilespmem:s5+$0xA040];
	[tilespmem:s5+$0x8010] =	vst v3;
	v3 =	vadd.f32 v13, v12  }
0x58: {  	v7 =	vld [tilespmem:s5+$0x8030];
	[tilespmem:s5+$0xA010] =	vst v1;
	v1 =	vadd.f32 v4, v12  }
0x59: {  	v4 =	vld [tilespmem:s5+$0x40];
	[tilespmem:s5+$0x4020] =	vst v3;
	v3 =	vadd.f32 v5, v12  }
0x5a: {  	v5 =	vld [tilespmem:s5+$0x4040];
	[tilespmem:s5+$0x6020] =	vst v1;
	v1 =	vadd.f32 v2, v12  }
0x5b: {  	v2 =	vld [tilespmem:s5+$0x6040];
	[tilespmem:s5+$0x8020] =	vst v3;
	v3 =	vadd.f32 v8, v6  }
0x5c: {  	v8 =	vld [tilespmem:s5+$0x8040];
	[tilespmem:s5+$0xA020] =	vst v1;
	v1 =	vadd.f32 v60, v6  }
0x5d: {  	[tilespmem:s5+$0x4030] =	vst v3;
	v3 =	vadd.f32 v7, v6;
	v7 =	vld [tilespmem:s5+$0x50]  }
0x5e: {  	[tilespmem:s5+$0x6030] =	vst v1;
	v1 =	vadd.f32 v61, v6;
	v6 =	vld [tilespmem:s5+$0x4050]  }
0x5f: {  	[tilespmem:s5+$0x8030] =	vst v3;
	v3 =	vadd.f32 v5, v4;
	v5 =	vld [tilespmem:s5+$0x6050]  }
0x60: {  	[tilespmem:s5+$0xA030] =	vst v1;
	v1 =	vadd.f32 v2, v4;
	v2 =	vld [tilespmem:s5+$0x8050]  }
0x61: {  	[tilespmem:s5+$0x4040] =	vst v3;
	v3 =	vadd.f32 v8, v4;
	v8 =	vld [tilespmem:s5+$0xA050]  }
0x62: {  	v63 =	vld [tilespmem:s5+$0x4060];
	v4 =	vadd.f32 v62, v4;
	[tilespmem:s5+$0x6040] =	vst v1  }
0x63: {  	v1 =	vld [tilespmem:s5+$0x60];
	[tilespmem:s5+$0x8040] =	vst v3;
	v3 =	vadd.f32 v6, v7  }
0x64: {  	[tilespmem:s5+$0xA040] =	vst v4;
	v4 =	vadd.f32 v5, v7;
	v6 =	vld [tilespmem:s5+$0x6060]  }
0x65: {  	[tilespmem:s5+$0x4050] =	vst v3;
	v2 =	vadd.f32 v2, v7;
	v3 =	vld [tilespmem:s5+$0x8060]  }
0x66: {  	[tilespmem:s5+$0x6050] =	vst v4;
	v5 =	vadd.f32 v8, v7;
	v4 =	vld [tilespmem:s5+$0xA060]  }
0x67: {  	[tilespmem:s5+$0x8050] =	vst v2;
	v2 =	vld [tilespmem:s5+$0x4070]  }
0x68: {  	s6 =	simm.s32 $0x0;
	s7 =	sadd.s32 $0x1000, s3;
	[tilespmem:s5+$0xA050] =	vst v5;
	v7 =	vadd.f32 v63, v1;
	v5 =	vld [tilespmem:s5+$0x6070]  }
.LBB2_3:
0x69: {  	s8 =	sshra.s32 s7, $0x2;
	v6 =	vadd.f32 v6, v1;
	v8 =	vld [tilespmem:s5+$0x8070]  }
0x6a: {  	s6 =	sadd.s32 $0x8, s6;
	v9 =	vld [tilespmem:s8+$0x70];
	[tilespmem:s5+$0x4060] =	vst v7;
	v3 =	vadd.f32 v3, v1  }
0x6b: {  	p0 =	slt.u32 s6, $0x38;
	v7 =	vld [tilespmem:s8+$0xA070];
	[tilespmem:s5+$0x6060] =	vst v6;
	v1 =	vadd.f32 v4, v1  }
0x6c: {  	v4 =	vld [tilespmem:s8+$0x0];
	[tilespmem:s5+$0x8060] =	vst v3;
	v2 =	vadd.f32 v2, v0  }
0x6d: {  	v3 =	vld [tilespmem:s8+$0x4000];
	[tilespmem:s5+$0xA060] =	vst v1;
	v1 =	vadd.f32 v5, v0  }
0x6e: {  	v5 =	vld [tilespmem:s8+$0x6000];
	[tilespmem:s5+$0x4070] =	vst v2;
	v2 =	vadd.f32 v8, v0  }
0x6f: {  	v6 =	vld [tilespmem:s8+$0x8000];
	[tilespmem:s5+$0x6070] =	vst v1;
	v0 =	vmov v9  }
0x70: {  	v1 =	vld [tilespmem:s8+$0xA000];
	v7 =	vadd.f32 v7, v0;
	[tilespmem:s5+$0x8070] =	vst v2;
	s5 =	smov.u32 s8  }
0x71: {  	v2 =	vld [tilespmem:s5+$0x10]  }
0x72: {  	v3 =	vadd.f32 v3, v4;
	v8 =	vld [tilespmem:s5+$0x4010];
	[tilespmem:s5+$0xA070] =	vst v7  }
0x73: {  	v5 =	vadd.f32 v5, v4;
	v7 =	vld [tilespmem:s5+$0x6010]  }
0x74: {  	[tilespmem:s5+$0x4000] =	vst v3;
	v3 =	vadd.f32 v6, v4;
	v6 =	vld [tilespmem:s5+$0x8010]  }
0x75: {  	[tilespmem:s5+$0x6000] =	vst v5;
	v1 =	vadd.f32 v1, v4;
	v4 =	vld [tilespmem:s5+$0xA010]  }
0x76: {  	[tilespmem:s5+$0x8000] =	vst v3;
	v3 =	vld [tilespmem:s5+$0x20]  }
0x77: {  	[tilespmem:s5+$0xA000] =	vst v1;
	v1 =	vadd.f32 v8, v2;
	v5 =	vld [tilespmem:s5+$0x4020]  }
0x78: {  	v7 =	vadd.f32 v7, v2;
	v8 =	vld [tilespmem:s5+$0x6020]  }
0x79: {  	[tilespmem:s5+$0x4010] =	vst v1;
	v1 =	vadd.f32 v6, v2;
	v6 =	vld [tilespmem:s5+$0x8020]  }
0x7a: {  	[tilespmem:s5+$0x6010] =	vst v7;
	v2 =	vadd.f32 v4, v2;
	v4 =	vld [tilespmem:s5+$0xA020]  }
0x7b: {  	[tilespmem:s5+$0x8010] =	vst v1;
	v1 =	vld [tilespmem:s5+$0x30]  }
0x7c: {  	[tilespmem:s5+$0xA010] =	vst v2;
	v2 =	vadd.f32 v5, v3;
	v5 =	vld [tilespmem:s5+$0x4030]  }
0x7d: {  	v7 =	vadd.f32 v8, v3;
	v8 =	vld [tilespmem:s5+$0x6030]  }
0x7e: {  	[tilespmem:s5+$0x4020] =	vst v2;
	v2 =	vadd.f32 v6, v3;
	v6 =	vld [tilespmem:s5+$0x8030]  }
0x7f: {  	[tilespmem:s5+$0x6020] =	vst v7;
	v3 =	vadd.f32 v4, v3;
	v4 =	vld [tilespmem:s5+$0xA030]  }
0x80: {  	[tilespmem:s5+$0x8020] =	vst v2;
	v2 =	vld [tilespmem:s5+$0x40]  }
0x81: {  	[tilespmem:s5+$0xA020] =	vst v3;
	v3 =	vadd.f32 v5, v1;
	v5 =	vld [tilespmem:s5+$0x4040]  }
0x82: {  	v7 =	vadd.f32 v8, v1;
	v8 =	vld [tilespmem:s5+$0x6040]  }
0x83: {  	[tilespmem:s5+$0x4030] =	vst v3;
	v3 =	vadd.f32 v6, v1;
	v6 =	vld [tilespmem:s5+$0x8040]  }
0x84: {  	[tilespmem:s5+$0x6030] =	vst v7;
	v1 =	vadd.f32 v4, v1;
	v4 =	vld [tilespmem:s5+$0xA040]  }
0x85: {  	[tilespmem:s5+$0x8030] =	vst v3;
	v7 =	vld [tilespmem:s5+$0x50]  }
0x86: {  	[tilespmem:s5+$0xA030] =	vst v1;
	v1 =	vadd.f32 v5, v2;
	v3 =	vld [tilespmem:s5+$0x4050]  }
0x87: {  	v5 =	vadd.f32 v8, v2;
	v8 =	vld [tilespmem:s5+$0x6050]  }
0x88: {  	[tilespmem:s5+$0x4040] =	vst v1;
	v1 =	vadd.f32 v6, v2;
	v9 =	vld [tilespmem:s5+$0x8050]  }
0x89: {  	[tilespmem:s5+$0x6040] =	vst v5;
	v2 =	vadd.f32 v4, v2;
	v4 =	vld [tilespmem:s5+$0xA050]  }
0x8a: {  	[tilespmem:s5+$0x8040] =	vst v1;
	v1 =	vld [tilespmem:s5+$0x60]  }
0x8b: {  	[tilespmem:s5+$0xA040] =	vst v2;
	v2 =	vadd.f32 v3, v7;
	v5 =	vld [tilespmem:s5+$0x4060]  }
.Ltmp0:
0x8c: {  	v8 =	vadd.f32 v8, v7;
	v6 =	vld [tilespmem:s5+$0x6060];
	(pc) =	sbr.rel @p0 .LBB2_3-.Ltmp0, $4  }
0x8d: {  	[tilespmem:s5+$0x4050] =	vst v2;
	v2 =	vadd.f32 v9, v7;
	v3 =	vld [tilespmem:s5+$0x8060]  }
0x8e: {  	[tilespmem:s5+$0x6050] =	vst v8;
	v7 =	vadd.f32 v4, v7;
	v4 =	vld [tilespmem:s5+$0xA060]  }
0x8f: {  	[tilespmem:s5+$0x8050] =	vst v2;
	v2 =	vld [tilespmem:s5+$0x4070]  }
0x90: {  	s7 =	sadd.s32 $0x1000, s7;
	[tilespmem:s5+$0xA050] =	vst v7;
	v7 =	vadd.f32 v5, v1;
	v5 =	vld [tilespmem:s5+$0x6070]  }
0x91: {  	v6 =	vadd.f32 v6, v1;
	v8 =	vld [tilespmem:s5+$0x8070]  }
0x92: {  	s4 =	sadd.s32 $0x1, s4;
	[tilespmem:s5+$0x4060] =	vst v7;
	v3 =	vadd.f32 v3, v1  }
0x93: {  	p0 =	sne.s32 s4, $0x8;
	[tilespmem:s5+$0x6060] =	vst v6;
	v61 =	vadd.f32 v4, v1  }
.Ltmp1:
0x94: {  	[tilespmem:s5+$0x8060] =	vst v3;
	v2 =	vadd.f32 v2, v0;
	(pc) =	sbr.rel @p0 .LBB2_2-.Ltmp1, $4  }
0x95: {  	[tilespmem:s5+$0xA060] =	vst v61;
	v62 =	vadd.f32 v5, v0  }
0x96: {  	[tilespmem:s5+$0x4070] =	vst v2;
	v63 =	vadd.f32 v8, v0  }
0x97: {  	[tilespmem:s5+$0x6070] =	vst v62  }
0x98: {  	s3 =	sadd.s32 $0x200, s3;
	[tilespmem:s5+$0x8070] =	vst v63  }
0x99: {  	[hbm4b:s9+s20] =	stream.strided.scatter [tilespmem:s22], [sflag:$0x6], $0x8000, s21, s20, $0x38;
	[tilespmem:$0x1C000] =	vst v63  }
0x9a: {  	s3 =	rddreg [dreg:$0x6]  }
0x9b: {  	[tilespmem:s26], [sflag:$0x5] =	stream.strided.gather [hbm4b:s3+s20], $0x8000, s21, s20, $0x38;
	[tilespmem:$0x1C000] =	vst v63  }
0x9c: {  	s4 =	rddreg [dreg:$0x7];
	s3 =	simm.s32 $0x0  }
0x9d: {  	[tilespmem:s3], [sflag:$0x1] =	stream.linear.gather [hbm4b:s4+s3], $0x2000, $0x38;
	[tilespmem:$0x1C000] =	vst v63  }
0x9e: {  	_ =	swait.ge [sflag:s28], $0x2000  }
0x9f: {  	[sflag:s28] =	ssyncset.done $0x0  }
0xa0: {  	[sflag:s28] =	ssyncadd.s32 $0xFFFFE000  }
0xa1: {  	_ =	swait.ge [sflag:s29], $0x8000  }
0xa2: {  	[sflag:s29] =	ssyncset.done $0x0  }
0xa3: {  	s4 =	simm.s32 $0x0;
	[sflag:s29] =	ssyncadd.s32 $0xFFFF8000  }
.LBB2_6:
0xa4: {  	s5 =	sshra.s32 s3, $0x2  }
0xa5: {  	v0 =	vld [tilespmem:s5+$0x2070]  }
0xa6: {  	v1 =	vld [tilespmem:s5+$0x12070]  }
0xa7: {  	v2 =	vld [tilespmem:s5+$0x2000]  }
0xa8: {  	v3 =	vld [tilespmem:s5+$0xC000]  }
0xa9: {  	v4 =	vld [tilespmem:s5+$0xE000]  }
0xaa: {  	v5 =	vld [tilespmem:s5+$0x10000]  }
0xab: {  	v6 =	vld [tilespmem:s5+$0x12000]  }
0xac: {  	v7 =	vld [tilespmem:s5+$0x2010]  }
0xad: {  	v8 =	vld [tilespmem:s5+$0xC010]  }
0xae: {  	v9 =	vld [tilespmem:s5+$0xE010]  }
0xaf: {  	v10 =	vld [tilespmem:s5+$0x10010]  }
0xb0: {  	v11 =	vld [tilespmem:s5+$0x12010]  }
0xb1: {  	v12 =	vld [tilespmem:s5+$0x2020];
	v1 =	vadd.f32 v1, v0  }
0xb2: {  	v13 =	vld [tilespmem:s5+$0xC020];
	v3 =	vadd.f32 v3, v2  }
0xb3: {  	v60 =	vld [tilespmem:s5+$0xE030];
	[tilespmem:s5+$0x12070] =	vst v1;
	v1 =	vadd.f32 v4, v2  }
0xb4: {  	v61 =	vld [tilespmem:s5+$0x12030];
	[tilespmem:s5+$0xC000] =	vst v3;
	v3 =	vadd.f32 v5, v2  }
0xb5: {  	v4 =	vld [tilespmem:s5+$0xE020];
	[tilespmem:s5+$0xE000] =	vst v1;
	v1 =	vadd.f32 v6, v2  }
0xb6: {  	v5 =	vld [tilespmem:s5+$0x10020];
	[tilespmem:s5+$0x10000] =	vst v3;
	v3 =	vadd.f32 v8, v7  }
0xb7: {  	v2 =	vld [tilespmem:s5+$0x12020];
	[tilespmem:s5+$0x12000] =	vst v1;
	v1 =	vadd.f32 v9, v7  }
0xb8: {  	v6 =	vld [tilespmem:s5+$0x2030];
	[tilespmem:s5+$0xC010] =	vst v3;
	v3 =	vadd.f32 v10, v7  }
0xb9: {  	v8 =	vld [tilespmem:s5+$0xC030];
	[tilespmem:s5+$0xE010] =	vst v1;
	v1 =	vadd.f32 v11, v7  }
0xba: {  	v62 =	vld [tilespmem:s5+$0x12040];
	[tilespmem:s5+$0x10010] =	vst v3;
	v3 =	vadd.f32 v13, v12  }
0xbb: {  	v7 =	vld [tilespmem:s5+$0x10030];
	[tilespmem:s5+$0x12010] =	vst v1;
	v1 =	vadd.f32 v4, v12  }
0xbc: {  	v4 =	vld [tilespmem:s5+$0x2040];
	[tilespmem:s5+$0xC020] =	vst v3;
	v3 =	vadd.f32 v5, v12  }
0xbd: {  	v5 =	vld [tilespmem:s5+$0xC040];
	[tilespmem:s5+$0xE020] =	vst v1;
	v1 =	vadd.f32 v2, v12  }
0xbe: {  	v2 =	vld [tilespmem:s5+$0xE040];
	[tilespmem:s5+$0x10020] =	vst v3;
	v3 =	vadd.f32 v8, v6  }
0xbf: {  	v8 =	vld [tilespmem:s5+$0x10040];
	[tilespmem:s5+$0x12020] =	vst v1;
	v1 =	vadd.f32 v60, v6  }
0xc0: {  	[tilespmem:s5+$0xC030] =	vst v3;
	v3 =	vadd.f32 v7, v6;
	v7 =	vld [tilespmem:s5+$0x2050]  }
0xc1: {  	[tilespmem:s5+$0xE030] =	vst v1;
	v1 =	vadd.f32 v61, v6;
	v6 =	vld [tilespmem:s5+$0xC050]  }
0xc2: {  	[tilespmem:s5+$0x10030] =	vst v3;
	v3 =	vadd.f32 v5, v4;
	v5 =	vld [tilespmem:s5+$0xE050]  }
0xc3: {  	[tilespmem:s5+$0x12030] =	vst v1;
	v1 =	vadd.f32 v2, v4;
	v2 =	vld [tilespmem:s5+$0x10050]  }
0xc4: {  	[tilespmem:s5+$0xC040] =	vst v3;
	v3 =	vadd.f32 v8, v4;
	v8 =	vld [tilespmem:s5+$0x12050]  }
0xc5: {  	v63 =	vld [tilespmem:s5+$0xC060];
	v4 =	vadd.f32 v62, v4;
	[tilespmem:s5+$0xE040] =	vst v1  }
0xc6: {  	v1 =	vld [tilespmem:s5+$0x2060];
	[tilespmem:s5+$0x10040] =	vst v3;
	v3 =	vadd.f32 v6, v7  }
0xc7: {  	[tilespmem:s5+$0x12040] =	vst v4;
	v4 =	vadd.f32 v5, v7;
	v6 =	vld [tilespmem:s5+$0xE060]  }
0xc8: {  	[tilespmem:s5+$0xC050] =	vst v3;
	v2 =	vadd.f32 v2, v7;
	v3 =	vld [tilespmem:s5+$0x10060]  }
0xc9: {  	[tilespmem:s5+$0xE050] =	vst v4;
	v5 =	vadd.f32 v8, v7;
	v4 =	vld [tilespmem:s5+$0x12060]  }
0xca: {  	[tilespmem:s5+$0x10050] =	vst v2;
	v2 =	vld [tilespmem:s5+$0xC070]  }
0xcb: {  	s6 =	simm.s32 $0x0;
	s7 =	sadd.s32 $0x1000, s3;
	[tilespmem:s5+$0x12050] =	vst v5;
	v7 =	vadd.f32 v63, v1;
	v5 =	vld [tilespmem:s5+$0xE070]  }
.LBB2_7:
0xcc: {  	s8 =	sshra.s32 s7, $0x2;
	v6 =	vadd.f32 v6, v1;
	v8 =	vld [tilespmem:s5+$0x10070]  }
0xcd: {  	s6 =	sadd.s32 $0x8, s6;
	v9 =	vld [tilespmem:s8+$0x2070];
	[tilespmem:s5+$0xC060] =	vst v7;
	v3 =	vadd.f32 v3, v1  }
0xce: {  	p0 =	slt.u32 s6, $0x38;
	v7 =	vld [tilespmem:s8+$0x12070];
	[tilespmem:s5+$0xE060] =	vst v6;
	v1 =	vadd.f32 v4, v1  }
0xcf: {  	v4 =	vld [tilespmem:s8+$0x2000];
	[tilespmem:s5+$0x10060] =	vst v3;
	v2 =	vadd.f32 v2, v0  }
0xd0: {  	v3 =	vld [tilespmem:s8+$0xC000];
	[tilespmem:s5+$0x12060] =	vst v1;
	v1 =	vadd.f32 v5, v0  }
0xd1: {  	v5 =	vld [tilespmem:s8+$0xE000];
	[tilespmem:s5+$0xC070] =	vst v2;
	v2 =	vadd.f32 v8, v0  }
0xd2: {  	v6 =	vld [tilespmem:s8+$0x10000];
	[tilespmem:s5+$0xE070] =	vst v1;
	v0 =	vmov v9  }
0xd3: {  	v1 =	vld [tilespmem:s8+$0x12000];
	v7 =	vadd.f32 v7, v0;
	[tilespmem:s5+$0x10070] =	vst v2;
	s5 =	smov.u32 s8  }
0xd4: {  	v2 =	vld [tilespmem:s5+$0x2010]  }
0xd5: {  	v3 =	vadd.f32 v3, v4;
	v8 =	vld [tilespmem:s5+$0xC010];
	[tilespmem:s5+$0x12070] =	vst v7  }
0xd6: {  	v5 =	vadd.f32 v5, v4;
	v7 =	vld [tilespmem:s5+$0xE010]  }
0xd7: {  	[tilespmem:s5+$0xC000] =	vst v3;
	v3 =	vadd.f32 v6, v4;
	v6 =	vld [tilespmem:s5+$0x10010]  }
0xd8: {  	[tilespmem:s5+$0xE000] =	vst v5;
	v1 =	vadd.f32 v1, v4;
	v4 =	vld [tilespmem:s5+$0x12010]  }
0xd9: {  	[tilespmem:s5+$0x10000] =	vst v3;
	v3 =	vld [tilespmem:s5+$0x2020]  }
0xda: {  	[tilespmem:s5+$0x12000] =	vst v1;
	v1 =	vadd.f32 v8, v2;
	v5 =	vld [tilespmem:s5+$0xC020]  }
0xdb: {  	v7 =	vadd.f32 v7, v2;
	v8 =	vld [tilespmem:s5+$0xE020]  }
0xdc: {  	[tilespmem:s5+$0xC010] =	vst v1;
	v1 =	vadd.f32 v6, v2;
	v6 =	vld [tilespmem:s5+$0x10020]  }
0xdd: {  	[tilespmem:s5+$0xE010] =	vst v7;
	v2 =	vadd.f32 v4, v2;
	v4 =	vld [tilespmem:s5+$0x12020]  }
0xde: {  	[tilespmem:s5+$0x10010] =	vst v1;
	v1 =	vld [tilespmem:s5+$0x2030]  }
0xdf: {  	[tilespmem:s5+$0x12010] =	vst v2;
	v2 =	vadd.f32 v5, v3;
	v5 =	vld [tilespmem:s5+$0xC030]  }
0xe0: {  	v7 =	vadd.f32 v8, v3;
	v8 =	vld [tilespmem:s5+$0xE030]  }
0xe1: {  	[tilespmem:s5+$0xC020] =	vst v2;
	v2 =	vadd.f32 v6, v3;
	v6 =	vld [tilespmem:s5+$0x10030]  }
0xe2: {  	[tilespmem:s5+$0xE020] =	vst v7;
	v3 =	vadd.f32 v4, v3;
	v4 =	vld [tilespmem:s5+$0x12030]  }
0xe3: {  	[tilespmem:s5+$0x10020] =	vst v2;
	v2 =	vld [tilespmem:s5+$0x2040]  }
0xe4: {  	[tilespmem:s5+$0x12020] =	vst v3;
	v3 =	vadd.f32 v5, v1;
	v5 =	vld [tilespmem:s5+$0xC040]  }
0xe5: {  	v7 =	vadd.f32 v8, v1;
	v8 =	vld [tilespmem:s5+$0xE040]  }
0xe6: {  	[tilespmem:s5+$0xC030] =	vst v3;
	v3 =	vadd.f32 v6, v1;
	v6 =	vld [tilespmem:s5+$0x10040]  }
0xe7: {  	[tilespmem:s5+$0xE030] =	vst v7;
	v1 =	vadd.f32 v4, v1;
	v4 =	vld [tilespmem:s5+$0x12040]  }
0xe8: {  	[tilespmem:s5+$0x10030] =	vst v3;
	v7 =	vld [tilespmem:s5+$0x2050]  }
0xe9: {  	[tilespmem:s5+$0x12030] =	vst v1;
	v1 =	vadd.f32 v5, v2;
	v3 =	vld [tilespmem:s5+$0xC050]  }
0xea: {  	v5 =	vadd.f32 v8, v2;
	v8 =	vld [tilespmem:s5+$0xE050]  }
0xeb: {  	[tilespmem:s5+$0xC040] =	vst v1;
	v1 =	vadd.f32 v6, v2;
	v9 =	vld [tilespmem:s5+$0x10050]  }
0xec: {  	[tilespmem:s5+$0xE040] =	vst v5;
	v2 =	vadd.f32 v4, v2;
	v4 =	vld [tilespmem:s5+$0x12050]  }
0xed: {  	[tilespmem:s5+$0x10040] =	vst v1;
	v1 =	vld [tilespmem:s5+$0x2060]  }
0xee: {  	[tilespmem:s5+$0x12040] =	vst v2;
	v2 =	vadd.f32 v3, v7;
	v5 =	vld [tilespmem:s5+$0xC060]  }
.Ltmp2:
0xef: {  	v8 =	vadd.f32 v8, v7;
	v6 =	vld [tilespmem:s5+$0xE060];
	(pc) =	sbr.rel @p0 .LBB2_7-.Ltmp2, $4  }
0xf0: {  	[tilespmem:s5+$0xC050] =	vst v2;
	v2 =	vadd.f32 v9, v7;
	v3 =	vld [tilespmem:s5+$0x10060]  }
0xf1: {  	[tilespmem:s5+$0xE050] =	vst v8;
	v7 =	vadd.f32 v4, v7;
	v4 =	vld [tilespmem:s5+$0x12060]  }
0xf2: {  	[tilespmem:s5+$0x10050] =	vst v2;
	v2 =	vld [tilespmem:s5+$0xC070]  }
0xf3: {  	s7 =	sadd.s32 $0x1000, s7;
	[tilespmem:s5+$0x12050] =	vst v7;
	v7 =	vadd.f32 v5, v1;
	v5 =	vld [tilespmem:s5+$0xE070]  }
0xf4: {  	v6 =	vadd.f32 v6, v1;
	v8 =	vld [tilespmem:s5+$0x10070]  }
0xf5: {  	s4 =	sadd.s32 $0x1, s4;
	[tilespmem:s5+$0xC060] =	vst v7;
	v3 =	vadd.f32 v3, v1  }
0xf6: {  	p0 =	sne.s32 s4, $0x8;
	[tilespmem:s5+$0xE060] =	vst v6;
	v61 =	vadd.f32 v4, v1  }
.Ltmp3:
0xf7: {  	[tilespmem:s5+$0x10060] =	vst v3;
	v2 =	vadd.f32 v2, v0;
	(pc) =	sbr.rel @p0 .LBB2_6-.Ltmp3, $4  }
0xf8: {  	[tilespmem:s5+$0x12060] =	vst v61;
	v62 =	vadd.f32 v5, v0  }
0xf9: {  	[tilespmem:s5+$0xC070] =	vst v2;
	v63 =	vadd.f32 v8, v0  }
0xfa: {  	[tilespmem:s5+$0xE070] =	vst v62  }
0xfb: {  	s3 =	sadd.s32 $0x200, s3;
	[tilespmem:s5+$0x10070] =	vst v63  }
0xfc: {  	s3 =	rddreg [dreg:$0x8]  }
0xfd: {  	[hbm4b:s3+s20] =	stream.strided.scatter [tilespmem:s23], [sflag:$0x7], $0x8000, s21, s20, $0x38;
	[tilespmem:$0x1C000] =	vst v63  }
0xfe: {  	_ =	swait.ge [sflag:s30], $0x8000  }
0xff: {  	[sflag:s30] =	ssyncset.done $0x0  }
0x100: {  	s8 =	rddreg [dreg:$0x9];
	[sflag:s30] =	ssyncadd.s32 $0xFFFF8000  }
0x101: {  	[tilespmem:s22], [sflag:$0x3] =	stream.strided.gather [hbm4b:s8+s20], $0x8000, s21, s20, $0x38;
	[tilespmem:$0x1C000] =	vst v63  }
0x102: {  	s3 =	simm.s32 $0x0;
	s4 =	rddreg [dreg:$0xa]  }
0x103: {  	[tilespmem:s20], [sflag:$0x2] =	stream.linear.gather [hbm4b:s4+s3], $0x2000, $0x38;
	[tilespmem:$0x1C000] =	vst v63  }
0x104: {  	_ =	swait.ge [sflag:s24], $0x2000  }
0x105: {  	[sflag:s24] =	ssyncset.done $0x0  }
0x106: {  	[sflag:s24] =	ssyncadd.s32 $0xFFFFE000  }
0x107: {  	_ =	swait.ge [sflag:s31], $0x8000  }
0x108: {  	[sflag:s31] =	ssyncset.done $0x0  }
0x109: {  	s4 =	simm.s32 $0x0;
	[sflag:s31] =	ssyncadd.s32 $0xFFFF8000  }
.LBB2_10:
0x10a: {  	s5 =	sshra.s32 s3, $0x2  }
0x10b: {  	v0 =	vld [tilespmem:s5+$0x70]  }
0x10c: {  	v1 =	vld [tilespmem:s5+$0x1A070]  }
0x10d: {  	v2 =	vld [tilespmem:s5+$0x0]  }
0x10e: {  	v3 =	vld [tilespmem:s5+$0x14000]  }
0x10f: {  	v4 =	vld [tilespmem:s5+$0x16000]  }
0x110: {  	v5 =	vld [tilespmem:s5+$0x18000]  }
0x111: {  	v6 =	vld [tilespmem:s5+$0x1A000]  }
0x112: {  	v7 =	vld [tilespmem:s5+$0x10]  }
0x113: {  	v8 =	vld [tilespmem:s5+$0x14010]  }
0x114: {  	v9 =	vld [tilespmem:s5+$0x16010]  }
0x115: {  	v10 =	vld [tilespmem:s5+$0x18010]  }
0x116: {  	v11 =	vld [tilespmem:s5+$0x1A010]  }
0x117: {  	v12 =	vld [tilespmem:s5+$0x20];
	v1 =	vadd.f32 v1, v0  }
0x118: {  	v13 =	vld [tilespmem:s5+$0x14020];
	v3 =	vadd.f32 v3, v2  }
0x119: {  	v60 =	vld [tilespmem:s5+$0x16030];
	[tilespmem:s5+$0x1A070] =	vst v1;
	v1 =	vadd.f32 v4, v2  }
0x11a: {  	v61 =	vld [tilespmem:s5+$0x1A030];
	[tilespmem:s5+$0x14000] =	vst v3;
	v3 =	vadd.f32 v5, v2  }
0x11b: {  	v4 =	vld [tilespmem:s5+$0x16020];
	[tilespmem:s5+$0x16000] =	vst v1;
	v1 =	vadd.f32 v6, v2  }
0x11c: {  	v5 =	vld [tilespmem:s5+$0x18020];
	[tilespmem:s5+$0x18000] =	vst v3;
	v3 =	vadd.f32 v8, v7  }
0x11d: {  	v2 =	vld [tilespmem:s5+$0x1A020];
	[tilespmem:s5+$0x1A000] =	vst v1;
	v1 =	vadd.f32 v9, v7  }
0x11e: {  	v6 =	vld [tilespmem:s5+$0x30];
	[tilespmem:s5+$0x14010] =	vst v3;
	v3 =	vadd.f32 v10, v7  }
0x11f: {  	v8 =	vld [tilespmem:s5+$0x14030];
	[tilespmem:s5+$0x16010] =	vst v1;
	v1 =	vadd.f32 v11, v7  }
0x120: {  	v62 =	vld [tilespmem:s5+$0x1A040];
	[tilespmem:s5+$0x18010] =	vst v3;
	v3 =	vadd.f32 v13, v12  }
0x121: {  	v7 =	vld [tilespmem:s5+$0x18030];
	[tilespmem:s5+$0x1A010] =	vst v1;
	v1 =	vadd.f32 v4, v12  }
0x122: {  	v4 =	vld [tilespmem:s5+$0x40];
	[tilespmem:s5+$0x14020] =	vst v3;
	v3 =	vadd.f32 v5, v12  }
0x123: {  	v5 =	vld [tilespmem:s5+$0x14040];
	[tilespmem:s5+$0x16020] =	vst v1;
	v1 =	vadd.f32 v2, v12  }
0x124: {  	v2 =	vld [tilespmem:s5+$0x16040];
	[tilespmem:s5+$0x18020] =	vst v3;
	v3 =	vadd.f32 v8, v6  }
0x125: {  	v8 =	vld [tilespmem:s5+$0x18040];
	[tilespmem:s5+$0x1A020] =	vst v1;
	v1 =	vadd.f32 v60, v6  }
0x126: {  	[tilespmem:s5+$0x14030] =	vst v3;
	v3 =	vadd.f32 v7, v6;
	v7 =	vld [tilespmem:s5+$0x50]  }
0x127: {  	[tilespmem:s5+$0x16030] =	vst v1;
	v1 =	vadd.f32 v61, v6;
	v6 =	vld [tilespmem:s5+$0x14050]  }
0x128: {  	[tilespmem:s5+$0x18030] =	vst v3;
	v3 =	vadd.f32 v5, v4;
	v5 =	vld [tilespmem:s5+$0x16050]  }
0x129: {  	[tilespmem:s5+$0x1A030] =	vst v1;
	v1 =	vadd.f32 v2, v4;
	v2 =	vld [tilespmem:s5+$0x18050]  }
0x12a: {  	[tilespmem:s5+$0x14040] =	vst v3;
	v3 =	vadd.f32 v8, v4;
	v8 =	vld [tilespmem:s5+$0x1A050]  }
0x12b: {  	v63 =	vld [tilespmem:s5+$0x14060];
	v4 =	vadd.f32 v62, v4;
	[tilespmem:s5+$0x16040] =	vst v1  }
0x12c: {  	v1 =	vld [tilespmem:s5+$0x60];
	[tilespmem:s5+$0x18040] =	vst v3;
	v3 =	vadd.f32 v6, v7  }
0x12d: {  	[tilespmem:s5+$0x1A040] =	vst v4;
	v4 =	vadd.f32 v5, v7;
	v6 =	vld [tilespmem:s5+$0x16060]  }
0x12e: {  	[tilespmem:s5+$0x14050] =	vst v3;
	v2 =	vadd.f32 v2, v7;
	v3 =	vld [tilespmem:s5+$0x18060]  }
0x12f: {  	[tilespmem:s5+$0x16050] =	vst v4;
	v5 =	vadd.f32 v8, v7;
	v4 =	vld [tilespmem:s5+$0x1A060]  }
0x130: {  	[tilespmem:s5+$0x18050] =	vst v2;
	v2 =	vld [tilespmem:s5+$0x14070]  }
0x131: {  	s6 =	simm.s32 $0x0;
	s7 =	sadd.s32 $0x1000, s3;
	[tilespmem:s5+$0x1A050] =	vst v5;
	v7 =	vadd.f32 v63, v1;
	v5 =	vld [tilespmem:s5+$0x16070]  }
.LBB2_11:
0x132: {  	s8 =	sshra.s32 s7, $0x2;
	v6 =	vadd.f32 v6, v1;
	v8 =	vld [tilespmem:s5+$0x18070]  }
0x133: {  	s6 =	sadd.s32 $0x8, s6;
	v9 =	vld [tilespmem:s8+$0x70];
	[tilespmem:s5+$0x14060] =	vst v7;
	v3 =	vadd.f32 v3, v1  }
0x134: {  	p0 =	slt.u32 s6, $0x38;
	v7 =	vld [tilespmem:s8+$0x1A070];
	[tilespmem:s5+$0x16060] =	vst v6;
	v1 =	vadd.f32 v4, v1  }
0x135: {  	v4 =	vld [tilespmem:s8+$0x0];
	[tilespmem:s5+$0x18060] =	vst v3;
	v2 =	vadd.f32 v2, v0  }
0x136: {  	v3 =	vld [tilespmem:s8+$0x14000];
	[tilespmem:s5+$0x1A060] =	vst v1;
	v1 =	vadd.f32 v5, v0  }
0x137: {  	v5 =	vld [tilespmem:s8+$0x16000];
	[tilespmem:s5+$0x14070] =	vst v2;
	v2 =	vadd.f32 v8, v0  }
0x138: {  	v6 =	vld [tilespmem:s8+$0x18000];
	[tilespmem:s5+$0x16070] =	vst v1;
	v0 =	vmov v9  }
0x139: {  	v1 =	vld [tilespmem:s8+$0x1A000];
	v7 =	vadd.f32 v7, v0;
	[tilespmem:s5+$0x18070] =	vst v2;
	s5 =	smov.u32 s8  }
0x13a: {  	v2 =	vld [tilespmem:s5+$0x10]  }
0x13b: {  	v3 =	vadd.f32 v3, v4;
	v8 =	vld [tilespmem:s5+$0x14010];
	[tilespmem:s5+$0x1A070] =	vst v7  }
0x13c: {  	v5 =	vadd.f32 v5, v4;
	v7 =	vld [tilespmem:s5+$0x16010]  }
0x13d: {  	[tilespmem:s5+$0x14000] =	vst v3;
	v3 =	vadd.f32 v6, v4;
	v6 =	vld [tilespmem:s5+$0x18010]  }
0x13e: {  	[tilespmem:s5+$0x16000] =	vst v5;
	v1 =	vadd.f32 v1, v4;
	v4 =	vld [tilespmem:s5+$0x1A010]  }
0x13f: {  	[tilespmem:s5+$0x18000] =	vst v3;
	v3 =	vld [tilespmem:s5+$0x20]  }
0x140: {  	[tilespmem:s5+$0x1A000] =	vst v1;
	v1 =	vadd.f32 v8, v2;
	v5 =	vld [tilespmem:s5+$0x14020]  }
0x141: {  	v7 =	vadd.f32 v7, v2;
	v8 =	vld [tilespmem:s5+$0x16020]  }
0x142: {  	[tilespmem:s5+$0x14010] =	vst v1;
	v1 =	vadd.f32 v6, v2;
	v6 =	vld [tilespmem:s5+$0x18020]  }
0x143: {  	[tilespmem:s5+$0x16010] =	vst v7;
	v2 =	vadd.f32 v4, v2;
	v4 =	vld [tilespmem:s5+$0x1A020]  }
0x144: {  	[tilespmem:s5+$0x18010] =	vst v1;
	v1 =	vld [tilespmem:s5+$0x30]  }
0x145: {  	[tilespmem:s5+$0x1A010] =	vst v2;
	v2 =	vadd.f32 v5, v3;
	v5 =	vld [tilespmem:s5+$0x14030]  }
0x146: {  	v7 =	vadd.f32 v8, v3;
	v8 =	vld [tilespmem:s5+$0x16030]  }
0x147: {  	[tilespmem:s5+$0x14020] =	vst v2;
	v2 =	vadd.f32 v6, v3;
	v6 =	vld [tilespmem:s5+$0x18030]  }
0x148: {  	[tilespmem:s5+$0x16020] =	vst v7;
	v3 =	vadd.f32 v4, v3;
	v4 =	vld [tilespmem:s5+$0x1A030]  }
0x149: {  	[tilespmem:s5+$0x18020] =	vst v2;
	v2 =	vld [tilespmem:s5+$0x40]  }
0x14a: {  	[tilespmem:s5+$0x1A020] =	vst v3;
	v3 =	vadd.f32 v5, v1;
	v5 =	vld [tilespmem:s5+$0x14040]  }
0x14b: {  	v7 =	vadd.f32 v8, v1;
	v8 =	vld [tilespmem:s5+$0x16040]  }
0x14c: {  	[tilespmem:s5+$0x14030] =	vst v3;
	v3 =	vadd.f32 v6, v1;
	v6 =	vld [tilespmem:s5+$0x18040]  }
0x14d: {  	[tilespmem:s5+$0x16030] =	vst v7;
	v1 =	vadd.f32 v4, v1;
	v4 =	vld [tilespmem:s5+$0x1A040]  }
0x14e: {  	[tilespmem:s5+$0x18030] =	vst v3;
	v7 =	vld [tilespmem:s5+$0x50]  }
0x14f: {  	[tilespmem:s5+$0x1A030] =	vst v1;
	v1 =	vadd.f32 v5, v2;
	v3 =	vld [tilespmem:s5+$0x14050]  }
0x150: {  	v5 =	vadd.f32 v8, v2;
	v8 =	vld [tilespmem:s5+$0x16050]  }
0x151: {  	[tilespmem:s5+$0x14040] =	vst v1;
	v1 =	vadd.f32 v6, v2;
	v9 =	vld [tilespmem:s5+$0x18050]  }
0x152: {  	[tilespmem:s5+$0x16040] =	vst v5;
	v2 =	vadd.f32 v4, v2;
	v4 =	vld [tilespmem:s5+$0x1A050]  }
0x153: {  	[tilespmem:s5+$0x18040] =	vst v1;
	v1 =	vld [tilespmem:s5+$0x60]  }
0x154: {  	[tilespmem:s5+$0x1A040] =	vst v2;
	v2 =	vadd.f32 v3, v7;
	v5 =	vld [tilespmem:s5+$0x14060]  }
.Ltmp4:
0x155: {  	v8 =	vadd.f32 v8, v7;
	v6 =	vld [tilespmem:s5+$0x16060];
	(pc) =	sbr.rel @p0 .LBB2_11-.Ltmp4, $4  }
0x156: {  	[tilespmem:s5+$0x14050] =	vst v2;
	v2 =	vadd.f32 v9, v7;
	v3 =	vld [tilespmem:s5+$0x18060]  }
0x157: {  	[tilespmem:s5+$0x16050] =	vst v8;
	v7 =	vadd.f32 v4, v7;
	v4 =	vld [tilespmem:s5+$0x1A060]  }
0x158: {  	[tilespmem:s5+$0x18050] =	vst v2;
	v2 =	vld [tilespmem:s5+$0x14070]  }
0x159: {  	s7 =	sadd.s32 $0x1000, s7;
	[tilespmem:s5+$0x1A050] =	vst v7;
	v7 =	vadd.f32 v5, v1;
	v5 =	vld [tilespmem:s5+$0x16070]  }
0x15a: {  	v6 =	vadd.f32 v6, v1;
	v8 =	vld [tilespmem:s5+$0x18070]  }
0x15b: {  	s4 =	sadd.s32 $0x1, s4;
	[tilespmem:s5+$0x14060] =	vst v7;
	v3 =	vadd.f32 v3, v1  }
0x15c: {  	p0 =	sne.s32 s4, $0x8;
	[tilespmem:s5+$0x16060] =	vst v6;
	v61 =	vadd.f32 v4, v1  }
.Ltmp5:
0x15d: {  	[tilespmem:s5+$0x18060] =	vst v3;
	v2 =	vadd.f32 v2, v0;
	(pc) =	sbr.rel @p0 .LBB2_10-.Ltmp5, $4  }
0x15e: {  	[tilespmem:s5+$0x1A060] =	vst v61;
	v62 =	vadd.f32 v5, v0  }
0x15f: {  	[tilespmem:s5+$0x14070] =	vst v2;
	v63 =	vadd.f32 v8, v0  }
0x160: {  	[tilespmem:s5+$0x16070] =	vst v62  }
0x161: {  	s3 =	sadd.s32 $0x200, s3;
	[tilespmem:s5+$0x18070] =	vst v63  }
0x162: {  	s3 =	rddreg [dreg:$0xb]  }
0x163: {  	[hbm4b:s3+s20] =	stream.strided.scatter [tilespmem:s26], [sflag:$0x8], $0x8000, s21, s20, $0x38;
	[tilespmem:$0x1C000] =	vst v63  }
0x164: {  	_ =	swait.ge [sflag:s0], $0x8000  }
0x165: {  	[sflag:s0] =	ssyncset.done $0x0  }
0x166: {  	s8 =	rddreg [dreg:$0xc];
	[sflag:s0] =	ssyncadd.s32 $0xFFFF8000  }
0x167: {  	[tilespmem:s23], [sflag:$0x4] =	stream.strided.gather [hbm4b:s8+s20], $0x8000, s21, s20, $0x38;
	[tilespmem:$0x1C000] =	vst v63  }
0x168: {  	s3 =	simm.s32 $0x0;
	s4 =	rddreg [dreg:$0xd]  }
0x169: {  	[tilespmem:s3], [sflag:$0x1] =	stream.linear.gather [hbm4b:s4+s3], $0x2000, $0x38;
	[tilespmem:$0x1C000] =	vst v63  }
0x16a: {  	_ =	swait.ge [sflag:s28], $0x2000  }
0x16b: {  	[sflag:s28] =	ssyncset.done $0x0  }
0x16c: {  	[sflag:s28] =	ssyncadd.s32 $0xFFFFE000  }
0x16d: {  	_ =	swait.ge [sflag:s25], $0x8000  }
0x16e: {  	[sflag:s25] =	ssyncset.done $0x0  }
0x16f: {  	s4 =	simm.s32 $0x0;
	[sflag:s25] =	ssyncadd.s32 $0xFFFF8000  }
.LBB2_14:
0x170: {  	s5 =	sshra.s32 s3, $0x2  }
0x171: {  	v0 =	vld [tilespmem:s5+$0x2070]  }
0x172: {  	v1 =	vld [tilespmem:s5+$0xA070]  }
0x173: {  	v2 =	vld [tilespmem:s5+$0x2000]  }
0x174: {  	v3 =	vld [tilespmem:s5+$0x4000]  }
0x175: {  	v4 =	vld [tilespmem:s5+$0x6000]  }
0x176: {  	v5 =	vld [tilespmem:s5+$0x8000]  }
0x177: {  	v6 =	vld [tilespmem:s5+$0xA000]  }
0x178: {  	v7 =	vld [tilespmem:s5+$0x2010]  }
0x179: {  	v8 =	vld [tilespmem:s5+$0x4010]  }
0x17a: {  	v9 =	vld [tilespmem:s5+$0x6010]  }
0x17b: {  	v10 =	vld [tilespmem:s5+$0x8010]  }
0x17c: {  	v11 =	vld [tilespmem:s5+$0xA010]  }
0x17d: {  	v12 =	vld [tilespmem:s5+$0x2020];
	v1 =	vadd.f32 v1, v0  }
0x17e: {  	v13 =	vld [tilespmem:s5+$0x4020];
	v3 =	vadd.f32 v3, v2  }
0x17f: {  	v60 =	vld [tilespmem:s5+$0x6030];
	[tilespmem:s5+$0xA070] =	vst v1;
	v1 =	vadd.f32 v4, v2  }
0x180: {  	v61 =	vld [tilespmem:s5+$0xA030];
	[tilespmem:s5+$0x4000] =	vst v3;
	v3 =	vadd.f32 v5, v2  }
0x181: {  	v4 =	vld [tilespmem:s5+$0x6020];
	[tilespmem:s5+$0x6000] =	vst v1;
	v1 =	vadd.f32 v6, v2  }
0x182: {  	v5 =	vld [tilespmem:s5+$0x8020];
	[tilespmem:s5+$0x8000] =	vst v3;
	v3 =	vadd.f32 v8, v7  }
0x183: {  	v2 =	vld [tilespmem:s5+$0xA020];
	[tilespmem:s5+$0xA000] =	vst v1;
	v1 =	vadd.f32 v9, v7  }
0x184: {  	v6 =	vld [tilespmem:s5+$0x2030];
	[tilespmem:s5+$0x4010] =	vst v3;
	v3 =	vadd.f32 v10, v7  }
0x185: {  	v8 =	vld [tilespmem:s5+$0x4030];
	[tilespmem:s5+$0x6010] =	vst v1;
	v1 =	vadd.f32 v11, v7  }
0x186: {  	v62 =	vld [tilespmem:s5+$0xA040];
	[tilespmem:s5+$0x8010] =	vst v3;
	v3 =	vadd.f32 v13, v12  }
0x187: {  	v7 =	vld [tilespmem:s5+$0x8030];
	[tilespmem:s5+$0xA010] =	vst v1;
	v1 =	vadd.f32 v4, v12  }
0x188: {  	v4 =	vld [tilespmem:s5+$0x2040];
	[tilespmem:s5+$0x4020] =	vst v3;
	v3 =	vadd.f32 v5, v12  }
0x189: {  	v5 =	vld [tilespmem:s5+$0x4040];
	[tilespmem:s5+$0x6020] =	vst v1;
	v1 =	vadd.f32 v2, v12  }
0x18a: {  	v2 =	vld [tilespmem:s5+$0x6040];
	[tilespmem:s5+$0x8020] =	vst v3;
	v3 =	vadd.f32 v8, v6  }
0x18b: {  	v8 =	vld [tilespmem:s5+$0x8040];
	[tilespmem:s5+$0xA020] =	vst v1;
	v1 =	vadd.f32 v60, v6  }
0x18c: {  	[tilespmem:s5+$0x4030] =	vst v3;
	v3 =	vadd.f32 v7, v6;
	v7 =	vld [tilespmem:s5+$0x2050]  }
0x18d: {  	[tilespmem:s5+$0x6030] =	vst v1;
	v1 =	vadd.f32 v61, v6;
	v6 =	vld [tilespmem:s5+$0x4050]  }
0x18e: {  	[tilespmem:s5+$0x8030] =	vst v3;
	v3 =	vadd.f32 v5, v4;
	v5 =	vld [tilespmem:s5+$0x6050]  }
0x18f: {  	[tilespmem:s5+$0xA030] =	vst v1;
	v1 =	vadd.f32 v2, v4;
	v2 =	vld [tilespmem:s5+$0x8050]  }
0x190: {  	[tilespmem:s5+$0x4040] =	vst v3;
	v3 =	vadd.f32 v8, v4;
	v8 =	vld [tilespmem:s5+$0xA050]  }
0x191: {  	v63 =	vld [tilespmem:s5+$0x4060];
	v4 =	vadd.f32 v62, v4;
	[tilespmem:s5+$0x6040] =	vst v1  }
0x192: {  	v1 =	vld [tilespmem:s5+$0x2060];
	[tilespmem:s5+$0x8040] =	vst v3;
	v3 =	vadd.f32 v6, v7  }
0x193: {  	[tilespmem:s5+$0xA040] =	vst v4;
	v4 =	vadd.f32 v5, v7;
	v6 =	vld [tilespmem:s5+$0x6060]  }
0x194: {  	[tilespmem:s5+$0x4050] =	vst v3;
	v2 =	vadd.f32 v2, v7;
	v3 =	vld [tilespmem:s5+$0x8060]  }
0x195: {  	[tilespmem:s5+$0x6050] =	vst v4;
	v5 =	vadd.f32 v8, v7;
	v4 =	vld [tilespmem:s5+$0xA060]  }
0x196: {  	[tilespmem:s5+$0x8050] =	vst v2;
	v2 =	vld [tilespmem:s5+$0x4070]  }
0x197: {  	s6 =	simm.s32 $0x0;
	s7 =	sadd.s32 $0x1000, s3;
	[tilespmem:s5+$0xA050] =	vst v5;
	v7 =	vadd.f32 v63, v1;
	v5 =	vld [tilespmem:s5+$0x6070]  }
.LBB2_15:
0x198: {  	s8 =	sshra.s32 s7, $0x2;
	v6 =	vadd.f32 v6, v1;
	v8 =	vld [tilespmem:s5+$0x8070]  }
0x199: {  	s6 =	sadd.s32 $0x8, s6;
	v9 =	vld [tilespmem:s8+$0x2070];
	[tilespmem:s5+$0x4060] =	vst v7;
	v3 =	vadd.f32 v3, v1  }
0x19a: {  	p0 =	slt.u32 s6, $0x38;
	v7 =	vld [tilespmem:s8+$0xA070];
	[tilespmem:s5+$0x6060] =	vst v6;
	v1 =	vadd.f32 v4, v1  }
0x19b: {  	v4 =	vld [tilespmem:s8+$0x2000];
	[tilespmem:s5+$0x8060] =	vst v3;
	v2 =	vadd.f32 v2, v0  }
0x19c: {  	v3 =	vld [tilespmem:s8+$0x4000];
	[tilespmem:s5+$0xA060] =	vst v1;
	v1 =	vadd.f32 v5, v0  }
0x19d: {  	v5 =	vld [tilespmem:s8+$0x6000];
	[tilespmem:s5+$0x4070] =	vst v2;
	v2 =	vadd.f32 v8, v0  }
0x19e: {  	v6 =	vld [tilespmem:s8+$0x8000];
	[tilespmem:s5+$0x6070] =	vst v1;
	v0 =	vmov v9  }
0x19f: {  	v1 =	vld [tilespmem:s8+$0xA000];
	v7 =	vadd.f32 v7, v0;
	[tilespmem:s5+$0x8070] =	vst v2;
	s5 =	smov.u32 s8  }
0x1a0: {  	v2 =	vld [tilespmem:s5+$0x2010]  }
0x1a1: {  	v3 =	vadd.f32 v3, v4;
	v8 =	vld [tilespmem:s5+$0x4010];
	[tilespmem:s5+$0xA070] =	vst v7  }
0x1a2: {  	v5 =	vadd.f32 v5, v4;
	v7 =	vld [tilespmem:s5+$0x6010]  }
0x1a3: {  	[tilespmem:s5+$0x4000] =	vst v3;
	v3 =	vadd.f32 v6, v4;
	v6 =	vld [tilespmem:s5+$0x8010]  }
0x1a4: {  	[tilespmem:s5+$0x6000] =	vst v5;
	v1 =	vadd.f32 v1, v4;
	v4 =	vld [tilespmem:s5+$0xA010]  }
0x1a5: {  	[tilespmem:s5+$0x8000] =	vst v3;
	v3 =	vld [tilespmem:s5+$0x2020]  }
0x1a6: {  	[tilespmem:s5+$0xA000] =	vst v1;
	v1 =	vadd.f32 v8, v2;
	v5 =	vld [tilespmem:s5+$0x4020]  }
0x1a7: {  	v7 =	vadd.f32 v7, v2;
	v8 =	vld [tilespmem:s5+$0x6020]  }
0x1a8: {  	[tilespmem:s5+$0x4010] =	vst v1;
	v1 =	vadd.f32 v6, v2;
	v6 =	vld [tilespmem:s5+$0x8020]  }
0x1a9: {  	[tilespmem:s5+$0x6010] =	vst v7;
	v2 =	vadd.f32 v4, v2;
	v4 =	vld [tilespmem:s5+$0xA020]  }
0x1aa: {  	[tilespmem:s5+$0x8010] =	vst v1;
	v1 =	vld [tilespmem:s5+$0x2030]  }
0x1ab: {  	[tilespmem:s5+$0xA010] =	vst v2;
	v2 =	vadd.f32 v5, v3;
	v5 =	vld [tilespmem:s5+$0x4030]  }
0x1ac: {  	v7 =	vadd.f32 v8, v3;
	v8 =	vld [tilespmem:s5+$0x6030]  }
0x1ad: {  	[tilespmem:s5+$0x4020] =	vst v2;
	v2 =	vadd.f32 v6, v3;
	v6 =	vld [tilespmem:s5+$0x8030]  }
0x1ae: {  	[tilespmem:s5+$0x6020] =	vst v7;
	v3 =	vadd.f32 v4, v3;
	v4 =	vld [tilespmem:s5+$0xA030]  }
0x1af: {  	[tilespmem:s5+$0x8020] =	vst v2;
	v2 =	vld [tilespmem:s5+$0x2040]  }
0x1b0: {  	[tilespmem:s5+$0xA020] =	vst v3;
	v3 =	vadd.f32 v5, v1;
	v5 =	vld [tilespmem:s5+$0x4040]  }
0x1b1: {  	v7 =	vadd.f32 v8, v1;
	v8 =	vld [tilespmem:s5+$0x6040]  }
0x1b2: {  	[tilespmem:s5+$0x4030] =	vst v3;
	v3 =	vadd.f32 v6, v1;
	v6 =	vld [tilespmem:s5+$0x8040]  }
0x1b3: {  	[tilespmem:s5+$0x6030] =	vst v7;
	v1 =	vadd.f32 v4, v1;
	v4 =	vld [tilespmem:s5+$0xA040]  }
0x1b4: {  	[tilespmem:s5+$0x8030] =	vst v3;
	v7 =	vld [tilespmem:s5+$0x2050]  }
0x1b5: {  	[tilespmem:s5+$0xA030] =	vst v1;
	v1 =	vadd.f32 v5, v2;
	v3 =	vld [tilespmem:s5+$0x4050]  }
0x1b6: {  	v5 =	vadd.f32 v8, v2;
	v8 =	vld [tilespmem:s5+$0x6050]  }
0x1b7: {  	[tilespmem:s5+$0x4040] =	vst v1;
	v1 =	vadd.f32 v6, v2;
	v9 =	vld [tilespmem:s5+$0x8050]  }
0x1b8: {  	[tilespmem:s5+$0x6040] =	vst v5;
	v2 =	vadd.f32 v4, v2;
	v4 =	vld [tilespmem:s5+$0xA050]  }
0x1b9: {  	[tilespmem:s5+$0x8040] =	vst v1;
	v1 =	vld [tilespmem:s5+$0x2060]  }
0x1ba: {  	[tilespmem:s5+$0xA040] =	vst v2;
	v2 =	vadd.f32 v3, v7;
	v5 =	vld [tilespmem:s5+$0x4060]  }
.Ltmp6:
0x1bb: {  	v8 =	vadd.f32 v8, v7;
	v6 =	vld [tilespmem:s5+$0x6060];
	(pc) =	sbr.rel @p0 .LBB2_15-.Ltmp6, $4  }
0x1bc: {  	[tilespmem:s5+$0x4050] =	vst v2;
	v2 =	vadd.f32 v9, v7;
	v3 =	vld [tilespmem:s5+$0x8060]  }
0x1bd: {  	[tilespmem:s5+$0x6050] =	vst v8;
	v7 =	vadd.f32 v4, v7;
	v4 =	vld [tilespmem:s5+$0xA060]  }
0x1be: {  	[tilespmem:s5+$0x8050] =	vst v2;
	v2 =	vld [tilespmem:s5+$0x4070]  }
0x1bf: {  	s7 =	sadd.s32 $0x1000, s7;
	[tilespmem:s5+$0xA050] =	vst v7;
	v7 =	vadd.f32 v5, v1;
	v5 =	vld [tilespmem:s5+$0x6070]  }
0x1c0: {  	v6 =	vadd.f32 v6, v1;
	v8 =	vld [tilespmem:s5+$0x8070]  }
0x1c1: {  	s4 =	sadd.s32 $0x1, s4;
	[tilespmem:s5+$0x4060] =	vst v7;
	v3 =	vadd.f32 v3, v1  }
0x1c2: {  	p0 =	sne.s32 s4, $0x8;
	[tilespmem:s5+$0x6060] =	vst v6;
	v61 =	vadd.f32 v4, v1  }
.Ltmp7:
0x1c3: {  	[tilespmem:s5+$0x8060] =	vst v3;
	v2 =	vadd.f32 v2, v0;
	(pc) =	sbr.rel @p0 .LBB2_14-.Ltmp7, $4  }
0x1c4: {  	[tilespmem:s5+$0xA060] =	vst v61;
	v62 =	vadd.f32 v5, v0  }
0x1c5: {  	[tilespmem:s5+$0x4070] =	vst v2;
	v63 =	vadd.f32 v8, v0  }
0x1c6: {  	[tilespmem:s5+$0x6070] =	vst v62  }
0x1c7: {  	s3 =	sadd.s32 $0x200, s3;
	[tilespmem:s5+$0x8070] =	vst v63  }
0x1c8: {  	s3 =	rddreg [dreg:$0xe]  }
0x1c9: {  	[hbm4b:s3+s20] =	stream.strided.scatter [tilespmem:s22], [sflag:$0x6], $0x8000, s21, s20, $0x38;
	[tilespmem:$0x1C000] =	vst v63  }
0x1ca: {  	_ =	swait.ge [sflag:s1], $0x8000  }
0x1cb: {  	[sflag:s1] =	ssyncset.done $0x0  }
0x1cc: {  	s8 =	rddreg [dreg:$0xf];
	[sflag:s1] =	ssyncadd.s32 $0xFFFF8000  }
0x1cd: {  	[tilespmem:s26], [sflag:$0x5] =	stream.strided.gather [hbm4b:s8+s20], $0x8000, s21, s20, $0x38;
	[tilespmem:$0x1C000] =	vst v63  }
0x1ce: {  	s3 =	simm.s32 $0x0;
	s4 =	rddreg [dreg:$0x10]  }
0x1cf: {  	[tilespmem:s20], [sflag:$0x2] =	stream.linear.gather [hbm4b:s4+s3], $0x2000, $0x38;
	[tilespmem:$0x1C000] =	vst v63  }
0x1d0: {  	_ =	swait.ge [sflag:s24], $0x2000  }
0x1d1: {  	[sflag:s24] =	ssyncset.done $0x0  }
0x1d2: {  	[sflag:s24] =	ssyncadd.s32 $0xFFFFE000  }
0x1d3: {  	_ =	swait.ge [sflag:s29], $0x8000  }
0x1d4: {  	[sflag:s29] =	ssyncset.done $0x0  }
0x1d5: {  	s4 =	simm.s32 $0x0;
	[sflag:s29] =	ssyncadd.s32 $0xFFFF8000  }
.LBB2_18:
0x1d6: {  	s5 =	sshra.s32 s3, $0x2  }
0x1d7: {  	v0 =	vld [tilespmem:s5+$0x70]  }
0x1d8: {  	v1 =	vld [tilespmem:s5+$0x12070]  }
0x1d9: {  	v2 =	vld [tilespmem:s5+$0x0]  }
0x1da: {  	v3 =	vld [tilespmem:s5+$0xC000]  }
0x1db: {  	v4 =	vld [tilespmem:s5+$0xE000]  }
0x1dc: {  	v5 =	vld [tilespmem:s5+$0x10000]  }
0x1dd: {  	v6 =	vld [tilespmem:s5+$0x12000]  }
0x1de: {  	v7 =	vld [tilespmem:s5+$0x10]  }
0x1df: {  	v8 =	vld [tilespmem:s5+$0xC010]  }
0x1e0: {  	v9 =	vld [tilespmem:s5+$0xE010]  }
0x1e1: {  	v10 =	vld [tilespmem:s5+$0x10010]  }
0x1e2: {  	v11 =	vld [tilespmem:s5+$0x12010]  }
0x1e3: {  	v12 =	vld [tilespmem:s5+$0x20];
	v1 =	vadd.f32 v1, v0  }
0x1e4: {  	v13 =	vld [tilespmem:s5+$0xC020];
	v3 =	vadd.f32 v3, v2  }
0x1e5: {  	v60 =	vld [tilespmem:s5+$0xE030];
	[tilespmem:s5+$0x12070] =	vst v1;
	v1 =	vadd.f32 v4, v2  }
0x1e6: {  	v61 =	vld [tilespmem:s5+$0x12030];
	[tilespmem:s5+$0xC000] =	vst v3;
	v3 =	vadd.f32 v5, v2  }
0x1e7: {  	v4 =	vld [tilespmem:s5+$0xE020];
	[tilespmem:s5+$0xE000] =	vst v1;
	v1 =	vadd.f32 v6, v2  }
0x1e8: {  	v5 =	vld [tilespmem:s5+$0x10020];
	[tilespmem:s5+$0x10000] =	vst v3;
	v3 =	vadd.f32 v8, v7  }
0x1e9: {  	v2 =	vld [tilespmem:s5+$0x12020];
	[tilespmem:s5+$0x12000] =	vst v1;
	v1 =	vadd.f32 v9, v7  }
0x1ea: {  	v6 =	vld [tilespmem:s5+$0x30];
	[tilespmem:s5+$0xC010] =	vst v3;
	v3 =	vadd.f32 v10, v7  }
0x1eb: {  	v8 =	vld [tilespmem:s5+$0xC030];
	[tilespmem:s5+$0xE010] =	vst v1;
	v1 =	vadd.f32 v11, v7  }
0x1ec: {  	v62 =	vld [tilespmem:s5+$0x12040];
	[tilespmem:s5+$0x10010] =	vst v3;
	v3 =	vadd.f32 v13, v12  }
0x1ed: {  	v7 =	vld [tilespmem:s5+$0x10030];
	[tilespmem:s5+$0x12010] =	vst v1;
	v1 =	vadd.f32 v4, v12  }
0x1ee: {  	v4 =	vld [tilespmem:s5+$0x40];
	[tilespmem:s5+$0xC020] =	vst v3;
	v3 =	vadd.f32 v5, v12  }
0x1ef: {  	v5 =	vld [tilespmem:s5+$0xC040];
	[tilespmem:s5+$0xE020] =	vst v1;
	v1 =	vadd.f32 v2, v12  }
0x1f0: {  	v2 =	vld [tilespmem:s5+$0xE040];
	[tilespmem:s5+$0x10020] =	vst v3;
	v3 =	vadd.f32 v8, v6  }
0x1f1: {  	v8 =	vld [tilespmem:s5+$0x10040];
	[tilespmem:s5+$0x12020] =	vst v1;
	v1 =	vadd.f32 v60, v6  }
0x1f2: {  	[tilespmem:s5+$0xC030] =	vst v3;
	v3 =	vadd.f32 v7, v6;
	v7 =	vld [tilespmem:s5+$0x50]  }
0x1f3: {  	[tilespmem:s5+$0xE030] =	vst v1;
	v1 =	vadd.f32 v61, v6;
	v6 =	vld [tilespmem:s5+$0xC050]  }
0x1f4: {  	[tilespmem:s5+$0x10030] =	vst v3;
	v3 =	vadd.f32 v5, v4;
	v5 =	vld [tilespmem:s5+$0xE050]  }
0x1f5: {  	[tilespmem:s5+$0x12030] =	vst v1;
	v1 =	vadd.f32 v2, v4;
	v2 =	vld [tilespmem:s5+$0x10050]  }
0x1f6: {  	[tilespmem:s5+$0xC040] =	vst v3;
	v3 =	vadd.f32 v8, v4;
	v8 =	vld [tilespmem:s5+$0x12050]  }
0x1f7: {  	v63 =	vld [tilespmem:s5+$0xC060];
	v4 =	vadd.f32 v62, v4;
	[tilespmem:s5+$0xE040] =	vst v1  }
0x1f8: {  	v1 =	vld [tilespmem:s5+$0x60];
	[tilespmem:s5+$0x10040] =	vst v3;
	v3 =	vadd.f32 v6, v7  }
0x1f9: {  	[tilespmem:s5+$0x12040] =	vst v4;
	v4 =	vadd.f32 v5, v7;
	v6 =	vld [tilespmem:s5+$0xE060]  }
0x1fa: {  	[tilespmem:s5+$0xC050] =	vst v3;
	v2 =	vadd.f32 v2, v7;
	v3 =	vld [tilespmem:s5+$0x10060]  }
0x1fb: {  	[tilespmem:s5+$0xE050] =	vst v4;
	v5 =	vadd.f32 v8, v7;
	v4 =	vld [tilespmem:s5+$0x12060]  }
0x1fc: {  	[tilespmem:s5+$0x10050] =	vst v2;
	v2 =	vld [tilespmem:s5+$0xC070]  }
0x1fd: {  	s6 =	simm.s32 $0x0;
	s7 =	sadd.s32 $0x1000, s3;
	[tilespmem:s5+$0x12050] =	vst v5;
	v7 =	vadd.f32 v63, v1;
	v5 =	vld [tilespmem:s5+$0xE070]  }
.LBB2_19:
0x1fe: {  	s8 =	sshra.s32 s7, $0x2;
	v6 =	vadd.f32 v6, v1;
	v8 =	vld [tilespmem:s5+$0x10070]  }
0x1ff: {  	s6 =	sadd.s32 $0x8, s6;
	v9 =	vld [tilespmem:s8+$0x70];
	[tilespmem:s5+$0xC060] =	vst v7;
	v3 =	vadd.f32 v3, v1  }
0x200: {  	p0 =	slt.u32 s6, $0x38;
	v7 =	vld [tilespmem:s8+$0x12070];
	[tilespmem:s5+$0xE060] =	vst v6;
	v1 =	vadd.f32 v4, v1  }
0x201: {  	v4 =	vld [tilespmem:s8+$0x0];
	[tilespmem:s5+$0x10060] =	vst v3;
	v2 =	vadd.f32 v2, v0  }
0x202: {  	v3 =	vld [tilespmem:s8+$0xC000];
	[tilespmem:s5+$0x12060] =	vst v1;
	v1 =	vadd.f32 v5, v0  }
0x203: {  	v5 =	vld [tilespmem:s8+$0xE000];
	[tilespmem:s5+$0xC070] =	vst v2;
	v2 =	vadd.f32 v8, v0  }
0x204: {  	v6 =	vld [tilespmem:s8+$0x10000];
	[tilespmem:s5+$0xE070] =	vst v1;
	v0 =	vmov v9  }
0x205: {  	v1 =	vld [tilespmem:s8+$0x12000];
	v7 =	vadd.f32 v7, v0;
	[tilespmem:s5+$0x10070] =	vst v2;
	s5 =	smov.u32 s8  }
0x206: {  	v2 =	vld [tilespmem:s5+$0x10]  }
0x207: {  	v3 =	vadd.f32 v3, v4;
	v8 =	vld [tilespmem:s5+$0xC010];
	[tilespmem:s5+$0x12070] =	vst v7  }
0x208: {  	v5 =	vadd.f32 v5, v4;
	v7 =	vld [tilespmem:s5+$0xE010]  }
0x209: {  	[tilespmem:s5+$0xC000] =	vst v3;
	v3 =	vadd.f32 v6, v4;
	v6 =	vld [tilespmem:s5+$0x10010]  }
0x20a: {  	[tilespmem:s5+$0xE000] =	vst v5;
	v1 =	vadd.f32 v1, v4;
	v4 =	vld [tilespmem:s5+$0x12010]  }
0x20b: {  	[tilespmem:s5+$0x10000] =	vst v3;
	v3 =	vld [tilespmem:s5+$0x20]  }
0x20c: {  	[tilespmem:s5+$0x12000] =	vst v1;
	v1 =	vadd.f32 v8, v2;
	v5 =	vld [tilespmem:s5+$0xC020]  }
0x20d: {  	v7 =	vadd.f32 v7, v2;
	v8 =	vld [tilespmem:s5+$0xE020]  }
0x20e: {  	[tilespmem:s5+$0xC010] =	vst v1;
	v1 =	vadd.f32 v6, v2;
	v6 =	vld [tilespmem:s5+$0x10020]  }
0x20f: {  	[tilespmem:s5+$0xE010] =	vst v7;
	v2 =	vadd.f32 v4, v2;
	v4 =	vld [tilespmem:s5+$0x12020]  }
0x210: {  	[tilespmem:s5+$0x10010] =	vst v1;
	v1 =	vld [tilespmem:s5+$0x30]  }
0x211: {  	[tilespmem:s5+$0x12010] =	vst v2;
	v2 =	vadd.f32 v5, v3;
	v5 =	vld [tilespmem:s5+$0xC030]  }
0x212: {  	v7 =	vadd.f32 v8, v3;
	v8 =	vld [tilespmem:s5+$0xE030]  }
0x213: {  	[tilespmem:s5+$0xC020] =	vst v2;
	v2 =	vadd.f32 v6, v3;
	v6 =	vld [tilespmem:s5+$0x10030]  }
0x214: {  	[tilespmem:s5+$0xE020] =	vst v7;
	v3 =	vadd.f32 v4, v3;
	v4 =	vld [tilespmem:s5+$0x12030]  }
0x215: {  	[tilespmem:s5+$0x10020] =	vst v2;
	v2 =	vld [tilespmem:s5+$0x40]  }
0x216: {  	[tilespmem:s5+$0x12020] =	vst v3;
	v3 =	vadd.f32 v5, v1;
	v5 =	vld [tilespmem:s5+$0xC040]  }
0x217: {  	v7 =	vadd.f32 v8, v1;
	v8 =	vld [tilespmem:s5+$0xE040]  }
0x218: {  	[tilespmem:s5+$0xC030] =	vst v3;
	v3 =	vadd.f32 v6, v1;
	v6 =	vld [tilespmem:s5+$0x10040]  }
0x219: {  	[tilespmem:s5+$0xE030] =	vst v7;
	v1 =	vadd.f32 v4, v1;
	v4 =	vld [tilespmem:s5+$0x12040]  }
0x21a: {  	[tilespmem:s5+$0x10030] =	vst v3;
	v7 =	vld [tilespmem:s5+$0x50]  }
0x21b: {  	[tilespmem:s5+$0x12030] =	vst v1;
	v1 =	vadd.f32 v5, v2;
	v3 =	vld [tilespmem:s5+$0xC050]  }
0x21c: {  	v5 =	vadd.f32 v8, v2;
	v8 =	vld [tilespmem:s5+$0xE050]  }
0x21d: {  	[tilespmem:s5+$0xC040] =	vst v1;
	v1 =	vadd.f32 v6, v2;
	v9 =	vld [tilespmem:s5+$0x10050]  }
0x21e: {  	[tilespmem:s5+$0xE040] =	vst v5;
	v2 =	vadd.f32 v4, v2;
	v4 =	vld [tilespmem:s5+$0x12050]  }
0x21f: {  	[tilespmem:s5+$0x10040] =	vst v1;
	v1 =	vld [tilespmem:s5+$0x60]  }
0x220: {  	[tilespmem:s5+$0x12040] =	vst v2;
	v2 =	vadd.f32 v3, v7;
	v5 =	vld [tilespmem:s5+$0xC060]  }
.Ltmp8:
0x221: {  	v8 =	vadd.f32 v8, v7;
	v6 =	vld [tilespmem:s5+$0xE060];
	(pc) =	sbr.rel @p0 .LBB2_19-.Ltmp8, $4  }
0x222: {  	[tilespmem:s5+$0xC050] =	vst v2;
	v2 =	vadd.f32 v9, v7;
	v3 =	vld [tilespmem:s5+$0x10060]  }
0x223: {  	[tilespmem:s5+$0xE050] =	vst v8;
	v7 =	vadd.f32 v4, v7;
	v4 =	vld [tilespmem:s5+$0x12060]  }
0x224: {  	[tilespmem:s5+$0x10050] =	vst v2;
	v2 =	vld [tilespmem:s5+$0xC070]  }
0x225: {  	s7 =	sadd.s32 $0x1000, s7;
	[tilespmem:s5+$0x12050] =	vst v7;
	v7 =	vadd.f32 v5, v1;
	v5 =	vld [tilespmem:s5+$0xE070]  }
0x226: {  	v6 =	vadd.f32 v6, v1;
	v8 =	vld [tilespmem:s5+$0x10070]  }
0x227: {  	s4 =	sadd.s32 $0x1, s4;
	[tilespmem:s5+$0xC060] =	vst v7;
	v3 =	vadd.f32 v3, v1  }
0x228: {  	p0 =	sne.s32 s4, $0x8;
	[tilespmem:s5+$0xE060] =	vst v6;
	v61 =	vadd.f32 v4, v1  }
.Ltmp9:
0x229: {  	[tilespmem:s5+$0x10060] =	vst v3;
	v2 =	vadd.f32 v2, v0;
	(pc) =	sbr.rel @p0 .LBB2_18-.Ltmp9, $4  }
0x22a: {  	[tilespmem:s5+$0x12060] =	vst v61;
	v62 =	vadd.f32 v5, v0  }
0x22b: {  	[tilespmem:s5+$0xC070] =	vst v2;
	v63 =	vadd.f32 v8, v0  }
0x22c: {  	[tilespmem:s5+$0xE070] =	vst v62  }
0x22d: {  	s3 =	sadd.s32 $0x200, s3;
	[tilespmem:s5+$0x10070] =	vst v63  }
0x22e: {  	s3 =	rddreg [dreg:$0x11]  }
0x22f: {  	[hbm4b:s3+s20] =	stream.strided.scatter [tilespmem:s23], [sflag:$0x7], $0x8000, s21, s20, $0x38;
	[tilespmem:$0x1C000] =	vst v63  }
0x230: {  	_ =	swait.ge [sflag:s30], $0x8000  }
0x231: {  	[sflag:s30] =	ssyncset.done $0x0  }
0x232: {  	s8 =	rddreg [dreg:$0x12];
	[sflag:s30] =	ssyncadd.s32 $0xFFFF8000  }
0x233: {  	[tilespmem:s22], [sflag:$0x3] =	stream.strided.gather [hbm4b:s8+s20], $0x8000, s21, s20, $0x38;
	[tilespmem:$0x1C000] =	vst v63  }
0x234: {  	s3 =	simm.s32 $0x0;
	s4 =	rddreg [dreg:$0x13]  }
0x235: {  	[tilespmem:s3], [sflag:$0x1] =	stream.linear.gather [hbm4b:s4+s3], $0x2000, $0x38;
	[tilespmem:$0x1C000] =	vst v63  }
0x236: {  	_ =	swait.ge [sflag:s28], $0x2000  }
0x237: {  	[sflag:s28] =	ssyncset.done $0x0  }
0x238: {  	[sflag:s28] =	ssyncadd.s32 $0xFFFFE000  }
0x239: {  	_ =	swait.ge [sflag:s31], $0x8000  }
0x23a: {  	[sflag:s31] =	ssyncset.done $0x0  }
0x23b: {  	s4 =	simm.s32 $0x0;
	[sflag:s31] =	ssyncadd.s32 $0xFFFF8000  }
.LBB2_22:
0x23c: {  	s5 =	sshra.s32 s3, $0x2  }
0x23d: {  	v0 =	vld [tilespmem:s5+$0x2070]  }
0x23e: {  	v1 =	vld [tilespmem:s5+$0x1A070]  }
0x23f: {  	v2 =	vld [tilespmem:s5+$0x2000]  }
0x240: {  	v3 =	vld [tilespmem:s5+$0x14000]  }
0x241: {  	v4 =	vld [tilespmem:s5+$0x16000]  }
0x242: {  	v5 =	vld [tilespmem:s5+$0x18000]  }
0x243: {  	v6 =	vld [tilespmem:s5+$0x1A000]  }
0x244: {  	v7 =	vld [tilespmem:s5+$0x2010]  }
0x245: {  	v8 =	vld [tilespmem:s5+$0x14010]  }
0x246: {  	v9 =	vld [tilespmem:s5+$0x16010]  }
0x247: {  	v10 =	vld [tilespmem:s5+$0x18010]  }
0x248: {  	v11 =	vld [tilespmem:s5+$0x1A010]  }
0x249: {  	v12 =	vld [tilespmem:s5+$0x2020];
	v1 =	vadd.f32 v1, v0  }
0x24a: {  	v13 =	vld [tilespmem:s5+$0x14020];
	v3 =	vadd.f32 v3, v2  }
0x24b: {  	v60 =	vld [tilespmem:s5+$0x16030];
	[tilespmem:s5+$0x1A070] =	vst v1;
	v1 =	vadd.f32 v4, v2  }
0x24c: {  	v61 =	vld [tilespmem:s5+$0x1A030];
	[tilespmem:s5+$0x14000] =	vst v3;
	v3 =	vadd.f32 v5, v2  }
0x24d: {  	v4 =	vld [tilespmem:s5+$0x16020];
	[tilespmem:s5+$0x16000] =	vst v1;
	v1 =	vadd.f32 v6, v2  }
0x24e: {  	v5 =	vld [tilespmem:s5+$0x18020];
	[tilespmem:s5+$0x18000] =	vst v3;
	v3 =	vadd.f32 v8, v7  }
0x24f: {  	v2 =	vld [tilespmem:s5+$0x1A020];
	[tilespmem:s5+$0x1A000] =	vst v1;
	v1 =	vadd.f32 v9, v7  }
0x250: {  	v6 =	vld [tilespmem:s5+$0x2030];
	[tilespmem:s5+$0x14010] =	vst v3;
	v3 =	vadd.f32 v10, v7  }
0x251: {  	v8 =	vld [tilespmem:s5+$0x14030];
	[tilespmem:s5+$0x16010] =	vst v1;
	v1 =	vadd.f32 v11, v7  }
0x252: {  	v62 =	vld [tilespmem:s5+$0x1A040];
	[tilespmem:s5+$0x18010] =	vst v3;
	v3 =	vadd.f32 v13, v12  }
0x253: {  	v7 =	vld [tilespmem:s5+$0x18030];
	[tilespmem:s5+$0x1A010] =	vst v1;
	v1 =	vadd.f32 v4, v12  }
0x254: {  	v4 =	vld [tilespmem:s5+$0x2040];
	[tilespmem:s5+$0x14020] =	vst v3;
	v3 =	vadd.f32 v5, v12  }
0x255: {  	v5 =	vld [tilespmem:s5+$0x14040];
	[tilespmem:s5+$0x16020] =	vst v1;
	v1 =	vadd.f32 v2, v12  }
0x256: {  	v2 =	vld [tilespmem:s5+$0x16040];
	[tilespmem:s5+$0x18020] =	vst v3;
	v3 =	vadd.f32 v8, v6  }
0x257: {  	v8 =	vld [tilespmem:s5+$0x18040];
	[tilespmem:s5+$0x1A020] =	vst v1;
	v1 =	vadd.f32 v60, v6  }
0x258: {  	[tilespmem:s5+$0x14030] =	vst v3;
	v3 =	vadd.f32 v7, v6;
	v7 =	vld [tilespmem:s5+$0x2050]  }
0x259: {  	[tilespmem:s5+$0x16030] =	vst v1;
	v1 =	vadd.f32 v61, v6;
	v6 =	vld [tilespmem:s5+$0x14050]  }
0x25a: {  	[tilespmem:s5+$0x18030] =	vst v3;
	v3 =	vadd.f32 v5, v4;
	v5 =	vld [tilespmem:s5+$0x16050]  }
0x25b: {  	[tilespmem:s5+$0x1A030] =	vst v1;
	v1 =	vadd.f32 v2, v4;
	v2 =	vld [tilespmem:s5+$0x18050]  }
0x25c: {  	[tilespmem:s5+$0x14040] =	vst v3;
	v3 =	vadd.f32 v8, v4;
	v8 =	vld [tilespmem:s5+$0x1A050]  }
0x25d: {  	v63 =	vld [tilespmem:s5+$0x14060];
	v4 =	vadd.f32 v62, v4;
	[tilespmem:s5+$0x16040] =	vst v1  }
0x25e: {  	v1 =	vld [tilespmem:s5+$0x2060];
	[tilespmem:s5+$0x18040] =	vst v3;
	v3 =	vadd.f32 v6, v7  }
0x25f: {  	[tilespmem:s5+$0x1A040] =	vst v4;
	v4 =	vadd.f32 v5, v7;
	v6 =	vld [tilespmem:s5+$0x16060]  }
0x260: {  	[tilespmem:s5+$0x14050] =	vst v3;
	v2 =	vadd.f32 v2, v7;
	v3 =	vld [tilespmem:s5+$0x18060]  }
0x261: {  	[tilespmem:s5+$0x16050] =	vst v4;
	v5 =	vadd.f32 v8, v7;
	v4 =	vld [tilespmem:s5+$0x1A060]  }
0x262: {  	[tilespmem:s5+$0x18050] =	vst v2;
	v2 =	vld [tilespmem:s5+$0x14070]  }
0x263: {  	s6 =	simm.s32 $0x0;
	s7 =	sadd.s32 $0x1000, s3;
	[tilespmem:s5+$0x1A050] =	vst v5;
	v7 =	vadd.f32 v63, v1;
	v5 =	vld [tilespmem:s5+$0x16070]  }
.LBB2_23:
0x264: {  	s8 =	sshra.s32 s7, $0x2;
	v6 =	vadd.f32 v6, v1;
	v8 =	vld [tilespmem:s5+$0x18070]  }
0x265: {  	s6 =	sadd.s32 $0x8, s6;
	v9 =	vld [tilespmem:s8+$0x2070];
	[tilespmem:s5+$0x14060] =	vst v7;
	v3 =	vadd.f32 v3, v1  }
0x266: {  	p0 =	slt.u32 s6, $0x38;
	v7 =	vld [tilespmem:s8+$0x1A070];
	[tilespmem:s5+$0x16060] =	vst v6;
	v1 =	vadd.f32 v4, v1  }
0x267: {  	v4 =	vld [tilespmem:s8+$0x2000];
	[tilespmem:s5+$0x18060] =	vst v3;
	v2 =	vadd.f32 v2, v0  }
0x268: {  	v3 =	vld [tilespmem:s8+$0x14000];
	[tilespmem:s5+$0x1A060] =	vst v1;
	v1 =	vadd.f32 v5, v0  }
0x269: {  	v5 =	vld [tilespmem:s8+$0x16000];
	[tilespmem:s5+$0x14070] =	vst v2;
	v2 =	vadd.f32 v8, v0  }
0x26a: {  	v6 =	vld [tilespmem:s8+$0x18000];
	[tilespmem:s5+$0x16070] =	vst v1;
	v0 =	vmov v9  }
0x26b: {  	v1 =	vld [tilespmem:s8+$0x1A000];
	v7 =	vadd.f32 v7, v0;
	[tilespmem:s5+$0x18070] =	vst v2;
	s5 =	smov.u32 s8  }
0x26c: {  	v2 =	vld [tilespmem:s5+$0x2010]  }
0x26d: {  	v3 =	vadd.f32 v3, v4;
	v8 =	vld [tilespmem:s5+$0x14010];
	[tilespmem:s5+$0x1A070] =	vst v7  }
0x26e: {  	v5 =	vadd.f32 v5, v4;
	v7 =	vld [tilespmem:s5+$0x16010]  }
0x26f: {  	[tilespmem:s5+$0x14000] =	vst v3;
	v3 =	vadd.f32 v6, v4;
	v6 =	vld [tilespmem:s5+$0x18010]  }
0x270: {  	[tilespmem:s5+$0x16000] =	vst v5;
	v1 =	vadd.f32 v1, v4;
	v4 =	vld [tilespmem:s5+$0x1A010]  }
0x271: {  	[tilespmem:s5+$0x18000] =	vst v3;
	v3 =	vld [tilespmem:s5+$0x2020]  }
0x272: {  	[tilespmem:s5+$0x1A000] =	vst v1;
	v1 =	vadd.f32 v8, v2;
	v5 =	vld [tilespmem:s5+$0x14020]  }
0x273: {  	v7 =	vadd.f32 v7, v2;
	v8 =	vld [tilespmem:s5+$0x16020]  }
0x274: {  	[tilespmem:s5+$0x14010] =	vst v1;
	v1 =	vadd.f32 v6, v2;
	v6 =	vld [tilespmem:s5+$0x18020]  }
0x275: {  	[tilespmem:s5+$0x16010] =	vst v7;
	v2 =	vadd.f32 v4, v2;
	v4 =	vld [tilespmem:s5+$0x1A020]  }
0x276: {  	[tilespmem:s5+$0x18010] =	vst v1;
	v1 =	vld [tilespmem:s5+$0x2030]  }
0x277: {  	[tilespmem:s5+$0x1A010] =	vst v2;
	v2 =	vadd.f32 v5, v3;
	v5 =	vld [tilespmem:s5+$0x14030]  }
0x278: {  	v7 =	vadd.f32 v8, v3;
	v8 =	vld [tilespmem:s5+$0x16030]  }
0x279: {  	[tilespmem:s5+$0x14020] =	vst v2;
	v2 =	vadd.f32 v6, v3;
	v6 =	vld [tilespmem:s5+$0x18030]  }
0x27a: {  	[tilespmem:s5+$0x16020] =	vst v7;
	v3 =	vadd.f32 v4, v3;
	v4 =	vld [tilespmem:s5+$0x1A030]  }
0x27b: {  	[tilespmem:s5+$0x18020] =	vst v2;
	v2 =	vld [tilespmem:s5+$0x2040]  }
0x27c: {  	[tilespmem:s5+$0x1A020] =	vst v3;
	v3 =	vadd.f32 v5, v1;
	v5 =	vld [tilespmem:s5+$0x14040]  }
0x27d: {  	v7 =	vadd.f32 v8, v1;
	v8 =	vld [tilespmem:s5+$0x16040]  }
0x27e: {  	[tilespmem:s5+$0x14030] =	vst v3;
	v3 =	vadd.f32 v6, v1;
	v6 =	vld [tilespmem:s5+$0x18040]  }
0x27f: {  	[tilespmem:s5+$0x16030] =	vst v7;
	v1 =	vadd.f32 v4, v1;
	v4 =	vld [tilespmem:s5+$0x1A040]  }
0x280: {  	[tilespmem:s5+$0x18030] =	vst v3;
	v7 =	vld [tilespmem:s5+$0x2050]  }
0x281: {  	[tilespmem:s5+$0x1A030] =	vst v1;
	v1 =	vadd.f32 v5, v2;
	v3 =	vld [tilespmem:s5+$0x14050]  }
0x282: {  	v5 =	vadd.f32 v8, v2;
	v8 =	vld [tilespmem:s5+$0x16050]  }
0x283: {  	[tilespmem:s5+$0x14040] =	vst v1;
	v1 =	vadd.f32 v6, v2;
	v9 =	vld [tilespmem:s5+$0x18050]  }
0x284: {  	[tilespmem:s5+$0x16040] =	vst v5;
	v2 =	vadd.f32 v4, v2;
	v4 =	vld [tilespmem:s5+$0x1A050]  }
0x285: {  	[tilespmem:s5+$0x18040] =	vst v1;
	v1 =	vld [tilespmem:s5+$0x2060]  }
0x286: {  	[tilespmem:s5+$0x1A040] =	vst v2;
	v2 =	vadd.f32 v3, v7;
	v5 =	vld [tilespmem:s5+$0x14060]  }
.Ltmp10:
0x287: {  	v8 =	vadd.f32 v8, v7;
	v6 =	vld [tilespmem:s5+$0x16060];
	(pc) =	sbr.rel @p0 .LBB2_23-.Ltmp10, $4  }
0x288: {  	[tilespmem:s5+$0x14050] =	vst v2;
	v2 =	vadd.f32 v9, v7;
	v3 =	vld [tilespmem:s5+$0x18060]  }
0x289: {  	[tilespmem:s5+$0x16050] =	vst v8;
	v7 =	vadd.f32 v4, v7;
	v4 =	vld [tilespmem:s5+$0x1A060]  }
0x28a: {  	[tilespmem:s5+$0x18050] =	vst v2;
	v2 =	vld [tilespmem:s5+$0x14070]  }
0x28b: {  	s7 =	sadd.s32 $0x1000, s7;
	[tilespmem:s5+$0x1A050] =	vst v7;
	v7 =	vadd.f32 v5, v1;
	v5 =	vld [tilespmem:s5+$0x16070]  }
0x28c: {  	v6 =	vadd.f32 v6, v1;
	v8 =	vld [tilespmem:s5+$0x18070]  }
0x28d: {  	s4 =	sadd.s32 $0x1, s4;
	[tilespmem:s5+$0x14060] =	vst v7;
	v3 =	vadd.f32 v3, v1  }
0x28e: {  	p0 =	sne.s32 s4, $0x8;
	[tilespmem:s5+$0x16060] =	vst v6;
	v61 =	vadd.f32 v4, v1  }
.Ltmp11:
0x28f: {  	[tilespmem:s5+$0x18060] =	vst v3;
	v2 =	vadd.f32 v2, v0;
	(pc) =	sbr.rel @p0 .LBB2_22-.Ltmp11, $4  }
0x290: {  	[tilespmem:s5+$0x1A060] =	vst v61;
	v62 =	vadd.f32 v5, v0  }
0x291: {  	[tilespmem:s5+$0x14070] =	vst v2;
	v63 =	vadd.f32 v8, v0  }
0x292: {  	[tilespmem:s5+$0x16070] =	vst v62  }
0x293: {  	s3 =	sadd.s32 $0x200, s3;
	[tilespmem:s5+$0x18070] =	vst v63  }
0x294: {  	s3 =	rddreg [dreg:$0x14]  }
0x295: {  	[hbm4b:s3+s20] =	stream.strided.scatter [tilespmem:s26], [sflag:$0x8], $0x8000, s21, s20, $0x38;
	[tilespmem:$0x1C000] =	vst v63  }
0x296: {  	_ =	swait.ge [sflag:s0], $0x8000  }
0x297: {  	[sflag:s0] =	ssyncset.done $0x0  }
0x298: {  	s8 =	rddreg [dreg:$0x16];
	[sflag:s0] =	ssyncadd.s32 $0xFFFF8000  }
0x299: {  	[tilespmem:s23], [sflag:$0x4] =	stream.strided.gather [hbm4b:s8+s20], $0x8000, s21, s20, $0x38;
	[tilespmem:$0x1C000] =	vst v63  }
0x29a: {  	s3 =	simm.s32 $0x0;
	s4 =	rddreg [dreg:$0x17]  }
0x29b: {  	[tilespmem:s20], [sflag:$0x2] =	stream.linear.gather [hbm4b:s4+s3], $0x2000, $0x38;
	[tilespmem:$0x1C000] =	vst v63  }
0x29c: {  	_ =	swait.ge [sflag:s24], $0x2000  }
0x29d: {  	[sflag:s24] =	ssyncset.done $0x0  }
0x29e: {  	[sflag:s24] =	ssyncadd.s32 $0xFFFFE000  }
0x29f: {  	_ =	swait.ge [sflag:s25], $0x8000  }
0x2a0: {  	[sflag:s25] =	ssyncset.done $0x0  }
0x2a1: {  	s4 =	simm.s32 $0x0;
	[sflag:s25] =	ssyncadd.s32 $0xFFFF8000  }
.LBB2_26:
0x2a2: {  	s5 =	sshra.s32 s3, $0x2  }
0x2a3: {  	v0 =	vld [tilespmem:s5+$0x70]  }
0x2a4: {  	v1 =	vld [tilespmem:s5+$0xA070]  }
0x2a5: {  	v2 =	vld [tilespmem:s5+$0x0]  }
0x2a6: {  	v3 =	vld [tilespmem:s5+$0x4000]  }
0x2a7: {  	v4 =	vld [tilespmem:s5+$0x6000]  }
0x2a8: {  	v5 =	vld [tilespmem:s5+$0x8000]  }
0x2a9: {  	v6 =	vld [tilespmem:s5+$0xA000]  }
0x2aa: {  	v7 =	vld [tilespmem:s5+$0x10]  }
0x2ab: {  	v8 =	vld [tilespmem:s5+$0x4010]  }
0x2ac: {  	v9 =	vld [tilespmem:s5+$0x6010]  }
0x2ad: {  	v10 =	vld [tilespmem:s5+$0x8010]  }
0x2ae: {  	v11 =	vld [tilespmem:s5+$0xA010]  }
0x2af: {  	v12 =	vld [tilespmem:s5+$0x20];
	v1 =	vadd.f32 v1, v0  }
0x2b0: {  	v13 =	vld [tilespmem:s5+$0x4020];
	v3 =	vadd.f32 v3, v2  }
0x2b1: {  	v60 =	vld [tilespmem:s5+$0x6030];
	[tilespmem:s5+$0xA070] =	vst v1;
	v1 =	vadd.f32 v4, v2  }
0x2b2: {  	v61 =	vld [tilespmem:s5+$0xA030];
	[tilespmem:s5+$0x4000] =	vst v3;
	v3 =	vadd.f32 v5, v2  }
0x2b3: {  	v4 =	vld [tilespmem:s5+$0x6020];
	[tilespmem:s5+$0x6000] =	vst v1;
	v1 =	vadd.f32 v6, v2  }
0x2b4: {  	v5 =	vld [tilespmem:s5+$0x8020];
	[tilespmem:s5+$0x8000] =	vst v3;
	v3 =	vadd.f32 v8, v7  }
0x2b5: {  	v2 =	vld [tilespmem:s5+$0xA020];
	[tilespmem:s5+$0xA000] =	vst v1;
	v1 =	vadd.f32 v9, v7  }
0x2b6: {  	v6 =	vld [tilespmem:s5+$0x30];
	[tilespmem:s5+$0x4010] =	vst v3;
	v3 =	vadd.f32 v10, v7  }
0x2b7: {  	v8 =	vld [tilespmem:s5+$0x4030];
	[tilespmem:s5+$0x6010] =	vst v1;
	v1 =	vadd.f32 v11, v7  }
0x2b8: {  	v62 =	vld [tilespmem:s5+$0xA040];
	[tilespmem:s5+$0x8010] =	vst v3;
	v3 =	vadd.f32 v13, v12  }
0x2b9: {  	v7 =	vld [tilespmem:s5+$0x8030];
	[tilespmem:s5+$0xA010] =	vst v1;
	v1 =	vadd.f32 v4, v12  }
0x2ba: {  	v4 =	vld [tilespmem:s5+$0x40];
	[tilespmem:s5+$0x4020] =	vst v3;
	v3 =	vadd.f32 v5, v12  }
0x2bb: {  	v5 =	vld [tilespmem:s5+$0x4040];
	[tilespmem:s5+$0x6020] =	vst v1;
	v1 =	vadd.f32 v2, v12  }
0x2bc: {  	v2 =	vld [tilespmem:s5+$0x6040];
	[tilespmem:s5+$0x8020] =	vst v3;
	v3 =	vadd.f32 v8, v6  }
0x2bd: {  	v8 =	vld [tilespmem:s5+$0x8040];
	[tilespmem:s5+$0xA020] =	vst v1;
	v1 =	vadd.f32 v60, v6  }
0x2be: {  	[tilespmem:s5+$0x4030] =	vst v3;
	v3 =	vadd.f32 v7, v6;
	v7 =	vld [tilespmem:s5+$0x50]  }
0x2bf: {  	[tilespmem:s5+$0x6030] =	vst v1;
	v1 =	vadd.f32 v61, v6;
	v6 =	vld [tilespmem:s5+$0x4050]  }
0x2c0: {  	[tilespmem:s5+$0x8030] =	vst v3;
	v3 =	vadd.f32 v5, v4;
	v5 =	vld [tilespmem:s5+$0x6050]  }
0x2c1: {  	[tilespmem:s5+$0xA030] =	vst v1;
	v1 =	vadd.f32 v2, v4;
	v2 =	vld [tilespmem:s5+$0x8050]  }
0x2c2: {  	[tilespmem:s5+$0x4040] =	vst v3;
	v3 =	vadd.f32 v8, v4;
	v8 =	vld [tilespmem:s5+$0xA050]  }
0x2c3: {  	v63 =	vld [tilespmem:s5+$0x4060];
	v4 =	vadd.f32 v62, v4;
	[tilespmem:s5+$0x6040] =	vst v1  }
0x2c4: {  	v1 =	vld [tilespmem:s5+$0x60];
	[tilespmem:s5+$0x8040] =	vst v3;
	v3 =	vadd.f32 v6, v7  }
0x2c5: {  	[tilespmem:s5+$0xA040] =	vst v4;
	v4 =	vadd.f32 v5, v7;
	v6 =	vld [tilespmem:s5+$0x6060]  }
0x2c6: {  	[tilespmem:s5+$0x4050] =	vst v3;
	v2 =	vadd.f32 v2, v7;
	v3 =	vld [tilespmem:s5+$0x8060]  }
0x2c7: {  	[tilespmem:s5+$0x6050] =	vst v4;
	v5 =	vadd.f32 v8, v7;
	v4 =	vld [tilespmem:s5+$0xA060]  }
0x2c8: {  	[tilespmem:s5+$0x8050] =	vst v2;
	v2 =	vld [tilespmem:s5+$0x4070]  }
0x2c9: {  	s6 =	simm.s32 $0x0;
	s7 =	sadd.s32 $0x1000, s3;
	[tilespmem:s5+$0xA050] =	vst v5;
	v7 =	vadd.f32 v63, v1;
	v5 =	vld [tilespmem:s5+$0x6070]  }
.LBB2_27:
0x2ca: {  	s8 =	sshra.s32 s7, $0x2;
	v6 =	vadd.f32 v6, v1;
	v8 =	vld [tilespmem:s5+$0x8070]  }
0x2cb: {  	s6 =	sadd.s32 $0x8, s6;
	v9 =	vld [tilespmem:s8+$0x70];
	[tilespmem:s5+$0x4060] =	vst v7;
	v3 =	vadd.f32 v3, v1  }
0x2cc: {  	p0 =	slt.u32 s6, $0x38;
	v7 =	vld [tilespmem:s8+$0xA070];
	[tilespmem:s5+$0x6060] =	vst v6;
	v1 =	vadd.f32 v4, v1  }
0x2cd: {  	v4 =	vld [tilespmem:s8+$0x0];
	[tilespmem:s5+$0x8060] =	vst v3;
	v2 =	vadd.f32 v2, v0  }
0x2ce: {  	v3 =	vld [tilespmem:s8+$0x4000];
	[tilespmem:s5+$0xA060] =	vst v1;
	v1 =	vadd.f32 v5, v0  }
0x2cf: {  	v5 =	vld [tilespmem:s8+$0x6000];
	[tilespmem:s5+$0x4070] =	vst v2;
	v2 =	vadd.f32 v8, v0  }
0x2d0: {  	v6 =	vld [tilespmem:s8+$0x8000];
	[tilespmem:s5+$0x6070] =	vst v1;
	v0 =	vmov v9  }
0x2d1: {  	v1 =	vld [tilespmem:s8+$0xA000];
	v7 =	vadd.f32 v7, v0;
	[tilespmem:s5+$0x8070] =	vst v2;
	s5 =	smov.u32 s8  }
0x2d2: {  	v2 =	vld [tilespmem:s5+$0x10]  }
0x2d3: {  	v3 =	vadd.f32 v3, v4;
	v8 =	vld [tilespmem:s5+$0x4010];
	[tilespmem:s5+$0xA070] =	vst v7  }
0x2d4: {  	v5 =	vadd.f32 v5, v4;
	v7 =	vld [tilespmem:s5+$0x6010]  }
0x2d5: {  	[tilespmem:s5+$0x4000] =	vst v3;
	v3 =	vadd.f32 v6, v4;
	v6 =	vld [tilespmem:s5+$0x8010]  }
0x2d6: {  	[tilespmem:s5+$0x6000] =	vst v5;
	v1 =	vadd.f32 v1, v4;
	v4 =	vld [tilespmem:s5+$0xA010]  }
0x2d7: {  	[tilespmem:s5+$0x8000] =	vst v3;
	v3 =	vld [tilespmem:s5+$0x20]  }
0x2d8: {  	[tilespmem:s5+$0xA000] =	vst v1;
	v1 =	vadd.f32 v8, v2;
	v5 =	vld [tilespmem:s5+$0x4020]  }
0x2d9: {  	v7 =	vadd.f32 v7, v2;
	v8 =	vld [tilespmem:s5+$0x6020]  }
0x2da: {  	[tilespmem:s5+$0x4010] =	vst v1;
	v1 =	vadd.f32 v6, v2;
	v6 =	vld [tilespmem:s5+$0x8020]  }
0x2db: {  	[tilespmem:s5+$0x6010] =	vst v7;
	v2 =	vadd.f32 v4, v2;
	v4 =	vld [tilespmem:s5+$0xA020]  }
0x2dc: {  	[tilespmem:s5+$0x8010] =	vst v1;
	v1 =	vld [tilespmem:s5+$0x30]  }
0x2dd: {  	[tilespmem:s5+$0xA010] =	vst v2;
	v2 =	vadd.f32 v5, v3;
	v5 =	vld [tilespmem:s5+$0x4030]  }
0x2de: {  	v7 =	vadd.f32 v8, v3;
	v8 =	vld [tilespmem:s5+$0x6030]  }
0x2df: {  	[tilespmem:s5+$0x4020] =	vst v2;
	v2 =	vadd.f32 v6, v3;
	v6 =	vld [tilespmem:s5+$0x8030]  }
0x2e0: {  	[tilespmem:s5+$0x6020] =	vst v7;
	v3 =	vadd.f32 v4, v3;
	v4 =	vld [tilespmem:s5+$0xA030]  }
0x2e1: {  	[tilespmem:s5+$0x8020] =	vst v2;
	v2 =	vld [tilespmem:s5+$0x40]  }
0x2e2: {  	[tilespmem:s5+$0xA020] =	vst v3;
	v3 =	vadd.f32 v5, v1;
	v5 =	vld [tilespmem:s5+$0x4040]  }
0x2e3: {  	v7 =	vadd.f32 v8, v1;
	v8 =	vld [tilespmem:s5+$0x6040]  }
0x2e4: {  	[tilespmem:s5+$0x4030] =	vst v3;
	v3 =	vadd.f32 v6, v1;
	v6 =	vld [tilespmem:s5+$0x8040]  }
0x2e5: {  	[tilespmem:s5+$0x6030] =	vst v7;
	v1 =	vadd.f32 v4, v1;
	v4 =	vld [tilespmem:s5+$0xA040]  }
0x2e6: {  	[tilespmem:s5+$0x8030] =	vst v3;
	v7 =	vld [tilespmem:s5+$0x50]  }
0x2e7: {  	[tilespmem:s5+$0xA030] =	vst v1;
	v1 =	vadd.f32 v5, v2;
	v3 =	vld [tilespmem:s5+$0x4050]  }
0x2e8: {  	v5 =	vadd.f32 v8, v2;
	v8 =	vld [tilespmem:s5+$0x6050]  }
0x2e9: {  	[tilespmem:s5+$0x4040] =	vst v1;
	v1 =	vadd.f32 v6, v2;
	v9 =	vld [tilespmem:s5+$0x8050]  }
0x2ea: {  	[tilespmem:s5+$0x6040] =	vst v5;
	v2 =	vadd.f32 v4, v2;
	v4 =	vld [tilespmem:s5+$0xA050]  }
0x2eb: {  	[tilespmem:s5+$0x8040] =	vst v1;
	v1 =	vld [tilespmem:s5+$0x60]  }
0x2ec: {  	[tilespmem:s5+$0xA040] =	vst v2;
	v2 =	vadd.f32 v3, v7;
	v5 =	vld [tilespmem:s5+$0x4060]  }
.Ltmp12:
0x2ed: {  	v8 =	vadd.f32 v8, v7;
	v6 =	vld [tilespmem:s5+$0x6060];
	(pc) =	sbr.rel @p0 .LBB2_27-.Ltmp12, $4  }
0x2ee: {  	[tilespmem:s5+$0x4050] =	vst v2;
	v2 =	vadd.f32 v9, v7;
	v3 =	vld [tilespmem:s5+$0x8060]  }
0x2ef: {  	[tilespmem:s5+$0x6050] =	vst v8;
	v7 =	vadd.f32 v4, v7;
	v4 =	vld [tilespmem:s5+$0xA060]  }
0x2f0: {  	[tilespmem:s5+$0x8050] =	vst v2;
	v2 =	vld [tilespmem:s5+$0x4070]  }
0x2f1: {  	s7 =	sadd.s32 $0x1000, s7;
	[tilespmem:s5+$0xA050] =	vst v7;
	v7 =	vadd.f32 v5, v1;
	v5 =	vld [tilespmem:s5+$0x6070]  }
0x2f2: {  	v6 =	vadd.f32 v6, v1;
	v8 =	vld [tilespmem:s5+$0x8070]  }
0x2f3: {  	s4 =	sadd.s32 $0x1, s4;
	[tilespmem:s5+$0x4060] =	vst v7;
	v3 =	vadd.f32 v3, v1  }
0x2f4: {  	p0 =	sne.s32 s4, $0x8;
	[tilespmem:s5+$0x6060] =	vst v6;
	v61 =	vadd.f32 v4, v1  }
.Ltmp13:
0x2f5: {  	[tilespmem:s5+$0x8060] =	vst v3;
	v2 =	vadd.f32 v2, v0;
	(pc) =	sbr.rel @p0 .LBB2_26-.Ltmp13, $4  }
0x2f6: {  	[tilespmem:s5+$0xA060] =	vst v61;
	v62 =	vadd.f32 v5, v0  }
0x2f7: {  	[tilespmem:s5+$0x4070] =	vst v2;
	v63 =	vadd.f32 v8, v0  }
0x2f8: {  	[tilespmem:s5+$0x6070] =	vst v62  }
0x2f9: {  	s3 =	sadd.s32 $0x200, s3;
	[tilespmem:s5+$0x8070] =	vst v63  }
0x2fa: {  	s3 =	rddreg [dreg:$0x15]  }
0x2fb: {  	[hbm4b:s3+s20] =	stream.strided.scatter [tilespmem:s22], [sflag:$0x6], $0x8000, s21, s20, $0x38;
	[tilespmem:$0x1C000] =	vst v63  }
0x2fc: {  	_ =	swait.ge [sflag:s1], $0x8000  }
0x2fd: {  	[sflag:s1] =	ssyncset.done $0x0  }
0x2fe: {  	s8 =	rddreg [dreg:$0x19];
	[sflag:s1] =	ssyncadd.s32 $0xFFFF8000  }
0x2ff: {  	[tilespmem:s26], [sflag:$0x5] =	stream.strided.gather [hbm4b:s8+s20], $0x8000, s21, s20, $0x38;
	[tilespmem:$0x1C000] =	vst v63  }
0x300: {  	s3 =	simm.s32 $0x0;
	s4 =	rddreg [dreg:$0x1a]  }
0x301: {  	[tilespmem:s3], [sflag:$0x1] =	stream.linear.gather [hbm4b:s4+s3], $0x2000, $0x38;
	[tilespmem:$0x1C000] =	vst v63  }
0x302: {  	_ =	swait.ge [sflag:s28], $0x2000  }
0x303: {  	[sflag:s28] =	ssyncset.done $0x0  }
0x304: {  	[sflag:s28] =	ssyncadd.s32 $0xFFFFE000  }
0x305: {  	_ =	swait.ge [sflag:s29], $0x8000  }
0x306: {  	[sflag:s29] =	ssyncset.done $0x0  }
0x307: {  	s4 =	simm.s32 $0x0;
	[sflag:s29] =	ssyncadd.s32 $0xFFFF8000  }
.LBB2_30:
0x308: {  	s5 =	sshra.s32 s3, $0x2  }
0x309: {  	v0 =	vld [tilespmem:s5+$0x2070]  }
0x30a: {  	v1 =	vld [tilespmem:s5+$0x12070]  }
0x30b: {  	v2 =	vld [tilespmem:s5+$0x2000]  }
0x30c: {  	v3 =	vld [tilespmem:s5+$0xC000]  }
0x30d: {  	v4 =	vld [tilespmem:s5+$0xE000]  }
0x30e: {  	v5 =	vld [tilespmem:s5+$0x10000]  }
0x30f: {  	v6 =	vld [tilespmem:s5+$0x12000]  }
0x310: {  	v7 =	vld [tilespmem:s5+$0x2010]  }
0x311: {  	v8 =	vld [tilespmem:s5+$0xC010]  }
0x312: {  	v9 =	vld [tilespmem:s5+$0xE010]  }
0x313: {  	v10 =	vld [tilespmem:s5+$0x10010]  }
0x314: {  	v11 =	vld [tilespmem:s5+$0x12010]  }
0x315: {  	v12 =	vld [tilespmem:s5+$0x2020];
	v1 =	vadd.f32 v1, v0  }
0x316: {  	v13 =	vld [tilespmem:s5+$0xC020];
	v3 =	vadd.f32 v3, v2  }
0x317: {  	v60 =	vld [tilespmem:s5+$0xE030];
	[tilespmem:s5+$0x12070] =	vst v1;
	v1 =	vadd.f32 v4, v2  }
0x318: {  	v61 =	vld [tilespmem:s5+$0x12030];
	[tilespmem:s5+$0xC000] =	vst v3;
	v3 =	vadd.f32 v5, v2  }
0x319: {  	v4 =	vld [tilespmem:s5+$0xE020];
	[tilespmem:s5+$0xE000] =	vst v1;
	v1 =	vadd.f32 v6, v2  }
0x31a: {  	v5 =	vld [tilespmem:s5+$0x10020];
	[tilespmem:s5+$0x10000] =	vst v3;
	v3 =	vadd.f32 v8, v7  }
0x31b: {  	v2 =	vld [tilespmem:s5+$0x12020];
	[tilespmem:s5+$0x12000] =	vst v1;
	v1 =	vadd.f32 v9, v7  }
0x31c: {  	v6 =	vld [tilespmem:s5+$0x2030];
	[tilespmem:s5+$0xC010] =	vst v3;
	v3 =	vadd.f32 v10, v7  }
0x31d: {  	v8 =	vld [tilespmem:s5+$0xC030];
	[tilespmem:s5+$0xE010] =	vst v1;
	v1 =	vadd.f32 v11, v7  }
0x31e: {  	v62 =	vld [tilespmem:s5+$0x12040];
	[tilespmem:s5+$0x10010] =	vst v3;
	v3 =	vadd.f32 v13, v12  }
0x31f: {  	v7 =	vld [tilespmem:s5+$0x10030];
	[tilespmem:s5+$0x12010] =	vst v1;
	v1 =	vadd.f32 v4, v12  }
0x320: {  	v4 =	vld [tilespmem:s5+$0x2040];
	[tilespmem:s5+$0xC020] =	vst v3;
	v3 =	vadd.f32 v5, v12  }
0x321: {  	v5 =	vld [tilespmem:s5+$0xC040];
	[tilespmem:s5+$0xE020] =	vst v1;
	v1 =	vadd.f32 v2, v12  }
0x322: {  	v2 =	vld [tilespmem:s5+$0xE040];
	[tilespmem:s5+$0x10020] =	vst v3;
	v3 =	vadd.f32 v8, v6  }
0x323: {  	v8 =	vld [tilespmem:s5+$0x10040];
	[tilespmem:s5+$0x12020] =	vst v1;
	v1 =	vadd.f32 v60, v6  }
0x324: {  	[tilespmem:s5+$0xC030] =	vst v3;
	v3 =	vadd.f32 v7, v6;
	v7 =	vld [tilespmem:s5+$0x2050]  }
0x325: {  	[tilespmem:s5+$0xE030] =	vst v1;
	v1 =	vadd.f32 v61, v6;
	v6 =	vld [tilespmem:s5+$0xC050]  }
0x326: {  	[tilespmem:s5+$0x10030] =	vst v3;
	v3 =	vadd.f32 v5, v4;
	v5 =	vld [tilespmem:s5+$0xE050]  }
0x327: {  	[tilespmem:s5+$0x12030] =	vst v1;
	v1 =	vadd.f32 v2, v4;
	v2 =	vld [tilespmem:s5+$0x10050]  }
0x328: {  	[tilespmem:s5+$0xC040] =	vst v3;
	v3 =	vadd.f32 v8, v4;
	v8 =	vld [tilespmem:s5+$0x12050]  }
0x329: {  	v63 =	vld [tilespmem:s5+$0xC060];
	v4 =	vadd.f32 v62, v4;
	[tilespmem:s5+$0xE040] =	vst v1  }
0x32a: {  	v1 =	vld [tilespmem:s5+$0x2060];
	[tilespmem:s5+$0x10040] =	vst v3;
	v3 =	vadd.f32 v6, v7  }
0x32b: {  	[tilespmem:s5+$0x12040] =	vst v4;
	v4 =	vadd.f32 v5, v7;
	v6 =	vld [tilespmem:s5+$0xE060]  }
0x32c: {  	[tilespmem:s5+$0xC050] =	vst v3;
	v2 =	vadd.f32 v2, v7;
	v3 =	vld [tilespmem:s5+$0x10060]  }
0x32d: {  	[tilespmem:s5+$0xE050] =	vst v4;
	v5 =	vadd.f32 v8, v7;
	v4 =	vld [tilespmem:s5+$0x12060]  }
0x32e: {  	[tilespmem:s5+$0x10050] =	vst v2;
	v2 =	vld [tilespmem:s5+$0xC070]  }
0x32f: {  	s6 =	simm.s32 $0x0;
	s7 =	sadd.s32 $0x1000, s3;
	[tilespmem:s5+$0x12050] =	vst v5;
	v7 =	vadd.f32 v63, v1;
	v5 =	vld [tilespmem:s5+$0xE070]  }
.LBB2_31:
0x330: {  	s8 =	sshra.s32 s7, $0x2;
	v6 =	vadd.f32 v6, v1;
	v8 =	vld [tilespmem:s5+$0x10070]  }
0x331: {  	s6 =	sadd.s32 $0x8, s6;
	v9 =	vld [tilespmem:s8+$0x2070];
	[tilespmem:s5+$0xC060] =	vst v7;
	v3 =	vadd.f32 v3, v1  }
0x332: {  	p0 =	slt.u32 s6, $0x38;
	v7 =	vld [tilespmem:s8+$0x12070];
	[tilespmem:s5+$0xE060] =	vst v6;
	v1 =	vadd.f32 v4, v1  }
0x333: {  	v4 =	vld [tilespmem:s8+$0x2000];
	[tilespmem:s5+$0x10060] =	vst v3;
	v2 =	vadd.f32 v2, v0  }
0x334: {  	v3 =	vld [tilespmem:s8+$0xC000];
	[tilespmem:s5+$0x12060] =	vst v1;
	v1 =	vadd.f32 v5, v0  }
0x335: {  	v5 =	vld [tilespmem:s8+$0xE000];
	[tilespmem:s5+$0xC070] =	vst v2;
	v2 =	vadd.f32 v8, v0  }
0x336: {  	v6 =	vld [tilespmem:s8+$0x10000];
	[tilespmem:s5+$0xE070] =	vst v1;
	v0 =	vmov v9  }
0x337: {  	v1 =	vld [tilespmem:s8+$0x12000];
	v7 =	vadd.f32 v7, v0;
	[tilespmem:s5+$0x10070] =	vst v2;
	s5 =	smov.u32 s8  }
0x338: {  	v2 =	vld [tilespmem:s5+$0x2010]  }
0x339: {  	v3 =	vadd.f32 v3, v4;
	v8 =	vld [tilespmem:s5+$0xC010];
	[tilespmem:s5+$0x12070] =	vst v7  }
0x33a: {  	v5 =	vadd.f32 v5, v4;
	v7 =	vld [tilespmem:s5+$0xE010]  }
0x33b: {  	[tilespmem:s5+$0xC000] =	vst v3;
	v3 =	vadd.f32 v6, v4;
	v6 =	vld [tilespmem:s5+$0x10010]  }
0x33c: {  	[tilespmem:s5+$0xE000] =	vst v5;
	v1 =	vadd.f32 v1, v4;
	v4 =	vld [tilespmem:s5+$0x12010]  }
0x33d: {  	[tilespmem:s5+$0x10000] =	vst v3;
	v3 =	vld [tilespmem:s5+$0x2020]  }
0x33e: {  	[tilespmem:s5+$0x12000] =	vst v1;
	v1 =	vadd.f32 v8, v2;
	v5 =	vld [tilespmem:s5+$0xC020]  }
0x33f: {  	v7 =	vadd.f32 v7, v2;
	v8 =	vld [tilespmem:s5+$0xE020]  }
0x340: {  	[tilespmem:s5+$0xC010] =	vst v1;
	v1 =	vadd.f32 v6, v2;
	v6 =	vld [tilespmem:s5+$0x10020]  }
0x341: {  	[tilespmem:s5+$0xE010] =	vst v7;
	v2 =	vadd.f32 v4, v2;
	v4 =	vld [tilespmem:s5+$0x12020]  }
0x342: {  	[tilespmem:s5+$0x10010] =	vst v1;
	v1 =	vld [tilespmem:s5+$0x2030]  }
0x343: {  	[tilespmem:s5+$0x12010] =	vst v2;
	v2 =	vadd.f32 v5, v3;
	v5 =	vld [tilespmem:s5+$0xC030]  }
0x344: {  	v7 =	vadd.f32 v8, v3;
	v8 =	vld [tilespmem:s5+$0xE030]  }
0x345: {  	[tilespmem:s5+$0xC020] =	vst v2;
	v2 =	vadd.f32 v6, v3;
	v6 =	vld [tilespmem:s5+$0x10030]  }
0x346: {  	[tilespmem:s5+$0xE020] =	vst v7;
	v3 =	vadd.f32 v4, v3;
	v4 =	vld [tilespmem:s5+$0x12030]  }
0x347: {  	[tilespmem:s5+$0x10020] =	vst v2;
	v2 =	vld [tilespmem:s5+$0x2040]  }
0x348: {  	[tilespmem:s5+$0x12020] =	vst v3;
	v3 =	vadd.f32 v5, v1;
	v5 =	vld [tilespmem:s5+$0xC040]  }
0x349: {  	v7 =	vadd.f32 v8, v1;
	v8 =	vld [tilespmem:s5+$0xE040]  }
0x34a: {  	[tilespmem:s5+$0xC030] =	vst v3;
	v3 =	vadd.f32 v6, v1;
	v6 =	vld [tilespmem:s5+$0x10040]  }
0x34b: {  	[tilespmem:s5+$0xE030] =	vst v7;
	v1 =	vadd.f32 v4, v1;
	v4 =	vld [tilespmem:s5+$0x12040]  }
0x34c: {  	[tilespmem:s5+$0x10030] =	vst v3;
	v7 =	vld [tilespmem:s5+$0x2050]  }
0x34d: {  	[tilespmem:s5+$0x12030] =	vst v1;
	v1 =	vadd.f32 v5, v2;
	v3 =	vld [tilespmem:s5+$0xC050]  }
0x34e: {  	v5 =	vadd.f32 v8, v2;
	v8 =	vld [tilespmem:s5+$0xE050]  }
0x34f: {  	[tilespmem:s5+$0xC040] =	vst v1;
	v1 =	vadd.f32 v6, v2;
	v9 =	vld [tilespmem:s5+$0x10050]  }
0x350: {  	[tilespmem:s5+$0xE040] =	vst v5;
	v2 =	vadd.f32 v4, v2;
	v4 =	vld [tilespmem:s5+$0x12050]  }
0x351: {  	[tilespmem:s5+$0x10040] =	vst v1;
	v1 =	vld [tilespmem:s5+$0x2060]  }
0x352: {  	[tilespmem:s5+$0x12040] =	vst v2;
	v2 =	vadd.f32 v3, v7;
	v5 =	vld [tilespmem:s5+$0xC060]  }
.Ltmp14:
0x353: {  	v8 =	vadd.f32 v8, v7;
	v6 =	vld [tilespmem:s5+$0xE060];
	(pc) =	sbr.rel @p0 .LBB2_31-.Ltmp14, $4  }
0x354: {  	[tilespmem:s5+$0xC050] =	vst v2;
	v2 =	vadd.f32 v9, v7;
	v3 =	vld [tilespmem:s5+$0x10060]  }
0x355: {  	[tilespmem:s5+$0xE050] =	vst v8;
	v7 =	vadd.f32 v4, v7;
	v4 =	vld [tilespmem:s5+$0x12060]  }
0x356: {  	[tilespmem:s5+$0x10050] =	vst v2;
	v2 =	vld [tilespmem:s5+$0xC070]  }
0x357: {  	s7 =	sadd.s32 $0x1000, s7;
	[tilespmem:s5+$0x12050] =	vst v7;
	v7 =	vadd.f32 v5, v1;
	v5 =	vld [tilespmem:s5+$0xE070]  }
0x358: {  	v6 =	vadd.f32 v6, v1;
	v8 =	vld [tilespmem:s5+$0x10070]  }
0x359: {  	s4 =	sadd.s32 $0x1, s4;
	[tilespmem:s5+$0xC060] =	vst v7;
	v3 =	vadd.f32 v3, v1  }
0x35a: {  	p0 =	sne.s32 s4, $0x8;
	[tilespmem:s5+$0xE060] =	vst v6;
	v61 =	vadd.f32 v4, v1  }
.Ltmp15:
0x35b: {  	[tilespmem:s5+$0x10060] =	vst v3;
	v2 =	vadd.f32 v2, v0;
	(pc) =	sbr.rel @p0 .LBB2_30-.Ltmp15, $4  }
0x35c: {  	[tilespmem:s5+$0x12060] =	vst v61;
	v62 =	vadd.f32 v5, v0  }
0x35d: {  	[tilespmem:s5+$0xC070] =	vst v2;
	v63 =	vadd.f32 v8, v0  }
0x35e: {  	[tilespmem:s5+$0xE070] =	vst v62  }
0x35f: {  	s3 =	sadd.s32 $0x200, s3;
	[tilespmem:s5+$0x10070] =	vst v63  }
0x360: {  	s3 =	rddreg [dreg:$0x18]  }
0x361: {  	[hbm4b:s3+s20] =	stream.strided.scatter [tilespmem:s23], [sflag:$0x7], $0x8000, s21, s20, $0x38;
	[tilespmem:$0x1C000] =	vst v63  }
0x362: {  	_ =	swait.ge [sflag:s30], $0x8000  }
0x363: {  	[sflag:s30] =	ssyncset.done $0x0  }
0x364: {  	s8 =	rddreg [dreg:$0x1c];
	[sflag:s30] =	ssyncadd.s32 $0xFFFF8000  }
0x365: {  	[tilespmem:s22], [sflag:$0x3] =	stream.strided.gather [hbm4b:s8+s20], $0x8000, s21, s20, $0x38;
	[tilespmem:$0x1C000] =	vst v63  }
0x366: {  	s3 =	simm.s32 $0x0;
	s4 =	rddreg [dreg:$0x1d]  }
0x367: {  	[tilespmem:s20], [sflag:$0x2] =	stream.linear.gather [hbm4b:s4+s3], $0x2000, $0x38;
	[tilespmem:$0x1C000] =	vst v63  }
0x368: {  	_ =	swait.ge [sflag:s24], $0x2000  }
0x369: {  	[sflag:s24] =	ssyncset.done $0x0  }
0x36a: {  	[sflag:s24] =	ssyncadd.s32 $0xFFFFE000  }
0x36b: {  	_ =	swait.ge [sflag:s31], $0x8000  }
0x36c: {  	[sflag:s31] =	ssyncset.done $0x0  }
0x36d: {  	s4 =	simm.s32 $0x0;
	[sflag:s31] =	ssyncadd.s32 $0xFFFF8000  }
.LBB2_34:
0x36e: {  	s5 =	sshra.s32 s3, $0x2  }
0x36f: {  	v0 =	vld [tilespmem:s5+$0x70]  }
0x370: {  	v1 =	vld [tilespmem:s5+$0x1A070]  }
0x371: {  	v2 =	vld [tilespmem:s5+$0x0]  }
0x372: {  	v3 =	vld [tilespmem:s5+$0x14000]  }
0x373: {  	v4 =	vld [tilespmem:s5+$0x16000]  }
0x374: {  	v5 =	vld [tilespmem:s5+$0x18000]  }
0x375: {  	v6 =	vld [tilespmem:s5+$0x1A000]  }
0x376: {  	v7 =	vld [tilespmem:s5+$0x10]  }
0x377: {  	v8 =	vld [tilespmem:s5+$0x14010]  }
0x378: {  	v9 =	vld [tilespmem:s5+$0x16010]  }
0x379: {  	v10 =	vld [tilespmem:s5+$0x18010]  }
0x37a: {  	v11 =	vld [tilespmem:s5+$0x1A010]  }
0x37b: {  	v12 =	vld [tilespmem:s5+$0x20];
	v1 =	vadd.f32 v1, v0  }
0x37c: {  	v13 =	vld [tilespmem:s5+$0x14020];
	v3 =	vadd.f32 v3, v2  }
0x37d: {  	v60 =	vld [tilespmem:s5+$0x16030];
	[tilespmem:s5+$0x1A070] =	vst v1;
	v1 =	vadd.f32 v4, v2  }
0x37e: {  	v61 =	vld [tilespmem:s5+$0x1A030];
	[tilespmem:s5+$0x14000] =	vst v3;
	v3 =	vadd.f32 v5, v2  }
0x37f: {  	v4 =	vld [tilespmem:s5+$0x16020];
	[tilespmem:s5+$0x16000] =	vst v1;
	v1 =	vadd.f32 v6, v2  }
0x380: {  	v5 =	vld [tilespmem:s5+$0x18020];
	[tilespmem:s5+$0x18000] =	vst v3;
	v3 =	vadd.f32 v8, v7  }
0x381: {  	v2 =	vld [tilespmem:s5+$0x1A020];
	[tilespmem:s5+$0x1A000] =	vst v1;
	v1 =	vadd.f32 v9, v7  }
0x382: {  	v6 =	vld [tilespmem:s5+$0x30];
	[tilespmem:s5+$0x14010] =	vst v3;
	v3 =	vadd.f32 v10, v7  }
0x383: {  	v8 =	vld [tilespmem:s5+$0x14030];
	[tilespmem:s5+$0x16010] =	vst v1;
	v1 =	vadd.f32 v11, v7  }
0x384: {  	v62 =	vld [tilespmem:s5+$0x1A040];
	[tilespmem:s5+$0x18010] =	vst v3;
	v3 =	vadd.f32 v13, v12  }
0x385: {  	v7 =	vld [tilespmem:s5+$0x18030];
	[tilespmem:s5+$0x1A010] =	vst v1;
	v1 =	vadd.f32 v4, v12  }
0x386: {  	v4 =	vld [tilespmem:s5+$0x40];
	[tilespmem:s5+$0x14020] =	vst v3;
	v3 =	vadd.f32 v5, v12  }
0x387: {  	v5 =	vld [tilespmem:s5+$0x14040];
	[tilespmem:s5+$0x16020] =	vst v1;
	v1 =	vadd.f32 v2, v12  }
0x388: {  	v2 =	vld [tilespmem:s5+$0x16040];
	[tilespmem:s5+$0x18020] =	vst v3;
	v3 =	vadd.f32 v8, v6  }
0x389: {  	v8 =	vld [tilespmem:s5+$0x18040];
	[tilespmem:s5+$0x1A020] =	vst v1;
	v1 =	vadd.f32 v60, v6  }
0x38a: {  	[tilespmem:s5+$0x14030] =	vst v3;
	v3 =	vadd.f32 v7, v6;
	v7 =	vld [tilespmem:s5+$0x50]  }
0x38b: {  	[tilespmem:s5+$0x16030] =	vst v1;
	v1 =	vadd.f32 v61, v6;
	v6 =	vld [tilespmem:s5+$0x14050]  }
0x38c: {  	[tilespmem:s5+$0x18030] =	vst v3;
	v3 =	vadd.f32 v5, v4;
	v5 =	vld [tilespmem:s5+$0x16050]  }
0x38d: {  	[tilespmem:s5+$0x1A030] =	vst v1;
	v1 =	vadd.f32 v2, v4;
	v2 =	vld [tilespmem:s5+$0x18050]  }
0x38e: {  	[tilespmem:s5+$0x14040] =	vst v3;
	v3 =	vadd.f32 v8, v4;
	v8 =	vld [tilespmem:s5+$0x1A050]  }
0x38f: {  	v63 =	vld [tilespmem:s5+$0x14060];
	v4 =	vadd.f32 v62, v4;
	[tilespmem:s5+$0x16040] =	vst v1  }
0x390: {  	v1 =	vld [tilespmem:s5+$0x60];
	[tilespmem:s5+$0x18040] =	vst v3;
	v3 =	vadd.f32 v6, v7  }
0x391: {  	[tilespmem:s5+$0x1A040] =	vst v4;
	v4 =	vadd.f32 v5, v7;
	v6 =	vld [tilespmem:s5+$0x16060]  }
0x392: {  	[tilespmem:s5+$0x14050] =	vst v3;
	v2 =	vadd.f32 v2, v7;
	v3 =	vld [tilespmem:s5+$0x18060]  }
0x393: {  	[tilespmem:s5+$0x16050] =	vst v4;
	v5 =	vadd.f32 v8, v7;
	v4 =	vld [tilespmem:s5+$0x1A060]  }
0x394: {  	[tilespmem:s5+$0x18050] =	vst v2;
	v2 =	vld [tilespmem:s5+$0x14070]  }
0x395: {  	s6 =	simm.s32 $0x0;
	s7 =	sadd.s32 $0x1000, s3;
	[tilespmem:s5+$0x1A050] =	vst v5;
	v7 =	vadd.f32 v63, v1;
	v5 =	vld [tilespmem:s5+$0x16070]  }
.LBB2_35:
0x396: {  	s8 =	sshra.s32 s7, $0x2;
	v6 =	vadd.f32 v6, v1;
	v8 =	vld [tilespmem:s5+$0x18070]  }
0x397: {  	s6 =	sadd.s32 $0x8, s6;
	v9 =	vld [tilespmem:s8+$0x70];
	[tilespmem:s5+$0x14060] =	vst v7;
	v3 =	vadd.f32 v3, v1  }
0x398: {  	p0 =	slt.u32 s6, $0x38;
	v7 =	vld [tilespmem:s8+$0x1A070];
	[tilespmem:s5+$0x16060] =	vst v6;
	v1 =	vadd.f32 v4, v1  }
0x399: {  	v4 =	vld [tilespmem:s8+$0x0];
	[tilespmem:s5+$0x18060] =	vst v3;
	v2 =	vadd.f32 v2, v0  }
0x39a: {  	v3 =	vld [tilespmem:s8+$0x14000];
	[tilespmem:s5+$0x1A060] =	vst v1;
	v1 =	vadd.f32 v5, v0  }
0x39b: {  	v5 =	vld [tilespmem:s8+$0x16000];
	[tilespmem:s5+$0x14070] =	vst v2;
	v2 =	vadd.f32 v8, v0  }
0x39c: {  	v6 =	vld [tilespmem:s8+$0x18000];
	[tilespmem:s5+$0x16070] =	vst v1;
	v0 =	vmov v9  }
0x39d: {  	v1 =	vld [tilespmem:s8+$0x1A000];
	v7 =	vadd.f32 v7, v0;
	[tilespmem:s5+$0x18070] =	vst v2;
	s5 =	smov.u32 s8  }
0x39e: {  	v2 =	vld [tilespmem:s5+$0x10]  }
0x39f: {  	v3 =	vadd.f32 v3, v4;
	v8 =	vld [tilespmem:s5+$0x14010];
	[tilespmem:s5+$0x1A070] =	vst v7  }
0x3a0: {  	v5 =	vadd.f32 v5, v4;
	v7 =	vld [tilespmem:s5+$0x16010]  }
0x3a1: {  	[tilespmem:s5+$0x14000] =	vst v3;
	v3 =	vadd.f32 v6, v4;
	v6 =	vld [tilespmem:s5+$0x18010]  }
0x3a2: {  	[tilespmem:s5+$0x16000] =	vst v5;
	v1 =	vadd.f32 v1, v4;
	v4 =	vld [tilespmem:s5+$0x1A010]  }
0x3a3: {  	[tilespmem:s5+$0x18000] =	vst v3;
	v3 =	vld [tilespmem:s5+$0x20]  }
0x3a4: {  	[tilespmem:s5+$0x1A000] =	vst v1;
	v1 =	vadd.f32 v8, v2;
	v5 =	vld [tilespmem:s5+$0x14020]  }
0x3a5: {  	v7 =	vadd.f32 v7, v2;
	v8 =	vld [tilespmem:s5+$0x16020]  }
0x3a6: {  	[tilespmem:s5+$0x14010] =	vst v1;
	v1 =	vadd.f32 v6, v2;
	v6 =	vld [tilespmem:s5+$0x18020]  }
0x3a7: {  	[tilespmem:s5+$0x16010] =	vst v7;
	v2 =	vadd.f32 v4, v2;
	v4 =	vld [tilespmem:s5+$0x1A020]  }
0x3a8: {  	[tilespmem:s5+$0x18010] =	vst v1;
	v1 =	vld [tilespmem:s5+$0x30]  }
0x3a9: {  	[tilespmem:s5+$0x1A010] =	vst v2;
	v2 =	vadd.f32 v5, v3;
	v5 =	vld [tilespmem:s5+$0x14030]  }
0x3aa: {  	v7 =	vadd.f32 v8, v3;
	v8 =	vld [tilespmem:s5+$0x16030]  }
0x3ab: {  	[tilespmem:s5+$0x14020] =	vst v2;
	v2 =	vadd.f32 v6, v3;
	v6 =	vld [tilespmem:s5+$0x18030]  }
0x3ac: {  	[tilespmem:s5+$0x16020] =	vst v7;
	v3 =	vadd.f32 v4, v3;
	v4 =	vld [tilespmem:s5+$0x1A030]  }
0x3ad: {  	[tilespmem:s5+$0x18020] =	vst v2;
	v2 =	vld [tilespmem:s5+$0x40]  }
0x3ae: {  	[tilespmem:s5+$0x1A020] =	vst v3;
	v3 =	vadd.f32 v5, v1;
	v5 =	vld [tilespmem:s5+$0x14040]  }
0x3af: {  	v7 =	vadd.f32 v8, v1;
	v8 =	vld [tilespmem:s5+$0x16040]  }
0x3b0: {  	[tilespmem:s5+$0x14030] =	vst v3;
	v3 =	vadd.f32 v6, v1;
	v6 =	vld [tilespmem:s5+$0x18040]  }
0x3b1: {  	[tilespmem:s5+$0x16030] =	vst v7;
	v1 =	vadd.f32 v4, v1;
	v4 =	vld [tilespmem:s5+$0x1A040]  }
0x3b2: {  	[tilespmem:s5+$0x18030] =	vst v3;
	v7 =	vld [tilespmem:s5+$0x50]  }
0x3b3: {  	[tilespmem:s5+$0x1A030] =	vst v1;
	v1 =	vadd.f32 v5, v2;
	v3 =	vld [tilespmem:s5+$0x14050]  }
0x3b4: {  	v5 =	vadd.f32 v8, v2;
	v8 =	vld [tilespmem:s5+$0x16050]  }
0x3b5: {  	[tilespmem:s5+$0x14040] =	vst v1;
	v1 =	vadd.f32 v6, v2;
	v9 =	vld [tilespmem:s5+$0x18050]  }
0x3b6: {  	[tilespmem:s5+$0x16040] =	vst v5;
	v2 =	vadd.f32 v4, v2;
	v4 =	vld [tilespmem:s5+$0x1A050]  }
0x3b7: {  	[tilespmem:s5+$0x18040] =	vst v1;
	v1 =	vld [tilespmem:s5+$0x60]  }
0x3b8: {  	[tilespmem:s5+$0x1A040] =	vst v2;
	v2 =	vadd.f32 v3, v7;
	v5 =	vld [tilespmem:s5+$0x14060]  }
.Ltmp16:
0x3b9: {  	v8 =	vadd.f32 v8, v7;
	v6 =	vld [tilespmem:s5+$0x16060];
	(pc) =	sbr.rel @p0 .LBB2_35-.Ltmp16, $4  }
0x3ba: {  	[tilespmem:s5+$0x14050] =	vst v2;
	v2 =	vadd.f32 v9, v7;
	v3 =	vld [tilespmem:s5+$0x18060]  }
0x3bb: {  	[tilespmem:s5+$0x16050] =	vst v8;
	v7 =	vadd.f32 v4, v7;
	v4 =	vld [tilespmem:s5+$0x1A060]  }
0x3bc: {  	[tilespmem:s5+$0x18050] =	vst v2;
	v2 =	vld [tilespmem:s5+$0x14070]  }
0x3bd: {  	s7 =	sadd.s32 $0x1000, s7;
	[tilespmem:s5+$0x1A050] =	vst v7;
	v7 =	vadd.f32 v5, v1;
	v5 =	vld [tilespmem:s5+$0x16070]  }
0x3be: {  	v6 =	vadd.f32 v6, v1;
	v8 =	vld [tilespmem:s5+$0x18070]  }
0x3bf: {  	s4 =	sadd.s32 $0x1, s4;
	[tilespmem:s5+$0x14060] =	vst v7;
	v3 =	vadd.f32 v3, v1  }
0x3c0: {  	p0 =	sne.s32 s4, $0x8;
	[tilespmem:s5+$0x16060] =	vst v6;
	v61 =	vadd.f32 v4, v1  }
.Ltmp17:
0x3c1: {  	[tilespmem:s5+$0x18060] =	vst v3;
	v2 =	vadd.f32 v2, v0;
	(pc) =	sbr.rel @p0 .LBB2_34-.Ltmp17, $4  }
0x3c2: {  	[tilespmem:s5+$0x1A060] =	vst v61;
	v62 =	vadd.f32 v5, v0  }
0x3c3: {  	[tilespmem:s5+$0x14070] =	vst v2;
	v63 =	vadd.f32 v8, v0  }
0x3c4: {  	[tilespmem:s5+$0x16070] =	vst v62  }
0x3c5: {  	s3 =	sadd.s32 $0x200, s3;
	[tilespmem:s5+$0x18070] =	vst v63  }
0x3c6: {  	s3 =	rddreg [dreg:$0x1b]  }
0x3c7: {  	[hbm4b:s3+s20] =	stream.strided.scatter [tilespmem:s26], [sflag:$0x8], $0x8000, s21, s20, $0x38;
	[tilespmem:$0x1C000] =	vst v63  }
0x3c8: {  	_ =	swait.ge [sflag:s0], $0x8000  }
0x3c9: {  	[sflag:s0] =	ssyncset.done $0x0;
	s8 =	rddreg [dreg:$0x1f]  }
0x3ca: {  	s4 =	sld [smem:$0x7F4];
	[sflag:s0] =	ssyncadd.s32 $0xFFFF8000  }
0x3cb: {  	[tilespmem:s23], [sflag:$0x4] =	stream.strided.gather [hbm4b:s8+s20], $0x8000, s21, s20, $0x38;
	[tilespmem:$0x1C000] =	vst v63  }
0x3cc: {  	s3 =	simm.s32 $0x0  }
0x3cd: {  	[tilespmem:s3], [sflag:$0x1] =	stream.linear.gather [hbm4b:s4+s3], $0x2000, $0x38;
	[tilespmem:$0x1C000] =	vst v63  }
0x3ce: {  	_ =	swait.ge [sflag:s28], $0x2000  }
0x3cf: {  	[sflag:s28] =	ssyncset.done $0x0  }
0x3d0: {  	[sflag:s28] =	ssyncadd.s32 $0xFFFFE000  }
0x3d1: {  	_ =	swait.ge [sflag:s25], $0x8000  }
0x3d2: {  	[sflag:s25] =	ssyncset.done $0x0  }
0x3d3: {  	s4 =	simm.s32 $0x0;
	[sflag:s25] =	ssyncadd.s32 $0xFFFF8000  }
.LBB2_38:
0x3d4: {  	s5 =	sshra.s32 s3, $0x2  }
0x3d5: {  	v0 =	vld [tilespmem:s5+$0x2070]  }
0x3d6: {  	v1 =	vld [tilespmem:s5+$0xA070]  }
0x3d7: {  	v2 =	vld [tilespmem:s5+$0x2000]  }
0x3d8: {  	v3 =	vld [tilespmem:s5+$0x4000]  }
0x3d9: {  	v4 =	vld [tilespmem:s5+$0x6000]  }
0x3da: {  	v5 =	vld [tilespmem:s5+$0x8000]  }
0x3db: {  	v6 =	vld [tilespmem:s5+$0xA000]  }
0x3dc: {  	v7 =	vld [tilespmem:s5+$0x2010]  }
0x3dd: {  	v8 =	vld [tilespmem:s5+$0x4010]  }
0x3de: {  	v9 =	vld [tilespmem:s5+$0x6010]  }
0x3df: {  	v10 =	vld [tilespmem:s5+$0x8010]  }
0x3e0: {  	v11 =	vld [tilespmem:s5+$0xA010]  }
0x3e1: {  	v12 =	vld [tilespmem:s5+$0x2020];
	v1 =	vadd.f32 v1, v0  }
0x3e2: {  	v13 =	vld [tilespmem:s5+$0x4020];
	v3 =	vadd.f32 v3, v2  }
0x3e3: {  	v60 =	vld [tilespmem:s5+$0x6030];
	[tilespmem:s5+$0xA070] =	vst v1;
	v1 =	vadd.f32 v4, v2  }
0x3e4: {  	v61 =	vld [tilespmem:s5+$0xA030];
	[tilespmem:s5+$0x4000] =	vst v3;
	v3 =	vadd.f32 v5, v2  }
0x3e5: {  	v4 =	vld [tilespmem:s5+$0x6020];
	[tilespmem:s5+$0x6000] =	vst v1;
	v1 =	vadd.f32 v6, v2  }
0x3e6: {  	v5 =	vld [tilespmem:s5+$0x8020];
	[tilespmem:s5+$0x8000] =	vst v3;
	v3 =	vadd.f32 v8, v7  }
0x3e7: {  	v2 =	vld [tilespmem:s5+$0xA020];
	[tilespmem:s5+$0xA000] =	vst v1;
	v1 =	vadd.f32 v9, v7  }
0x3e8: {  	v6 =	vld [tilespmem:s5+$0x2030];
	[tilespmem:s5+$0x4010] =	vst v3;
	v3 =	vadd.f32 v10, v7  }
0x3e9: {  	v8 =	vld [tilespmem:s5+$0x4030];
	[tilespmem:s5+$0x6010] =	vst v1;
	v1 =	vadd.f32 v11, v7  }
0x3ea: {  	v62 =	vld [tilespmem:s5+$0xA040];
	[tilespmem:s5+$0x8010] =	vst v3;
	v3 =	vadd.f32 v13, v12  }
0x3eb: {  	v7 =	vld [tilespmem:s5+$0x8030];
	[tilespmem:s5+$0xA010] =	vst v1;
	v1 =	vadd.f32 v4, v12  }
0x3ec: {  	v4 =	vld [tilespmem:s5+$0x2040];
	[tilespmem:s5+$0x4020] =	vst v3;
	v3 =	vadd.f32 v5, v12  }
0x3ed: {  	v5 =	vld [tilespmem:s5+$0x4040];
	[tilespmem:s5+$0x6020] =	vst v1;
	v1 =	vadd.f32 v2, v12  }
0x3ee: {  	v2 =	vld [tilespmem:s5+$0x6040];
	[tilespmem:s5+$0x8020] =	vst v3;
	v3 =	vadd.f32 v8, v6  }
0x3ef: {  	v8 =	vld [tilespmem:s5+$0x8040];
	[tilespmem:s5+$0xA020] =	vst v1;
	v1 =	vadd.f32 v60, v6  }
0x3f0: {  	[tilespmem:s5+$0x4030] =	vst v3;
	v3 =	vadd.f32 v7, v6;
	v7 =	vld [tilespmem:s5+$0x2050]  }
0x3f1: {  	[tilespmem:s5+$0x6030] =	vst v1;
	v1 =	vadd.f32 v61, v6;
	v6 =	vld [tilespmem:s5+$0x4050]  }
0x3f2: {  	[tilespmem:s5+$0x8030] =	vst v3;
	v3 =	vadd.f32 v5, v4;
	v5 =	vld [tilespmem:s5+$0x6050]  }
0x3f3: {  	[tilespmem:s5+$0xA030] =	vst v1;
	v1 =	vadd.f32 v2, v4;
	v2 =	vld [tilespmem:s5+$0x8050]  }
0x3f4: {  	[tilespmem:s5+$0x4040] =	vst v3;
	v3 =	vadd.f32 v8, v4;
	v8 =	vld [tilespmem:s5+$0xA050]  }
0x3f5: {  	v63 =	vld [tilespmem:s5+$0x4060];
	v4 =	vadd.f32 v62, v4;
	[tilespmem:s5+$0x6040] =	vst v1  }
0x3f6: {  	v1 =	vld [tilespmem:s5+$0x2060];
	[tilespmem:s5+$0x8040] =	vst v3;
	v3 =	vadd.f32 v6, v7  }
0x3f7: {  	[tilespmem:s5+$0xA040] =	vst v4;
	v4 =	vadd.f32 v5, v7;
	v6 =	vld [tilespmem:s5+$0x6060]  }
0x3f8: {  	[tilespmem:s5+$0x4050] =	vst v3;
	v2 =	vadd.f32 v2, v7;
	v3 =	vld [tilespmem:s5+$0x8060]  }
0x3f9: {  	[tilespmem:s5+$0x6050] =	vst v4;
	v5 =	vadd.f32 v8, v7;
	v4 =	vld [tilespmem:s5+$0xA060]  }
0x3fa: {  	[tilespmem:s5+$0x8050] =	vst v2;
	v2 =	vld [tilespmem:s5+$0x4070]  }
0x3fb: {  	s6 =	simm.s32 $0x0;
	s7 =	sadd.s32 $0x1000, s3;
	[tilespmem:s5+$0xA050] =	vst v5;
	v7 =	vadd.f32 v63, v1;
	v5 =	vld [tilespmem:s5+$0x6070]  }
.LBB2_39:
0x3fc: {  	s8 =	sshra.s32 s7, $0x2;
	v6 =	vadd.f32 v6, v1;
	v8 =	vld [tilespmem:s5+$0x8070]  }
0x3fd: {  	s6 =	sadd.s32 $0x8, s6;
	v9 =	vld [tilespmem:s8+$0x2070];
	[tilespmem:s5+$0x4060] =	vst v7;
	v3 =	vadd.f32 v3, v1  }
0x3fe: {  	p0 =	slt.u32 s6, $0x38;
	v7 =	vld [tilespmem:s8+$0xA070];
	[tilespmem:s5+$0x6060] =	vst v6;
	v1 =	vadd.f32 v4, v1  }
0x3ff: {  	v4 =	vld [tilespmem:s8+$0x2000];
	[tilespmem:s5+$0x8060] =	vst v3;
	v2 =	vadd.f32 v2, v0  }
0x400: {  	v3 =	vld [tilespmem:s8+$0x4000];
	[tilespmem:s5+$0xA060] =	vst v1;
	v1 =	vadd.f32 v5, v0  }
0x401: {  	v5 =	vld [tilespmem:s8+$0x6000];
	[tilespmem:s5+$0x4070] =	vst v2;
	v2 =	vadd.f32 v8, v0  }
0x402: {  	v6 =	vld [tilespmem:s8+$0x8000];
	[tilespmem:s5+$0x6070] =	vst v1;
	v0 =	vmov v9  }
0x403: {  	v1 =	vld [tilespmem:s8+$0xA000];
	v7 =	vadd.f32 v7, v0;
	[tilespmem:s5+$0x8070] =	vst v2;
	s5 =	smov.u32 s8  }
0x404: {  	v2 =	vld [tilespmem:s5+$0x2010]  }
0x405: {  	v3 =	vadd.f32 v3, v4;
	v8 =	vld [tilespmem:s5+$0x4010];
	[tilespmem:s5+$0xA070] =	vst v7  }
0x406: {  	v5 =	vadd.f32 v5, v4;
	v7 =	vld [tilespmem:s5+$0x6010]  }
0x407: {  	[tilespmem:s5+$0x4000] =	vst v3;
	v3 =	vadd.f32 v6, v4;
	v6 =	vld [tilespmem:s5+$0x8010]  }
0x408: {  	[tilespmem:s5+$0x6000] =	vst v5;
	v1 =	vadd.f32 v1, v4;
	v4 =	vld [tilespmem:s5+$0xA010]  }
0x409: {  	[tilespmem:s5+$0x8000] =	vst v3;
	v3 =	vld [tilespmem:s5+$0x2020]  }
0x40a: {  	[tilespmem:s5+$0xA000] =	vst v1;
	v1 =	vadd.f32 v8, v2;
	v5 =	vld [tilespmem:s5+$0x4020]  }
0x40b: {  	v7 =	vadd.f32 v7, v2;
	v8 =	vld [tilespmem:s5+$0x6020]  }
0x40c: {  	[tilespmem:s5+$0x4010] =	vst v1;
	v1 =	vadd.f32 v6, v2;
	v6 =	vld [tilespmem:s5+$0x8020]  }
0x40d: {  	[tilespmem:s5+$0x6010] =	vst v7;
	v2 =	vadd.f32 v4, v2;
	v4 =	vld [tilespmem:s5+$0xA020]  }
0x40e: {  	[tilespmem:s5+$0x8010] =	vst v1;
	v1 =	vld [tilespmem:s5+$0x2030]  }
0x40f: {  	[tilespmem:s5+$0xA010] =	vst v2;
	v2 =	vadd.f32 v5, v3;
	v5 =	vld [tilespmem:s5+$0x4030]  }
0x410: {  	v7 =	vadd.f32 v8, v3;
	v8 =	vld [tilespmem:s5+$0x6030]  }
0x411: {  	[tilespmem:s5+$0x4020] =	vst v2;
	v2 =	vadd.f32 v6, v3;
	v6 =	vld [tilespmem:s5+$0x8030]  }
0x412: {  	[tilespmem:s5+$0x6020] =	vst v7;
	v3 =	vadd.f32 v4, v3;
	v4 =	vld [tilespmem:s5+$0xA030]  }
0x413: {  	[tilespmem:s5+$0x8020] =	vst v2;
	v2 =	vld [tilespmem:s5+$0x2040]  }
0x414: {  	[tilespmem:s5+$0xA020] =	vst v3;
	v3 =	vadd.f32 v5, v1;
	v5 =	vld [tilespmem:s5+$0x4040]  }
0x415: {  	v7 =	vadd.f32 v8, v1;
	v8 =	vld [tilespmem:s5+$0x6040]  }
0x416: {  	[tilespmem:s5+$0x4030] =	vst v3;
	v3 =	vadd.f32 v6, v1;
	v6 =	vld [tilespmem:s5+$0x8040]  }
0x417: {  	[tilespmem:s5+$0x6030] =	vst v7;
	v1 =	vadd.f32 v4, v1;
	v4 =	vld [tilespmem:s5+$0xA040]  }
0x418: {  	[tilespmem:s5+$0x8030] =	vst v3;
	v7 =	vld [tilespmem:s5+$0x2050]  }
0x419: {  	[tilespmem:s5+$0xA030] =	vst v1;
	v1 =	vadd.f32 v5, v2;
	v3 =	vld [tilespmem:s5+$0x4050]  }
0x41a: {  	v5 =	vadd.f32 v8, v2;
	v8 =	vld [tilespmem:s5+$0x6050]  }
0x41b: {  	[tilespmem:s5+$0x4040] =	vst v1;
	v1 =	vadd.f32 v6, v2;
	v9 =	vld [tilespmem:s5+$0x8050]  }
0x41c: {  	[tilespmem:s5+$0x6040] =	vst v5;
	v2 =	vadd.f32 v4, v2;
	v4 =	vld [tilespmem:s5+$0xA050]  }
0x41d: {  	[tilespmem:s5+$0x8040] =	vst v1;
	v1 =	vld [tilespmem:s5+$0x2060]  }
0x41e: {  	[tilespmem:s5+$0xA040] =	vst v2;
	v2 =	vadd.f32 v3, v7;
	v5 =	vld [tilespmem:s5+$0x4060]  }
.Ltmp18:
0x41f: {  	v8 =	vadd.f32 v8, v7;
	v6 =	vld [tilespmem:s5+$0x6060];
	(pc) =	sbr.rel @p0 .LBB2_39-.Ltmp18, $4  }
0x420: {  	[tilespmem:s5+$0x4050] =	vst v2;
	v2 =	vadd.f32 v9, v7;
	v3 =	vld [tilespmem:s5+$0x8060]  }
0x421: {  	[tilespmem:s5+$0x6050] =	vst v8;
	v7 =	vadd.f32 v4, v7;
	v4 =	vld [tilespmem:s5+$0xA060]  }
0x422: {  	[tilespmem:s5+$0x8050] =	vst v2;
	v2 =	vld [tilespmem:s5+$0x4070]  }
0x423: {  	s7 =	sadd.s32 $0x1000, s7;
	[tilespmem:s5+$0xA050] =	vst v7;
	v7 =	vadd.f32 v5, v1;
	v5 =	vld [tilespmem:s5+$0x6070]  }
0x424: {  	v6 =	vadd.f32 v6, v1;
	v8 =	vld [tilespmem:s5+$0x8070]  }
0x425: {  	s4 =	sadd.s32 $0x1, s4;
	[tilespmem:s5+$0x4060] =	vst v7;
	v3 =	vadd.f32 v3, v1  }
0x426: {  	p0 =	sne.s32 s4, $0x8;
	[tilespmem:s5+$0x6060] =	vst v6;
	v61 =	vadd.f32 v4, v1  }
.Ltmp19:
0x427: {  	[tilespmem:s5+$0x8060] =	vst v3;
	v2 =	vadd.f32 v2, v0;
	(pc) =	sbr.rel @p0 .LBB2_38-.Ltmp19, $4  }
0x428: {  	[tilespmem:s5+$0xA060] =	vst v61;
	v62 =	vadd.f32 v5, v0  }
0x429: {  	[tilespmem:s5+$0x4070] =	vst v2;
	v63 =	vadd.f32 v8, v0  }
0x42a: {  	[tilespmem:s5+$0x6070] =	vst v62  }
0x42b: {  	s3 =	sadd.s32 $0x200, s3;
	[tilespmem:s5+$0x8070] =	vst v63  }
0x42c: {  	s3 =	rddreg [dreg:$0x1e]  }
0x42d: {  	[hbm4b:s3+s20] =	stream.strided.scatter [tilespmem:s22], [sflag:$0x6], $0x8000, s21, s20, $0x38;
	[tilespmem:$0x1C000] =	vst v63  }
0x42e: {  	_ =	swait.ge [sflag:s1], $0x8000  }
0x42f: {  	s8 =	sld [smem:$0x7F6]  }
0x430: {  	[sflag:s1] =	ssyncset.done $0x0  }
0x431: {  	s4 =	sld [smem:$0x7F7];
	[sflag:s1] =	ssyncadd.s32 $0xFFFF8000  }
0x432: {  	[tilespmem:s26], [sflag:$0x5] =	stream.strided.gather [hbm4b:s8+s20], $0x8000, s21, s20, $0x38;
	[tilespmem:$0x1C000] =	vst v63  }
0x433: {  	s3 =	simm.s32 $0x0  }
0x434: {  	[tilespmem:s20], [sflag:$0x2] =	stream.linear.gather [hbm4b:s4+s3], $0x2000, $0x38;
	[tilespmem:$0x1C000] =	vst v63  }
0x435: {  	_ =	swait.ge [sflag:s24], $0x2000  }
0x436: {  	[sflag:s24] =	ssyncset.done $0x0  }
0x437: {  	[sflag:s24] =	ssyncadd.s32 $0xFFFFE000  }
0x438: {  	_ =	swait.ge [sflag:s29], $0x8000  }
0x439: {  	[sflag:s29] =	ssyncset.done $0x0  }
0x43a: {  	s4 =	simm.s32 $0x0;
	[sflag:s29] =	ssyncadd.s32 $0xFFFF8000  }
.LBB2_42:
0x43b: {  	s5 =	sshra.s32 s3, $0x2  }
0x43c: {  	v0 =	vld [tilespmem:s5+$0x70]  }
0x43d: {  	v1 =	vld [tilespmem:s5+$0x12070]  }
0x43e: {  	v2 =	vld [tilespmem:s5+$0x0]  }
0x43f: {  	v3 =	vld [tilespmem:s5+$0xC000]  }
0x440: {  	v4 =	vld [tilespmem:s5+$0xE000]  }
0x441: {  	v5 =	vld [tilespmem:s5+$0x10000]  }
0x442: {  	v6 =	vld [tilespmem:s5+$0x12000]  }
0x443: {  	v7 =	vld [tilespmem:s5+$0x10]  }
0x444: {  	v8 =	vld [tilespmem:s5+$0xC010]  }
0x445: {  	v9 =	vld [tilespmem:s5+$0xE010]  }
0x446: {  	v10 =	vld [tilespmem:s5+$0x10010]  }
0x447: {  	v11 =	vld [tilespmem:s5+$0x12010]  }
0x448: {  	v12 =	vld [tilespmem:s5+$0x20];
	v1 =	vadd.f32 v1, v0  }
0x449: {  	v13 =	vld [tilespmem:s5+$0xC020];
	v3 =	vadd.f32 v3, v2  }
0x44a: {  	v60 =	vld [tilespmem:s5+$0xE030];
	[tilespmem:s5+$0x12070] =	vst v1;
	v1 =	vadd.f32 v4, v2  }
0x44b: {  	v61 =	vld [tilespmem:s5+$0x12030];
	[tilespmem:s5+$0xC000] =	vst v3;
	v3 =	vadd.f32 v5, v2  }
0x44c: {  	v4 =	vld [tilespmem:s5+$0xE020];
	[tilespmem:s5+$0xE000] =	vst v1;
	v1 =	vadd.f32 v6, v2  }
0x44d: {  	v5 =	vld [tilespmem:s5+$0x10020];
	[tilespmem:s5+$0x10000] =	vst v3;
	v3 =	vadd.f32 v8, v7  }
0x44e: {  	v2 =	vld [tilespmem:s5+$0x12020];
	[tilespmem:s5+$0x12000] =	vst v1;
	v1 =	vadd.f32 v9, v7  }
0x44f: {  	v6 =	vld [tilespmem:s5+$0x30];
	[tilespmem:s5+$0xC010] =	vst v3;
	v3 =	vadd.f32 v10, v7  }
0x450: {  	v8 =	vld [tilespmem:s5+$0xC030];
	[tilespmem:s5+$0xE010] =	vst v1;
	v1 =	vadd.f32 v11, v7  }
0x451: {  	v62 =	vld [tilespmem:s5+$0x12040];
	[tilespmem:s5+$0x10010] =	vst v3;
	v3 =	vadd.f32 v13, v12  }
0x452: {  	v7 =	vld [tilespmem:s5+$0x10030];
	[tilespmem:s5+$0x12010] =	vst v1;
	v1 =	vadd.f32 v4, v12  }
0x453: {  	v4 =	vld [tilespmem:s5+$0x40];
	[tilespmem:s5+$0xC020] =	vst v3;
	v3 =	vadd.f32 v5, v12  }
0x454: {  	v5 =	vld [tilespmem:s5+$0xC040];
	[tilespmem:s5+$0xE020] =	vst v1;
	v1 =	vadd.f32 v2, v12  }
0x455: {  	v2 =	vld [tilespmem:s5+$0xE040];
	[tilespmem:s5+$0x10020] =	vst v3;
	v3 =	vadd.f32 v8, v6  }
0x456: {  	v8 =	vld [tilespmem:s5+$0x10040];
	[tilespmem:s5+$0x12020] =	vst v1;
	v1 =	vadd.f32 v60, v6  }
0x457: {  	[tilespmem:s5+$0xC030] =	vst v3;
	v3 =	vadd.f32 v7, v6;
	v7 =	vld [tilespmem:s5+$0x50]  }
0x458: {  	[tilespmem:s5+$0xE030] =	vst v1;
	v1 =	vadd.f32 v61, v6;
	v6 =	vld [tilespmem:s5+$0xC050]  }
0x459: {  	[tilespmem:s5+$0x10030] =	vst v3;
	v3 =	vadd.f32 v5, v4;
	v5 =	vld [tilespmem:s5+$0xE050]  }
0x45a: {  	[tilespmem:s5+$0x12030] =	vst v1;
	v1 =	vadd.f32 v2, v4;
	v2 =	vld [tilespmem:s5+$0x10050]  }
0x45b: {  	[tilespmem:s5+$0xC040] =	vst v3;
	v3 =	vadd.f32 v8, v4;
	v8 =	vld [tilespmem:s5+$0x12050]  }
0x45c: {  	v63 =	vld [tilespmem:s5+$0xC060];
	v4 =	vadd.f32 v62, v4;
	[tilespmem:s5+$0xE040] =	vst v1  }
0x45d: {  	v1 =	vld [tilespmem:s5+$0x60];
	[tilespmem:s5+$0x10040] =	vst v3;
	v3 =	vadd.f32 v6, v7  }
0x45e: {  	[tilespmem:s5+$0x12040] =	vst v4;
	v4 =	vadd.f32 v5, v7;
	v6 =	vld [tilespmem:s5+$0xE060]  }
0x45f: {  	[tilespmem:s5+$0xC050] =	vst v3;
	v2 =	vadd.f32 v2, v7;
	v3 =	vld [tilespmem:s5+$0x10060]  }
0x460: {  	[tilespmem:s5+$0xE050] =	vst v4;
	v5 =	vadd.f32 v8, v7;
	v4 =	vld [tilespmem:s5+$0x12060]  }
0x461: {  	[tilespmem:s5+$0x10050] =	vst v2;
	v2 =	vld [tilespmem:s5+$0xC070]  }
0x462: {  	s6 =	simm.s32 $0x0;
	s7 =	sadd.s32 $0x1000, s3;
	[tilespmem:s5+$0x12050] =	vst v5;
	v7 =	vadd.f32 v63, v1;
	v5 =	vld [tilespmem:s5+$0xE070]  }
.LBB2_43:
0x463: {  	s8 =	sshra.s32 s7, $0x2;
	v6 =	vadd.f32 v6, v1;
	v8 =	vld [tilespmem:s5+$0x10070]  }
0x464: {  	s6 =	sadd.s32 $0x8, s6;
	v9 =	vld [tilespmem:s8+$0x70];
	[tilespmem:s5+$0xC060] =	vst v7;
	v3 =	vadd.f32 v3, v1  }
0x465: {  	p0 =	slt.u32 s6, $0x38;
	v7 =	vld [tilespmem:s8+$0x12070];
	[tilespmem:s5+$0xE060] =	vst v6;
	v1 =	vadd.f32 v4, v1  }
0x466: {  	v4 =	vld [tilespmem:s8+$0x0];
	[tilespmem:s5+$0x10060] =	vst v3;
	v2 =	vadd.f32 v2, v0  }
0x467: {  	v3 =	vld [tilespmem:s8+$0xC000];
	[tilespmem:s5+$0x12060] =	vst v1;
	v1 =	vadd.f32 v5, v0  }
0x468: {  	v5 =	vld [tilespmem:s8+$0xE000];
	[tilespmem:s5+$0xC070] =	vst v2;
	v2 =	vadd.f32 v8, v0  }
0x469: {  	v6 =	vld [tilespmem:s8+$0x10000];
	[tilespmem:s5+$0xE070] =	vst v1;
	v0 =	vmov v9  }
0x46a: {  	v1 =	vld [tilespmem:s8+$0x12000];
	v7 =	vadd.f32 v7, v0;
	[tilespmem:s5+$0x10070] =	vst v2;
	s5 =	smov.u32 s8  }
0x46b: {  	v2 =	vld [tilespmem:s5+$0x10]  }
0x46c: {  	v3 =	vadd.f32 v3, v4;
	v8 =	vld [tilespmem:s5+$0xC010];
	[tilespmem:s5+$0x12070] =	vst v7  }
0x46d: {  	v5 =	vadd.f32 v5, v4;
	v7 =	vld [tilespmem:s5+$0xE010]  }
0x46e: {  	[tilespmem:s5+$0xC000] =	vst v3;
	v3 =	vadd.f32 v6, v4;
	v6 =	vld [tilespmem:s5+$0x10010]  }
0x46f: {  	[tilespmem:s5+$0xE000] =	vst v5;
	v1 =	vadd.f32 v1, v4;
	v4 =	vld [tilespmem:s5+$0x12010]  }
0x470: {  	[tilespmem:s5+$0x10000] =	vst v3;
	v3 =	vld [tilespmem:s5+$0x20]  }
0x471: {  	[tilespmem:s5+$0x12000] =	vst v1;
	v1 =	vadd.f32 v8, v2;
	v5 =	vld [tilespmem:s5+$0xC020]  }
0x472: {  	v7 =	vadd.f32 v7, v2;
	v8 =	vld [tilespmem:s5+$0xE020]  }
0x473: {  	[tilespmem:s5+$0xC010] =	vst v1;
	v1 =	vadd.f32 v6, v2;
	v6 =	vld [tilespmem:s5+$0x10020]  }
0x474: {  	[tilespmem:s5+$0xE010] =	vst v7;
	v2 =	vadd.f32 v4, v2;
	v4 =	vld [tilespmem:s5+$0x12020]  }
0x475: {  	[tilespmem:s5+$0x10010] =	vst v1;
	v1 =	vld [tilespmem:s5+$0x30]  }
0x476: {  	[tilespmem:s5+$0x12010] =	vst v2;
	v2 =	vadd.f32 v5, v3;
	v5 =	vld [tilespmem:s5+$0xC030]  }
0x477: {  	v7 =	vadd.f32 v8, v3;
	v8 =	vld [tilespmem:s5+$0xE030]  }
0x478: {  	[tilespmem:s5+$0xC020] =	vst v2;
	v2 =	vadd.f32 v6, v3;
	v6 =	vld [tilespmem:s5+$0x10030]  }
0x479: {  	[tilespmem:s5+$0xE020] =	vst v7;
	v3 =	vadd.f32 v4, v3;
	v4 =	vld [tilespmem:s5+$0x12030]  }
0x47a: {  	[tilespmem:s5+$0x10020] =	vst v2;
	v2 =	vld [tilespmem:s5+$0x40]  }
0x47b: {  	[tilespmem:s5+$0x12020] =	vst v3;
	v3 =	vadd.f32 v5, v1;
	v5 =	vld [tilespmem:s5+$0xC040]  }
0x47c: {  	v7 =	vadd.f32 v8, v1;
	v8 =	vld [tilespmem:s5+$0xE040]  }
0x47d: {  	[tilespmem:s5+$0xC030] =	vst v3;
	v3 =	vadd.f32 v6, v1;
	v6 =	vld [tilespmem:s5+$0x10040]  }
0x47e: {  	[tilespmem:s5+$0xE030] =	vst v7;
	v1 =	vadd.f32 v4, v1;
	v4 =	vld [tilespmem:s5+$0x12040]  }
0x47f: {  	[tilespmem:s5+$0x10030] =	vst v3;
	v7 =	vld [tilespmem:s5+$0x50]  }
0x480: {  	[tilespmem:s5+$0x12030] =	vst v1;
	v1 =	vadd.f32 v5, v2;
	v3 =	vld [tilespmem:s5+$0xC050]  }
0x481: {  	v5 =	vadd.f32 v8, v2;
	v8 =	vld [tilespmem:s5+$0xE050]  }
0x482: {  	[tilespmem:s5+$0xC040] =	vst v1;
	v1 =	vadd.f32 v6, v2;
	v9 =	vld [tilespmem:s5+$0x10050]  }
0x483: {  	[tilespmem:s5+$0xE040] =	vst v5;
	v2 =	vadd.f32 v4, v2;
	v4 =	vld [tilespmem:s5+$0x12050]  }
0x484: {  	[tilespmem:s5+$0x10040] =	vst v1;
	v1 =	vld [tilespmem:s5+$0x60]  }
0x485: {  	[tilespmem:s5+$0x12040] =	vst v2;
	v2 =	vadd.f32 v3, v7;
	v5 =	vld [tilespmem:s5+$0xC060]  }
.Ltmp20:
0x486: {  	v8 =	vadd.f32 v8, v7;
	v6 =	vld [tilespmem:s5+$0xE060];
	(pc) =	sbr.rel @p0 .LBB2_43-.Ltmp20, $4  }
0x487: {  	[tilespmem:s5+$0xC050] =	vst v2;
	v2 =	vadd.f32 v9, v7;
	v3 =	vld [tilespmem:s5+$0x10060]  }
0x488: {  	[tilespmem:s5+$0xE050] =	vst v8;
	v7 =	vadd.f32 v4, v7;
	v4 =	vld [tilespmem:s5+$0x12060]  }
0x489: {  	[tilespmem:s5+$0x10050] =	vst v2;
	v2 =	vld [tilespmem:s5+$0xC070]  }
0x48a: {  	s7 =	sadd.s32 $0x1000, s7;
	[tilespmem:s5+$0x12050] =	vst v7;
	v7 =	vadd.f32 v5, v1;
	v5 =	vld [tilespmem:s5+$0xE070]  }
0x48b: {  	v6 =	vadd.f32 v6, v1;
	v8 =	vld [tilespmem:s5+$0x10070]  }
0x48c: {  	s4 =	sadd.s32 $0x1, s4;
	[tilespmem:s5+$0xC060] =	vst v7;
	v3 =	vadd.f32 v3, v1  }
0x48d: {  	p0 =	sne.s32 s4, $0x8;
	[tilespmem:s5+$0xE060] =	vst v6;
	v61 =	vadd.f32 v4, v1  }
.Ltmp21:
0x48e: {  	[tilespmem:s5+$0x10060] =	vst v3;
	v2 =	vadd.f32 v2, v0;
	(pc) =	sbr.rel @p0 .LBB2_42-.Ltmp21, $4  }
0x48f: {  	[tilespmem:s5+$0x12060] =	vst v61;
	v62 =	vadd.f32 v5, v0  }
0x490: {  	[tilespmem:s5+$0xC070] =	vst v2;
	v63 =	vadd.f32 v8, v0  }
0x491: {  	[tilespmem:s5+$0xE070] =	vst v62  }
0x492: {  	s3 =	sadd.s32 $0x200, s3;
	[tilespmem:s5+$0x10070] =	vst v63  }
0x493: {  	s3 =	sld [smem:$0x7F5];
	_ =	sdelay $0x2  }
0x494: {  	[hbm4b:s3+s20] =	stream.strided.scatter [tilespmem:s23], [sflag:$0x7], $0x8000, s21, s20, $0x38;
	[tilespmem:$0x1C000] =	vst v63  }
0x495: {  	_ =	swait.ge [sflag:s30], $0x8000  }
0x496: {  	s8 =	sld [smem:$0x7F9]  }
0x497: {  	[sflag:s30] =	ssyncset.done $0x0  }
0x498: {  	s4 =	sld [smem:$0x7FA];
	[sflag:s30] =	ssyncadd.s32 $0xFFFF8000  }
0x499: {  	[tilespmem:s22], [sflag:$0x3] =	stream.strided.gather [hbm4b:s8+s20], $0x8000, s21, s20, $0x38;
	[tilespmem:$0x1C000] =	vst v63  }
0x49a: {  	s3 =	simm.s32 $0x0  }
0x49b: {  	[tilespmem:s3], [sflag:$0x1] =	stream.linear.gather [hbm4b:s4+s3], $0x2000, $0x38;
	[tilespmem:$0x1C000] =	vst v63  }
0x49c: {  	_ =	swait.ge [sflag:s28], $0x2000  }
0x49d: {  	[sflag:s28] =	ssyncset.done $0x0  }
0x49e: {  	[sflag:s28] =	ssyncadd.s32 $0xFFFFE000  }
0x49f: {  	_ =	swait.ge [sflag:s31], $0x8000  }
0x4a0: {  	[sflag:s31] =	ssyncset.done $0x0  }
0x4a1: {  	s4 =	simm.s32 $0x0;
	[sflag:s31] =	ssyncadd.s32 $0xFFFF8000  }
.LBB2_46:
0x4a2: {  	s5 =	sshra.s32 s3, $0x2  }
0x4a3: {  	v0 =	vld [tilespmem:s5+$0x2070]  }
0x4a4: {  	v1 =	vld [tilespmem:s5+$0x1A070]  }
0x4a5: {  	v2 =	vld [tilespmem:s5+$0x2000]  }
0x4a6: {  	v3 =	vld [tilespmem:s5+$0x14000]  }
0x4a7: {  	v4 =	vld [tilespmem:s5+$0x16000]  }
0x4a8: {  	v5 =	vld [tilespmem:s5+$0x18000]  }
0x4a9: {  	v6 =	vld [tilespmem:s5+$0x1A000]  }
0x4aa: {  	v7 =	vld [tilespmem:s5+$0x2010]  }
0x4ab: {  	v8 =	vld [tilespmem:s5+$0x14010]  }
0x4ac: {  	v9 =	vld [tilespmem:s5+$0x16010]  }
0x4ad: {  	v10 =	vld [tilespmem:s5+$0x18010]  }
0x4ae: {  	v11 =	vld [tilespmem:s5+$0x1A010]  }
0x4af: {  	v12 =	vld [tilespmem:s5+$0x2020];
	v1 =	vadd.f32 v1, v0  }
0x4b0: {  	v13 =	vld [tilespmem:s5+$0x14020];
	v3 =	vadd.f32 v3, v2  }
0x4b1: {  	v60 =	vld [tilespmem:s5+$0x16030];
	[tilespmem:s5+$0x1A070] =	vst v1;
	v1 =	vadd.f32 v4, v2  }
0x4b2: {  	v61 =	vld [tilespmem:s5+$0x1A030];
	[tilespmem:s5+$0x14000] =	vst v3;
	v3 =	vadd.f32 v5, v2  }
0x4b3: {  	v4 =	vld [tilespmem:s5+$0x16020];
	[tilespmem:s5+$0x16000] =	vst v1;
	v1 =	vadd.f32 v6, v2  }
0x4b4: {  	v5 =	vld [tilespmem:s5+$0x18020];
	[tilespmem:s5+$0x18000] =	vst v3;
	v3 =	vadd.f32 v8, v7  }
0x4b5: {  	v2 =	vld [tilespmem:s5+$0x1A020];
	[tilespmem:s5+$0x1A000] =	vst v1;
	v1 =	vadd.f32 v9, v7  }
0x4b6: {  	v6 =	vld [tilespmem:s5+$0x2030];
	[tilespmem:s5+$0x14010] =	vst v3;
	v3 =	vadd.f32 v10, v7  }
0x4b7: {  	v8 =	vld [tilespmem:s5+$0x14030];
	[tilespmem:s5+$0x16010] =	vst v1;
	v1 =	vadd.f32 v11, v7  }
0x4b8: {  	v62 =	vld [tilespmem:s5+$0x1A040];
	[tilespmem:s5+$0x18010] =	vst v3;
	v3 =	vadd.f32 v13, v12  }
0x4b9: {  	v7 =	vld [tilespmem:s5+$0x18030];
	[tilespmem:s5+$0x1A010] =	vst v1;
	v1 =	vadd.f32 v4, v12  }
0x4ba: {  	v4 =	vld [tilespmem:s5+$0x2040];
	[tilespmem:s5+$0x14020] =	vst v3;
	v3 =	vadd.f32 v5, v12  }
0x4bb: {  	v5 =	vld [tilespmem:s5+$0x14040];
	[tilespmem:s5+$0x16020] =	vst v1;
	v1 =	vadd.f32 v2, v12  }
0x4bc: {  	v2 =	vld [tilespmem:s5+$0x16040];
	[tilespmem:s5+$0x18020] =	vst v3;
	v3 =	vadd.f32 v8, v6  }
0x4bd: {  	v8 =	vld [tilespmem:s5+$0x18040];
	[tilespmem:s5+$0x1A020] =	vst v1;
	v1 =	vadd.f32 v60, v6  }
0x4be: {  	[tilespmem:s5+$0x14030] =	vst v3;
	v3 =	vadd.f32 v7, v6;
	v7 =	vld [tilespmem:s5+$0x2050]  }
0x4bf: {  	[tilespmem:s5+$0x16030] =	vst v1;
	v1 =	vadd.f32 v61, v6;
	v6 =	vld [tilespmem:s5+$0x14050]  }
0x4c0: {  	[tilespmem:s5+$0x18030] =	vst v3;
	v3 =	vadd.f32 v5, v4;
	v5 =	vld [tilespmem:s5+$0x16050]  }
0x4c1: {  	[tilespmem:s5+$0x1A030] =	vst v1;
	v1 =	vadd.f32 v2, v4;
	v2 =	vld [tilespmem:s5+$0x18050]  }
0x4c2: {  	[tilespmem:s5+$0x14040] =	vst v3;
	v3 =	vadd.f32 v8, v4;
	v8 =	vld [tilespmem:s5+$0x1A050]  }
0x4c3: {  	v63 =	vld [tilespmem:s5+$0x14060];
	v4 =	vadd.f32 v62, v4;
	[tilespmem:s5+$0x16040] =	vst v1  }
0x4c4: {  	v1 =	vld [tilespmem:s5+$0x2060];
	[tilespmem:s5+$0x18040] =	vst v3;
	v3 =	vadd.f32 v6, v7  }
0x4c5: {  	[tilespmem:s5+$0x1A040] =	vst v4;
	v4 =	vadd.f32 v5, v7;
	v6 =	vld [tilespmem:s5+$0x16060]  }
0x4c6: {  	[tilespmem:s5+$0x14050] =	vst v3;
	v2 =	vadd.f32 v2, v7;
	v3 =	vld [tilespmem:s5+$0x18060]  }
0x4c7: {  	[tilespmem:s5+$0x16050] =	vst v4;
	v5 =	vadd.f32 v8, v7;
	v4 =	vld [tilespmem:s5+$0x1A060]  }
0x4c8: {  	[tilespmem:s5+$0x18050] =	vst v2;
	v2 =	vld [tilespmem:s5+$0x14070]  }
0x4c9: {  	s6 =	simm.s32 $0x0;
	s7 =	sadd.s32 $0x1000, s3;
	[tilespmem:s5+$0x1A050] =	vst v5;
	v7 =	vadd.f32 v63, v1;
	v5 =	vld [tilespmem:s5+$0x16070]  }
.LBB2_47:
0x4ca: {  	s8 =	sshra.s32 s7, $0x2;
	v6 =	vadd.f32 v6, v1;
	v8 =	vld [tilespmem:s5+$0x18070]  }
0x4cb: {  	s6 =	sadd.s32 $0x8, s6;
	v9 =	vld [tilespmem:s8+$0x2070];
	[tilespmem:s5+$0x14060] =	vst v7;
	v3 =	vadd.f32 v3, v1  }
0x4cc: {  	p0 =	slt.u32 s6, $0x38;
	v7 =	vld [tilespmem:s8+$0x1A070];
	[tilespmem:s5+$0x16060] =	vst v6;
	v1 =	vadd.f32 v4, v1  }
0x4cd: {  	v4 =	vld [tilespmem:s8+$0x2000];
	[tilespmem:s5+$0x18060] =	vst v3;
	v2 =	vadd.f32 v2, v0  }
0x4ce: {  	v3 =	vld [tilespmem:s8+$0x14000];
	[tilespmem:s5+$0x1A060] =	vst v1;
	v1 =	vadd.f32 v5, v0  }
0x4cf: {  	v5 =	vld [tilespmem:s8+$0x16000];
	[tilespmem:s5+$0x14070] =	vst v2;
	v2 =	vadd.f32 v8, v0  }
0x4d0: {  	v6 =	vld [tilespmem:s8+$0x18000];
	[tilespmem:s5+$0x16070] =	vst v1;
	v0 =	vmov v9  }
0x4d1: {  	v1 =	vld [tilespmem:s8+$0x1A000];
	v7 =	vadd.f32 v7, v0;
	[tilespmem:s5+$0x18070] =	vst v2;
	s5 =	smov.u32 s8  }
0x4d2: {  	v2 =	vld [tilespmem:s5+$0x2010]  }
0x4d3: {  	v3 =	vadd.f32 v3, v4;
	v8 =	vld [tilespmem:s5+$0x14010];
	[tilespmem:s5+$0x1A070] =	vst v7  }
0x4d4: {  	v5 =	vadd.f32 v5, v4;
	v7 =	vld [tilespmem:s5+$0x16010]  }
0x4d5: {  	[tilespmem:s5+$0x14000] =	vst v3;
	v3 =	vadd.f32 v6, v4;
	v6 =	vld [tilespmem:s5+$0x18010]  }
0x4d6: {  	[tilespmem:s5+$0x16000] =	vst v5;
	v1 =	vadd.f32 v1, v4;
	v4 =	vld [tilespmem:s5+$0x1A010]  }
0x4d7: {  	[tilespmem:s5+$0x18000] =	vst v3;
	v3 =	vld [tilespmem:s5+$0x2020]  }
0x4d8: {  	[tilespmem:s5+$0x1A000] =	vst v1;
	v1 =	vadd.f32 v8, v2;
	v5 =	vld [tilespmem:s5+$0x14020]  }
0x4d9: {  	v7 =	vadd.f32 v7, v2;
	v8 =	vld [tilespmem:s5+$0x16020]  }
0x4da: {  	[tilespmem:s5+$0x14010] =	vst v1;
	v1 =	vadd.f32 v6, v2;
	v6 =	vld [tilespmem:s5+$0x18020]  }
0x4db: {  	[tilespmem:s5+$0x16010] =	vst v7;
	v2 =	vadd.f32 v4, v2;
	v4 =	vld [tilespmem:s5+$0x1A020]  }
0x4dc: {  	[tilespmem:s5+$0x18010] =	vst v1;
	v1 =	vld [tilespmem:s5+$0x2030]  }
0x4dd: {  	[tilespmem:s5+$0x1A010] =	vst v2;
	v2 =	vadd.f32 v5, v3;
	v5 =	vld [tilespmem:s5+$0x14030]  }
0x4de: {  	v7 =	vadd.f32 v8, v3;
	v8 =	vld [tilespmem:s5+$0x16030]  }
0x4df: {  	[tilespmem:s5+$0x14020] =	vst v2;
	v2 =	vadd.f32 v6, v3;
	v6 =	vld [tilespmem:s5+$0x18030]  }
0x4e0: {  	[tilespmem:s5+$0x16020] =	vst v7;
	v3 =	vadd.f32 v4, v3;
	v4 =	vld [tilespmem:s5+$0x1A030]  }
0x4e1: {  	[tilespmem:s5+$0x18020] =	vst v2;
	v2 =	vld [tilespmem:s5+$0x2040]  }
0x4e2: {  	[tilespmem:s5+$0x1A020] =	vst v3;
	v3 =	vadd.f32 v5, v1;
	v5 =	vld [tilespmem:s5+$0x14040]  }
0x4e3: {  	v7 =	vadd.f32 v8, v1;
	v8 =	vld [tilespmem:s5+$0x16040]  }
0x4e4: {  	[tilespmem:s5+$0x14030] =	vst v3;
	v3 =	vadd.f32 v6, v1;
	v6 =	vld [tilespmem:s5+$0x18040]  }
0x4e5: {  	[tilespmem:s5+$0x16030] =	vst v7;
	v1 =	vadd.f32 v4, v1;
	v4 =	vld [tilespmem:s5+$0x1A040]  }
0x4e6: {  	[tilespmem:s5+$0x18030] =	vst v3;
	v7 =	vld [tilespmem:s5+$0x2050]  }
0x4e7: {  	[tilespmem:s5+$0x1A030] =	vst v1;
	v1 =	vadd.f32 v5, v2;
	v3 =	vld [tilespmem:s5+$0x14050]  }
0x4e8: {  	v5 =	vadd.f32 v8, v2;
	v8 =	vld [tilespmem:s5+$0x16050]  }
0x4e9: {  	[tilespmem:s5+$0x14040] =	vst v1;
	v1 =	vadd.f32 v6, v2;
	v9 =	vld [tilespmem:s5+$0x18050]  }
0x4ea: {  	[tilespmem:s5+$0x16040] =	vst v5;
	v2 =	vadd.f32 v4, v2;
	v4 =	vld [tilespmem:s5+$0x1A050]  }
0x4eb: {  	[tilespmem:s5+$0x18040] =	vst v1;
	v1 =	vld [tilespmem:s5+$0x2060]  }
0x4ec: {  	[tilespmem:s5+$0x1A040] =	vst v2;
	v2 =	vadd.f32 v3, v7;
	v5 =	vld [tilespmem:s5+$0x14060]  }
.Ltmp22:
0x4ed: {  	v8 =	vadd.f32 v8, v7;
	v6 =	vld [tilespmem:s5+$0x16060];
	(pc) =	sbr.rel @p0 .LBB2_47-.Ltmp22, $4  }
0x4ee: {  	[tilespmem:s5+$0x14050] =	vst v2;
	v2 =	vadd.f32 v9, v7;
	v3 =	vld [tilespmem:s5+$0x18060]  }
0x4ef: {  	[tilespmem:s5+$0x16050] =	vst v8;
	v7 =	vadd.f32 v4, v7;
	v4 =	vld [tilespmem:s5+$0x1A060]  }
0x4f0: {  	[tilespmem:s5+$0x18050] =	vst v2;
	v2 =	vld [tilespmem:s5+$0x14070]  }
0x4f1: {  	s7 =	sadd.s32 $0x1000, s7;
	[tilespmem:s5+$0x1A050] =	vst v7;
	v7 =	vadd.f32 v5, v1;
	v5 =	vld [tilespmem:s5+$0x16070]  }
0x4f2: {  	v6 =	vadd.f32 v6, v1;
	v8 =	vld [tilespmem:s5+$0x18070]  }
0x4f3: {  	s4 =	sadd.s32 $0x1, s4;
	[tilespmem:s5+$0x14060] =	vst v7;
	v3 =	vadd.f32 v3, v1  }
0x4f4: {  	p0 =	sne.s32 s4, $0x8;
	[tilespmem:s5+$0x16060] =	vst v6;
	v61 =	vadd.f32 v4, v1  }
.Ltmp23:
0x4f5: {  	[tilespmem:s5+$0x18060] =	vst v3;
	v2 =	vadd.f32 v2, v0;
	(pc) =	sbr.rel @p0 .LBB2_46-.Ltmp23, $4  }
0x4f6: {  	[tilespmem:s5+$0x1A060] =	vst v61;
	v62 =	vadd.f32 v5, v0  }
0x4f7: {  	[tilespmem:s5+$0x14070] =	vst v2;
	v63 =	vadd.f32 v8, v0  }
0x4f8: {  	[tilespmem:s5+$0x16070] =	vst v62  }
0x4f9: {  	s3 =	sadd.s32 $0x200, s3;
	[tilespmem:s5+$0x18070] =	vst v63  }
0x4fa: {  	s3 =	sld [smem:$0x7F8];
	_ =	sdelay $0x2  }
0x4fb: {  	[hbm4b:s3+s20] =	stream.strided.scatter [tilespmem:s26], [sflag:$0x8], $0x8000, s21, s20, $0x38;
	[tilespmem:$0x1C000] =	vst v63  }
0x4fc: {  	_ =	swait.ge [sflag:s0], $0x8000  }
0x4fd: {  	[sflag:s0] =	ssyncset.done $0x0  }
0x4fe: {  	[sflag:s0] =	ssyncadd.s32 $0xFFFF8000  }
0x4ff: {  	[tilespmem:s23], [sflag:$0x4] =	stream.strided.gather [hbm4b:s10+s20], $0x8000, s21, s20, $0x38;
	[tilespmem:$0x1C000] =	vst v63  }
0x500: {  	s3 =	simm.s32 $0x0  }
0x501: {  	[tilespmem:s20], [sflag:$0x2] =	stream.linear.gather [hbm4b:s11+s3], $0x2000, $0x38;
	[tilespmem:$0x1C000] =	vst v63  }
0x502: {  	_ =	swait.ge [sflag:s24], $0x2000  }
0x503: {  	[sflag:s24] =	ssyncset.done $0x0  }
0x504: {  	[sflag:s24] =	ssyncadd.s32 $0xFFFFE000  }
0x505: {  	_ =	swait.ge [sflag:s25], $0x8000  }
0x506: {  	[sflag:s25] =	ssyncset.done $0x0  }
0x507: {  	s4 =	simm.s32 $0x0;
	[sflag:s25] =	ssyncadd.s32 $0xFFFF8000  }
.LBB2_50:
0x508: {  	s5 =	sshra.s32 s3, $0x2  }
0x509: {  	v0 =	vld [tilespmem:s5+$0x70]  }
0x50a: {  	v1 =	vld [tilespmem:s5+$0xA070]  }
0x50b: {  	v2 =	vld [tilespmem:s5+$0x0]  }
0x50c: {  	v3 =	vld [tilespmem:s5+$0x4000]  }
0x50d: {  	v4 =	vld [tilespmem:s5+$0x6000]  }
0x50e: {  	v5 =	vld [tilespmem:s5+$0x8000]  }
0x50f: {  	v6 =	vld [tilespmem:s5+$0xA000]  }
0x510: {  	v7 =	vld [tilespmem:s5+$0x10]  }
0x511: {  	v8 =	vld [tilespmem:s5+$0x4010]  }
0x512: {  	v9 =	vld [tilespmem:s5+$0x6010]  }
0x513: {  	v10 =	vld [tilespmem:s5+$0x8010]  }
0x514: {  	v11 =	vld [tilespmem:s5+$0xA010]  }
0x515: {  	v12 =	vld [tilespmem:s5+$0x20];
	v1 =	vadd.f32 v1, v0  }
0x516: {  	v13 =	vld [tilespmem:s5+$0x4020];
	v3 =	vadd.f32 v3, v2  }
0x517: {  	v60 =	vld [tilespmem:s5+$0x6030];
	[tilespmem:s5+$0xA070] =	vst v1;
	v1 =	vadd.f32 v4, v2  }
0x518: {  	v61 =	vld [tilespmem:s5+$0xA030];
	[tilespmem:s5+$0x4000] =	vst v3;
	v3 =	vadd.f32 v5, v2  }
0x519: {  	v4 =	vld [tilespmem:s5+$0x6020];
	[tilespmem:s5+$0x6000] =	vst v1;
	v1 =	vadd.f32 v6, v2  }
0x51a: {  	v5 =	vld [tilespmem:s5+$0x8020];
	[tilespmem:s5+$0x8000] =	vst v3;
	v3 =	vadd.f32 v8, v7  }
0x51b: {  	v2 =	vld [tilespmem:s5+$0xA020];
	[tilespmem:s5+$0xA000] =	vst v1;
	v1 =	vadd.f32 v9, v7  }
0x51c: {  	v6 =	vld [tilespmem:s5+$0x30];
	[tilespmem:s5+$0x4010] =	vst v3;
	v3 =	vadd.f32 v10, v7  }
0x51d: {  	v8 =	vld [tilespmem:s5+$0x4030];
	[tilespmem:s5+$0x6010] =	vst v1;
	v1 =	vadd.f32 v11, v7  }
0x51e: {  	v62 =	vld [tilespmem:s5+$0xA040];
	[tilespmem:s5+$0x8010] =	vst v3;
	v3 =	vadd.f32 v13, v12  }
0x51f: {  	v7 =	vld [tilespmem:s5+$0x8030];
	[tilespmem:s5+$0xA010] =	vst v1;
	v1 =	vadd.f32 v4, v12  }
0x520: {  	v4 =	vld [tilespmem:s5+$0x40];
	[tilespmem:s5+$0x4020] =	vst v3;
	v3 =	vadd.f32 v5, v12  }
0x521: {  	v5 =	vld [tilespmem:s5+$0x4040];
	[tilespmem:s5+$0x6020] =	vst v1;
	v1 =	vadd.f32 v2, v12  }
0x522: {  	v2 =	vld [tilespmem:s5+$0x6040];
	[tilespmem:s5+$0x8020] =	vst v3;
	v3 =	vadd.f32 v8, v6  }
0x523: {  	v8 =	vld [tilespmem:s5+$0x8040];
	[tilespmem:s5+$0xA020] =	vst v1;
	v1 =	vadd.f32 v60, v6  }
0x524: {  	[tilespmem:s5+$0x4030] =	vst v3;
	v3 =	vadd.f32 v7, v6;
	v7 =	vld [tilespmem:s5+$0x50]  }
0x525: {  	[tilespmem:s5+$0x6030] =	vst v1;
	v1 =	vadd.f32 v61, v6;
	v6 =	vld [tilespmem:s5+$0x4050]  }
0x526: {  	[tilespmem:s5+$0x8030] =	vst v3;
	v3 =	vadd.f32 v5, v4;
	v5 =	vld [tilespmem:s5+$0x6050]  }
0x527: {  	[tilespmem:s5+$0xA030] =	vst v1;
	v1 =	vadd.f32 v2, v4;
	v2 =	vld [tilespmem:s5+$0x8050]  }
0x528: {  	[tilespmem:s5+$0x4040] =	vst v3;
	v3 =	vadd.f32 v8, v4;
	v8 =	vld [tilespmem:s5+$0xA050]  }
0x529: {  	v63 =	vld [tilespmem:s5+$0x4060];
	v4 =	vadd.f32 v62, v4;
	[tilespmem:s5+$0x6040] =	vst v1  }
0x52a: {  	v1 =	vld [tilespmem:s5+$0x60];
	[tilespmem:s5+$0x8040] =	vst v3;
	v3 =	vadd.f32 v6, v7  }
0x52b: {  	[tilespmem:s5+$0xA040] =	vst v4;
	v4 =	vadd.f32 v5, v7;
	v6 =	vld [tilespmem:s5+$0x6060]  }
0x52c: {  	[tilespmem:s5+$0x4050] =	vst v3;
	v2 =	vadd.f32 v2, v7;
	v3 =	vld [tilespmem:s5+$0x8060]  }
0x52d: {  	[tilespmem:s5+$0x6050] =	vst v4;
	v5 =	vadd.f32 v8, v7;
	v4 =	vld [tilespmem:s5+$0xA060]  }
0x52e: {  	[tilespmem:s5+$0x8050] =	vst v2;
	v2 =	vld [tilespmem:s5+$0x4070]  }
0x52f: {  	s6 =	simm.s32 $0x0;
	s7 =	sadd.s32 $0x1000, s3;
	[tilespmem:s5+$0xA050] =	vst v5;
	v7 =	vadd.f32 v63, v1;
	v5 =	vld [tilespmem:s5+$0x6070]  }
.LBB2_51:
0x530: {  	s8 =	sshra.s32 s7, $0x2;
	v6 =	vadd.f32 v6, v1;
	v8 =	vld [tilespmem:s5+$0x8070]  }
0x531: {  	s6 =	sadd.s32 $0x8, s6;
	v9 =	vld [tilespmem:s8+$0x70];
	[tilespmem:s5+$0x4060] =	vst v7;
	v3 =	vadd.f32 v3, v1  }
0x532: {  	p0 =	slt.u32 s6, $0x38;
	v7 =	vld [tilespmem:s8+$0xA070];
	[tilespmem:s5+$0x6060] =	vst v6;
	v1 =	vadd.f32 v4, v1  }
0x533: {  	v4 =	vld [tilespmem:s8+$0x0];
	[tilespmem:s5+$0x8060] =	vst v3;
	v2 =	vadd.f32 v2, v0  }
0x534: {  	v3 =	vld [tilespmem:s8+$0x4000];
	[tilespmem:s5+$0xA060] =	vst v1;
	v1 =	vadd.f32 v5, v0  }
0x535: {  	v5 =	vld [tilespmem:s8+$0x6000];
	[tilespmem:s5+$0x4070] =	vst v2;
	v2 =	vadd.f32 v8, v0  }
0x536: {  	v6 =	vld [tilespmem:s8+$0x8000];
	[tilespmem:s5+$0x6070] =	vst v1;
	v0 =	vmov v9  }
0x537: {  	v1 =	vld [tilespmem:s8+$0xA000];
	v7 =	vadd.f32 v7, v0;
	[tilespmem:s5+$0x8070] =	vst v2;
	s5 =	smov.u32 s8  }
0x538: {  	v2 =	vld [tilespmem:s5+$0x10]  }
0x539: {  	v3 =	vadd.f32 v3, v4;
	v8 =	vld [tilespmem:s5+$0x4010];
	[tilespmem:s5+$0xA070] =	vst v7  }
0x53a: {  	v5 =	vadd.f32 v5, v4;
	v7 =	vld [tilespmem:s5+$0x6010]  }
0x53b: {  	[tilespmem:s5+$0x4000] =	vst v3;
	v3 =	vadd.f32 v6, v4;
	v6 =	vld [tilespmem:s5+$0x8010]  }
0x53c: {  	[tilespmem:s5+$0x6000] =	vst v5;
	v1 =	vadd.f32 v1, v4;
	v4 =	vld [tilespmem:s5+$0xA010]  }
0x53d: {  	[tilespmem:s5+$0x8000] =	vst v3;
	v3 =	vld [tilespmem:s5+$0x20]  }
0x53e: {  	[tilespmem:s5+$0xA000] =	vst v1;
	v1 =	vadd.f32 v8, v2;
	v5 =	vld [tilespmem:s5+$0x4020]  }
0x53f: {  	v7 =	vadd.f32 v7, v2;
	v8 =	vld [tilespmem:s5+$0x6020]  }
0x540: {  	[tilespmem:s5+$0x4010] =	vst v1;
	v1 =	vadd.f32 v6, v2;
	v6 =	vld [tilespmem:s5+$0x8020]  }
0x541: {  	[tilespmem:s5+$0x6010] =	vst v7;
	v2 =	vadd.f32 v4, v2;
	v4 =	vld [tilespmem:s5+$0xA020]  }
0x542: {  	[tilespmem:s5+$0x8010] =	vst v1;
	v1 =	vld [tilespmem:s5+$0x30]  }
0x543: {  	[tilespmem:s5+$0xA010] =	vst v2;
	v2 =	vadd.f32 v5, v3;
	v5 =	vld [tilespmem:s5+$0x4030]  }
0x544: {  	v7 =	vadd.f32 v8, v3;
	v8 =	vld [tilespmem:s5+$0x6030]  }
0x545: {  	[tilespmem:s5+$0x4020] =	vst v2;
	v2 =	vadd.f32 v6, v3;
	v6 =	vld [tilespmem:s5+$0x8030]  }
0x546: {  	[tilespmem:s5+$0x6020] =	vst v7;
	v3 =	vadd.f32 v4, v3;
	v4 =	vld [tilespmem:s5+$0xA030]  }
0x547: {  	[tilespmem:s5+$0x8020] =	vst v2;
	v2 =	vld [tilespmem:s5+$0x40]  }
0x548: {  	[tilespmem:s5+$0xA020] =	vst v3;
	v3 =	vadd.f32 v5, v1;
	v5 =	vld [tilespmem:s5+$0x4040]  }
0x549: {  	v7 =	vadd.f32 v8, v1;
	v8 =	vld [tilespmem:s5+$0x6040]  }
0x54a: {  	[tilespmem:s5+$0x4030] =	vst v3;
	v3 =	vadd.f32 v6, v1;
	v6 =	vld [tilespmem:s5+$0x8040]  }
0x54b: {  	[tilespmem:s5+$0x6030] =	vst v7;
	v1 =	vadd.f32 v4, v1;
	v4 =	vld [tilespmem:s5+$0xA040]  }
0x54c: {  	[tilespmem:s5+$0x8030] =	vst v3;
	v7 =	vld [tilespmem:s5+$0x50]  }
0x54d: {  	[tilespmem:s5+$0xA030] =	vst v1;
	v1 =	vadd.f32 v5, v2;
	v3 =	vld [tilespmem:s5+$0x4050]  }
0x54e: {  	v5 =	vadd.f32 v8, v2;
	v8 =	vld [tilespmem:s5+$0x6050]  }
0x54f: {  	[tilespmem:s5+$0x4040] =	vst v1;
	v1 =	vadd.f32 v6, v2;
	v9 =	vld [tilespmem:s5+$0x8050]  }
0x550: {  	[tilespmem:s5+$0x6040] =	vst v5;
	v2 =	vadd.f32 v4, v2;
	v4 =	vld [tilespmem:s5+$0xA050]  }
0x551: {  	[tilespmem:s5+$0x8040] =	vst v1;
	v1 =	vld [tilespmem:s5+$0x60]  }
0x552: {  	[tilespmem:s5+$0xA040] =	vst v2;
	v2 =	vadd.f32 v3, v7;
	v5 =	vld [tilespmem:s5+$0x4060]  }
.Ltmp24:
0x553: {  	v8 =	vadd.f32 v8, v7;
	v6 =	vld [tilespmem:s5+$0x6060];
	(pc) =	sbr.rel @p0 .LBB2_51-.Ltmp24, $4  }
0x554: {  	[tilespmem:s5+$0x4050] =	vst v2;
	v2 =	vadd.f32 v9, v7;
	v3 =	vld [tilespmem:s5+$0x8060]  }
0x555: {  	[tilespmem:s5+$0x6050] =	vst v8;
	v7 =	vadd.f32 v4, v7;
	v4 =	vld [tilespmem:s5+$0xA060]  }
0x556: {  	[tilespmem:s5+$0x8050] =	vst v2;
	v2 =	vld [tilespmem:s5+$0x4070]  }
0x557: {  	s7 =	sadd.s32 $0x1000, s7;
	[tilespmem:s5+$0xA050] =	vst v7;
	v7 =	vadd.f32 v5, v1;
	v5 =	vld [tilespmem:s5+$0x6070]  }
0x558: {  	v6 =	vadd.f32 v6, v1;
	v8 =	vld [tilespmem:s5+$0x8070]  }
0x559: {  	s4 =	sadd.s32 $0x1, s4;
	[tilespmem:s5+$0x4060] =	vst v7;
	v3 =	vadd.f32 v3, v1  }
0x55a: {  	p0 =	sne.s32 s4, $0x8;
	[tilespmem:s5+$0x6060] =	vst v6;
	v61 =	vadd.f32 v4, v1  }
.Ltmp25:
0x55b: {  	[tilespmem:s5+$0x8060] =	vst v3;
	v2 =	vadd.f32 v2, v0;
	(pc) =	sbr.rel @p0 .LBB2_50-.Ltmp25, $4  }
0x55c: {  	[tilespmem:s5+$0xA060] =	vst v61;
	v62 =	vadd.f32 v5, v0  }
0x55d: {  	[tilespmem:s5+$0x4070] =	vst v2;
	v63 =	vadd.f32 v8, v0  }
0x55e: {  	[tilespmem:s5+$0x6070] =	vst v62  }
0x55f: {  	s3 =	sadd.s32 $0x200, s3;
	[tilespmem:s5+$0x8070] =	vst v63  }
0x560: {  	s3 =	sld [smem:$0x7FB];
	_ =	sdelay $0x2  }
0x561: {  	[hbm4b:s3+s20] =	stream.strided.scatter [tilespmem:s22], [sflag:$0x6], $0x8000, s21, s20, $0x38;
	[tilespmem:$0x1C000] =	vst v63  }
0x562: {  	_ =	swait.ge [sflag:s1], $0x8000  }
0x563: {  	[sflag:s1] =	ssyncset.done $0x0  }
0x564: {  	[sflag:s1] =	ssyncadd.s32 $0xFFFF8000  }
0x565: {  	[tilespmem:s26], [sflag:$0x5] =	stream.strided.gather [hbm4b:s13+s20], $0x8000, s21, s20, $0x38;
	[tilespmem:$0x1C000] =	vst v63  }
0x566: {  	s3 =	simm.s32 $0x0  }
0x567: {  	[tilespmem:s3], [sflag:$0x1] =	stream.linear.gather [hbm4b:s15+s3], $0x2000, $0x38;
	[tilespmem:$0x1C000] =	vst v63  }
0x568: {  	_ =	swait.ge [sflag:s28], $0x2000  }
0x569: {  	[sflag:s28] =	ssyncset.done $0x0  }
0x56a: {  	[sflag:s28] =	ssyncadd.s32 $0xFFFFE000  }
0x56b: {  	_ =	swait.ge [sflag:s29], $0x8000  }
0x56c: {  	[sflag:s29] =	ssyncset.done $0x0  }
0x56d: {  	s4 =	simm.s32 $0x0;
	[sflag:s29] =	ssyncadd.s32 $0xFFFF8000  }
.LBB2_54:
0x56e: {  	s5 =	sshra.s32 s3, $0x2  }
0x56f: {  	v0 =	vld [tilespmem:s5+$0x2070]  }
0x570: {  	v1 =	vld [tilespmem:s5+$0x12070]  }
0x571: {  	v2 =	vld [tilespmem:s5+$0x2000]  }
0x572: {  	v3 =	vld [tilespmem:s5+$0xC000]  }
0x573: {  	v4 =	vld [tilespmem:s5+$0xE000]  }
0x574: {  	v5 =	vld [tilespmem:s5+$0x10000]  }
0x575: {  	v6 =	vld [tilespmem:s5+$0x12000]  }
0x576: {  	v7 =	vld [tilespmem:s5+$0x2010]  }
0x577: {  	v8 =	vld [tilespmem:s5+$0xC010]  }
0x578: {  	v9 =	vld [tilespmem:s5+$0xE010]  }
0x579: {  	v10 =	vld [tilespmem:s5+$0x10010]  }
0x57a: {  	v11 =	vld [tilespmem:s5+$0x12010]  }
0x57b: {  	v12 =	vld [tilespmem:s5+$0x2020];
	v1 =	vadd.f32 v1, v0  }
0x57c: {  	v13 =	vld [tilespmem:s5+$0xC020];
	v3 =	vadd.f32 v3, v2  }
0x57d: {  	v60 =	vld [tilespmem:s5+$0xE030];
	[tilespmem:s5+$0x12070] =	vst v1;
	v1 =	vadd.f32 v4, v2  }
0x57e: {  	v61 =	vld [tilespmem:s5+$0x12030];
	[tilespmem:s5+$0xC000] =	vst v3;
	v3 =	vadd.f32 v5, v2  }
0x57f: {  	v4 =	vld [tilespmem:s5+$0xE020];
	[tilespmem:s5+$0xE000] =	vst v1;
	v1 =	vadd.f32 v6, v2  }
0x580: {  	v5 =	vld [tilespmem:s5+$0x10020];
	[tilespmem:s5+$0x10000] =	vst v3;
	v3 =	vadd.f32 v8, v7  }
0x581: {  	v2 =	vld [tilespmem:s5+$0x12020];
	[tilespmem:s5+$0x12000] =	vst v1;
	v1 =	vadd.f32 v9, v7  }
0x582: {  	v6 =	vld [tilespmem:s5+$0x2030];
	[tilespmem:s5+$0xC010] =	vst v3;
	v3 =	vadd.f32 v10, v7  }
0x583: {  	v8 =	vld [tilespmem:s5+$0xC030];
	[tilespmem:s5+$0xE010] =	vst v1;
	v1 =	vadd.f32 v11, v7  }
0x584: {  	v62 =	vld [tilespmem:s5+$0x12040];
	[tilespmem:s5+$0x10010] =	vst v3;
	v3 =	vadd.f32 v13, v12  }
0x585: {  	v7 =	vld [tilespmem:s5+$0x10030];
	[tilespmem:s5+$0x12010] =	vst v1;
	v1 =	vadd.f32 v4, v12  }
0x586: {  	v4 =	vld [tilespmem:s5+$0x2040];
	[tilespmem:s5+$0xC020] =	vst v3;
	v3 =	vadd.f32 v5, v12  }
0x587: {  	v5 =	vld [tilespmem:s5+$0xC040];
	[tilespmem:s5+$0xE020] =	vst v1;
	v1 =	vadd.f32 v2, v12  }
0x588: {  	v2 =	vld [tilespmem:s5+$0xE040];
	[tilespmem:s5+$0x10020] =	vst v3;
	v3 =	vadd.f32 v8, v6  }
0x589: {  	v8 =	vld [tilespmem:s5+$0x10040];
	[tilespmem:s5+$0x12020] =	vst v1;
	v1 =	vadd.f32 v60, v6  }
0x58a: {  	[tilespmem:s5+$0xC030] =	vst v3;
	v3 =	vadd.f32 v7, v6;
	v7 =	vld [tilespmem:s5+$0x2050]  }
0x58b: {  	[tilespmem:s5+$0xE030] =	vst v1;
	v1 =	vadd.f32 v61, v6;
	v6 =	vld [tilespmem:s5+$0xC050]  }
0x58c: {  	[tilespmem:s5+$0x10030] =	vst v3;
	v3 =	vadd.f32 v5, v4;
	v5 =	vld [tilespmem:s5+$0xE050]  }
0x58d: {  	[tilespmem:s5+$0x12030] =	vst v1;
	v1 =	vadd.f32 v2, v4;
	v2 =	vld [tilespmem:s5+$0x10050]  }
0x58e: {  	[tilespmem:s5+$0xC040] =	vst v3;
	v3 =	vadd.f32 v8, v4;
	v8 =	vld [tilespmem:s5+$0x12050]  }
0x58f: {  	v63 =	vld [tilespmem:s5+$0xC060];
	v4 =	vadd.f32 v62, v4;
	[tilespmem:s5+$0xE040] =	vst v1  }
0x590: {  	v1 =	vld [tilespmem:s5+$0x2060];
	[tilespmem:s5+$0x10040] =	vst v3;
	v3 =	vadd.f32 v6, v7  }
0x591: {  	[tilespmem:s5+$0x12040] =	vst v4;
	v4 =	vadd.f32 v5, v7;
	v6 =	vld [tilespmem:s5+$0xE060]  }
0x592: {  	[tilespmem:s5+$0xC050] =	vst v3;
	v2 =	vadd.f32 v2, v7;
	v3 =	vld [tilespmem:s5+$0x10060]  }
0x593: {  	[tilespmem:s5+$0xE050] =	vst v4;
	v5 =	vadd.f32 v8, v7;
	v4 =	vld [tilespmem:s5+$0x12060]  }
0x594: {  	[tilespmem:s5+$0x10050] =	vst v2;
	v2 =	vld [tilespmem:s5+$0xC070]  }
0x595: {  	s6 =	simm.s32 $0x0;
	s7 =	sadd.s32 $0x1000, s3;
	[tilespmem:s5+$0x12050] =	vst v5;
	v7 =	vadd.f32 v63, v1;
	v5 =	vld [tilespmem:s5+$0xE070]  }
.LBB2_55:
0x596: {  	s8 =	sshra.s32 s7, $0x2;
	v6 =	vadd.f32 v6, v1;
	v8 =	vld [tilespmem:s5+$0x10070]  }
0x597: {  	s6 =	sadd.s32 $0x8, s6;
	v9 =	vld [tilespmem:s8+$0x2070];
	[tilespmem:s5+$0xC060] =	vst v7;
	v3 =	vadd.f32 v3, v1  }
0x598: {  	p0 =	slt.u32 s6, $0x38;
	v7 =	vld [tilespmem:s8+$0x12070];
	[tilespmem:s5+$0xE060] =	vst v6;
	v1 =	vadd.f32 v4, v1  }
0x599: {  	v4 =	vld [tilespmem:s8+$0x2000];
	[tilespmem:s5+$0x10060] =	vst v3;
	v2 =	vadd.f32 v2, v0  }
0x59a: {  	v3 =	vld [tilespmem:s8+$0xC000];
	[tilespmem:s5+$0x12060] =	vst v1;
	v1 =	vadd.f32 v5, v0  }
0x59b: {  	v5 =	vld [tilespmem:s8+$0xE000];
	[tilespmem:s5+$0xC070] =	vst v2;
	v2 =	vadd.f32 v8, v0  }
0x59c: {  	v6 =	vld [tilespmem:s8+$0x10000];
	[tilespmem:s5+$0xE070] =	vst v1;
	v0 =	vmov v9  }
0x59d: {  	v1 =	vld [tilespmem:s8+$0x12000];
	v7 =	vadd.f32 v7, v0;
	[tilespmem:s5+$0x10070] =	vst v2;
	s5 =	smov.u32 s8  }
0x59e: {  	v2 =	vld [tilespmem:s5+$0x2010]  }
0x59f: {  	v3 =	vadd.f32 v3, v4;
	v8 =	vld [tilespmem:s5+$0xC010];
	[tilespmem:s5+$0x12070] =	vst v7  }
0x5a0: {  	v5 =	vadd.f32 v5, v4;
	v7 =	vld [tilespmem:s5+$0xE010]  }
0x5a1: {  	[tilespmem:s5+$0xC000] =	vst v3;
	v3 =	vadd.f32 v6, v4;
	v6 =	vld [tilespmem:s5+$0x10010]  }
0x5a2: {  	[tilespmem:s5+$0xE000] =	vst v5;
	v1 =	vadd.f32 v1, v4;
	v4 =	vld [tilespmem:s5+$0x12010]  }
0x5a3: {  	[tilespmem:s5+$0x10000] =	vst v3;
	v3 =	vld [tilespmem:s5+$0x2020]  }
0x5a4: {  	[tilespmem:s5+$0x12000] =	vst v1;
	v1 =	vadd.f32 v8, v2;
	v5 =	vld [tilespmem:s5+$0xC020]  }
0x5a5: {  	v7 =	vadd.f32 v7, v2;
	v8 =	vld [tilespmem:s5+$0xE020]  }
0x5a6: {  	[tilespmem:s5+$0xC010] =	vst v1;
	v1 =	vadd.f32 v6, v2;
	v6 =	vld [tilespmem:s5+$0x10020]  }
0x5a7: {  	[tilespmem:s5+$0xE010] =	vst v7;
	v2 =	vadd.f32 v4, v2;
	v4 =	vld [tilespmem:s5+$0x12020]  }
0x5a8: {  	[tilespmem:s5+$0x10010] =	vst v1;
	v1 =	vld [tilespmem:s5+$0x2030]  }
0x5a9: {  	[tilespmem:s5+$0x12010] =	vst v2;
	v2 =	vadd.f32 v5, v3;
	v5 =	vld [tilespmem:s5+$0xC030]  }
0x5aa: {  	v7 =	vadd.f32 v8, v3;
	v8 =	vld [tilespmem:s5+$0xE030]  }
0x5ab: {  	[tilespmem:s5+$0xC020] =	vst v2;
	v2 =	vadd.f32 v6, v3;
	v6 =	vld [tilespmem:s5+$0x10030]  }
0x5ac: {  	[tilespmem:s5+$0xE020] =	vst v7;
	v3 =	vadd.f32 v4, v3;
	v4 =	vld [tilespmem:s5+$0x12030]  }
0x5ad: {  	[tilespmem:s5+$0x10020] =	vst v2;
	v2 =	vld [tilespmem:s5+$0x2040]  }
0x5ae: {  	[tilespmem:s5+$0x12020] =	vst v3;
	v3 =	vadd.f32 v5, v1;
	v5 =	vld [tilespmem:s5+$0xC040]  }
0x5af: {  	v7 =	vadd.f32 v8, v1;
	v8 =	vld [tilespmem:s5+$0xE040]  }
0x5b0: {  	[tilespmem:s5+$0xC030] =	vst v3;
	v3 =	vadd.f32 v6, v1;
	v6 =	vld [tilespmem:s5+$0x10040]  }
0x5b1: {  	[tilespmem:s5+$0xE030] =	vst v7;
	v1 =	vadd.f32 v4, v1;
	v4 =	vld [tilespmem:s5+$0x12040]  }
0x5b2: {  	[tilespmem:s5+$0x10030] =	vst v3;
	v7 =	vld [tilespmem:s5+$0x2050]  }
0x5b3: {  	[tilespmem:s5+$0x12030] =	vst v1;
	v1 =	vadd.f32 v5, v2;
	v3 =	vld [tilespmem:s5+$0xC050]  }
0x5b4: {  	v5 =	vadd.f32 v8, v2;
	v8 =	vld [tilespmem:s5+$0xE050]  }
0x5b5: {  	[tilespmem:s5+$0xC040] =	vst v1;
	v1 =	vadd.f32 v6, v2;
	v9 =	vld [tilespmem:s5+$0x10050]  }
0x5b6: {  	[tilespmem:s5+$0xE040] =	vst v5;
	v2 =	vadd.f32 v4, v2;
	v4 =	vld [tilespmem:s5+$0x12050]  }
0x5b7: {  	[tilespmem:s5+$0x10040] =	vst v1;
	v1 =	vld [tilespmem:s5+$0x2060]  }
0x5b8: {  	[tilespmem:s5+$0x12040] =	vst v2;
	v2 =	vadd.f32 v3, v7;
	v5 =	vld [tilespmem:s5+$0xC060]  }
.Ltmp26:
0x5b9: {  	v8 =	vadd.f32 v8, v7;
	v6 =	vld [tilespmem:s5+$0xE060];
	(pc) =	sbr.rel @p0 .LBB2_55-.Ltmp26, $4  }
0x5ba: {  	[tilespmem:s5+$0xC050] =	vst v2;
	v2 =	vadd.f32 v9, v7;
	v3 =	vld [tilespmem:s5+$0x10060]  }
0x5bb: {  	[tilespmem:s5+$0xE050] =	vst v8;
	v7 =	vadd.f32 v4, v7;
	v4 =	vld [tilespmem:s5+$0x12060]  }
0x5bc: {  	[tilespmem:s5+$0x10050] =	vst v2;
	v2 =	vld [tilespmem:s5+$0xC070]  }
0x5bd: {  	s7 =	sadd.s32 $0x1000, s7;
	[tilespmem:s5+$0x12050] =	vst v7;
	v7 =	vadd.f32 v5, v1;
	v5 =	vld [tilespmem:s5+$0xE070]  }
0x5be: {  	v6 =	vadd.f32 v6, v1;
	v8 =	vld [tilespmem:s5+$0x10070]  }
0x5bf: {  	s4 =	sadd.s32 $0x1, s4;
	[tilespmem:s5+$0xC060] =	vst v7;
	v3 =	vadd.f32 v3, v1  }
0x5c0: {  	p0 =	sne.s32 s4, $0x8;
	[tilespmem:s5+$0xE060] =	vst v6;
	v61 =	vadd.f32 v4, v1  }
.Ltmp27:
0x5c1: {  	[tilespmem:s5+$0x10060] =	vst v3;
	v2 =	vadd.f32 v2, v0;
	(pc) =	sbr.rel @p0 .LBB2_54-.Ltmp27, $4  }
0x5c2: {  	[tilespmem:s5+$0x12060] =	vst v61;
	v62 =	vadd.f32 v5, v0  }
0x5c3: {  	[tilespmem:s5+$0xC070] =	vst v2;
	v63 =	vadd.f32 v8, v0  }
0x5c4: {  	[tilespmem:s5+$0xE070] =	vst v62  }
0x5c5: {  	s3 =	sadd.s32 $0x200, s3;
	[tilespmem:s5+$0x10070] =	vst v63  }
0x5c6: {  	[hbm4b:s12+s20] =	stream.strided.scatter [tilespmem:s23], [sflag:$0x7], $0x8000, s21, s20, $0x38;
	[tilespmem:$0x1C000] =	vst v63  }
0x5c7: {  	_ =	swait.ge [sflag:s30], $0x8000  }
0x5c8: {  	[sflag:s30] =	ssyncset.done $0x0  }
0x5c9: {  	[sflag:s30] =	ssyncadd.s32 $0xFFFF8000  }
0x5ca: {  	[tilespmem:s22], [sflag:$0x3] =	stream.strided.gather [hbm4b:s14+s20], $0x8000, s21, s20, $0x38;
	[tilespmem:$0x1C000] =	vst v63  }
0x5cb: {  	s3 =	simm.s32 $0x0  }
0x5cc: {  	[tilespmem:s20], [sflag:$0x2] =	stream.linear.gather [hbm4b:s16+s3], $0x2000, $0x38;
	[tilespmem:$0x1C000] =	vst v63  }
0x5cd: {  	_ =	swait.ge [sflag:s24], $0x2000  }
0x5ce: {  	[sflag:s24] =	ssyncset.done $0x0  }
0x5cf: {  	[sflag:s24] =	ssyncadd.s32 $0xFFFFE000  }
0x5d0: {  	_ =	swait.ge [sflag:s31], $0x8000  }
0x5d1: {  	[sflag:s31] =	ssyncset.done $0x0  }
0x5d2: {  	s4 =	simm.s32 $0x0;
	[sflag:s31] =	ssyncadd.s32 $0xFFFF8000  }
.LBB2_58:
0x5d3: {  	s5 =	sshra.s32 s3, $0x2  }
0x5d4: {  	v0 =	vld [tilespmem:s5+$0x70]  }
0x5d5: {  	v1 =	vld [tilespmem:s5+$0x1A070]  }
0x5d6: {  	v2 =	vld [tilespmem:s5+$0x0]  }
0x5d7: {  	v3 =	vld [tilespmem:s5+$0x14000]  }
0x5d8: {  	v4 =	vld [tilespmem:s5+$0x16000]  }
0x5d9: {  	v5 =	vld [tilespmem:s5+$0x18000]  }
0x5da: {  	v6 =	vld [tilespmem:s5+$0x1A000]  }
0x5db: {  	v7 =	vld [tilespmem:s5+$0x10]  }
0x5dc: {  	v8 =	vld [tilespmem:s5+$0x14010]  }
0x5dd: {  	v9 =	vld [tilespmem:s5+$0x16010]  }
0x5de: {  	v10 =	vld [tilespmem:s5+$0x18010]  }
0x5df: {  	v11 =	vld [tilespmem:s5+$0x1A010]  }
0x5e0: {  	v12 =	vld [tilespmem:s5+$0x20];
	v1 =	vadd.f32 v1, v0  }
0x5e1: {  	v13 =	vld [tilespmem:s5+$0x14020];
	v3 =	vadd.f32 v3, v2  }
0x5e2: {  	v60 =	vld [tilespmem:s5+$0x16030];
	[tilespmem:s5+$0x1A070] =	vst v1;
	v1 =	vadd.f32 v4, v2  }
0x5e3: {  	v61 =	vld [tilespmem:s5+$0x1A030];
	[tilespmem:s5+$0x14000] =	vst v3;
	v3 =	vadd.f32 v5, v2  }
0x5e4: {  	v4 =	vld [tilespmem:s5+$0x16020];
	[tilespmem:s5+$0x16000] =	vst v1;
	v1 =	vadd.f32 v6, v2  }
0x5e5: {  	v5 =	vld [tilespmem:s5+$0x18020];
	[tilespmem:s5+$0x18000] =	vst v3;
	v3 =	vadd.f32 v8, v7  }
0x5e6: {  	v2 =	vld [tilespmem:s5+$0x1A020];
	[tilespmem:s5+$0x1A000] =	vst v1;
	v1 =	vadd.f32 v9, v7  }
0x5e7: {  	v6 =	vld [tilespmem:s5+$0x30];
	[tilespmem:s5+$0x14010] =	vst v3;
	v3 =	vadd.f32 v10, v7  }
0x5e8: {  	v8 =	vld [tilespmem:s5+$0x14030];
	[tilespmem:s5+$0x16010] =	vst v1;
	v1 =	vadd.f32 v11, v7  }
0x5e9: {  	v62 =	vld [tilespmem:s5+$0x1A040];
	[tilespmem:s5+$0x18010] =	vst v3;
	v3 =	vadd.f32 v13, v12  }
0x5ea: {  	v7 =	vld [tilespmem:s5+$0x18030];
	[tilespmem:s5+$0x1A010] =	vst v1;
	v1 =	vadd.f32 v4, v12  }
0x5eb: {  	v4 =	vld [tilespmem:s5+$0x40];
	[tilespmem:s5+$0x14020] =	vst v3;
	v3 =	vadd.f32 v5, v12  }
0x5ec: {  	v5 =	vld [tilespmem:s5+$0x14040];
	[tilespmem:s5+$0x16020] =	vst v1;
	v1 =	vadd.f32 v2, v12  }
0x5ed: {  	v2 =	vld [tilespmem:s5+$0x16040];
	[tilespmem:s5+$0x18020] =	vst v3;
	v3 =	vadd.f32 v8, v6  }
0x5ee: {  	v8 =	vld [tilespmem:s5+$0x18040];
	[tilespmem:s5+$0x1A020] =	vst v1;
	v1 =	vadd.f32 v60, v6  }
0x5ef: {  	[tilespmem:s5+$0x14030] =	vst v3;
	v3 =	vadd.f32 v7, v6;
	v7 =	vld [tilespmem:s5+$0x50]  }
0x5f0: {  	[tilespmem:s5+$0x16030] =	vst v1;
	v1 =	vadd.f32 v61, v6;
	v6 =	vld [tilespmem:s5+$0x14050]  }
0x5f1: {  	[tilespmem:s5+$0x18030] =	vst v3;
	v3 =	vadd.f32 v5, v4;
	v5 =	vld [tilespmem:s5+$0x16050]  }
0x5f2: {  	[tilespmem:s5+$0x1A030] =	vst v1;
	v1 =	vadd.f32 v2, v4;
	v2 =	vld [tilespmem:s5+$0x18050]  }
0x5f3: {  	[tilespmem:s5+$0x14040] =	vst v3;
	v3 =	vadd.f32 v8, v4;
	v8 =	vld [tilespmem:s5+$0x1A050]  }
0x5f4: {  	v63 =	vld [tilespmem:s5+$0x14060];
	v4 =	vadd.f32 v62, v4;
	[tilespmem:s5+$0x16040] =	vst v1  }
0x5f5: {  	v1 =	vld [tilespmem:s5+$0x60];
	[tilespmem:s5+$0x18040] =	vst v3;
	v3 =	vadd.f32 v6, v7  }
0x5f6: {  	[tilespmem:s5+$0x1A040] =	vst v4;
	v4 =	vadd.f32 v5, v7;
	v6 =	vld [tilespmem:s5+$0x16060]  }
0x5f7: {  	[tilespmem:s5+$0x14050] =	vst v3;
	v2 =	vadd.f32 v2, v7;
	v3 =	vld [tilespmem:s5+$0x18060]  }
0x5f8: {  	[tilespmem:s5+$0x16050] =	vst v4;
	v5 =	vadd.f32 v8, v7;
	v4 =	vld [tilespmem:s5+$0x1A060]  }
0x5f9: {  	[tilespmem:s5+$0x18050] =	vst v2;
	v2 =	vld [tilespmem:s5+$0x14070]  }
0x5fa: {  	s6 =	simm.s32 $0x0;
	s7 =	sadd.s32 $0x1000, s3;
	[tilespmem:s5+$0x1A050] =	vst v5;
	v7 =	vadd.f32 v63, v1;
	v5 =	vld [tilespmem:s5+$0x16070]  }
.LBB2_59:
0x5fb: {  	s8 =	sshra.s32 s7, $0x2;
	v6 =	vadd.f32 v6, v1;
	v8 =	vld [tilespmem:s5+$0x18070]  }
0x5fc: {  	s6 =	sadd.s32 $0x8, s6;
	v9 =	vld [tilespmem:s8+$0x70];
	[tilespmem:s5+$0x14060] =	vst v7;
	v3 =	vadd.f32 v3, v1  }
0x5fd: {  	p0 =	slt.u32 s6, $0x38;
	v7 =	vld [tilespmem:s8+$0x1A070];
	[tilespmem:s5+$0x16060] =	vst v6;
	v1 =	vadd.f32 v4, v1  }
0x5fe: {  	v4 =	vld [tilespmem:s8+$0x0];
	[tilespmem:s5+$0x18060] =	vst v3;
	v2 =	vadd.f32 v2, v0  }
0x5ff: {  	v3 =	vld [tilespmem:s8+$0x14000];
	[tilespmem:s5+$0x1A060] =	vst v1;
	v1 =	vadd.f32 v5, v0  }
0x600: {  	v5 =	vld [tilespmem:s8+$0x16000];
	[tilespmem:s5+$0x14070] =	vst v2;
	v2 =	vadd.f32 v8, v0  }
0x601: {  	v6 =	vld [tilespmem:s8+$0x18000];
	[tilespmem:s5+$0x16070] =	vst v1;
	v0 =	vmov v9  }
0x602: {  	v1 =	vld [tilespmem:s8+$0x1A000];
	v7 =	vadd.f32 v7, v0;
	[tilespmem:s5+$0x18070] =	vst v2;
	s5 =	smov.u32 s8  }
0x603: {  	v2 =	vld [tilespmem:s5+$0x10]  }
0x604: {  	v3 =	vadd.f32 v3, v4;
	v8 =	vld [tilespmem:s5+$0x14010];
	[tilespmem:s5+$0x1A070] =	vst v7  }
0x605: {  	v5 =	vadd.f32 v5, v4;
	v7 =	vld [tilespmem:s5+$0x16010]  }
0x606: {  	[tilespmem:s5+$0x14000] =	vst v3;
	v3 =	vadd.f32 v6, v4;
	v6 =	vld [tilespmem:s5+$0x18010]  }
0x607: {  	[tilespmem:s5+$0x16000] =	vst v5;
	v1 =	vadd.f32 v1, v4;
	v4 =	vld [tilespmem:s5+$0x1A010]  }
0x608: {  	[tilespmem:s5+$0x18000] =	vst v3;
	v3 =	vld [tilespmem:s5+$0x20]  }
0x609: {  	[tilespmem:s5+$0x1A000] =	vst v1;
	v1 =	vadd.f32 v8, v2;
	v5 =	vld [tilespmem:s5+$0x14020]  }
0x60a: {  	v7 =	vadd.f32 v7, v2;
	v8 =	vld [tilespmem:s5+$0x16020]  }
0x60b: {  	[tilespmem:s5+$0x14010] =	vst v1;
	v1 =	vadd.f32 v6, v2;
	v6 =	vld [tilespmem:s5+$0x18020]  }
0x60c: {  	[tilespmem:s5+$0x16010] =	vst v7;
	v2 =	vadd.f32 v4, v2;
	v4 =	vld [tilespmem:s5+$0x1A020]  }
0x60d: {  	[tilespmem:s5+$0x18010] =	vst v1;
	v1 =	vld [tilespmem:s5+$0x30]  }
0x60e: {  	[tilespmem:s5+$0x1A010] =	vst v2;
	v2 =	vadd.f32 v5, v3;
	v5 =	vld [tilespmem:s5+$0x14030]  }
0x60f: {  	v7 =	vadd.f32 v8, v3;
	v8 =	vld [tilespmem:s5+$0x16030]  }
0x610: {  	[tilespmem:s5+$0x14020] =	vst v2;
	v2 =	vadd.f32 v6, v3;
	v6 =	vld [tilespmem:s5+$0x18030]  }
0x611: {  	[tilespmem:s5+$0x16020] =	vst v7;
	v3 =	vadd.f32 v4, v3;
	v4 =	vld [tilespmem:s5+$0x1A030]  }
0x612: {  	[tilespmem:s5+$0x18020] =	vst v2;
	v2 =	vld [tilespmem:s5+$0x40]  }
0x613: {  	[tilespmem:s5+$0x1A020] =	vst v3;
	v3 =	vadd.f32 v5, v1;
	v5 =	vld [tilespmem:s5+$0x14040]  }
0x614: {  	v7 =	vadd.f32 v8, v1;
	v8 =	vld [tilespmem:s5+$0x16040]  }
0x615: {  	[tilespmem:s5+$0x14030] =	vst v3;
	v3 =	vadd.f32 v6, v1;
	v6 =	vld [tilespmem:s5+$0x18040]  }
0x616: {  	[tilespmem:s5+$0x16030] =	vst v7;
	v1 =	vadd.f32 v4, v1;
	v4 =	vld [tilespmem:s5+$0x1A040]  }
0x617: {  	[tilespmem:s5+$0x18030] =	vst v3;
	v7 =	vld [tilespmem:s5+$0x50]  }
0x618: {  	[tilespmem:s5+$0x1A030] =	vst v1;
	v1 =	vadd.f32 v5, v2;
	v3 =	vld [tilespmem:s5+$0x14050]  }
0x619: {  	v5 =	vadd.f32 v8, v2;
	v8 =	vld [tilespmem:s5+$0x16050]  }
0x61a: {  	[tilespmem:s5+$0x14040] =	vst v1;
	v1 =	vadd.f32 v6, v2;
	v9 =	vld [tilespmem:s5+$0x18050]  }
0x61b: {  	[tilespmem:s5+$0x16040] =	vst v5;
	v2 =	vadd.f32 v4, v2;
	v4 =	vld [tilespmem:s5+$0x1A050]  }
0x61c: {  	[tilespmem:s5+$0x18040] =	vst v1;
	v1 =	vld [tilespmem:s5+$0x60]  }
0x61d: {  	[tilespmem:s5+$0x1A040] =	vst v2;
	v2 =	vadd.f32 v3, v7;
	v5 =	vld [tilespmem:s5+$0x14060]  }
.Ltmp28:
0x61e: {  	v8 =	vadd.f32 v8, v7;
	v6 =	vld [tilespmem:s5+$0x16060];
	(pc) =	sbr.rel @p0 .LBB2_59-.Ltmp28, $4  }
0x61f: {  	[tilespmem:s5+$0x14050] =	vst v2;
	v2 =	vadd.f32 v9, v7;
	v3 =	vld [tilespmem:s5+$0x18060]  }
0x620: {  	[tilespmem:s5+$0x16050] =	vst v8;
	v7 =	vadd.f32 v4, v7;
	v4 =	vld [tilespmem:s5+$0x1A060]  }
0x621: {  	[tilespmem:s5+$0x18050] =	vst v2;
	v2 =	vld [tilespmem:s5+$0x14070]  }
0x622: {  	s7 =	sadd.s32 $0x1000, s7;
	[tilespmem:s5+$0x1A050] =	vst v7;
	v7 =	vadd.f32 v5, v1;
	v5 =	vld [tilespmem:s5+$0x16070]  }
0x623: {  	v6 =	vadd.f32 v6, v1;
	v8 =	vld [tilespmem:s5+$0x18070]  }
0x624: {  	s4 =	sadd.s32 $0x1, s4;
	[tilespmem:s5+$0x14060] =	vst v7;
	v3 =	vadd.f32 v3, v1  }
0x625: {  	p0 =	sne.s32 s4, $0x8;
	[tilespmem:s5+$0x16060] =	vst v6;
	v61 =	vadd.f32 v4, v1  }
.Ltmp29:
0x626: {  	[tilespmem:s5+$0x18060] =	vst v3;
	v2 =	vadd.f32 v2, v0;
	(pc) =	sbr.rel @p0 .LBB2_58-.Ltmp29, $4  }
0x627: {  	[tilespmem:s5+$0x1A060] =	vst v61;
	v62 =	vadd.f32 v5, v0  }
0x628: {  	[tilespmem:s5+$0x14070] =	vst v2;
	v63 =	vadd.f32 v8, v0  }
0x629: {  	[tilespmem:s5+$0x16070] =	vst v62  }
0x62a: {  	s3 =	sadd.s32 $0x200, s3;
	[tilespmem:s5+$0x18070] =	vst v63  }
0x62b: {  	[hbm4b:s17+s20] =	stream.strided.scatter [tilespmem:s26], [sflag:$0x8], $0x8000, s21, s20, $0x38;
	[tilespmem:$0x1C000] =	vst v63  }
0x62c: {  	_ =	swait.ge [sflag:s28], $0x2000  }
0x62d: {  	[sflag:s28] =	ssyncset.done $0x0  }
0x62e: {  	[sflag:s28] =	ssyncadd.s32 $0xFFFFE000  }
0x62f: {  	_ =	swait.ge [sflag:s25], $0x8000  }
0x630: {  	[sflag:s25] =	ssyncset.done $0x0  }
0x631: {  	s3 =	simm.s32 $0x0;
	s4 =	simm.s32 $0x0;
	[sflag:s25] =	ssyncadd.s32 $0xFFFF8000  }
.LBB2_62:
0x632: {  	s5 =	sshra.s32 s3, $0x2  }
0x633: {  	v0 =	vld [tilespmem:s5+$0x2070]  }
0x634: {  	v1 =	vld [tilespmem:s5+$0xA070]  }
0x635: {  	v2 =	vld [tilespmem:s5+$0x2000]  }
0x636: {  	v3 =	vld [tilespmem:s5+$0x4000]  }
0x637: {  	v4 =	vld [tilespmem:s5+$0x6000]  }
0x638: {  	v5 =	vld [tilespmem:s5+$0x8000]  }
0x639: {  	v6 =	vld [tilespmem:s5+$0xA000]  }
0x63a: {  	v7 =	vld [tilespmem:s5+$0x2010]  }
0x63b: {  	v8 =	vld [tilespmem:s5+$0x4010]  }
0x63c: {  	v9 =	vld [tilespmem:s5+$0x6010]  }
0x63d: {  	v10 =	vld [tilespmem:s5+$0x8010]  }
0x63e: {  	v11 =	vld [tilespmem:s5+$0xA010]  }
0x63f: {  	v12 =	vld [tilespmem:s5+$0x2020];
	v1 =	vadd.f32 v1, v0  }
0x640: {  	v13 =	vld [tilespmem:s5+$0x4020];
	v3 =	vadd.f32 v3, v2  }
0x641: {  	v60 =	vld [tilespmem:s5+$0x6030];
	[tilespmem:s5+$0xA070] =	vst v1;
	v1 =	vadd.f32 v4, v2  }
0x642: {  	v61 =	vld [tilespmem:s5+$0xA030];
	[tilespmem:s5+$0x4000] =	vst v3;
	v3 =	vadd.f32 v5, v2  }
0x643: {  	v4 =	vld [tilespmem:s5+$0x6020];
	[tilespmem:s5+$0x6000] =	vst v1;
	v1 =	vadd.f32 v6, v2  }
0x644: {  	v5 =	vld [tilespmem:s5+$0x8020];
	[tilespmem:s5+$0x8000] =	vst v3;
	v3 =	vadd.f32 v8, v7  }
0x645: {  	v2 =	vld [tilespmem:s5+$0xA020];
	[tilespmem:s5+$0xA000] =	vst v1;
	v1 =	vadd.f32 v9, v7  }
0x646: {  	v6 =	vld [tilespmem:s5+$0x2030];
	[tilespmem:s5+$0x4010] =	vst v3;
	v3 =	vadd.f32 v10, v7  }
0x647: {  	v8 =	vld [tilespmem:s5+$0x4030];
	[tilespmem:s5+$0x6010] =	vst v1;
	v1 =	vadd.f32 v11, v7  }
0x648: {  	v62 =	vld [tilespmem:s5+$0xA040];
	[tilespmem:s5+$0x8010] =	vst v3;
	v3 =	vadd.f32 v13, v12  }
0x649: {  	v7 =	vld [tilespmem:s5+$0x8030];
	[tilespmem:s5+$0xA010] =	vst v1;
	v1 =	vadd.f32 v4, v12  }
0x64a: {  	v4 =	vld [tilespmem:s5+$0x2040];
	[tilespmem:s5+$0x4020] =	vst v3;
	v3 =	vadd.f32 v5, v12  }
0x64b: {  	v5 =	vld [tilespmem:s5+$0x4040];
	[tilespmem:s5+$0x6020] =	vst v1;
	v1 =	vadd.f32 v2, v12  }
0x64c: {  	v2 =	vld [tilespmem:s5+$0x6040];
	[tilespmem:s5+$0x8020] =	vst v3;
	v3 =	vadd.f32 v8, v6  }
0x64d: {  	v8 =	vld [tilespmem:s5+$0x8040];
	[tilespmem:s5+$0xA020] =	vst v1;
	v1 =	vadd.f32 v60, v6  }
0x64e: {  	[tilespmem:s5+$0x4030] =	vst v3;
	v3 =	vadd.f32 v7, v6;
	v7 =	vld [tilespmem:s5+$0x2050]  }
0x64f: {  	[tilespmem:s5+$0x6030] =	vst v1;
	v1 =	vadd.f32 v61, v6;
	v6 =	vld [tilespmem:s5+$0x4050]  }
0x650: {  	[tilespmem:s5+$0x8030] =	vst v3;
	v3 =	vadd.f32 v5, v4;
	v5 =	vld [tilespmem:s5+$0x6050]  }
0x651: {  	[tilespmem:s5+$0xA030] =	vst v1;
	v1 =	vadd.f32 v2, v4;
	v2 =	vld [tilespmem:s5+$0x8050]  }
0x652: {  	[tilespmem:s5+$0x4040] =	vst v3;
	v3 =	vadd.f32 v8, v4;
	v8 =	vld [tilespmem:s5+$0xA050]  }
0x653: {  	v63 =	vld [tilespmem:s5+$0x4060];
	v4 =	vadd.f32 v62, v4;
	[tilespmem:s5+$0x6040] =	vst v1  }
0x654: {  	v1 =	vld [tilespmem:s5+$0x2060];
	[tilespmem:s5+$0x8040] =	vst v3;
	v3 =	vadd.f32 v6, v7  }
0x655: {  	[tilespmem:s5+$0xA040] =	vst v4;
	v4 =	vadd.f32 v5, v7;
	v6 =	vld [tilespmem:s5+$0x6060]  }
0x656: {  	[tilespmem:s5+$0x4050] =	vst v3;
	v2 =	vadd.f32 v2, v7;
	v3 =	vld [tilespmem:s5+$0x8060]  }
0x657: {  	[tilespmem:s5+$0x6050] =	vst v4;
	v5 =	vadd.f32 v8, v7;
	v4 =	vld [tilespmem:s5+$0xA060]  }
0x658: {  	[tilespmem:s5+$0x8050] =	vst v2;
	v2 =	vld [tilespmem:s5+$0x4070]  }
0x659: {  	s6 =	simm.s32 $0x0;
	s7 =	sadd.s32 $0x1000, s3;
	[tilespmem:s5+$0xA050] =	vst v5;
	v7 =	vadd.f32 v63, v1;
	v5 =	vld [tilespmem:s5+$0x6070]  }
.LBB2_63:
0x65a: {  	s8 =	sshra.s32 s7, $0x2;
	v6 =	vadd.f32 v6, v1;
	v8 =	vld [tilespmem:s5+$0x8070]  }
0x65b: {  	s6 =	sadd.s32 $0x8, s6;
	v9 =	vld [tilespmem:s8+$0x2070];
	[tilespmem:s5+$0x4060] =	vst v7;
	v3 =	vadd.f32 v3, v1  }
0x65c: {  	p0 =	slt.u32 s6, $0x38;
	v7 =	vld [tilespmem:s8+$0xA070];
	[tilespmem:s5+$0x6060] =	vst v6;
	v1 =	vadd.f32 v4, v1  }
0x65d: {  	v4 =	vld [tilespmem:s8+$0x2000];
	[tilespmem:s5+$0x8060] =	vst v3;
	v2 =	vadd.f32 v2, v0  }
0x65e: {  	v3 =	vld [tilespmem:s8+$0x4000];
	[tilespmem:s5+$0xA060] =	vst v1;
	v1 =	vadd.f32 v5, v0  }
0x65f: {  	v5 =	vld [tilespmem:s8+$0x6000];
	[tilespmem:s5+$0x4070] =	vst v2;
	v2 =	vadd.f32 v8, v0  }
0x660: {  	v6 =	vld [tilespmem:s8+$0x8000];
	[tilespmem:s5+$0x6070] =	vst v1;
	v0 =	vmov v9  }
0x661: {  	v1 =	vld [tilespmem:s8+$0xA000];
	v7 =	vadd.f32 v7, v0;
	[tilespmem:s5+$0x8070] =	vst v2;
	s5 =	smov.u32 s8  }
0x662: {  	v2 =	vld [tilespmem:s5+$0x2010]  }
0x663: {  	v3 =	vadd.f32 v3, v4;
	v8 =	vld [tilespmem:s5+$0x4010];
	[tilespmem:s5+$0xA070] =	vst v7  }
0x664: {  	v5 =	vadd.f32 v5, v4;
	v7 =	vld [tilespmem:s5+$0x6010]  }
0x665: {  	[tilespmem:s5+$0x4000] =	vst v3;
	v3 =	vadd.f32 v6, v4;
	v6 =	vld [tilespmem:s5+$0x8010]  }
0x666: {  	[tilespmem:s5+$0x6000] =	vst v5;
	v1 =	vadd.f32 v1, v4;
	v4 =	vld [tilespmem:s5+$0xA010]  }
0x667: {  	[tilespmem:s5+$0x8000] =	vst v3;
	v3 =	vld [tilespmem:s5+$0x2020]  }
0x668: {  	[tilespmem:s5+$0xA000] =	vst v1;
	v1 =	vadd.f32 v8, v2;
	v5 =	vld [tilespmem:s5+$0x4020]  }
0x669: {  	v7 =	vadd.f32 v7, v2;
	v8 =	vld [tilespmem:s5+$0x6020]  }
0x66a: {  	[tilespmem:s5+$0x4010] =	vst v1;
	v1 =	vadd.f32 v6, v2;
	v6 =	vld [tilespmem:s5+$0x8020]  }
0x66b: {  	[tilespmem:s5+$0x6010] =	vst v7;
	v2 =	vadd.f32 v4, v2;
	v4 =	vld [tilespmem:s5+$0xA020]  }
0x66c: {  	[tilespmem:s5+$0x8010] =	vst v1;
	v1 =	vld [tilespmem:s5+$0x2030]  }
0x66d: {  	[tilespmem:s5+$0xA010] =	vst v2;
	v2 =	vadd.f32 v5, v3;
	v5 =	vld [tilespmem:s5+$0x4030]  }
0x66e: {  	v7 =	vadd.f32 v8, v3;
	v8 =	vld [tilespmem:s5+$0x6030]  }
0x66f: {  	[tilespmem:s5+$0x4020] =	vst v2;
	v2 =	vadd.f32 v6, v3;
	v6 =	vld [tilespmem:s5+$0x8030]  }
0x670: {  	[tilespmem:s5+$0x6020] =	vst v7;
	v3 =	vadd.f32 v4, v3;
	v4 =	vld [tilespmem:s5+$0xA030]  }
0x671: {  	[tilespmem:s5+$0x8020] =	vst v2;
	v2 =	vld [tilespmem:s5+$0x2040]  }
0x672: {  	[tilespmem:s5+$0xA020] =	vst v3;
	v3 =	vadd.f32 v5, v1;
	v5 =	vld [tilespmem:s5+$0x4040]  }
0x673: {  	v7 =	vadd.f32 v8, v1;
	v8 =	vld [tilespmem:s5+$0x6040]  }
0x674: {  	[tilespmem:s5+$0x4030] =	vst v3;
	v3 =	vadd.f32 v6, v1;
	v6 =	vld [tilespmem:s5+$0x8040]  }
0x675: {  	[tilespmem:s5+$0x6030] =	vst v7;
	v1 =	vadd.f32 v4, v1;
	v4 =	vld [tilespmem:s5+$0xA040]  }
0x676: {  	[tilespmem:s5+$0x8030] =	vst v3;
	v7 =	vld [tilespmem:s5+$0x2050]  }
0x677: {  	[tilespmem:s5+$0xA030] =	vst v1;
	v1 =	vadd.f32 v5, v2;
	v3 =	vld [tilespmem:s5+$0x4050]  }
0x678: {  	v5 =	vadd.f32 v8, v2;
	v8 =	vld [tilespmem:s5+$0x6050]  }
0x679: {  	[tilespmem:s5+$0x4040] =	vst v1;
	v1 =	vadd.f32 v6, v2;
	v9 =	vld [tilespmem:s5+$0x8050]  }
0x67a: {  	[tilespmem:s5+$0x6040] =	vst v5;
	v2 =	vadd.f32 v4, v2;
	v4 =	vld [tilespmem:s5+$0xA050]  }
0x67b: {  	[tilespmem:s5+$0x8040] =	vst v1;
	v1 =	vld [tilespmem:s5+$0x2060]  }
0x67c: {  	[tilespmem:s5+$0xA040] =	vst v2;
	v2 =	vadd.f32 v3, v7;
	v5 =	vld [tilespmem:s5+$0x4060]  }
.Ltmp30:
0x67d: {  	v8 =	vadd.f32 v8, v7;
	v6 =	vld [tilespmem:s5+$0x6060];
	(pc) =	sbr.rel @p0 .LBB2_63-.Ltmp30, $4  }
0x67e: {  	[tilespmem:s5+$0x4050] =	vst v2;
	v2 =	vadd.f32 v9, v7;
	v3 =	vld [tilespmem:s5+$0x8060]  }
0x67f: {  	[tilespmem:s5+$0x6050] =	vst v8;
	v7 =	vadd.f32 v4, v7;
	v4 =	vld [tilespmem:s5+$0xA060]  }
0x680: {  	[tilespmem:s5+$0x8050] =	vst v2;
	v2 =	vld [tilespmem:s5+$0x4070]  }
0x681: {  	s7 =	sadd.s32 $0x1000, s7;
	[tilespmem:s5+$0xA050] =	vst v7;
	v7 =	vadd.f32 v5, v1;
	v5 =	vld [tilespmem:s5+$0x6070]  }
0x682: {  	v6 =	vadd.f32 v6, v1;
	v8 =	vld [tilespmem:s5+$0x8070]  }
0x683: {  	s4 =	sadd.s32 $0x1, s4;
	[tilespmem:s5+$0x4060] =	vst v7;
	v3 =	vadd.f32 v3, v1  }
0x684: {  	p0 =	sne.s32 s4, $0x8;
	[tilespmem:s5+$0x6060] =	vst v6;
	v61 =	vadd.f32 v4, v1  }
.Ltmp31:
0x685: {  	[tilespmem:s5+$0x8060] =	vst v3;
	v2 =	vadd.f32 v2, v0;
	(pc) =	sbr.rel @p0 .LBB2_62-.Ltmp31, $4  }
0x686: {  	[tilespmem:s5+$0xA060] =	vst v61;
	v62 =	vadd.f32 v5, v0  }
0x687: {  	[tilespmem:s5+$0x4070] =	vst v2;
	v63 =	vadd.f32 v8, v0  }
0x688: {  	[tilespmem:s5+$0x6070] =	vst v62  }
0x689: {  	s3 =	sadd.s32 $0x200, s3;
	[tilespmem:s5+$0x8070] =	vst v63  }
0x68a: {  	[hbm4b:s18+s20] =	stream.strided.scatter [tilespmem:s22], [sflag:$0x6], $0x8000, s21, s20, $0x38;
	[tilespmem:$0x1C000] =	vst v63  }
0x68b: {  	s2 =	sadd.s32 $0x1, s2  }
0x68c: {  	_ =	swait.ge [sflag:s1], $0x8000;
	p0 =	sne.s32 s2, s19  }
.Ltmp32:
0x68d: {  	[sflag:s1] =	ssyncset.done $0x0;
	(pc) =	sbr.rel @p0 .LBB2_1-.Ltmp32, $4  }
0x68e: {  	[sflag:s1] =	ssyncadd.s32 $0xFFFF8000  }
0x68f: {  	_ =	swait.ge [sflag:s30], $0x8000  }
0x690: {  	[sflag:s30] =	ssyncset.done $0x0  }
0x691: {  	[sflag:s30] =	ssyncadd.s32 $0xFFFF8000  }
0x692: {  	_ =	sfence.sel $0x180000  }
0x693: {  	[bflag:$0x0] =	sbarrier.arrive $0xFFFF  }
0x694: {  	_ =	strace $0x90000047  }
0x695: {  	s0 =	stileid.u32;
	[bflag:$0x2] =	sbarrier.arrive $0xFFFF  }
0x696: {  	p0 =	sne.s32 s0, $0x0;
	s0 =	rddreg [dreg:$0x3]  }
0x697: {  	s0 =	sadd.s32 @!p0 $0x100000, s0  }
0x698: {  	[sflag:s0] =	ssyncadd.tile.s32 @!p0 $0x1;
	_ =	shalt  }
.Lfunc_end2:
_tile_overlayer_lowered:
.L_overlay_start_2:
0x699: {  	(tag) =	ssettag $0x2  }
0x69a: {  	s0 =	rddreg [dreg:$0x0];
	s2 =	stileid.u32  }
0x69b: {  	s1 =	rddreg [dreg:$0x1];
	p0 =	sne.s32 s2, $0x0  }
0x69c: {  	s3 =	rddreg [dreg:$0x2];
	[bflag:$0x3] =	sbarrier.arrive $0xFFFF;
	s2 =	simm.s32 @!p0 $0x1C09  }
0x69d: {  	[timem:s3], [sflag:s2] =	dma.local @!p0 [hbm:s0], s1  }
0x69e: {  	s0 =	simm.s32 @!p0 $0x9  }
0x69f: {  	_ =	swait.ge @!p0 [sflag:s0], s1  }
0x6a0: {  	s1 =	ssub.s32 @!p0 $0x0, s1;
	[sflag:s0] =	ssyncset.done @!p0 $0x0  }
0x6a1: {  	[sflag:s0] =	ssyncadd.s32 @!p0 s1  }
0x6a2: {  	[bflag:$0x3] =	sbarrier.arrive $0xFFFF  }
0x6a3: {  	_ =	shalt  }

</sc_bundles>
